<compile_context>
chip_gen: v7x
topology: tpu7x:2x2x1
jax: 0.10.2.dev20260603
libtpu: 0.0.44.dev20260713+nightly
codegen_flags: <defaults>
</compile_context>

<pallas_src>
import functools
import jax
import jax.numpy as jnp
from jax import lax
from jax.experimental import pallas as pl
from jax.experimental.pallas import tpu as pltpu
from jax.experimental.pallas import tpu_sc as plsc

CHUNK = 128
LANES = 16
NUM_SC = 2
NUM_SUBCORES = 16
SUPER = 32


def _tc_combine(partials, x, W, self_scale, bias, gamma, beta):
    n, d_in = x.shape
    d_out = W.shape[1]

    def body(p_ref, x_ref, w_ref, s_ref, b_ref, g_ref, be_ref, o_ref):
        s = s_ref[0, 0]
        agg = p_ref[0] + p_ref[1] + x_ref[...] * s
        tmp = jnp.dot(agg, w_ref[...],
                      preferred_element_type=jnp.float32) + b_ref[...]
        mean = jnp.mean(tmp, axis=0, keepdims=True)
        var = jnp.mean((tmp - mean) * (tmp - mean), axis=0, keepdims=True)
        inv = lax.rsqrt(var + 1e-5)
        o_ref[...] = (tmp - mean) * inv * g_ref[...] + be_ref[...]

    return pl.pallas_call(
        body,
        in_specs=[
            pl.BlockSpec(memory_space=pltpu.VMEM),
            pl.BlockSpec(memory_space=pltpu.VMEM),
            pl.BlockSpec(memory_space=pltpu.VMEM),
            pl.BlockSpec(memory_space=pltpu.SMEM),
            pl.BlockSpec(memory_space=pltpu.VMEM),
            pl.BlockSpec(memory_space=pltpu.VMEM),
            pl.BlockSpec(memory_space=pltpu.VMEM),
        ],
        out_shape=jax.ShapeDtypeStruct((n, d_out), jnp.float32),
    )(partials, x, W, self_scale, bias, gamma, beta)


def _make_sc_aggregate(n_nodes, d, n_chunks_per_worker, alpha_len):
    nc, ns = NUM_SC, NUM_SUBCORES
    rows_per_tile = (n_nodes // ns) // 8 * 8
    rows_rem = n_nodes - rows_per_tile * ns
    mesh = plsc.VectorSubcoreMesh(core_axis_name="c", subcore_axis_name="s",
                                  num_cores=nc, num_subcores=ns)

    n_chunks = n_chunks_per_worker
    n_sup = n_chunks // SUPER
    assert n_chunks == n_sup * SUPER

    @functools.partial(
        pl.kernel,
        mesh=mesh,
        compiler_params=pltpu.CompilerParams(needs_layout_passes=False),
        out_type=jax.ShapeDtypeStruct((nc, n_nodes, d), jnp.float32),
        scratch_types=[
            pltpu.VMEM((SUPER, CHUNK), jnp.int32),
            pltpu.VMEM((SUPER, CHUNK), jnp.int32),
            pltpu.VMEM((SUPER, CHUNK), jnp.int32),
            pltpu.VMEM((CHUNK, d), jnp.float32),
            pltpu.VMEM((CHUNK, d), jnp.float32),
            pltpu.VMEM((alpha_len,), jnp.float32),
            pltpu.VMEM_SHARED((n_nodes, d), jnp.float32),
            pltpu.SemaphoreType.DMA,
            pltpu.SemaphoreType.DMA,
        ],
    )
    def sc_agg(x_hbm, src_hbm, dst_hbm, et_hbm, alpha_hbm, out_hbm,
               src_v, dst_v, et_v, rows0, rows1, alpha_v, acc_sh, sem,
               sem_s):
        cid = lax.axis_index("c")
        sid = lax.axis_index("s")
        wid = sid * nc + cid

        def zero_rows(i, _):
            for k in range(d // LANES):
                rows0[i, pl.ds(k * LANES, LANES)] = jnp.zeros(
                    (LANES,), jnp.float32)
            return 0
        lax.fori_loop(0, CHUNK, zero_rows, 0)

        my_base = sid * rows_per_tile
        full = rows_per_tile // CHUNK
        for j in range(full):
            pltpu.sync_copy(rows0,
                            acc_sh.at[pl.ds(my_base + j * CHUNK, CHUNK)])
        tail = rows_per_tile - full * CHUNK
        if tail:
            pltpu.sync_copy(rows0.at[pl.ds(0, tail)],
                            acc_sh.at[pl.ds(my_base + full * CHUNK, tail)])
        if rows_rem:
            @pl.when(sid == 0)
            def _():
                pltpu.sync_copy(
                    rows0.at[pl.ds(0, rows_rem)],
                    acc_sh.at[pl.ds(ns * rows_per_tile, rows_rem)])

        pltpu.sync_copy(alpha_hbm, alpha_v)
        plsc.subcore_barrier()

        def scale_and_scatter(g, buf):
            def scale_grp(grp, _):
                idx = et_v[g, pl.ds(grp * LANES, LANES)]
                a16 = plsc.load_gather(alpha_v, [idx])
                for j in range(LANES):
                    a_s = a16[j]
                    row = grp * LANES + j
                    for k in range(d // LANES):
                        sl = pl.ds(k * LANES, LANES)
                        buf[row, sl] = buf[row, sl] * a_s
                return 0
            lax.fori_loop(0, CHUNK // LANES, scale_grp, 0)
            pltpu.async_copy(buf, acc_sh.at[dst_v.at[g]], sem_s, add=True)

        def outer_s(s, _):
            base_c = wid * n_chunks + s * SUPER
            pltpu.sync_copy(src_hbm.at[pl.ds(base_c, SUPER)], src_v)
            pltpu.sync_copy(dst_hbm.at[pl.ds(base_c, SUPER)], dst_v)
            pltpu.sync_copy(et_hbm.at[pl.ds(base_c, SUPER)], et_v)
            pltpu.async_copy(x_hbm.at[src_v.at[0]], rows0, sem)

            def inner(g2, _):
                g0 = g2 * 2
                for b in range(2):
                    g = g0 + b
                    cur = rows0 if b == 0 else rows1
                    nxt = rows1 if b == 0 else rows0

                    @pl.when(g > 0)
                    def _():
                        pltpu.make_async_copy(
                            nxt, acc_sh.at[dst_v.at[g]], sem_s).wait()

                    @pl.when(g + 1 < SUPER)
                    def _():
                        pltpu.async_copy(x_hbm.at[src_v.at[g + 1]], nxt,
                                         sem)
                    pltpu.make_async_copy(x_hbm.at[src_v.at[g]], cur,
                                          sem).wait()
                    scale_and_scatter(g, cur)
                return 0
            lax.fori_loop(0, SUPER // 2, inner, 0)
            pltpu.make_async_copy(rows1, acc_sh.at[dst_v.at[SUPER - 1]],
                                  sem_s).wait()
            return 0
        lax.fori_loop(0, n_sup, outer_s, 0)

        plsc.subcore_barrier()
        pltpu.sync_copy(acc_sh.at[pl.ds(my_base, rows_per_tile)],
                        out_hbm.at[cid, pl.ds(my_base, rows_per_tile)])
        if rows_rem:
            @pl.when(sid == 0)
            def _():
                pltpu.sync_copy(
                    acc_sh.at[pl.ds(ns * rows_per_tile, rows_rem)],
                    out_hbm.at[cid, pl.ds(ns * rows_per_tile, rows_rem)])

    return sc_agg


def kernel(x, r, edge_index, edge_type, W, alpha, bias, gamma, beta):
    n, d_in = x.shape
    e = edge_index.shape[1]
    self_rel = r.shape[0] - 1

    n_workers = NUM_SC * NUM_SUBCORES

    row, col = edge_index[0], edge_index[1]
    src = jnp.concatenate([col, row])
    dst = jnp.concatenate([row, col])
    et2 = jnp.concatenate([edge_type, edge_type])

    pad_rel = alpha.shape[0]
    total = 2 * e
    chunks_per_worker = -(-total // (n_workers * CHUNK))
    chunks_per_worker = -(-chunks_per_worker // SUPER) * SUPER
    per_worker = chunks_per_worker * CHUNK
    padded = per_worker * n_workers
    pad = padded - total
    spread = jnp.arange(pad, dtype=jnp.int32) % n
    src = jnp.concatenate([src, spread]).reshape(-1, CHUNK)
    dst = jnp.concatenate([dst, spread]).reshape(-1, CHUNK)
    et2 = jnp.pad(et2, (0, pad), constant_values=pad_rel).reshape(-1, CHUNK)

    alpha_len = -(-(pad_rel + 1) // LANES) * LANES
    alpha_vec = jnp.pad(alpha[:, 0], (0, alpha_len - pad_rel))

    sc_agg = _make_sc_aggregate(n, d_in, per_worker // CHUNK, alpha_len)
    partials = sc_agg(x, src, dst, et2, alpha_vec)

    self_scale = (2.0 * alpha[self_rel, 0]).reshape(1, 1)
    out = _tc_combine(partials, x, W, self_scale, bias, gamma, beta)
    return (out, r)

# --- scband reference (transcript-rebuilt; emitter-appended) ---
"""Pipeline reference for scband-weighted-gcnlayer-188978561159 (READ-ONLY COPY).

The authoritative reference and input builder live on the scoring server;
editing this copy changes nothing except your own understanding.
"""

import jax, jax.numpy as jnp
import numpy as np

N = 10000          # num_entities
E = 320000         # num edges (already includes both directions per WGCN convention)
D_IN = 128
D_OUT = 128
NUM_REL_ROWS = 402  # num_relations (= 2*200+1 = 401) + 1 rows in alpha embedding, padding_idx=0
SELF_REL = 400      # num_relations - 1

def setup_inputs(seed: int = 0) -> dict:
    key = jax.random.key(seed)
    ks = jax.random.split(key, 8)
    x = jax.random.normal(ks[0], (N, D_IN), dtype=jnp.float32)
    r = jax.random.normal(ks[1], (401, D_IN), dtype=jnp.float32)
    edge_index = jax.random.randint(ks[2], (2, E), 0, N, dtype=jnp.int32)
    edge_type = jax.random.randint(ks[3], (E,), 0, 401, dtype=jnp.int32)
    # learned params
    W = jax.random.normal(ks[4], (D_IN, D_OUT), dtype=jnp.float32) * (1.0 / np.sqrt(D_IN))
    alpha = jax.random.normal(ks[5], (NUM_REL_ROWS, 1), dtype=jnp.float32) * 0.1
    alpha = alpha.at[0].set(0.0)  # padding_idx=0
    bias = jnp.zeros((D_OUT,), dtype=jnp.float32)
    gamma = jnp.ones((D_OUT,), dtype=jnp.float32)
    beta = jnp.zeros((D_OUT,), dtype=jnp.float32)
    return {"x": x, "r": r, "edge_index": edge_index, "edge_type": edge_type,
            "W": W, "alpha": alpha, "bias": bias, "gamma": gamma, "beta": beta}

def reference(x, r, edge_index, edge_type, W, alpha, bias, gamma, beta):
    # _add_self_edge with self_edge_dropout=0.0 (all self edges kept)
    self_idx = jnp.arange(N, dtype=edge_index.dtype)
    ei = jnp.concatenate([edge_index, jnp.stack([self_idx, self_idx])], axis=1)
    et = jnp.concatenate([edge_type, jnp.full((N,), SELF_REL, dtype=edge_type.dtype)], axis=0)
    # alpha_r = self.alpha(edge_type).t()[0]  (embedding lookup -> per-edge scalar weight)
    alpha_r = jnp.take(alpha, et, axis=0)[:, 0]
    # XW = x @ W
    XW = jnp.matmul(x, W)
    row = ei[0]
    col = ei[1]
    # adj = coo(ei, alpha_r); adj = adj + adj.T; out = adj @ XW
    # adj @ XW : out[row] += alpha_r * XW[col]
    out = jax.ops.segment_sum(alpha_r[:, None] * jnp.take(XW, col, axis=0), row, num_segments=N)
    # adj.T @ XW contribution: out[col] += alpha_r * XW[row]
    out = out + jax.ops.segment_sum(alpha_r[:, None] * jnp.take(XW, row, axis=0), col, num_segments=N)
    out = out + bias
    # BatchNorm1d (training mode: batch statistics, biased variance, eps=1e-5)
    mean = jnp.mean(out, axis=0)
    var = jnp.var(out, axis=0)
    out = (out - mean) / jnp.sqrt(var + 1e-5) * gamma + beta
    return (out, r)

if __name__ == "__main__":
    import jax
    _d = setup_inputs()
    print(jax.jit(kernel)(*tuple(_d.values())))

</pallas_src>

<mosaic_0001>
#map = affine_map<(d0, d1) -> (0, 0)>
#map1 = affine_map<(d0, d1) -> (0)>
#map2 = affine_map<(d0, d1) -> (0, 0, 0)>
module attributes {stable_mosaic.version = 14 : i64} {
  func.func @sc_agg(%arg0: i32, %arg1: i32, %arg2: memref<10000x128xf32, #tpu.memory_space<hbm>>, %arg3: memref<5120x128xi32, #tpu.memory_space<hbm>>, %arg4: memref<5120x128xi32, #tpu.memory_space<hbm>>, %arg5: memref<5120x128xi32, #tpu.memory_space<hbm>>, %arg6: memref<416xf32, #tpu.memory_space<hbm>>, %arg7: memref<2x10000x128xf32, #tpu.memory_space<hbm>>, %arg8: memref<32x128xi32, #tpu.memory_space<vmem>>, %arg9: memref<32x128xi32, #tpu.memory_space<vmem>>, %arg10: memref<32x128xi32, #tpu.memory_space<vmem>>, %arg11: memref<128x128xf32, #tpu.memory_space<vmem>>, %arg12: memref<128x128xf32, #tpu.memory_space<vmem>>, %arg13: memref<416xf32, #tpu.memory_space<vmem>>, %arg14: memref<10000x128xf32, #tpu.memory_space<vmem_shared>>, %arg15: memref<!tpu.dma_semaphore, #tpu.memory_space<semaphore_mem>>, %arg16: memref<!tpu.dma_semaphore, #tpu.memory_space<semaphore_mem>>) attributes {dimension_semantics = [#tpu.dimension_semantics<core_parallel>, #tpu.dimension_semantics<subcore_parallel>], iteration_bounds = array<i64: 2, 16>, scalar_prefetch = 0 : i64, scratch_operands = 9 : i64, tpu.core_type = #tpu.core_type<sc_vector_subcore>, window_params = [{transform_indices = #map}, {transform_indices = #map}, {transform_indices = #map}, {transform_indices = #map}, {transform_indices = #map1}, {transform_indices = #map2}]} {
    %mul3A = arith.constant 2 : i32
    %mul3A_0 = arith.muli %arg1, %mul3A : i32
    %add3A = arith.addi %mul3A_0, %arg0 : i32
    %scan3A = arith.constant 0 : i32
    %scan3A_1 = arith.constant 0 : i32
    %scan3A_2 = arith.constant 128 : i32
    %scan3A_3 = arith.addi %scan3A_1, %scan3A_2 : i32
    %scan3A_4 = arith.constant 1 : i32
    %scan3A_5 = scf.for %scan3A_34 = %scan3A_1 to %scan3A_3 step %scan3A_4 iter_args(%scan3A_35 = %scan3A) -> (i32)  : i32 {
      %broadcast_in_dim3A = arith.constant 0.000000e+00 : f32
      %broadcast_in_dim3A_36 = vector.broadcast %broadcast_in_dim3A : f32 to vector<16xf32>
      %swap3A = arith.index_cast %scan3A_34 : i32 to index
      %swap3A_37 = arith.constant 0 : index
      %swap3A_38 = tpu.vector_load %arg11[%swap3A, %swap3A_37] {strides = array<i32>} : memref<128x128xf32, #tpu.memory_space<vmem>>, vector<16xf32>,
      tpu.vector_store %arg11[%swap3A, %swap3A_37], %broadcast_in_dim3A_36 {strides = array<i32>} : memref<128x128xf32, #tpu.memory_space<vmem>>, vector<16xf32>,
      %broadcast_in_dim3A_39 = arith.constant 0.000000e+00 : f32
      %broadcast_in_dim3A_40 = vector.broadcast %broadcast_in_dim3A_39 : f32 to vector<16xf32>
      %swap3A_41 = arith.index_cast %scan3A_34 : i32 to index
      %swap3A_42 = arith.constant 16 : index
      %swap3A_43 = tpu.vector_load %arg11[%swap3A_41, %swap3A_42] {strides = array<i32>} : memref<128x128xf32, #tpu.memory_space<vmem>>, vector<16xf32>,
      tpu.vector_store %arg11[%swap3A_41, %swap3A_42], %broadcast_in_dim3A_40 {strides = array<i32>} : memref<128x128xf32, #tpu.memory_space<vmem>>, vector<16xf32>,
      %broadcast_in_dim3A_44 = arith.constant 0.000000e+00 : f32
      %broadcast_in_dim3A_45 = vector.broadcast %broadcast_in_dim3A_44 : f32 to vector<16xf32>
      %swap3A_46 = arith.index_cast %scan3A_34 : i32 to index
      %swap3A_47 = arith.constant 32 : index
      %swap3A_48 = tpu.vector_load %arg11[%swap3A_46, %swap3A_47] {strides = array<i32>} : memref<128x128xf32, #tpu.memory_space<vmem>>, vector<16xf32>,
      tpu.vector_store %arg11[%swap3A_46, %swap3A_47], %broadcast_in_dim3A_45 {strides = array<i32>} : memref<128x128xf32, #tpu.memory_space<vmem>>, vector<16xf32>,
      %broadcast_in_dim3A_49 = arith.constant 0.000000e+00 : f32
      %broadcast_in_dim3A_50 = vector.broadcast %broadcast_in_dim3A_49 : f32 to vector<16xf32>
      %swap3A_51 = arith.index_cast %scan3A_34 : i32 to index
      %swap3A_52 = arith.constant 48 : index
      %swap3A_53 = tpu.vector_load %arg11[%swap3A_51, %swap3A_52] {strides = array<i32>} : memref<128x128xf32, #tpu.memory_space<vmem>>, vector<16xf32>,
      tpu.vector_store %arg11[%swap3A_51, %swap3A_52], %broadcast_in_dim3A_50 {strides = array<i32>} : memref<128x128xf32, #tpu.memory_space<vmem>>, vector<16xf32>,
      %broadcast_in_dim3A_54 = arith.constant 0.000000e+00 : f32
      %broadcast_in_dim3A_55 = vector.broadcast %broadcast_in_dim3A_54 : f32 to vector<16xf32>
      %swap3A_56 = arith.index_cast %scan3A_34 : i32 to index
      %swap3A_57 = arith.constant 64 : index
      %swap3A_58 = tpu.vector_load %arg11[%swap3A_56, %swap3A_57] {strides = array<i32>} : memref<128x128xf32, #tpu.memory_space<vmem>>, vector<16xf32>,
      tpu.vector_store %arg11[%swap3A_56, %swap3A_57], %broadcast_in_dim3A_55 {strides = array<i32>} : memref<128x128xf32, #tpu.memory_space<vmem>>, vector<16xf32>,
      %broadcast_in_dim3A_59 = arith.constant 0.000000e+00 : f32
      %broadcast_in_dim3A_60 = vector.broadcast %broadcast_in_dim3A_59 : f32 to vector<16xf32>
      %swap3A_61 = arith.index_cast %scan3A_34 : i32 to index
      %swap3A_62 = arith.constant 80 : index
      %swap3A_63 = tpu.vector_load %arg11[%swap3A_61, %swap3A_62] {strides = array<i32>} : memref<128x128xf32, #tpu.memory_space<vmem>>, vector<16xf32>,
      tpu.vector_store %arg11[%swap3A_61, %swap3A_62], %broadcast_in_dim3A_60 {strides = array<i32>} : memref<128x128xf32, #tpu.memory_space<vmem>>, vector<16xf32>,
      %broadcast_in_dim3A_64 = arith.constant 0.000000e+00 : f32
      %broadcast_in_dim3A_65 = vector.broadcast %broadcast_in_dim3A_64 : f32 to vector<16xf32>
      %swap3A_66 = arith.index_cast %scan3A_34 : i32 to index
      %swap3A_67 = arith.constant 96 : index
      %swap3A_68 = tpu.vector_load %arg11[%swap3A_66, %swap3A_67] {strides = array<i32>} : memref<128x128xf32, #tpu.memory_space<vmem>>, vector<16xf32>,
      tpu.vector_store %arg11[%swap3A_66, %swap3A_67], %broadcast_in_dim3A_65 {strides = array<i32>} : memref<128x128xf32, #tpu.memory_space<vmem>>, vector<16xf32>,
      %broadcast_in_dim3A_69 = arith.constant 0.000000e+00 : f32
      %broadcast_in_dim3A_70 = vector.broadcast %broadcast_in_dim3A_69 : f32 to vector<16xf32>
      %swap3A_71 = arith.index_cast %scan3A_34 : i32 to index
      %swap3A_72 = arith.constant 112 : index
      %swap3A_73 = tpu.vector_load %arg11[%swap3A_71, %swap3A_72] {strides = array<i32>} : memref<128x128xf32, #tpu.memory_space<vmem>>, vector<16xf32>,
      tpu.vector_store %arg11[%swap3A_71, %swap3A_72], %broadcast_in_dim3A_70 {strides = array<i32>} : memref<128x128xf32, #tpu.memory_space<vmem>>, vector<16xf32>,
      %scan3A_74 = arith.constant 0 : i32
      scf.yield %scan3A_74 : i32
    }
    %scan3A_6 = arith.constant 128 : i32
    %mul3A_7 = arith.constant 624 : i32
    %mul3A_8 = arith.muli %arg1, %mul3A_7 : i32
    %add3A_9 = arith.constant 0 : i32
    %add3A_10 = arith.addi %mul3A_8, %add3A_9 : i32
    "tpu.region"() ({
      %run_scoped3A = tpu.sem_alloc : memref<!tpu.dma_semaphore, #tpu.memory_space<semaphore_mem>>
      %dma_start3A = arith.constant 0 : i32
      %dma_start3A_34 = tpu.memref_slice %arg14[%add3A_10, %dma_start3A] : memref<10000x128xf32, #tpu.memory_space<vmem_shared>> -> memref<128x128xf32, #tpu.memory_space<vmem_shared>>
      %dma_start3A_35 = arith.constant 0 : i32
      %dma_start3A_36 = tpu.memref_slice %arg14[%add3A_10, %dma_start3A_35] : memref<10000x128xf32, #tpu.memory_space<vmem_shared>> -> memref<128x128xf32, #tpu.memory_space<vmem_shared>>
      tpu.enqueue_dma source(%arg11 : memref<128x128xf32, #tpu.memory_space<vmem>>) target(%dma_start3A_36 : memref<128x128xf32, #tpu.memory_space<vmem_shared>>) target_semaphore(%run_scoped3A : memref<!tpu.dma_semaphore, #tpu.memory_space<semaphore_mem>>)
      %dma_wait3A = arith.constant 0 : i32
      %dma_wait3A_37 = tpu.memref_slice %arg14[%add3A_10, %dma_wait3A] : memref<10000x128xf32, #tpu.memory_space<vmem_shared>> -> memref<128x128xf32, #tpu.memory_space<vmem_shared>>
      %dma_wait3A_38 = arith.constant 0 : i32
      %dma_wait3A_39 = tpu.memref_slice %arg14[%add3A_10, %dma_wait3A_38] : memref<10000x128xf32, #tpu.memory_space<vmem_shared>> -> memref<128x128xf32, #tpu.memory_space<vmem_shared>>
      tpu.wait_dma2 semaphore(%run_scoped3A : memref<!tpu.dma_semaphore, #tpu.memory_space<semaphore_mem>>) src(%arg11 : memref<128x128xf32, #tpu.memory_space<vmem>>) dst(%dma_wait3A_39 : memref<128x128xf32, #tpu.memory_space<vmem_shared>>)
      tpu.yield
    }) : () -> ()
    %add3A_11 = arith.constant 128 : i32
    %add3A_12 = arith.addi %mul3A_8, %add3A_11 : i32
    "tpu.region"() ({
      %run_scoped3A = tpu.sem_alloc : memref<!tpu.dma_semaphore, #tpu.memory_space<semaphore_mem>>
      %dma_start3A = arith.constant 0 : i32
      %dma_start3A_34 = tpu.memref_slice %arg14[%add3A_12, %dma_start3A] : memref<10000x128xf32, #tpu.memory_space<vmem_shared>> -> memref<128x128xf32, #tpu.memory_space<vmem_shared>>
      %dma_start3A_35 = arith.constant 0 : i32
      %dma_start3A_36 = tpu.memref_slice %arg14[%add3A_12, %dma_start3A_35] : memref<10000x128xf32, #tpu.memory_space<vmem_shared>> -> memref<128x128xf32, #tpu.memory_space<vmem_shared>>
      tpu.enqueue_dma source(%arg11 : memref<128x128xf32, #tpu.memory_space<vmem>>) target(%dma_start3A_36 : memref<128x128xf32, #tpu.memory_space<vmem_shared>>) target_semaphore(%run_scoped3A : memref<!tpu.dma_semaphore, #tpu.memory_space<semaphore_mem>>)
      %dma_wait3A = arith.constant 0 : i32
      %dma_wait3A_37 = tpu.memref_slice %arg14[%add3A_12, %dma_wait3A] : memref<10000x128xf32, #tpu.memory_space<vmem_shared>> -> memref<128x128xf32, #tpu.memory_space<vmem_shared>>
      %dma_wait3A_38 = arith.constant 0 : i32
      %dma_wait3A_39 = tpu.memref_slice %arg14[%add3A_12, %dma_wait3A_38] : memref<10000x128xf32, #tpu.memory_space<vmem_shared>> -> memref<128x128xf32, #tpu.memory_space<vmem_shared>>
      tpu.wait_dma2 semaphore(%run_scoped3A : memref<!tpu.dma_semaphore, #tpu.memory_space<semaphore_mem>>) src(%arg11 : memref<128x128xf32, #tpu.memory_space<vmem>>) dst(%dma_wait3A_39 : memref<128x128xf32, #tpu.memory_space<vmem_shared>>)
      tpu.yield
    }) : () -> ()
    %add3A_13 = arith.constant 256 : i32
    %add3A_14 = arith.addi %mul3A_8, %add3A_13 : i32
    "tpu.region"() ({
      %run_scoped3A = tpu.sem_alloc : memref<!tpu.dma_semaphore, #tpu.memory_space<semaphore_mem>>
      %dma_start3A = arith.constant 0 : i32
      %dma_start3A_34 = tpu.memref_slice %arg14[%add3A_14, %dma_start3A] : memref<10000x128xf32, #tpu.memory_space<vmem_shared>> -> memref<128x128xf32, #tpu.memory_space<vmem_shared>>
      %dma_start3A_35 = arith.constant 0 : i32
      %dma_start3A_36 = tpu.memref_slice %arg14[%add3A_14, %dma_start3A_35] : memref<10000x128xf32, #tpu.memory_space<vmem_shared>> -> memref<128x128xf32, #tpu.memory_space<vmem_shared>>
      tpu.enqueue_dma source(%arg11 : memref<128x128xf32, #tpu.memory_space<vmem>>) target(%dma_start3A_36 : memref<128x128xf32, #tpu.memory_space<vmem_shared>>) target_semaphore(%run_scoped3A : memref<!tpu.dma_semaphore, #tpu.memory_space<semaphore_mem>>)
      %dma_wait3A = arith.constant 0 : i32
      %dma_wait3A_37 = tpu.memref_slice %arg14[%add3A_14, %dma_wait3A] : memref<10000x128xf32, #tpu.memory_space<vmem_shared>> -> memref<128x128xf32, #tpu.memory_space<vmem_shared>>
      %dma_wait3A_38 = arith.constant 0 : i32
      %dma_wait3A_39 = tpu.memref_slice %arg14[%add3A_14, %dma_wait3A_38] : memref<10000x128xf32, #tpu.memory_space<vmem_shared>> -> memref<128x128xf32, #tpu.memory_space<vmem_shared>>
      tpu.wait_dma2 semaphore(%run_scoped3A : memref<!tpu.dma_semaphore, #tpu.memory_space<semaphore_mem>>) src(%arg11 : memref<128x128xf32, #tpu.memory_space<vmem>>) dst(%dma_wait3A_39 : memref<128x128xf32, #tpu.memory_space<vmem_shared>>)
      tpu.yield
    }) : () -> ()
    %add3A_15 = arith.constant 384 : i32
    %add3A_16 = arith.addi %mul3A_8, %add3A_15 : i32
    "tpu.region"() ({
      %run_scoped3A = tpu.sem_alloc : memref<!tpu.dma_semaphore, #tpu.memory_space<semaphore_mem>>
      %dma_start3A = arith.constant 0 : i32
      %dma_start3A_34 = tpu.memref_slice %arg14[%add3A_16, %dma_start3A] : memref<10000x128xf32, #tpu.memory_space<vmem_shared>> -> memref<128x128xf32, #tpu.memory_space<vmem_shared>>
      %dma_start3A_35 = arith.constant 0 : i32
      %dma_start3A_36 = tpu.memref_slice %arg14[%add3A_16, %dma_start3A_35] : memref<10000x128xf32, #tpu.memory_space<vmem_shared>> -> memref<128x128xf32, #tpu.memory_space<vmem_shared>>
      tpu.enqueue_dma source(%arg11 : memref<128x128xf32, #tpu.memory_space<vmem>>) target(%dma_start3A_36 : memref<128x128xf32, #tpu.memory_space<vmem_shared>>) target_semaphore(%run_scoped3A : memref<!tpu.dma_semaphore, #tpu.memory_space<semaphore_mem>>)
      %dma_wait3A = arith.constant 0 : i32
      %dma_wait3A_37 = tpu.memref_slice %arg14[%add3A_16, %dma_wait3A] : memref<10000x128xf32, #tpu.memory_space<vmem_shared>> -> memref<128x128xf32, #tpu.memory_space<vmem_shared>>
      %dma_wait3A_38 = arith.constant 0 : i32
      %dma_wait3A_39 = tpu.memref_slice %arg14[%add3A_16, %dma_wait3A_38] : memref<10000x128xf32, #tpu.memory_space<vmem_shared>> -> memref<128x128xf32, #tpu.memory_space<vmem_shared>>
      tpu.wait_dma2 semaphore(%run_scoped3A : memref<!tpu.dma_semaphore, #tpu.memory_space<semaphore_mem>>) src(%arg11 : memref<128x128xf32, #tpu.memory_space<vmem>>) dst(%dma_wait3A_39 : memref<128x128xf32, #tpu.memory_space<vmem_shared>>)
      tpu.yield
    }) : () -> ()
    %add3A_17 = arith.constant 512 : i32
    %add3A_18 = arith.addi %mul3A_8, %add3A_17 : i32
    "tpu.region"() ({
      %run_scoped3A = tpu.sem_alloc : memref<!tpu.dma_semaphore, #tpu.memory_space<semaphore_mem>>
      %dma_start3A = arith.constant 0 : i32
      %dma_start3A_34 = arith.constant 0 : i32
      %dma_start3A_35 = tpu.memref_slice %arg11[%dma_start3A, %dma_start3A_34] : memref<128x128xf32, #tpu.memory_space<vmem>> -> memref<112x128xf32, #tpu.memory_space<vmem>>
      %dma_start3A_36 = arith.constant 0 : i32
      %dma_start3A_37 = tpu.memref_slice %arg14[%add3A_18, %dma_start3A_36] : memref<10000x128xf32, #tpu.memory_space<vmem_shared>> -> memref<112x128xf32, #tpu.memory_space<vmem_shared>>
      %dma_start3A_38 = arith.constant 0 : i32
      %dma_start3A_39 = tpu.memref_slice %arg14[%add3A_18, %dma_start3A_38] : memref<10000x128xf32, #tpu.memory_space<vmem_shared>> -> memref<112x128xf32, #tpu.memory_space<vmem_shared>>
      %dma_start3A_40 = arith.constant 0 : i32
      %dma_start3A_41 = arith.constant 0 : i32
      %dma_start3A_42 = tpu.memref_slice %arg11[%dma_start3A_40, %dma_start3A_41] : memref<128x128xf32, #tpu.memory_space<vmem>> -> memref<112x128xf32, #tpu.memory_space<vmem>>
      tpu.enqueue_dma source(%dma_start3A_42 : memref<112x128xf32, #tpu.memory_space<vmem>>) target(%dma_start3A_39 : memref<112x128xf32, #tpu.memory_space<vmem_shared>>) target_semaphore(%run_scoped3A : memref<!tpu.dma_semaphore, #tpu.memory_space<semaphore_mem>>)
      %dma_wait3A = arith.constant 0 : i32
      %dma_wait3A_43 = arith.constant 0 : i32
      %dma_wait3A_44 = tpu.memref_slice %arg11[%dma_wait3A, %dma_wait3A_43] : memref<128x128xf32, #tpu.memory_space<vmem>> -> memref<112x128xf32, #tpu.memory_space<vmem>>
      %dma_wait3A_45 = arith.constant 0 : i32
      %dma_wait3A_46 = tpu.memref_slice %arg14[%add3A_18, %dma_wait3A_45] : memref<10000x128xf32, #tpu.memory_space<vmem_shared>> -> memref<112x128xf32, #tpu.memory_space<vmem_shared>>
      %dma_wait3A_47 = arith.constant 0 : i32
      %dma_wait3A_48 = tpu.memref_slice %arg14[%add3A_18, %dma_wait3A_47] : memref<10000x128xf32, #tpu.memory_space<vmem_shared>> -> memref<112x128xf32, #tpu.memory_space<vmem_shared>>
      %dma_wait3A_49 = arith.constant 0 : i32
      %dma_wait3A_50 = arith.constant 0 : i32
      %dma_wait3A_51 = tpu.memref_slice %arg11[%dma_wait3A_49, %dma_wait3A_50] : memref<128x128xf32, #tpu.memory_space<vmem>> -> memref<112x128xf32, #tpu.memory_space<vmem>>
      tpu.wait_dma2 semaphore(%run_scoped3A : memref<!tpu.dma_semaphore, #tpu.memory_space<semaphore_mem>>) src(%dma_wait3A_51 : memref<112x128xf32, #tpu.memory_space<vmem>>) dst(%dma_wait3A_48 : memref<112x128xf32, #tpu.memory_space<vmem_shared>>)
      tpu.yield
    }) : () -> ()
    %eq3A = arith.constant 0 : i32
    %eq3A_19 = arith.cmpi eq, %arg1, %eq3A : i32
    %convert_element_type3A = arith.extui %eq3A_19 : i1 to i32
    %cond3A = arith.constant 0 : i32
    %cond3A_20 = arith.cmpi ne, %convert_element_type3A, %cond3A : i32
    scf.if %cond3A_20 {
      "tpu.region"() ({
        %run_scoped3A = tpu.sem_alloc : memref<!tpu.dma_semaphore, #tpu.memory_space<semaphore_mem>>
        %dma_start3A = arith.constant 0 : i32
        %dma_start3A_34 = arith.constant 0 : i32
        %dma_start3A_35 = tpu.memref_slice %arg11[%dma_start3A, %dma_start3A_34] : memref<128x128xf32, #tpu.memory_space<vmem>> -> memref<16x128xf32, #tpu.memory_space<vmem>>
        %dma_start3A_36 = arith.constant 9984 : i32
        %dma_start3A_37 = arith.constant 0 : i32
        %dma_start3A_38 = tpu.memref_slice %arg14[%dma_start3A_36, %dma_start3A_37] : memref<10000x128xf32, #tpu.memory_space<vmem_shared>> -> memref<16x128xf32, #tpu.memory_space<vmem_shared>>
        %dma_start3A_39 = arith.constant 9984 : i32
        %dma_start3A_40 = arith.constant 0 : i32
        %dma_start3A_41 = tpu.memref_slice %arg14[%dma_start3A_39, %dma_start3A_40] : memref<10000x128xf32, #tpu.memory_space<vmem_shared>> -> memref<16x128xf32, #tpu.memory_space<vmem_shared>>
        %dma_start3A_42 = arith.constant 0 : i32
        %dma_start3A_43 = arith.constant 0 : i32
        %dma_start3A_44 = tpu.memref_slice %arg11[%dma_start3A_42, %dma_start3A_43] : memref<128x128xf32, #tpu.memory_space<vmem>> -> memref<16x128xf32, #tpu.memory_space<vmem>>
        tpu.enqueue_dma source(%dma_start3A_44 : memref<16x128xf32, #tpu.memory_space<vmem>>) target(%dma_start3A_41 : memref<16x128xf32, #tpu.memory_space<vmem_shared>>) target_semaphore(%run_scoped3A : memref<!tpu.dma_semaphore, #tpu.memory_space<semaphore_mem>>)
        %dma_wait3A = arith.constant 0 : i32
        %dma_wait3A_45 = arith.constant 0 : i32
        %dma_wait3A_46 = tpu.memref_slice %arg11[%dma_wait3A, %dma_wait3A_45] : memref<128x128xf32, #tpu.memory_space<vmem>> -> memref<16x128xf32, #tpu.memory_space<vmem>>
        %dma_wait3A_47 = arith.constant 9984 : i32
        %dma_wait3A_48 = arith.constant 0 : i32
        %dma_wait3A_49 = tpu.memref_slice %arg14[%dma_wait3A_47, %dma_wait3A_48] : memref<10000x128xf32, #tpu.memory_space<vmem_shared>> -> memref<16x128xf32, #tpu.memory_space<vmem_shared>>
        %dma_wait3A_50 = arith.constant 9984 : i32
        %dma_wait3A_51 = arith.constant 0 : i32
        %dma_wait3A_52 = tpu.memref_slice %arg14[%dma_wait3A_50, %dma_wait3A_51] : memref<10000x128xf32, #tpu.memory_space<vmem_shared>> -> memref<16x128xf32, #tpu.memory_space<vmem_shared>>
        %dma_wait3A_53 = arith.constant 0 : i32
        %dma_wait3A_54 = arith.constant 0 : i32
        %dma_wait3A_55 = tpu.memref_slice %arg11[%dma_wait3A_53, %dma_wait3A_54] : memref<128x128xf32, #tpu.memory_space<vmem>> -> memref<16x128xf32, #tpu.memory_space<vmem>>
        tpu.wait_dma2 semaphore(%run_scoped3A : memref<!tpu.dma_semaphore, #tpu.memory_space<semaphore_mem>>) src(%dma_wait3A_55 : memref<16x128xf32, #tpu.memory_space<vmem>>) dst(%dma_wait3A_52 : memref<16x128xf32, #tpu.memory_space<vmem_shared>>)
        tpu.yield
      }) : () -> ()
    } else {
    }
    "tpu.region"() ({
      %run_scoped3A = tpu.sem_alloc : memref<!tpu.dma_semaphore, #tpu.memory_space<semaphore_mem>>
      tpu.enqueue_dma source(%arg6 : memref<416xf32, #tpu.memory_space<hbm>>) target(%arg13 : memref<416xf32, #tpu.memory_space<vmem>>) target_semaphore(%run_scoped3A : memref<!tpu.dma_semaphore, #tpu.memory_space<semaphore_mem>>)
      tpu.wait_dma2 semaphore(%run_scoped3A : memref<!tpu.dma_semaphore, #tpu.memory_space<semaphore_mem>>) src(%arg6 : memref<416xf32, #tpu.memory_space<hbm>>) dst(%arg13 : memref<416xf32, #tpu.memory_space<vmem>>)
      tpu.yield
    }) : () -> ()
    %barrier3A = arith.constant 0 : index
    tpu.barrier barrier_id(%barrier3A)
    %scan3A_21 = arith.constant 0 : i32
    %scan3A_22 = arith.constant 0 : i32
    %scan3A_23 = arith.constant 5 : i32
    %scan3A_24 = arith.addi %scan3A_22, %scan3A_23 : i32
    %scan3A_25 = arith.constant 1 : i32
    %scan3A_26 = scf.for %scan3A_34 = %scan3A_22 to %scan3A_24 step %scan3A_25 iter_args(%scan3A_35 = %scan3A_21) -> (i32)  : i32 {
      %mul3A_36 = arith.constant 160 : i32
      %mul3A_37 = arith.muli %add3A, %mul3A_36 : i32
      %mul3A_38 = arith.constant 32 : i32
      %mul3A_39 = arith.muli %scan3A_34, %mul3A_38 : i32
      %add3A_40 = arith.addi %mul3A_37, %mul3A_39 : i32
      "tpu.region"() ({
        %run_scoped3A = tpu.sem_alloc : memref<!tpu.dma_semaphore, #tpu.memory_space<semaphore_mem>>
        %dma_start3A_61 = arith.constant 0 : i32
        %dma_start3A_62 = tpu.memref_slice %arg3[%add3A_40, %dma_start3A_61] : memref<5120x128xi32, #tpu.memory_space<hbm>> -> memref<32x128xi32, #tpu.memory_space<hbm>>
        %dma_start3A_63 = arith.constant 0 : i32
        %dma_start3A_64 = tpu.memref_slice %arg3[%add3A_40, %dma_start3A_63] : memref<5120x128xi32, #tpu.memory_space<hbm>> -> memref<32x128xi32, #tpu.memory_space<hbm>>
        tpu.enqueue_dma source(%dma_start3A_64 : memref<32x128xi32, #tpu.memory_space<hbm>>) target(%arg8 : memref<32x128xi32, #tpu.memory_space<vmem>>) target_semaphore(%run_scoped3A : memref<!tpu.dma_semaphore, #tpu.memory_space<semaphore_mem>>)
        %dma_wait3A_65 = arith.constant 0 : i32
        %dma_wait3A_66 = tpu.memref_slice %arg3[%add3A_40, %dma_wait3A_65] : memref<5120x128xi32, #tpu.memory_space<hbm>> -> memref<32x128xi32, #tpu.memory_space<hbm>>
        %dma_wait3A_67 = arith.constant 0 : i32
        %dma_wait3A_68 = tpu.memref_slice %arg3[%add3A_40, %dma_wait3A_67] : memref<5120x128xi32, #tpu.memory_space<hbm>> -> memref<32x128xi32, #tpu.memory_space<hbm>>
        tpu.wait_dma2 semaphore(%run_scoped3A : memref<!tpu.dma_semaphore, #tpu.memory_space<semaphore_mem>>) src(%dma_wait3A_68 : memref<32x128xi32, #tpu.memory_space<hbm>>) dst(%arg8 : memref<32x128xi32, #tpu.memory_space<vmem>>)
        tpu.yield
      }) : () -> ()
      "tpu.region"() ({
        %run_scoped3A = tpu.sem_alloc : memref<!tpu.dma_semaphore, #tpu.memory_space<semaphore_mem>>
        %dma_start3A_61 = arith.constant 0 : i32
        %dma_start3A_62 = tpu.memref_slice %arg4[%add3A_40, %dma_start3A_61] : memref<5120x128xi32, #tpu.memory_space<hbm>> -> memref<32x128xi32, #tpu.memory_space<hbm>>
        %dma_start3A_63 = arith.constant 0 : i32
        %dma_start3A_64 = tpu.memref_slice %arg4[%add3A_40, %dma_start3A_63] : memref<5120x128xi32, #tpu.memory_space<hbm>> -> memref<32x128xi32, #tpu.memory_space<hbm>>
        tpu.enqueue_dma source(%dma_start3A_64 : memref<32x128xi32, #tpu.memory_space<hbm>>) target(%arg9 : memref<32x128xi32, #tpu.memory_space<vmem>>) target_semaphore(%run_scoped3A : memref<!tpu.dma_semaphore, #tpu.memory_space<semaphore_mem>>)
        %dma_wait3A_65 = arith.constant 0 : i32
        %dma_wait3A_66 = tpu.memref_slice %arg4[%add3A_40, %dma_wait3A_65] : memref<5120x128xi32, #tpu.memory_space<hbm>> -> memref<32x128xi32, #tpu.memory_space<hbm>>
        %dma_wait3A_67 = arith.constant 0 : i32
        %dma_wait3A_68 = tpu.memref_slice %arg4[%add3A_40, %dma_wait3A_67] : memref<5120x128xi32, #tpu.memory_space<hbm>> -> memref<32x128xi32, #tpu.memory_space<hbm>>
        tpu.wait_dma2 semaphore(%run_scoped3A : memref<!tpu.dma_semaphore, #tpu.memory_space<semaphore_mem>>) src(%dma_wait3A_68 : memref<32x128xi32, #tpu.memory_space<hbm>>) dst(%arg9 : memref<32x128xi32, #tpu.memory_space<vmem>>)
        tpu.yield
      }) : () -> ()
      "tpu.region"() ({
        %run_scoped3A = tpu.sem_alloc : memref<!tpu.dma_semaphore, #tpu.memory_space<semaphore_mem>>
        %dma_start3A_61 = arith.constant 0 : i32
        %dma_start3A_62 = tpu.memref_slice %arg5[%add3A_40, %dma_start3A_61] : memref<5120x128xi32, #tpu.memory_space<hbm>> -> memref<32x128xi32, #tpu.memory_space<hbm>>
        %dma_start3A_63 = arith.constant 0 : i32
        %dma_start3A_64 = tpu.memref_slice %arg5[%add3A_40, %dma_start3A_63] : memref<5120x128xi32, #tpu.memory_space<hbm>> -> memref<32x128xi32, #tpu.memory_space<hbm>>
        tpu.enqueue_dma source(%dma_start3A_64 : memref<32x128xi32, #tpu.memory_space<hbm>>) target(%arg10 : memref<32x128xi32, #tpu.memory_space<vmem>>) target_semaphore(%run_scoped3A : memref<!tpu.dma_semaphore, #tpu.memory_space<semaphore_mem>>)
        %dma_wait3A_65 = arith.constant 0 : i32
        %dma_wait3A_66 = tpu.memref_slice %arg5[%add3A_40, %dma_wait3A_65] : memref<5120x128xi32, #tpu.memory_space<hbm>> -> memref<32x128xi32, #tpu.memory_space<hbm>>
        %dma_wait3A_67 = arith.constant 0 : i32
        %dma_wait3A_68 = tpu.memref_slice %arg5[%add3A_40, %dma_wait3A_67] : memref<5120x128xi32, #tpu.memory_space<hbm>> -> memref<32x128xi32, #tpu.memory_space<hbm>>
        tpu.wait_dma2 semaphore(%run_scoped3A : memref<!tpu.dma_semaphore, #tpu.memory_space<semaphore_mem>>) src(%dma_wait3A_68 : memref<32x128xi32, #tpu.memory_space<hbm>>) dst(%arg10 : memref<32x128xi32, #tpu.memory_space<vmem>>)
        tpu.yield
      }) : () -> ()
      %dma_start3A = arith.constant 0 : i32
      %dma_start3A_41 = arith.constant 0 : i32
      %dma_start3A_42 = tpu.memref_slice %arg8[%dma_start3A, %dma_start3A_41] : memref<32x128xi32, #tpu.memory_space<vmem>> -> memref<1x128xi32, #tpu.memory_space<vmem>>
      %dma_start3A_43 = tpu.memref_squeeze %dma_start3A_42 : memref<1x128xi32, #tpu.memory_space<vmem>> -> memref<128xi32, #tpu.memory_space<vmem>>
      %dma_start3A_44 = arith.constant 0 : i32
      %dma_start3A_45 = arith.constant 0 : i32
      %dma_start3A_46 = tpu.memref_slice %arg2[%dma_start3A_44, %dma_start3A_45] : memref<10000x128xf32, #tpu.memory_space<hbm>> -> memref<10000x128xf32, #tpu.memory_space<hbm>>
      tpu.enqueue_indirect_dma source(%dma_start3A_46 : memref<10000x128xf32, #tpu.memory_space<hbm>>) target(%arg11 : memref<128x128xf32, #tpu.memory_space<vmem>>) offsets(%dma_start3A_43 : memref<128xi32, #tpu.memory_space<vmem>>) semaphore(%arg15 : memref<!tpu.dma_semaphore, #tpu.memory_space<semaphore_mem>>)
      %scan3A_47 = arith.constant 0 : i32
      %scan3A_48 = arith.constant 0 : i32
      %scan3A_49 = arith.constant 16 : i32
      %scan3A_50 = arith.addi %scan3A_48, %scan3A_49 : i32
      %scan3A_51 = arith.constant 1 : i32
      %scan3A_52 = scf.for %scan3A_61 = %scan3A_48 to %scan3A_50 step %scan3A_51 iter_args(%scan3A_62 = %scan3A_47) -> (i32)  : i32 {
        %mul3A_63 = arith.constant 2 : i32
        %mul3A_64 = arith.muli %scan3A_61, %mul3A_63 : i32
        %add3A_65 = arith.constant 0 : i32
        %add3A_66 = arith.addi %mul3A_64, %add3A_65 : i32
        %gt3A = arith.constant 0 : i32
        %gt3A_67 = arith.cmpi sgt, %add3A_66, %gt3A : i32
        %convert_element_type3A_68 = arith.extui %gt3A_67 : i1 to i32
        %cond3A_69 = arith.constant 0 : i32
        %cond3A_70 = arith.cmpi ne, %convert_element_type3A_68, %cond3A_69 : i32
        scf.if %cond3A_70 {
          %dma_wait3A_130 = arith.constant 0 : i32
          %dma_wait3A_131 = tpu.memref_slice %arg9[%add3A_66, %dma_wait3A_130] : memref<32x128xi32, #tpu.memory_space<vmem>> -> memref<1x128xi32, #tpu.memory_space<vmem>>
          %dma_wait3A_132 = tpu.memref_squeeze %dma_wait3A_131 : memref<1x128xi32, #tpu.memory_space<vmem>> -> memref<128xi32, #tpu.memory_space<vmem>>
          %dma_wait3A_133 = arith.constant 0 : i32
          %dma_wait3A_134 = arith.constant 0 : i32
          %dma_wait3A_135 = tpu.memref_slice %arg14[%dma_wait3A_133, %dma_wait3A_134] : memref<10000x128xf32, #tpu.memory_space<vmem_shared>> -> memref<10000x128xf32, #tpu.memory_space<vmem_shared>>
          tpu.wait_indirect_dma semaphore(%arg16 : memref<!tpu.dma_semaphore, #tpu.memory_space<semaphore_mem>>) src(%arg12 : memref<128x128xf32, #tpu.memory_space<vmem>>) dst(%dma_wait3A_135 : memref<10000x128xf32, #tpu.memory_space<vmem_shared>>)
        } else {
        }
        %add3A_71 = arith.constant 1 : i32
        %add3A_72 = arith.addi %add3A_66, %add3A_71 : i32
        %lt3A = arith.constant 32 : i32
        %lt3A_73 = arith.cmpi slt, %add3A_72, %lt3A : i32
        %convert_element_type3A_74 = arith.extui %lt3A_73 : i1 to i32
        %cond3A_75 = arith.constant 0 : i32
        %cond3A_76 = arith.cmpi ne, %convert_element_type3A_74, %cond3A_75 : i32
        scf.if %cond3A_76 {
          %add3A_130 = arith.constant 1 : i32
          %add3A_131 = arith.addi %add3A_66, %add3A_130 : i32
          %dma_start3A_132 = arith.constant 0 : i32
          %dma_start3A_133 = tpu.memref_slice %arg8[%add3A_131, %dma_start3A_132] : memref<32x128xi32, #tpu.memory_space<vmem>> -> memref<1x128xi32, #tpu.memory_space<vmem>>
          %dma_start3A_134 = tpu.memref_squeeze %dma_start3A_133 : memref<1x128xi32, #tpu.memory_space<vmem>> -> memref<128xi32, #tpu.memory_space<vmem>>
          %dma_start3A_135 = arith.constant 0 : i32
          %dma_start3A_136 = arith.constant 0 : i32
          %dma_start3A_137 = tpu.memref_slice %arg2[%dma_start3A_135, %dma_start3A_136] : memref<10000x128xf32, #tpu.memory_space<hbm>> -> memref<10000x128xf32, #tpu.memory_space<hbm>>
          tpu.enqueue_indirect_dma source(%dma_start3A_137 : memref<10000x128xf32, #tpu.memory_space<hbm>>) target(%arg12 : memref<128x128xf32, #tpu.memory_space<vmem>>) offsets(%dma_start3A_134 : memref<128xi32, #tpu.memory_space<vmem>>) semaphore(%arg15 : memref<!tpu.dma_semaphore, #tpu.memory_space<semaphore_mem>>)
        } else {
        }
        %dma_wait3A_77 = arith.constant 0 : i32
        %dma_wait3A_78 = tpu.memref_slice %arg8[%add3A_66, %dma_wait3A_77] : memref<32x128xi32, #tpu.memory_space<vmem>> -> memref<1x128xi32, #tpu.memory_space<vmem>>
        %dma_wait3A_79 = tpu.memref_squeeze %dma_wait3A_78 : memref<1x128xi32, #tpu.memory_space<vmem>> -> memref<128xi32, #tpu.memory_space<vmem>>
        %dma_wait3A_80 = arith.constant 0 : i32
        %dma_wait3A_81 = arith.constant 0 : i32
        %dma_wait3A_82 = tpu.memref_slice %arg2[%dma_wait3A_80, %dma_wait3A_81] : memref<10000x128xf32, #tpu.memory_space<hbm>> -> memref<10000x128xf32, #tpu.memory_space<hbm>>
        tpu.wait_indirect_dma semaphore(%arg15 : memref<!tpu.dma_semaphore, #tpu.memory_space<semaphore_mem>>) src(%dma_wait3A_82 : memref<10000x128xf32, #tpu.memory_space<hbm>>) dst(%arg11 : memref<128x128xf32, #tpu.memory_space<vmem>>)
        %scan3A_83 = arith.constant 0 : i32
        %scan3A_84 = arith.constant 0 : i32
        %scan3A_85 = arith.constant 8 : i32
        %scan3A_86 = arith.addi %scan3A_84, %scan3A_85 : i32
        %scan3A_87 = arith.constant 1 : i32
        %scan3A_88 = scf.for %scan3A_130 = %scan3A_84 to %scan3A_86 step %scan3A_87 iter_args(%scan3A_131 = %scan3A_83) -> (i32)  : i32 {
          %mul3A_132 = arith.constant 16 : i32
          %mul3A_133 = arith.muli %scan3A_130, %mul3A_132 : i32
          %get3A = arith.index_cast %add3A_66 : i32 to index
          %get3A_134 = arith.index_cast %mul3A_133 : i32 to index
          %get3A_135 = tpu.vector_load %arg10[%get3A, %get3A_134] {strides = array<i32>} : memref<32x128xi32, #tpu.memory_space<vmem>>, vector<16xi32>,
          %gather3A = tpu.vector_load_idx %arg13[%get3A_135] : memref<416xf32, #tpu.memory_space<vmem>>[vector<16xi32>], vector<16xf32>,
          %slice3A = vector.extract_strided_slice %gather3A {offsets = [0], sizes = [1], strides = [1]} : vector<16xf32> to vector<1xf32>
          %squeeze3A = vector.extract %slice3A[0] : f32 from vector<1xf32>
          %mul3A_136 = arith.constant 16 : i32
          %mul3A_137 = arith.muli %scan3A_130, %mul3A_136 : i32
          %add3A_138 = arith.constant 0 : i32
          %add3A_139 = arith.addi %mul3A_137, %add3A_138 : i32
          %get3A_140 = arith.index_cast %add3A_139 : i32 to index
          %get3A_141 = arith.constant 0 : index
          %get3A_142 = tpu.vector_load %arg11[%get3A_140, %get3A_141] {strides = array<i32>} : memref<128x128xf32, #tpu.memory_space<vmem>>, vector<16xf32>,
          %mul3A_143 = vector.broadcast %squeeze3A : f32 to vector<16xf32>
          %mul3A_144 = arith.mulf %get3A_142, %mul3A_143 : vector<16xf32>
          %swap3A = arith.index_cast %add3A_139 : i32 to index
          %swap3A_145 = arith.constant 0 : index
          %swap3A_146 = tpu.vector_load %arg11[%swap3A, %swap3A_145] {strides = array<i32>} : memref<128x128xf32, #tpu.memory_space<vmem>>, vector<16xf32>,
          tpu.vector_store %arg11[%swap3A, %swap3A_145], %mul3A_144 {strides = array<i32>} : memref<128x128xf32, #tpu.memory_space<vmem>>, vector<16xf32>,
          %get3A_147 = arith.index_cast %add3A_139 : i32 to index
          %get3A_148 = arith.constant 16 : index
          %get3A_149 = tpu.vector_load %arg11[%get3A_147, %get3A_148] {strides = array<i32>} : memref<128x128xf32, #tpu.memory_space<vmem>>, vector<16xf32>,
          %mul3A_150 = vector.broadcast %squeeze3A : f32 to vector<16xf32>
          %mul3A_151 = arith.mulf %get3A_149, %mul3A_150 : vector<16xf32>
          %swap3A_152 = arith.index_cast %add3A_139 : i32 to index
          %swap3A_153 = arith.constant 16 : index
          %swap3A_154 = tpu.vector_load %arg11[%swap3A_152, %swap3A_153] {strides = array<i32>} : memref<128x128xf32, #tpu.memory_space<vmem>>, vector<16xf32>,
          tpu.vector_store %arg11[%swap3A_152, %swap3A_153], %mul3A_151 {strides = array<i32>} : memref<128x128xf32, #tpu.memory_space<vmem>>, vector<16xf32>,
          %get3A_155 = arith.index_cast %add3A_139 : i32 to index
          %get3A_156 = arith.constant 32 : index
          %get3A_157 = tpu.vector_load %arg11[%get3A_155, %get3A_156] {strides = array<i32>} : memref<128x128xf32, #tpu.memory_space<vmem>>, vector<16xf32>,
          %mul3A_158 = vector.broadcast %squeeze3A : f32 to vector<16xf32>
          %mul3A_159 = arith.mulf %get3A_157, %mul3A_158 : vector<16xf32>
          %swap3A_160 = arith.index_cast %add3A_139 : i32 to index
          %swap3A_161 = arith.constant 32 : index
          %swap3A_162 = tpu.vector_load %arg11[%swap3A_160, %swap3A_161] {strides = array<i32>} : memref<128x128xf32, #tpu.memory_space<vmem>>, vector<16xf32>,
          tpu.vector_store %arg11[%swap3A_160, %swap3A_161], %mul3A_159 {strides = array<i32>} : memref<128x128xf32, #tpu.memory_space<vmem>>, vector<16xf32>,
          %get3A_163 = arith.index_cast %add3A_139 : i32 to index
          %get3A_164 = arith.constant 48 : index
          %get3A_165 = tpu.vector_load %arg11[%get3A_163, %get3A_164] {strides = array<i32>} : memref<128x128xf32, #tpu.memory_space<vmem>>, vector<16xf32>,
          %mul3A_166 = vector.broadcast %squeeze3A : f32 to vector<16xf32>
          %mul3A_167 = arith.mulf %get3A_165, %mul3A_166 : vector<16xf32>
          %swap3A_168 = arith.index_cast %add3A_139 : i32 to index
          %swap3A_169 = arith.constant 48 : index
          %swap3A_170 = tpu.vector_load %arg11[%swap3A_168, %swap3A_169] {strides = array<i32>} : memref<128x128xf32, #tpu.memory_space<vmem>>, vector<16xf32>,
          tpu.vector_store %arg11[%swap3A_168, %swap3A_169], %mul3A_167 {strides = array<i32>} : memref<128x128xf32, #tpu.memory_space<vmem>>, vector<16xf32>,
          %get3A_171 = arith.index_cast %add3A_139 : i32 to index
          %get3A_172 = arith.constant 64 : index
          %get3A_173 = tpu.vector_load %arg11[%get3A_171, %get3A_172] {strides = array<i32>} : memref<128x128xf32, #tpu.memory_space<vmem>>, vector<16xf32>,
          %mul3A_174 = vector.broadcast %squeeze3A : f32 to vector<16xf32>
          %mul3A_175 = arith.mulf %get3A_173, %mul3A_174 : vector<16xf32>
          %swap3A_176 = arith.index_cast %add3A_139 : i32 to index
          %swap3A_177 = arith.constant 64 : index
          %swap3A_178 = tpu.vector_load %arg11[%swap3A_176, %swap3A_177] {strides = array<i32>} : memref<128x128xf32, #tpu.memory_space<vmem>>, vector<16xf32>,
          tpu.vector_store %arg11[%swap3A_176, %swap3A_177], %mul3A_175 {strides = array<i32>} : memref<128x128xf32, #tpu.memory_space<vmem>>, vector<16xf32>,
          %get3A_179 = arith.index_cast %add3A_139 : i32 to index
          %get3A_180 = arith.constant 80 : index
          %get3A_181 = tpu.vector_load %arg11[%get3A_179, %get3A_180] {strides = array<i32>} : memref<128x128xf32, #tpu.memory_space<vmem>>, vector<16xf32>,
          %mul3A_182 = vector.broadcast %squeeze3A : f32 to vector<16xf32>
          %mul3A_183 = arith.mulf %get3A_181, %mul3A_182 : vector<16xf32>
          %swap3A_184 = arith.index_cast %add3A_139 : i32 to index
          %swap3A_185 = arith.constant 80 : index
          %swap3A_186 = tpu.vector_load %arg11[%swap3A_184, %swap3A_185] {strides = array<i32>} : memref<128x128xf32, #tpu.memory_space<vmem>>, vector<16xf32>,
          tpu.vector_store %arg11[%swap3A_184, %swap3A_185], %mul3A_183 {strides = array<i32>} : memref<128x128xf32, #tpu.memory_space<vmem>>, vector<16xf32>,
          %get3A_187 = arith.index_cast %add3A_139 : i32 to index
          %get3A_188 = arith.constant 96 : index
          %get3A_189 = tpu.vector_load %arg11[%get3A_187, %get3A_188] {strides = array<i32>} : memref<128x128xf32, #tpu.memory_space<vmem>>, vector<16xf32>,
          %mul3A_190 = vector.broadcast %squeeze3A : f32 to vector<16xf32>
          %mul3A_191 = arith.mulf %get3A_189, %mul3A_190 : vector<16xf32>
          %swap3A_192 = arith.index_cast %add3A_139 : i32 to index
          %swap3A_193 = arith.constant 96 : index
          %swap3A_194 = tpu.vector_load %arg11[%swap3A_192, %swap3A_193] {strides = array<i32>} : memref<128x128xf32, #tpu.memory_space<vmem>>, vector<16xf32>,
          tpu.vector_store %arg11[%swap3A_192, %swap3A_193], %mul3A_191 {strides = array<i32>} : memref<128x128xf32, #tpu.memory_space<vmem>>, vector<16xf32>,
          %get3A_195 = arith.index_cast %add3A_139 : i32 to index
          %get3A_196 = arith.constant 112 : index
          %get3A_197 = tpu.vector_load %arg11[%get3A_195, %get3A_196] {strides = array<i32>} : memref<128x128xf32, #tpu.memory_space<vmem>>, vector<16xf32>,
          %mul3A_198 = vector.broadcast %squeeze3A : f32 to vector<16xf32>
          %mul3A_199 = arith.mulf %get3A_197, %mul3A_198 : vector<16xf32>
          %swap3A_200 = arith.index_cast %add3A_139 : i32 to index
          %swap3A_201 = arith.constant 112 : index
          %swap3A_202 = tpu.vector_load %arg11[%swap3A_200, %swap3A_201] {strides = array<i32>} : memref<128x128xf32, #tpu.memory_space<vmem>>, vector<16xf32>,
          tpu.vector_store %arg11[%swap3A_200, %swap3A_201], %mul3A_199 {strides = array<i32>} : memref<128x128xf32, #tpu.memory_space<vmem>>, vector<16xf32>,
          %slice3A_203 = vector.extract_strided_slice %gather3A {offsets = [1], sizes = [1], strides = [1]} : vector<16xf32> to vector<1xf32>
          %squeeze3A_204 = vector.extract %slice3A_203[0] : f32 from vector<1xf32>
          %mul3A_205 = arith.constant 16 : i32
          %mul3A_206 = arith.muli %scan3A_130, %mul3A_205 : i32
          %add3A_207 = arith.constant 1 : i32
          %add3A_208 = arith.addi %mul3A_206, %add3A_207 : i32
          %get3A_209 = arith.index_cast %add3A_208 : i32 to index
          %get3A_210 = arith.constant 0 : index
          %get3A_211 = tpu.vector_load %arg11[%get3A_209, %get3A_210] {strides = array<i32>} : memref<128x128xf32, #tpu.memory_space<vmem>>, vector<16xf32>,
          %mul3A_212 = vector.broadcast %squeeze3A_204 : f32 to vector<16xf32>
          %mul3A_213 = arith.mulf %get3A_211, %mul3A_212 : vector<16xf32>
          %swap3A_214 = arith.index_cast %add3A_208 : i32 to index
          %swap3A_215 = arith.constant 0 : index
          %swap3A_216 = tpu.vector_load %arg11[%swap3A_214, %swap3A_215] {strides = array<i32>} : memref<128x128xf32, #tpu.memory_space<vmem>>, vector<16xf32>,
          tpu.vector_store %arg11[%swap3A_214, %swap3A_215], %mul3A_213 {strides = array<i32>} : memref<128x128xf32, #tpu.memory_space<vmem>>, vector<16xf32>,
          %get3A_217 = arith.index_cast %add3A_208 : i32 to index
          %get3A_218 = arith.constant 16 : index
          %get3A_219 = tpu.vector_load %arg11[%get3A_217, %get3A_218] {strides = array<i32>} : memref<128x128xf32, #tpu.memory_space<vmem>>, vector<16xf32>,
          %mul3A_220 = vector.broadcast %squeeze3A_204 : f32 to vector<16xf32>
          %mul3A_221 = arith.mulf %get3A_219, %mul3A_220 : vector<16xf32>
          %swap3A_222 = arith.index_cast %add3A_208 : i32 to index
          %swap3A_223 = arith.constant 16 : index
          %swap3A_224 = tpu.vector_load %arg11[%swap3A_222, %swap3A_223] {strides = array<i32>} : memref<128x128xf32, #tpu.memory_space<vmem>>, vector<16xf32>,
          tpu.vector_store %arg11[%swap3A_222, %swap3A_223], %mul3A_221 {strides = array<i32>} : memref<128x128xf32, #tpu.memory_space<vmem>>, vector<16xf32>,
          %get3A_225 = arith.index_cast %add3A_208 : i32 to index
          %get3A_226 = arith.constant 32 : index
          %get3A_227 = tpu.vector_load %arg11[%get3A_225, %get3A_226] {strides = array<i32>} : memref<128x128xf32, #tpu.memory_space<vmem>>, vector<16xf32>,
          %mul3A_228 = vector.broadcast %squeeze3A_204 : f32 to vector<16xf32>
          %mul3A_229 = arith.mulf %get3A_227, %mul3A_228 : vector<16xf32>
          %swap3A_230 = arith.index_cast %add3A_208 : i32 to index
          %swap3A_231 = arith.constant 32 : index
          %swap3A_232 = tpu.vector_load %arg11[%swap3A_230, %swap3A_231] {strides = array<i32>} : memref<128x128xf32, #tpu.memory_space<vmem>>, vector<16xf32>,
          tpu.vector_store %arg11[%swap3A_230, %swap3A_231], %mul3A_229 {strides = array<i32>} : memref<128x128xf32, #tpu.memory_space<vmem>>, vector<16xf32>,
          %get3A_233 = arith.index_cast %add3A_208 : i32 to index
          %get3A_234 = arith.constant 48 : index
          %get3A_235 = tpu.vector_load %arg11[%get3A_233, %get3A_234] {strides = array<i32>} : memref<128x128xf32, #tpu.memory_space<vmem>>, vector<16xf32>,
          %mul3A_236 = vector.broadcast %squeeze3A_204 : f32 to vector<16xf32>
          %mul3A_237 = arith.mulf %get3A_235, %mul3A_236 : vector<16xf32>
          %swap3A_238 = arith.index_cast %add3A_208 : i32 to index
          %swap3A_239 = arith.constant 48 : index
          %swap3A_240 = tpu.vector_load %arg11[%swap3A_238, %swap3A_239] {strides = array<i32>} : memref<128x128xf32, #tpu.memory_space<vmem>>, vector<16xf32>,
          tpu.vector_store %arg11[%swap3A_238, %swap3A_239], %mul3A_237 {strides = array<i32>} : memref<128x128xf32, #tpu.memory_space<vmem>>, vector<16xf32>,
          %get3A_241 = arith.index_cast %add3A_208 : i32 to index
          %get3A_242 = arith.constant 64 : index
          %get3A_243 = tpu.vector_load %arg11[%get3A_241, %get3A_242] {strides = array<i32>} : memref<128x128xf32, #tpu.memory_space<vmem>>, vector<16xf32>,
          %mul3A_244 = vector.broadcast %squeeze3A_204 : f32 to vector<16xf32>
          %mul3A_245 = arith.mulf %get3A_243, %mul3A_244 : vector<16xf32>
          %swap3A_246 = arith.index_cast %add3A_208 : i32 to index
          %swap3A_247 = arith.constant 64 : index
          %swap3A_248 = tpu.vector_load %arg11[%swap3A_246, %swap3A_247] {strides = array<i32>} : memref<128x128xf32, #tpu.memory_space<vmem>>, vector<16xf32>,
          tpu.vector_store %arg11[%swap3A_246, %swap3A_247], %mul3A_245 {strides = array<i32>} : memref<128x128xf32, #tpu.memory_space<vmem>>, vector<16xf32>,
          %get3A_249 = arith.index_cast %add3A_208 : i32 to index
          %get3A_250 = arith.constant 80 : index
          %get3A_251 = tpu.vector_load %arg11[%get3A_249, %get3A_250] {strides = array<i32>} : memref<128x128xf32, #tpu.memory_space<vmem>>, vector<16xf32>,
          %mul3A_252 = vector.broadcast %squeeze3A_204 : f32 to vector<16xf32>
          %mul3A_253 = arith.mulf %get3A_251, %mul3A_252 : vector<16xf32>
          %swap3A_254 = arith.index_cast %add3A_208 : i32 to index
          %swap3A_255 = arith.constant 80 : index
          %swap3A_256 = tpu.vector_load %arg11[%swap3A_254, %swap3A_255] {strides = array<i32>} : memref<128x128xf32, #tpu.memory_space<vmem>>, vector<16xf32>,
          tpu.vector_store %arg11[%swap3A_254, %swap3A_255], %mul3A_253 {strides = array<i32>} : memref<128x128xf32, #tpu.memory_space<vmem>>, vector<16xf32>,
          %get3A_257 = arith.index_cast %add3A_208 : i32 to index
          %get3A_258 = arith.constant 96 : index
          %get3A_259 = tpu.vector_load %arg11[%get3A_257, %get3A_258] {strides = array<i32>} : memref<128x128xf32, #tpu.memory_space<vmem>>, vector<16xf32>,
          %mul3A_260 = vector.broadcast %squeeze3A_204 : f32 to vector<16xf32>
          %mul3A_261 = arith.mulf %get3A_259, %mul3A_260 : vector<16xf32>
          %swap3A_262 = arith.index_cast %add3A_208 : i32 to index
          %swap3A_263 = arith.constant 96 : index
          %swap3A_264 = tpu.vector_load %arg11[%swap3A_262, %swap3A_263] {strides = array<i32>} : memref<128x128xf32, #tpu.memory_space<vmem>>, vector<16xf32>,
          tpu.vector_store %arg11[%swap3A_262, %swap3A_263], %mul3A_261 {strides = array<i32>} : memref<128x128xf32, #tpu.memory_space<vmem>>, vector<16xf32>,
          %get3A_265 = arith.index_cast %add3A_208 : i32 to index
          %get3A_266 = arith.constant 112 : index
          %get3A_267 = tpu.vector_load %arg11[%get3A_265, %get3A_266] {strides = array<i32>} : memref<128x128xf32, #tpu.memory_space<vmem>>, vector<16xf32>,
          %mul3A_268 = vector.broadcast %squeeze3A_204 : f32 to vector<16xf32>
          %mul3A_269 = arith.mulf %get3A_267, %mul3A_268 : vector<16xf32>
          %swap3A_270 = arith.index_cast %add3A_208 : i32 to index
          %swap3A_271 = arith.constant 112 : index
          %swap3A_272 = tpu.vector_load %arg11[%swap3A_270, %swap3A_271] {strides = array<i32>} : memref<128x128xf32, #tpu.memory_space<vmem>>, vector<16xf32>,
          tpu.vector_store %arg11[%swap3A_270, %swap3A_271], %mul3A_269 {strides = array<i32>} : memref<128x128xf32, #tpu.memory_space<vmem>>, vector<16xf32>,
          %slice3A_273 = vector.extract_strided_slice %gather3A {offsets = [2], sizes = [1], strides = [1]} : vector<16xf32> to vector<1xf32>
          %squeeze3A_274 = vector.extract %slice3A_273[0] : f32 from vector<1xf32>
          %mul3A_275 = arith.constant 16 : i32
          %mul3A_276 = arith.muli %scan3A_130, %mul3A_275 : i32
          %add3A_277 = arith.constant 2 : i32
          %add3A_278 = arith.addi %mul3A_276, %add3A_277 : i32
          %get3A_279 = arith.index_cast %add3A_278 : i32 to index
          %get3A_280 = arith.constant 0 : index
          %get3A_281 = tpu.vector_load %arg11[%get3A_279, %get3A_280] {strides = array<i32>} : memref<128x128xf32, #tpu.memory_space<vmem>>, vector<16xf32>,
          %mul3A_282 = vector.broadcast %squeeze3A_274 : f32 to vector<16xf32>
          %mul3A_283 = arith.mulf %get3A_281, %mul3A_282 : vector<16xf32>
          %swap3A_284 = arith.index_cast %add3A_278 : i32 to index
          %swap3A_285 = arith.constant 0 : index
          %swap3A_286 = tpu.vector_load %arg11[%swap3A_284, %swap3A_285] {strides = array<i32>} : memref<128x128xf32, #tpu.memory_space<vmem>>, vector<16xf32>,
          tpu.vector_store %arg11[%swap3A_284, %swap3A_285], %mul3A_283 {strides = array<i32>} : memref<128x128xf32, #tpu.memory_space<vmem>>, vector<16xf32>,
          %get3A_287 = arith.index_cast %add3A_278 : i32 to index
          %get3A_288 = arith.constant 16 : index
          %get3A_289 = tpu.vector_load %arg11[%get3A_287, %get3A_288] {strides = array<i32>} : memref<128x128xf32, #tpu.memory_space<vmem>>, vector<16xf32>,
          %mul3A_290 = vector.broadcast %squeeze3A_274 : f32 to vector<16xf32>
          %mul3A_291 = arith.mulf %get3A_289, %mul3A_290 : vector<16xf32>
          %swap3A_292 = arith.index_cast %add3A_278 : i32 to index
          %swap3A_293 = arith.constant 16 : index
          %swap3A_294 = tpu.vector_load %arg11[%swap3A_292, %swap3A_293] {strides = array<i32>} : memref<128x128xf32, #tpu.memory_space<vmem>>, vector<16xf32>,
          tpu.vector_store %arg11[%swap3A_292, %swap3A_293], %mul3A_291 {strides = array<i32>} : memref<128x128xf32, #tpu.memory_space<vmem>>, vector<16xf32>,
          %get3A_295 = arith.index_cast %add3A_278 : i32 to index
          %get3A_296 = arith.constant 32 : index
          %get3A_297 = tpu.vector_load %arg11[%get3A_295, %get3A_296] {strides = array<i32>} : memref<128x128xf32, #tpu.memory_space<vmem>>, vector<16xf32>,
          %mul3A_298 = vector.broadcast %squeeze3A_274 : f32 to vector<16xf32>
          %mul3A_299 = arith.mulf %get3A_297, %mul3A_298 : vector<16xf32>
          %swap3A_300 = arith.index_cast %add3A_278 : i32 to index
          %swap3A_301 = arith.constant 32 : index
          %swap3A_302 = tpu.vector_load %arg11[%swap3A_300, %swap3A_301] {strides = array<i32>} : memref<128x128xf32, #tpu.memory_space<vmem>>, vector<16xf32>,
          tpu.vector_store %arg11[%swap3A_300, %swap3A_301], %mul3A_299 {strides = array<i32>} : memref<128x128xf32, #tpu.memory_space<vmem>>, vector<16xf32>,
          %get3A_303 = arith.index_cast %add3A_278 : i32 to index
          %get3A_304 = arith.constant 48 : index
          %get3A_305 = tpu.vector_load %arg11[%get3A_303, %get3A_304] {strides = array<i32>} : memref<128x128xf32, #tpu.memory_space<vmem>>, vector<16xf32>,
          %mul3A_306 = vector.broadcast %squeeze3A_274 : f32 to vector<16xf32>
          %mul3A_307 = arith.mulf %get3A_305, %mul3A_306 : vector<16xf32>
          %swap3A_308 = arith.index_cast %add3A_278 : i32 to index
          %swap3A_309 = arith.constant 48 : index
          %swap3A_310 = tpu.vector_load %arg11[%swap3A_308, %swap3A_309] {strides = array<i32>} : memref<128x128xf32, #tpu.memory_space<vmem>>, vector<16xf32>,
          tpu.vector_store %arg11[%swap3A_308, %swap3A_309], %mul3A_307 {strides = array<i32>} : memref<128x128xf32, #tpu.memory_space<vmem>>, vector<16xf32>,
          %get3A_311 = arith.index_cast %add3A_278 : i32 to index
          %get3A_312 = arith.constant 64 : index
          %get3A_313 = tpu.vector_load %arg11[%get3A_311, %get3A_312] {strides = array<i32>} : memref<128x128xf32, #tpu.memory_space<vmem>>, vector<16xf32>,
          %mul3A_314 = vector.broadcast %squeeze3A_274 : f32 to vector<16xf32>
          %mul3A_315 = arith.mulf %get3A_313, %mul3A_314 : vector<16xf32>
          %swap3A_316 = arith.index_cast %add3A_278 : i32 to index
          %swap3A_317 = arith.constant 64 : index
          %swap3A_318 = tpu.vector_load %arg11[%swap3A_316, %swap3A_317] {strides = array<i32>} : memref<128x128xf32, #tpu.memory_space<vmem>>, vector<16xf32>,
          tpu.vector_store %arg11[%swap3A_316, %swap3A_317], %mul3A_315 {strides = array<i32>} : memref<128x128xf32, #tpu.memory_space<vmem>>, vector<16xf32>,
          %get3A_319 = arith.index_cast %add3A_278 : i32 to index
          %get3A_320 = arith.constant 80 : index
          %get3A_321 = tpu.vector_load %arg11[%get3A_319, %get3A_320] {strides = array<i32>} : memref<128x128xf32, #tpu.memory_space<vmem>>, vector<16xf32>,
          %mul3A_322 = vector.broadcast %squeeze3A_274 : f32 to vector<16xf32>
          %mul3A_323 = arith.mulf %get3A_321, %mul3A_322 : vector<16xf32>
          %swap3A_324 = arith.index_cast %add3A_278 : i32 to index
          %swap3A_325 = arith.constant 80 : index
          %swap3A_326 = tpu.vector_load %arg11[%swap3A_324, %swap3A_325] {strides = array<i32>} : memref<128x128xf32, #tpu.memory_space<vmem>>, vector<16xf32>,
          tpu.vector_store %arg11[%swap3A_324, %swap3A_325], %mul3A_323 {strides = array<i32>} : memref<128x128xf32, #tpu.memory_space<vmem>>, vector<16xf32>,
          %get3A_327 = arith.index_cast %add3A_278 : i32 to index
          %get3A_328 = arith.constant 96 : index
          %get3A_329 = tpu.vector_load %arg11[%get3A_327, %get3A_328] {strides = array<i32>} : memref<128x128xf32, #tpu.memory_space<vmem>>, vector<16xf32>,
          %mul3A_330 = vector.broadcast %squeeze3A_274 : f32 to vector<16xf32>
          %mul3A_331 = arith.mulf %get3A_329, %mul3A_330 : vector<16xf32>
          %swap3A_332 = arith.index_cast %add3A_278 : i32 to index
          %swap3A_333 = arith.constant 96 : index
          %swap3A_334 = tpu.vector_load %arg11[%swap3A_332, %swap3A_333] {strides = array<i32>} : memref<128x128xf32, #tpu.memory_space<vmem>>, vector<16xf32>,
          tpu.vector_store %arg11[%swap3A_332, %swap3A_333], %mul3A_331 {strides = array<i32>} : memref<128x128xf32, #tpu.memory_space<vmem>>, vector<16xf32>,
          %get3A_335 = arith.index_cast %add3A_278 : i32 to index
          %get3A_336 = arith.constant 112 : index
          %get3A_337 = tpu.vector_load %arg11[%get3A_335, %get3A_336] {strides = array<i32>} : memref<128x128xf32, #tpu.memory_space<vmem>>, vector<16xf32>,
          %mul3A_338 = vector.broadcast %squeeze3A_274 : f32 to vector<16xf32>
          %mul3A_339 = arith.mulf %get3A_337, %mul3A_338 : vector<16xf32>
          %swap3A_340 = arith.index_cast %add3A_278 : i32 to index
          %swap3A_341 = arith.constant 112 : index
          %swap3A_342 = tpu.vector_load %arg11[%swap3A_340, %swap3A_341] {strides = array<i32>} : memref<128x128xf32, #tpu.memory_space<vmem>>, vector<16xf32>,
          tpu.vector_store %arg11[%swap3A_340, %swap3A_341], %mul3A_339 {strides = array<i32>} : memref<128x128xf32, #tpu.memory_space<vmem>>, vector<16xf32>,
          %slice3A_343 = vector.extract_strided_slice %gather3A {offsets = [3], sizes = [1], strides = [1]} : vector<16xf32> to vector<1xf32>
          %squeeze3A_344 = vector.extract %slice3A_343[0] : f32 from vector<1xf32>
          %mul3A_345 = arith.constant 16 : i32
          %mul3A_346 = arith.muli %scan3A_130, %mul3A_345 : i32
          %add3A_347 = arith.constant 3 : i32
          %add3A_348 = arith.addi %mul3A_346, %add3A_347 : i32
          %get3A_349 = arith.index_cast %add3A_348 : i32 to index
          %get3A_350 = arith.constant 0 : index
          %get3A_351 = tpu.vector_load %arg11[%get3A_349, %get3A_350] {strides = array<i32>} : memref<128x128xf32, #tpu.memory_space<vmem>>, vector<16xf32>,
          %mul3A_352 = vector.broadcast %squeeze3A_344 : f32 to vector<16xf32>
          %mul3A_353 = arith.mulf %get3A_351, %mul3A_352 : vector<16xf32>
          %swap3A_354 = arith.index_cast %add3A_348 : i32 to index
          %swap3A_355 = arith.constant 0 : index
          %swap3A_356 = tpu.vector_load %arg11[%swap3A_354, %swap3A_355] {strides = array<i32>} : memref<128x128xf32, #tpu.memory_space<vmem>>, vector<16xf32>,
          tpu.vector_store %arg11[%swap3A_354, %swap3A_355], %mul3A_353 {strides = array<i32>} : memref<128x128xf32, #tpu.memory_space<vmem>>, vector<16xf32>,
          %get3A_357 = arith.index_cast %add3A_348 : i32 to index
          %get3A_358 = arith.constant 16 : index
          %get3A_359 = tpu.vector_load %arg11[%get3A_357, %get3A_358] {strides = array<i32>} : memref<128x128xf32, #tpu.memory_space<vmem>>, vector<16xf32>,
          %mul3A_360 = vector.broadcast %squeeze3A_344 : f32 to vector<16xf32>
          %mul3A_361 = arith.mulf %get3A_359, %mul3A_360 : vector<16xf32>
          %swap3A_362 = arith.index_cast %add3A_348 : i32 to index
          %swap3A_363 = arith.constant 16 : index
          %swap3A_364 = tpu.vector_load %arg11[%swap3A_362, %swap3A_363] {strides = array<i32>} : memref<128x128xf32, #tpu.memory_space<vmem>>, vector<16xf32>,
          tpu.vector_store %arg11[%swap3A_362, %swap3A_363], %mul3A_361 {strides = array<i32>} : memref<128x128xf32, #tpu.memory_space<vmem>>, vector<16xf32>,
          %get3A_365 = arith.index_cast %add3A_348 : i32 to index
          %get3A_366 = arith.constant 32 : index
          %get3A_367 = tpu.vector_load %arg11[%get3A_365, %get3A_366] {strides = array<i32>} : memref<128x128xf32, #tpu.memory_space<vmem>>, vector<16xf32>,
          %mul3A_368 = vector.broadcast %squeeze3A_344 : f32 to vector<16xf32>
          %mul3A_369 = arith.mulf %get3A_367, %mul3A_368 : vector<16xf32>
          %swap3A_370 = arith.index_cast %add3A_348 : i32 to index
          %swap3A_371 = arith.constant 32 : index
          %swap3A_372 = tpu.vector_load %arg11[%swap3A_370, %swap3A_371] {strides = array<i32>} : memref<128x128xf32, #tpu.memory_space<vmem>>, vector<16xf32>,
          tpu.vector_store %arg11[%swap3A_370, %swap3A_371], %mul3A_369 {strides = array<i32>} : memref<128x128xf32, #tpu.memory_space<vmem>>, vector<16xf32>,
          %get3A_373 = arith.index_cast %add3A_348 : i32 to index
          %get3A_374 = arith.constant 48 : index
          %get3A_375 = tpu.vector_load %arg11[%get3A_373, %get3A_374] {strides = array<i32>} : memref<128x128xf32, #tpu.memory_space<vmem>>, vector<16xf32>,
          %mul3A_376 = vector.broadcast %squeeze3A_344 : f32 to vector<16xf32>
          %mul3A_377 = arith.mulf %get3A_375, %mul3A_376 : vector<16xf32>
          %swap3A_378 = arith.index_cast %add3A_348 : i32 to index
          %swap3A_379 = arith.constant 48 : index
          %swap3A_380 = tpu.vector_load %arg11[%swap3A_378, %swap3A_379] {strides = array<i32>} : memref<128x128xf32, #tpu.memory_space<vmem>>, vector<16xf32>,
          tpu.vector_store %arg11[%swap3A_378, %swap3A_379], %mul3A_377 {strides = array<i32>} : memref<128x128xf32, #tpu.memory_space<vmem>>, vector<16xf32>,
          %get3A_381 = arith.index_cast %add3A_348 : i32 to index
          %get3A_382 = arith.constant 64 : index
          %get3A_383 = tpu.vector_load %arg11[%get3A_381, %get3A_382] {strides = array<i32>} : memref<128x128xf32, #tpu.memory_space<vmem>>, vector<16xf32>,
          %mul3A_384 = vector.broadcast %squeeze3A_344 : f32 to vector<16xf32>
          %mul3A_385 = arith.mulf %get3A_383, %mul3A_384 : vector<16xf32>
          %swap3A_386 = arith.index_cast %add3A_348 : i32 to index
          %swap3A_387 = arith.constant 64 : index
          %swap3A_388 = tpu.vector_load %arg11[%swap3A_386, %swap3A_387] {strides = array<i32>} : memref<128x128xf32, #tpu.memory_space<vmem>>, vector<16xf32>,
          tpu.vector_store %arg11[%swap3A_386, %swap3A_387], %mul3A_385 {strides = array<i32>} : memref<128x128xf32, #tpu.memory_space<vmem>>, vector<16xf32>,
          %get3A_389 = arith.index_cast %add3A_348 : i32 to index
          %get3A_390 = arith.constant 80 : index
          %get3A_391 = tpu.vector_load %arg11[%get3A_389, %get3A_390] {strides = array<i32>} : memref<128x128xf32, #tpu.memory_space<vmem>>, vector<16xf32>,
          %mul3A_392 = vector.broadcast %squeeze3A_344 : f32 to vector<16xf32>
          %mul3A_393 = arith.mulf %get3A_391, %mul3A_392 : vector<16xf32>
          %swap3A_394 = arith.index_cast %add3A_348 : i32 to index
          %swap3A_395 = arith.constant 80 : index
          %swap3A_396 = tpu.vector_load %arg11[%swap3A_394, %swap3A_395] {strides = array<i32>} : memref<128x128xf32, #tpu.memory_space<vmem>>, vector<16xf32>,
          tpu.vector_store %arg11[%swap3A_394, %swap3A_395], %mul3A_393 {strides = array<i32>} : memref<128x128xf32, #tpu.memory_space<vmem>>, vector<16xf32>,
          %get3A_397 = arith.index_cast %add3A_348 : i32 to index
          %get3A_398 = arith.constant 96 : index
          %get3A_399 = tpu.vector_load %arg11[%get3A_397, %get3A_398] {strides = array<i32>} : memref<128x128xf32, #tpu.memory_space<vmem>>, vector<16xf32>,
          %mul3A_400 = vector.broadcast %squeeze3A_344 : f32 to vector<16xf32>
          %mul3A_401 = arith.mulf %get3A_399, %mul3A_400 : vector<16xf32>
          %swap3A_402 = arith.index_cast %add3A_348 : i32 to index
          %swap3A_403 = arith.constant 96 : index
          %swap3A_404 = tpu.vector_load %arg11[%swap3A_402, %swap3A_403] {strides = array<i32>} : memref<128x128xf32, #tpu.memory_space<vmem>>, vector<16xf32>,
          tpu.vector_store %arg11[%swap3A_402, %swap3A_403], %mul3A_401 {strides = array<i32>} : memref<128x128xf32, #tpu.memory_space<vmem>>, vector<16xf32>,
          %get3A_405 = arith.index_cast %add3A_348 : i32 to index
          %get3A_406 = arith.constant 112 : index
          %get3A_407 = tpu.vector_load %arg11[%get3A_405, %get3A_406] {strides = array<i32>} : memref<128x128xf32, #tpu.memory_space<vmem>>, vector<16xf32>,
          %mul3A_408 = vector.broadcast %squeeze3A_344 : f32 to vector<16xf32>
          %mul3A_409 = arith.mulf %get3A_407, %mul3A_408 : vector<16xf32>
          %swap3A_410 = arith.index_cast %add3A_348 : i32 to index
          %swap3A_411 = arith.constant 112 : index
          %swap3A_412 = tpu.vector_load %arg11[%swap3A_410, %swap3A_411] {strides = array<i32>} : memref<128x128xf32, #tpu.memory_space<vmem>>, vector<16xf32>,
          tpu.vector_store %arg11[%swap3A_410, %swap3A_411], %mul3A_409 {strides = array<i32>} : memref<128x128xf32, #tpu.memory_space<vmem>>, vector<16xf32>,
          %slice3A_413 = vector.extract_strided_slice %gather3A {offsets = [4], sizes = [1], strides = [1]} : vector<16xf32> to vector<1xf32>
          %squeeze3A_414 = vector.extract %slice3A_413[0] : f32 from vector<1xf32>
          %mul3A_415 = arith.constant 16 : i32
          %mul3A_416 = arith.muli %scan3A_130, %mul3A_415 : i32
          %add3A_417 = arith.constant 4 : i32
          %add3A_418 = arith.addi %mul3A_416, %add3A_417 : i32
          %get3A_419 = arith.index_cast %add3A_418 : i32 to index
          %get3A_420 = arith.constant 0 : index
          %get3A_421 = tpu.vector_load %arg11[%get3A_419, %get3A_420] {strides = array<i32>} : memref<128x128xf32, #tpu.memory_space<vmem>>, vector<16xf32>,
          %mul3A_422 = vector.broadcast %squeeze3A_414 : f32 to vector<16xf32>
          %mul3A_423 = arith.mulf %get3A_421, %mul3A_422 : vector<16xf32>
          %swap3A_424 = arith.index_cast %add3A_418 : i32 to index
          %swap3A_425 = arith.constant 0 : index
          %swap3A_426 = tpu.vector_load %arg11[%swap3A_424, %swap3A_425] {strides = array<i32>} : memref<128x128xf32, #tpu.memory_space<vmem>>, vector<16xf32>,
          tpu.vector_store %arg11[%swap3A_424, %swap3A_425], %mul3A_423 {strides = array<i32>} : memref<128x128xf32, #tpu.memory_space<vmem>>, vector<16xf32>,
          %get3A_427 = arith.index_cast %add3A_418 : i32 to index
          %get3A_428 = arith.constant 16 : index
          %get3A_429 = tpu.vector_load %arg11[%get3A_427, %get3A_428] {strides = array<i32>} : memref<128x128xf32, #tpu.memory_space<vmem>>, vector<16xf32>,
          %mul3A_430 = vector.broadcast %squeeze3A_414 : f32 to vector<16xf32>
          %mul3A_431 = arith.mulf %get3A_429, %mul3A_430 : vector<16xf32>
          %swap3A_432 = arith.index_cast %add3A_418 : i32 to index
          %swap3A_433 = arith.constant 16 : index
          %swap3A_434 = tpu.vector_load %arg11[%swap3A_432, %swap3A_433] {strides = array<i32>} : memref<128x128xf32, #tpu.memory_space<vmem>>, vector<16xf32>,
          tpu.vector_store %arg11[%swap3A_432, %swap3A_433], %mul3A_431 {strides = array<i32>} : memref<128x128xf32, #tpu.memory_space<vmem>>, vector<16xf32>,
          %get3A_435 = arith.index_cast %add3A_418 : i32 to index
          %get3A_436 = arith.constant 32 : index
          %get3A_437 = tpu.vector_load %arg11[%get3A_435, %get3A_436] {strides = array<i32>} : memref<128x128xf32, #tpu.memory_space<vmem>>, vector<16xf32>,
          %mul3A_438 = vector.broadcast %squeeze3A_414 : f32 to vector<16xf32>
          %mul3A_439 = arith.mulf %get3A_437, %mul3A_438 : vector<16xf32>
          %swap3A_440 = arith.index_cast %add3A_418 : i32 to index
          %swap3A_441 = arith.constant 32 : index
          %swap3A_442 = tpu.vector_load %arg11[%swap3A_440, %swap3A_441] {strides = array<i32>} : memref<128x128xf32, #tpu.memory_space<vmem>>, vector<16xf32>,
          tpu.vector_store %arg11[%swap3A_440, %swap3A_441], %mul3A_439 {strides = array<i32>} : memref<128x128xf32, #tpu.memory_space<vmem>>, vector<16xf32>,
          %get3A_443 = arith.index_cast %add3A_418 : i32 to index
          %get3A_444 = arith.constant 48 : index
          %get3A_445 = tpu.vector_load %arg11[%get3A_443, %get3A_444] {strides = array<i32>} : memref<128x128xf32, #tpu.memory_space<vmem>>, vector<16xf32>,
          %mul3A_446 = vector.broadcast %squeeze3A_414 : f32 to vector<16xf32>
          %mul3A_447 = arith.mulf %get3A_445, %mul3A_446 : vector<16xf32>
          %swap3A_448 = arith.index_cast %add3A_418 : i32 to index
          %swap3A_449 = arith.constant 48 : index
          %swap3A_450 = tpu.vector_load %arg11[%swap3A_448, %swap3A_449] {strides = array<i32>} : memref<128x128xf32, #tpu.memory_space<vmem>>, vector<16xf32>,
          tpu.vector_store %arg11[%swap3A_448, %swap3A_449], %mul3A_447 {strides = array<i32>} : memref<128x128xf32, #tpu.memory_space<vmem>>, vector<16xf32>,
          %get3A_451 = arith.index_cast %add3A_418 : i32 to index
          %get3A_452 = arith.constant 64 : index
          %get3A_453 = tpu.vector_load %arg11[%get3A_451, %get3A_452] {strides = array<i32>} : memref<128x128xf32, #tpu.memory_space<vmem>>, vector<16xf32>,
          %mul3A_454 = vector.broadcast %squeeze3A_414 : f32 to vector<16xf32>
          %mul3A_455 = arith.mulf %get3A_453, %mul3A_454 : vector<16xf32>
          %swap3A_456 = arith.index_cast %add3A_418 : i32 to index
          %swap3A_457 = arith.constant 64 : index
          %swap3A_458 = tpu.vector_load %arg11[%swap3A_456, %swap3A_457] {strides = array<i32>} : memref<128x128xf32, #tpu.memory_space<vmem>>, vector<16xf32>,
          tpu.vector_store %arg11[%swap3A_456, %swap3A_457], %mul3A_455 {strides = array<i32>} : memref<128x128xf32, #tpu.memory_space<vmem>>, vector<16xf32>,
          %get3A_459 = arith.index_cast %add3A_418 : i32 to index
          %get3A_460 = arith.constant 80 : index
          %get3A_461 = tpu.vector_load %arg11[%get3A_459, %get3A_460] {strides = array<i32>} : memref<128x128xf32, #tpu.memory_space<vmem>>, vector<16xf32>,
          %mul3A_462 = vector.broadcast %squeeze3A_414 : f32 to vector<16xf32>
          %mul3A_463 = arith.mulf %get3A_461, %mul3A_462 : vector<16xf32>
          %swap3A_464 = arith.index_cast %add3A_418 : i32 to index
          %swap3A_465 = arith.constant 80 : index
          %swap3A_466 = tpu.vector_load %arg11[%swap3A_464, %swap3A_465] {strides = array<i32>} : memref<128x128xf32, #tpu.memory_space<vmem>>, vector<16xf32>,
          tpu.vector_store %arg11[%swap3A_464, %swap3A_465], %mul3A_463 {strides = array<i32>} : memref<128x128xf32, #tpu.memory_space<vmem>>, vector<16xf32>,
          %get3A_467 = arith.index_cast %add3A_418 : i32 to index
          %get3A_468 = arith.constant 96 : index
          %get3A_469 = tpu.vector_load %arg11[%get3A_467, %get3A_468] {strides = array<i32>} : memref<128x128xf32, #tpu.memory_space<vmem>>, vector<16xf32>,
          %mul3A_470 = vector.broadcast %squeeze3A_414 : f32 to vector<16xf32>
          %mul3A_471 = arith.mulf %get3A_469, %mul3A_470 : vector<16xf32>
          %swap3A_472 = arith.index_cast %add3A_418 : i32 to index
          %swap3A_473 = arith.constant 96 : index
          %swap3A_474 = tpu.vector_load %arg11[%swap3A_472, %swap3A_473] {strides = array<i32>} : memref<128x128xf32, #tpu.memory_space<vmem>>, vector<16xf32>,
          tpu.vector_store %arg11[%swap3A_472, %swap3A_473], %mul3A_471 {strides = array<i32>} : memref<128x128xf32, #tpu.memory_space<vmem>>, vector<16xf32>,
          %get3A_475 = arith.index_cast %add3A_418 : i32 to index
          %get3A_476 = arith.constant 112 : index
          %get3A_477 = tpu.vector_load %arg11[%get3A_475, %get3A_476] {strides = array<i32>} : memref<128x128xf32, #tpu.memory_space<vmem>>, vector<16xf32>,
          %mul3A_478 = vector.broadcast %squeeze3A_414 : f32 to vector<16xf32>
          %mul3A_479 = arith.mulf %get3A_477, %mul3A_478 : vector<16xf32>
          %swap3A_480 = arith.index_cast %add3A_418 : i32 to index
          %swap3A_481 = arith.constant 112 : index
          %swap3A_482 = tpu.vector_load %arg11[%swap3A_480, %swap3A_481] {strides = array<i32>} : memref<128x128xf32, #tpu.memory_space<vmem>>, vector<16xf32>,
          tpu.vector_store %arg11[%swap3A_480, %swap3A_481], %mul3A_479 {strides = array<i32>} : memref<128x128xf32, #tpu.memory_space<vmem>>, vector<16xf32>,
          %slice3A_483 = vector.extract_strided_slice %gather3A {offsets = [5], sizes = [1], strides = [1]} : vector<16xf32> to vector<1xf32>
          %squeeze3A_484 = vector.extract %slice3A_483[0] : f32 from vector<1xf32>
          %mul3A_485 = arith.constant 16 : i32
          %mul3A_486 = arith.muli %scan3A_130, %mul3A_485 : i32
          %add3A_487 = arith.constant 5 : i32
          %add3A_488 = arith.addi %mul3A_486, %add3A_487 : i32
          %get3A_489 = arith.index_cast %add3A_488 : i32 to index
          %get3A_490 = arith.constant 0 : index
          %get3A_491 = tpu.vector_load %arg11[%get3A_489, %get3A_490] {strides = array<i32>} : memref<128x128xf32, #tpu.memory_space<vmem>>, vector<16xf32>,
          %mul3A_492 = vector.broadcast %squeeze3A_484 : f32 to vector<16xf32>
          %mul3A_493 = arith.mulf %get3A_491, %mul3A_492 : vector<16xf32>
          %swap3A_494 = arith.index_cast %add3A_488 : i32 to index
          %swap3A_495 = arith.constant 0 : index
          %swap3A_496 = tpu.vector_load %arg11[%swap3A_494, %swap3A_495] {strides = array<i32>} : memref<128x128xf32, #tpu.memory_space<vmem>>, vector<16xf32>,
          tpu.vector_store %arg11[%swap3A_494, %swap3A_495], %mul3A_493 {strides = array<i32>} : memref<128x128xf32, #tpu.memory_space<vmem>>, vector<16xf32>,
          %get3A_497 = arith.index_cast %add3A_488 : i32 to index
          %get3A_498 = arith.constant 16 : index
          %get3A_499 = tpu.vector_load %arg11[%get3A_497, %get3A_498] {strides = array<i32>} : memref<128x128xf32, #tpu.memory_space<vmem>>, vector<16xf32>,
          %mul3A_500 = vector.broadcast %squeeze3A_484 : f32 to vector<16xf32>
          %mul3A_501 = arith.mulf %get3A_499, %mul3A_500 : vector<16xf32>
          %swap3A_502 = arith.index_cast %add3A_488 : i32 to index
          %swap3A_503 = arith.constant 16 : index
          %swap3A_504 = tpu.vector_load %arg11[%swap3A_502, %swap3A_503] {strides = array<i32>} : memref<128x128xf32, #tpu.memory_space<vmem>>, vector<16xf32>,
          tpu.vector_store %arg11[%swap3A_502, %swap3A_503], %mul3A_501 {strides = array<i32>} : memref<128x128xf32, #tpu.memory_space<vmem>>, vector<16xf32>,
          %get3A_505 = arith.index_cast %add3A_488 : i32 to index
          %get3A_506 = arith.constant 32 : index
          %get3A_507 = tpu.vector_load %arg11[%get3A_505, %get3A_506] {strides = array<i32>} : memref<128x128xf32, #tpu.memory_space<vmem>>, vector<16xf32>,
          %mul3A_508 = vector.broadcast %squeeze3A_484 : f32 to vector<16xf32>
          %mul3A_509 = arith.mulf %get3A_507, %mul3A_508 : vector<16xf32>
          %swap3A_510 = arith.index_cast %add3A_488 : i32 to index
          %swap3A_511 = arith.constant 32 : index
          %swap3A_512 = tpu.vector_load %arg11[%swap3A_510, %swap3A_511] {strides = array<i32>} : memref<128x128xf32, #tpu.memory_space<vmem>>, vector<16xf32>,
          tpu.vector_store %arg11[%swap3A_510, %swap3A_511], %mul3A_509 {strides = array<i32>} : memref<128x128xf32, #tpu.memory_space<vmem>>, vector<16xf32>,
          %get3A_513 = arith.index_cast %add3A_488 : i32 to index
          %get3A_514 = arith.constant 48 : index
          %get3A_515 = tpu.vector_load %arg11[%get3A_513, %get3A_514] {strides = array<i32>} : memref<128x128xf32, #tpu.memory_space<vmem>>, vector<16xf32>,
          %mul3A_516 = vector.broadcast %squeeze3A_484 : f32 to vector<16xf32>
          %mul3A_517 = arith.mulf %get3A_515, %mul3A_516 : vector<16xf32>
          %swap3A_518 = arith.index_cast %add3A_488 : i32 to index
          %swap3A_519 = arith.constant 48 : index
          %swap3A_520 = tpu.vector_load %arg11[%swap3A_518, %swap3A_519] {strides = array<i32>} : memref<128x128xf32, #tpu.memory_space<vmem>>, vector<16xf32>,
          tpu.vector_store %arg11[%swap3A_518, %swap3A_519], %mul3A_517 {strides = array<i32>} : memref<128x128xf32, #tpu.memory_space<vmem>>, vector<16xf32>,
          %get3A_521 = arith.index_cast %add3A_488 : i32 to index
          %get3A_522 = arith.constant 64 : index
          %get3A_523 = tpu.vector_load %arg11[%get3A_521, %get3A_522] {strides = array<i32>} : memref<128x128xf32, #tpu.memory_space<vmem>>, vector<16xf32>,
          %mul3A_524 = vector.broadcast %squeeze3A_484 : f32 to vector<16xf32>
          %mul3A_525 = arith.mulf %get3A_523, %mul3A_524 : vector<16xf32>
          %swap3A_526 = arith.index_cast %add3A_488 : i32 to index
          %swap3A_527 = arith.constant 64 : index
          %swap3A_528 = tpu.vector_load %arg11[%swap3A_526, %swap3A_527] {strides = array<i32>} : memref<128x128xf32, #tpu.memory_space<vmem>>, vector<16xf32>,
          tpu.vector_store %arg11[%swap3A_526, %swap3A_527], %mul3A_525 {strides = array<i32>} : memref<128x128xf32, #tpu.memory_space<vmem>>, vector<16xf32>,
          %get3A_529 = arith.index_cast %add3A_488 : i32 to index
          %get3A_530 = arith.constant 80 : index
          %get3A_531 = tpu.vector_load %arg11[%get3A_529, %get3A_530] {strides = array<i32>} : memref<128x128xf32, #tpu.memory_space<vmem>>, vector<16xf32>,
          %mul3A_532 = vector.broadcast %squeeze3A_484 : f32 to vector<16xf32>
          %mul3A_533 = arith.mulf %get3A_531, %mul3A_532 : vector<16xf32>
          %swap3A_534 = arith.index_cast %add3A_488 : i32 to index
          %swap3A_535 = arith.constant 80 : index
          %swap3A_536 = tpu.vector_load %arg11[%swap3A_534, %swap3A_535] {strides = array<i32>} : memref<128x128xf32, #tpu.memory_space<vmem>>, vector<16xf32>,
          tpu.vector_store %arg11[%swap3A_534, %swap3A_535], %mul3A_533 {strides = array<i32>} : memref<128x128xf32, #tpu.memory_space<vmem>>, vector<16xf32>,
          %get3A_537 = arith.index_cast %add3A_488 : i32 to index
          %get3A_538 = arith.constant 96 : index
          %get3A_539 = tpu.vector_load %arg11[%get3A_537, %get3A_538] {strides = array<i32>} : memref<128x128xf32, #tpu.memory_space<vmem>>, vector<16xf32>,
          %mul3A_540 = vector.broadcast %squeeze3A_484 : f32 to vector<16xf32>
          %mul3A_541 = arith.mulf %get3A_539, %mul3A_540 : vector<16xf32>
          %swap3A_542 = arith.index_cast %add3A_488 : i32 to index
          %swap3A_543 = arith.constant 96 : index
          %swap3A_544 = tpu.vector_load %arg11[%swap3A_542, %swap3A_543] {strides = array<i32>} : memref<128x128xf32, #tpu.memory_space<vmem>>, vector<16xf32>,
          tpu.vector_store %arg11[%swap3A_542, %swap3A_543], %mul3A_541 {strides = array<i32>} : memref<128x128xf32, #tpu.memory_space<vmem>>, vector<16xf32>,
          %get3A_545 = arith.index_cast %add3A_488 : i32 to index
          %get3A_546 = arith.constant 112 : index
          %get3A_547 = tpu.vector_load %arg11[%get3A_545, %get3A_546] {strides = array<i32>} : memref<128x128xf32, #tpu.memory_space<vmem>>, vector<16xf32>,
          %mul3A_548 = vector.broadcast %squeeze3A_484 : f32 to vector<16xf32>
          %mul3A_549 = arith.mulf %get3A_547, %mul3A_548 : vector<16xf32>
          %swap3A_550 = arith.index_cast %add3A_488 : i32 to index
          %swap3A_551 = arith.constant 112 : index
          %swap3A_552 = tpu.vector_load %arg11[%swap3A_550, %swap3A_551] {strides = array<i32>} : memref<128x128xf32, #tpu.memory_space<vmem>>, vector<16xf32>,
          tpu.vector_store %arg11[%swap3A_550, %swap3A_551], %mul3A_549 {strides = array<i32>} : memref<128x128xf32, #tpu.memory_space<vmem>>, vector<16xf32>,
          %slice3A_553 = vector.extract_strided_slice %gather3A {offsets = [6], sizes = [1], strides = [1]} : vector<16xf32> to vector<1xf32>
          %squeeze3A_554 = vector.extract %slice3A_553[0] : f32 from vector<1xf32>
          %mul3A_555 = arith.constant 16 : i32
          %mul3A_556 = arith.muli %scan3A_130, %mul3A_555 : i32
          %add3A_557 = arith.constant 6 : i32
          %add3A_558 = arith.addi %mul3A_556, %add3A_557 : i32
          %get3A_559 = arith.index_cast %add3A_558 : i32 to index
          %get3A_560 = arith.constant 0 : index
          %get3A_561 = tpu.vector_load %arg11[%get3A_559, %get3A_560] {strides = array<i32>} : memref<128x128xf32, #tpu.memory_space<vmem>>, vector<16xf32>,
          %mul3A_562 = vector.broadcast %squeeze3A_554 : f32 to vector<16xf32>
          %mul3A_563 = arith.mulf %get3A_561, %mul3A_562 : vector<16xf32>
          %swap3A_564 = arith.index_cast %add3A_558 : i32 to index
          %swap3A_565 = arith.constant 0 : index
          %swap3A_566 = tpu.vector_load %arg11[%swap3A_564, %swap3A_565] {strides = array<i32>} : memref<128x128xf32, #tpu.memory_space<vmem>>, vector<16xf32>,
          tpu.vector_store %arg11[%swap3A_564, %swap3A_565], %mul3A_563 {strides = array<i32>} : memref<128x128xf32, #tpu.memory_space<vmem>>, vector<16xf32>,
          %get3A_567 = arith.index_cast %add3A_558 : i32 to index
          %get3A_568 = arith.constant 16 : index
          %get3A_569 = tpu.vector_load %arg11[%get3A_567, %get3A_568] {strides = array<i32>} : memref<128x128xf32, #tpu.memory_space<vmem>>, vector<16xf32>,
          %mul3A_570 = vector.broadcast %squeeze3A_554 : f32 to vector<16xf32>
          %mul3A_571 = arith.mulf %get3A_569, %mul3A_570 : vector<16xf32>
          %swap3A_572 = arith.index_cast %add3A_558 : i32 to index
          %swap3A_573 = arith.constant 16 : index
          %swap3A_574 = tpu.vector_load %arg11[%swap3A_572, %swap3A_573] {strides = array<i32>} : memref<128x128xf32, #tpu.memory_space<vmem>>, vector<16xf32>,
          tpu.vector_store %arg11[%swap3A_572, %swap3A_573], %mul3A_571 {strides = array<i32>} : memref<128x128xf32, #tpu.memory_space<vmem>>, vector<16xf32>,
          %get3A_575 = arith.index_cast %add3A_558 : i32 to index
          %get3A_576 = arith.constant 32 : index
          %get3A_577 = tpu.vector_load %arg11[%get3A_575, %get3A_576] {strides = array<i32>} : memref<128x128xf32, #tpu.memory_space<vmem>>, vector<16xf32>,
          %mul3A_578 = vector.broadcast %squeeze3A_554 : f32 to vector<16xf32>
          %mul3A_579 = arith.mulf %get3A_577, %mul3A_578 : vector<16xf32>
          %swap3A_580 = arith.index_cast %add3A_558 : i32 to index
          %swap3A_581 = arith.constant 32 : index
          %swap3A_582 = tpu.vector_load %arg11[%swap3A_580, %swap3A_581] {strides = array<i32>} : memref<128x128xf32, #tpu.memory_space<vmem>>, vector<16xf32>,
          tpu.vector_store %arg11[%swap3A_580, %swap3A_581], %mul3A_579 {strides = array<i32>} : memref<128x128xf32, #tpu.memory_space<vmem>>, vector<16xf32>,
          %get3A_583 = arith.index_cast %add3A_558 : i32 to index
          %get3A_584 = arith.constant 48 : index
          %get3A_585 = tpu.vector_load %arg11[%get3A_583, %get3A_584] {strides = array<i32>} : memref<128x128xf32, #tpu.memory_space<vmem>>, vector<16xf32>,
          %mul3A_586 = vector.broadcast %squeeze3A_554 : f32 to vector<16xf32>
          %mul3A_587 = arith.mulf %get3A_585, %mul3A_586 : vector<16xf32>
          %swap3A_588 = arith.index_cast %add3A_558 : i32 to index
          %swap3A_589 = arith.constant 48 : index
          %swap3A_590 = tpu.vector_load %arg11[%swap3A_588, %swap3A_589] {strides = array<i32>} : memref<128x128xf32, #tpu.memory_space<vmem>>, vector<16xf32>,
          tpu.vector_store %arg11[%swap3A_588, %swap3A_589], %mul3A_587 {strides = array<i32>} : memref<128x128xf32, #tpu.memory_space<vmem>>, vector<16xf32>,
          %get3A_591 = arith.index_cast %add3A_558 : i32 to index
          %get3A_592 = arith.constant 64 : index
          %get3A_593 = tpu.vector_load %arg11[%get3A_591, %get3A_592] {strides = array<i32>} : memref<128x128xf32, #tpu.memory_space<vmem>>, vector<16xf32>,
          %mul3A_594 = vector.broadcast %squeeze3A_554 : f32 to vector<16xf32>
          %mul3A_595 = arith.mulf %get3A_593, %mul3A_594 : vector<16xf32>
          %swap3A_596 = arith.index_cast %add3A_558 : i32 to index
          %swap3A_597 = arith.constant 64 : index
          %swap3A_598 = tpu.vector_load %arg11[%swap3A_596, %swap3A_597] {strides = array<i32>} : memref<128x128xf32, #tpu.memory_space<vmem>>, vector<16xf32>,
          tpu.vector_store %arg11[%swap3A_596, %swap3A_597], %mul3A_595 {strides = array<i32>} : memref<128x128xf32, #tpu.memory_space<vmem>>, vector<16xf32>,
          %get3A_599 = arith.index_cast %add3A_558 : i32 to index
          %get3A_600 = arith.constant 80 : index
          %get3A_601 = tpu.vector_load %arg11[%get3A_599, %get3A_600] {strides = array<i32>} : memref<128x128xf32, #tpu.memory_space<vmem>>, vector<16xf32>,
          %mul3A_602 = vector.broadcast %squeeze3A_554 : f32 to vector<16xf32>
          %mul3A_603 = arith.mulf %get3A_601, %mul3A_602 : vector<16xf32>
          %swap3A_604 = arith.index_cast %add3A_558 : i32 to index
          %swap3A_605 = arith.constant 80 : index
          %swap3A_606 = tpu.vector_load %arg11[%swap3A_604, %swap3A_605] {strides = array<i32>} : memref<128x128xf32, #tpu.memory_space<vmem>>, vector<16xf32>,
          tpu.vector_store %arg11[%swap3A_604, %swap3A_605], %mul3A_603 {strides = array<i32>} : memref<128x128xf32, #tpu.memory_space<vmem>>, vector<16xf32>,
          %get3A_607 = arith.index_cast %add3A_558 : i32 to index
          %get3A_608 = arith.constant 96 : index
          %get3A_609 = tpu.vector_load %arg11[%get3A_607, %get3A_608] {strides = array<i32>} : memref<128x128xf32, #tpu.memory_space<vmem>>, vector<16xf32>,
          %mul3A_610 = vector.broadcast %squeeze3A_554 : f32 to vector<16xf32>
          %mul3A_611 = arith.mulf %get3A_609, %mul3A_610 : vector<16xf32>
          %swap3A_612 = arith.index_cast %add3A_558 : i32 to index
          %swap3A_613 = arith.constant 96 : index
          %swap3A_614 = tpu.vector_load %arg11[%swap3A_612, %swap3A_613] {strides = array<i32>} : memref<128x128xf32, #tpu.memory_space<vmem>>, vector<16xf32>,
          tpu.vector_store %arg11[%swap3A_612, %swap3A_613], %mul3A_611 {strides = array<i32>} : memref<128x128xf32, #tpu.memory_space<vmem>>, vector<16xf32>,
          %get3A_615 = arith.index_cast %add3A_558 : i32 to index
          %get3A_616 = arith.constant 112 : index
          %get3A_617 = tpu.vector_load %arg11[%get3A_615, %get3A_616] {strides = array<i32>} : memref<128x128xf32, #tpu.memory_space<vmem>>, vector<16xf32>,
          %mul3A_618 = vector.broadcast %squeeze3A_554 : f32 to vector<16xf32>
          %mul3A_619 = arith.mulf %get3A_617, %mul3A_618 : vector<16xf32>
          %swap3A_620 = arith.index_cast %add3A_558 : i32 to index
          %swap3A_621 = arith.constant 112 : index
          %swap3A_622 = tpu.vector_load %arg11[%swap3A_620, %swap3A_621] {strides = array<i32>} : memref<128x128xf32, #tpu.memory_space<vmem>>, vector<16xf32>,
          tpu.vector_store %arg11[%swap3A_620, %swap3A_621], %mul3A_619 {strides = array<i32>} : memref<128x128xf32, #tpu.memory_space<vmem>>, vector<16xf32>,
          %slice3A_623 = vector.extract_strided_slice %gather3A {offsets = [7], sizes = [1], strides = [1]} : vector<16xf32> to vector<1xf32>
          %squeeze3A_624 = vector.extract %slice3A_623[0] : f32 from vector<1xf32>
          %mul3A_625 = arith.constant 16 : i32
          %mul3A_626 = arith.muli %scan3A_130, %mul3A_625 : i32
          %add3A_627 = arith.constant 7 : i32
          %add3A_628 = arith.addi %mul3A_626, %add3A_627 : i32
          %get3A_629 = arith.index_cast %add3A_628 : i32 to index
          %get3A_630 = arith.constant 0 : index
          %get3A_631 = tpu.vector_load %arg11[%get3A_629, %get3A_630] {strides = array<i32>} : memref<128x128xf32, #tpu.memory_space<vmem>>, vector<16xf32>,
          %mul3A_632 = vector.broadcast %squeeze3A_624 : f32 to vector<16xf32>
          %mul3A_633 = arith.mulf %get3A_631, %mul3A_632 : vector<16xf32>
          %swap3A_634 = arith.index_cast %add3A_628 : i32 to index
          %swap3A_635 = arith.constant 0 : index
          %swap3A_636 = tpu.vector_load %arg11[%swap3A_634, %swap3A_635] {strides = array<i32>} : memref<128x128xf32, #tpu.memory_space<vmem>>, vector<16xf32>,
          tpu.vector_store %arg11[%swap3A_634, %swap3A_635], %mul3A_633 {strides = array<i32>} : memref<128x128xf32, #tpu.memory_space<vmem>>, vector<16xf32>,
          %get3A_637 = arith.index_cast %add3A_628 : i32 to index
          %get3A_638 = arith.constant 16 : index
          %get3A_639 = tpu.vector_load %arg11[%get3A_637, %get3A_638] {strides = array<i32>} : memref<128x128xf32, #tpu.memory_space<vmem>>, vector<16xf32>,
          %mul3A_640 = vector.broadcast %squeeze3A_624 : f32 to vector<16xf32>
          %mul3A_641 = arith.mulf %get3A_639, %mul3A_640 : vector<16xf32>
          %swap3A_642 = arith.index_cast %add3A_628 : i32 to index
          %swap3A_643 = arith.constant 16 : index
          %swap3A_644 = tpu.vector_load %arg11[%swap3A_642, %swap3A_643] {strides = array<i32>} : memref<128x128xf32, #tpu.memory_space<vmem>>, vector<16xf32>,
          tpu.vector_store %arg11[%swap3A_642, %swap3A_643], %mul3A_641 {strides = array<i32>} : memref<128x128xf32, #tpu.memory_space<vmem>>, vector<16xf32>,
          %get3A_645 = arith.index_cast %add3A_628 : i32 to index
          %get3A_646 = arith.constant 32 : index
          %get3A_647 = tpu.vector_load %arg11[%get3A_645, %get3A_646] {strides = array<i32>} : memref<128x128xf32, #tpu.memory_space<vmem>>, vector<16xf32>,
          %mul3A_648 = vector.broadcast %squeeze3A_624 : f32 to vector<16xf32>
          %mul3A_649 = arith.mulf %get3A_647, %mul3A_648 : vector<16xf32>
          %swap3A_650 = arith.index_cast %add3A_628 : i32 to index
          %swap3A_651 = arith.constant 32 : index
          %swap3A_652 = tpu.vector_load %arg11[%swap3A_650, %swap3A_651] {strides = array<i32>} : memref<128x128xf32, #tpu.memory_space<vmem>>, vector<16xf32>,
          tpu.vector_store %arg11[%swap3A_650, %swap3A_651], %mul3A_649 {strides = array<i32>} : memref<128x128xf32, #tpu.memory_space<vmem>>, vector<16xf32>,
          %get3A_653 = arith.index_cast %add3A_628 : i32 to index
          %get3A_654 = arith.constant 48 : index
          %get3A_655 = tpu.vector_load %arg11[%get3A_653, %get3A_654] {strides = array<i32>} : memref<128x128xf32, #tpu.memory_space<vmem>>, vector<16xf32>,
          %mul3A_656 = vector.broadcast %squeeze3A_624 : f32 to vector<16xf32>
          %mul3A_657 = arith.mulf %get3A_655, %mul3A_656 : vector<16xf32>
          %swap3A_658 = arith.index_cast %add3A_628 : i32 to index
          %swap3A_659 = arith.constant 48 : index
          %swap3A_660 = tpu.vector_load %arg11[%swap3A_658, %swap3A_659] {strides = array<i32>} : memref<128x128xf32, #tpu.memory_space<vmem>>, vector<16xf32>,
          tpu.vector_store %arg11[%swap3A_658, %swap3A_659], %mul3A_657 {strides = array<i32>} : memref<128x128xf32, #tpu.memory_space<vmem>>, vector<16xf32>,
          %get3A_661 = arith.index_cast %add3A_628 : i32 to index
          %get3A_662 = arith.constant 64 : index
          %get3A_663 = tpu.vector_load %arg11[%get3A_661, %get3A_662] {strides = array<i32>} : memref<128x128xf32, #tpu.memory_space<vmem>>, vector<16xf32>,
          %mul3A_664 = vector.broadcast %squeeze3A_624 : f32 to vector<16xf32>
          %mul3A_665 = arith.mulf %get3A_663, %mul3A_664 : vector<16xf32>
          %swap3A_666 = arith.index_cast %add3A_628 : i32 to index
          %swap3A_667 = arith.constant 64 : index
          %swap3A_668 = tpu.vector_load %arg11[%swap3A_666, %swap3A_667] {strides = array<i32>} : memref<128x128xf32, #tpu.memory_space<vmem>>, vector<16xf32>,
          tpu.vector_store %arg11[%swap3A_666, %swap3A_667], %mul3A_665 {strides = array<i32>} : memref<128x128xf32, #tpu.memory_space<vmem>>, vector<16xf32>,
          %get3A_669 = arith.index_cast %add3A_628 : i32 to index
          %get3A_670 = arith.constant 80 : index
          %get3A_671 = tpu.vector_load %arg11[%get3A_669, %get3A_670] {strides = array<i32>} : memref<128x128xf32, #tpu.memory_space<vmem>>, vector<16xf32>,
          %mul3A_672 = vector.broadcast %squeeze3A_624 : f32 to vector<16xf32>
          %mul3A_673 = arith.mulf %get3A_671, %mul3A_672 : vector<16xf32>
          %swap3A_674 = arith.index_cast %add3A_628 : i32 to index
          %swap3A_675 = arith.constant 80 : index
          %swap3A_676 = tpu.vector_load %arg11[%swap3A_674, %swap3A_675] {strides = array<i32>} : memref<128x128xf32, #tpu.memory_space<vmem>>, vector<16xf32>,
          tpu.vector_store %arg11[%swap3A_674, %swap3A_675], %mul3A_673 {strides = array<i32>} : memref<128x128xf32, #tpu.memory_space<vmem>>, vector<16xf32>,
          %get3A_677 = arith.index_cast %add3A_628 : i32 to index
          %get3A_678 = arith.constant 96 : index
          %get3A_679 = tpu.vector_load %arg11[%get3A_677, %get3A_678] {strides = array<i32>} : memref<128x128xf32, #tpu.memory_space<vmem>>, vector<16xf32>,
          %mul3A_680 = vector.broadcast %squeeze3A_624 : f32 to vector<16xf32>
          %mul3A_681 = arith.mulf %get3A_679, %mul3A_680 : vector<16xf32>
          %swap3A_682 = arith.index_cast %add3A_628 : i32 to index
          %swap3A_683 = arith.constant 96 : index
          %swap3A_684 = tpu.vector_load %arg11[%swap3A_682, %swap3A_683] {strides = array<i32>} : memref<128x128xf32, #tpu.memory_space<vmem>>, vector<16xf32>,
          tpu.vector_store %arg11[%swap3A_682, %swap3A_683], %mul3A_681 {strides = array<i32>} : memref<128x128xf32, #tpu.memory_space<vmem>>, vector<16xf32>,
          %get3A_685 = arith.index_cast %add3A_628 : i32 to index
          %get3A_686 = arith.constant 112 : index
          %get3A_687 = tpu.vector_load %arg11[%get3A_685, %get3A_686] {strides = array<i32>} : memref<128x128xf32, #tpu.memory_space<vmem>>, vector<16xf32>,
          %mul3A_688 = vector.broadcast %squeeze3A_624 : f32 to vector<16xf32>
          %mul3A_689 = arith.mulf %get3A_687, %mul3A_688 : vector<16xf32>
          %swap3A_690 = arith.index_cast %add3A_628 : i32 to index
          %swap3A_691 = arith.constant 112 : index
          %swap3A_692 = tpu.vector_load %arg11[%swap3A_690, %swap3A_691] {strides = array<i32>} : memref<128x128xf32, #tpu.memory_space<vmem>>, vector<16xf32>,
          tpu.vector_store %arg11[%swap3A_690, %swap3A_691], %mul3A_689 {strides = array<i32>} : memref<128x128xf32, #tpu.memory_space<vmem>>, vector<16xf32>,
          %slice3A_693 = vector.extract_strided_slice %gather3A {offsets = [8], sizes = [1], strides = [1]} : vector<16xf32> to vector<1xf32>
          %squeeze3A_694 = vector.extract %slice3A_693[0] : f32 from vector<1xf32>
          %mul3A_695 = arith.constant 16 : i32
          %mul3A_696 = arith.muli %scan3A_130, %mul3A_695 : i32
          %add3A_697 = arith.constant 8 : i32
          %add3A_698 = arith.addi %mul3A_696, %add3A_697 : i32
          %get3A_699 = arith.index_cast %add3A_698 : i32 to index
          %get3A_700 = arith.constant 0 : index
          %get3A_701 = tpu.vector_load %arg11[%get3A_699, %get3A_700] {strides = array<i32>} : memref<128x128xf32, #tpu.memory_space<vmem>>, vector<16xf32>,
          %mul3A_702 = vector.broadcast %squeeze3A_694 : f32 to vector<16xf32>
          %mul3A_703 = arith.mulf %get3A_701, %mul3A_702 : vector<16xf32>
          %swap3A_704 = arith.index_cast %add3A_698 : i32 to index
          %swap3A_705 = arith.constant 0 : index
          %swap3A_706 = tpu.vector_load %arg11[%swap3A_704, %swap3A_705] {strides = array<i32>} : memref<128x128xf32, #tpu.memory_space<vmem>>, vector<16xf32>,
          tpu.vector_store %arg11[%swap3A_704, %swap3A_705], %mul3A_703 {strides = array<i32>} : memref<128x128xf32, #tpu.memory_space<vmem>>, vector<16xf32>,
          %get3A_707 = arith.index_cast %add3A_698 : i32 to index
          %get3A_708 = arith.constant 16 : index
          %get3A_709 = tpu.vector_load %arg11[%get3A_707, %get3A_708] {strides = array<i32>} : memref<128x128xf32, #tpu.memory_space<vmem>>, vector<16xf32>,
          %mul3A_710 = vector.broadcast %squeeze3A_694 : f32 to vector<16xf32>
          %mul3A_711 = arith.mulf %get3A_709, %mul3A_710 : vector<16xf32>
          %swap3A_712 = arith.index_cast %add3A_698 : i32 to index
          %swap3A_713 = arith.constant 16 : index
          %swap3A_714 = tpu.vector_load %arg11[%swap3A_712, %swap3A_713] {strides = array<i32>} : memref<128x128xf32, #tpu.memory_space<vmem>>, vector<16xf32>,
          tpu.vector_store %arg11[%swap3A_712, %swap3A_713], %mul3A_711 {strides = array<i32>} : memref<128x128xf32, #tpu.memory_space<vmem>>, vector<16xf32>,
          %get3A_715 = arith.index_cast %add3A_698 : i32 to index
          %get3A_716 = arith.constant 32 : index
          %get3A_717 = tpu.vector_load %arg11[%get3A_715, %get3A_716] {strides = array<i32>} : memref<128x128xf32, #tpu.memory_space<vmem>>, vector<16xf32>,
          %mul3A_718 = vector.broadcast %squeeze3A_694 : f32 to vector<16xf32>
          %mul3A_719 = arith.mulf %get3A_717, %mul3A_718 : vector<16xf32>
          %swap3A_720 = arith.index_cast %add3A_698 : i32 to index
          %swap3A_721 = arith.constant 32 : index
          %swap3A_722 = tpu.vector_load %arg11[%swap3A_720, %swap3A_721] {strides = array<i32>} : memref<128x128xf32, #tpu.memory_space<vmem>>, vector<16xf32>,
          tpu.vector_store %arg11[%swap3A_720, %swap3A_721], %mul3A_719 {strides = array<i32>} : memref<128x128xf32, #tpu.memory_space<vmem>>, vector<16xf32>,
          %get3A_723 = arith.index_cast %add3A_698 : i32 to index
          %get3A_724 = arith.constant 48 : index
          %get3A_725 = tpu.vector_load %arg11[%get3A_723, %get3A_724] {strides = array<i32>} : memref<128x128xf32, #tpu.memory_space<vmem>>, vector<16xf32>,
          %mul3A_726 = vector.broadcast %squeeze3A_694 : f32 to vector<16xf32>
          %mul3A_727 = arith.mulf %get3A_725, %mul3A_726 : vector<16xf32>
          %swap3A_728 = arith.index_cast %add3A_698 : i32 to index
          %swap3A_729 = arith.constant 48 : index
          %swap3A_730 = tpu.vector_load %arg11[%swap3A_728, %swap3A_729] {strides = array<i32>} : memref<128x128xf32, #tpu.memory_space<vmem>>, vector<16xf32>,
          tpu.vector_store %arg11[%swap3A_728, %swap3A_729], %mul3A_727 {strides = array<i32>} : memref<128x128xf32, #tpu.memory_space<vmem>>, vector<16xf32>,
          %get3A_731 = arith.index_cast %add3A_698 : i32 to index
          %get3A_732 = arith.constant 64 : index
          %get3A_733 = tpu.vector_load %arg11[%get3A_731, %get3A_732] {strides = array<i32>} : memref<128x128xf32, #tpu.memory_space<vmem>>, vector<16xf32>,
          %mul3A_734 = vector.broadcast %squeeze3A_694 : f32 to vector<16xf32>
          %mul3A_735 = arith.mulf %get3A_733, %mul3A_734 : vector<16xf32>
          %swap3A_736 = arith.index_cast %add3A_698 : i32 to index
          %swap3A_737 = arith.constant 64 : index
          %swap3A_738 = tpu.vector_load %arg11[%swap3A_736, %swap3A_737] {strides = array<i32>} : memref<128x128xf32, #tpu.memory_space<vmem>>, vector<16xf32>,
          tpu.vector_store %arg11[%swap3A_736, %swap3A_737], %mul3A_735 {strides = array<i32>} : memref<128x128xf32, #tpu.memory_space<vmem>>, vector<16xf32>,
          %get3A_739 = arith.index_cast %add3A_698 : i32 to index
          %get3A_740 = arith.constant 80 : index
          %get3A_741 = tpu.vector_load %arg11[%get3A_739, %get3A_740] {strides = array<i32>} : memref<128x128xf32, #tpu.memory_space<vmem>>, vector<16xf32>,
          %mul3A_742 = vector.broadcast %squeeze3A_694 : f32 to vector<16xf32>
          %mul3A_743 = arith.mulf %get3A_741, %mul3A_742 : vector<16xf32>
          %swap3A_744 = arith.index_cast %add3A_698 : i32 to index
          %swap3A_745 = arith.constant 80 : index
          %swap3A_746 = tpu.vector_load %arg11[%swap3A_744, %swap3A_745] {strides = array<i32>} : memref<128x128xf32, #tpu.memory_space<vmem>>, vector<16xf32>,
          tpu.vector_store %arg11[%swap3A_744, %swap3A_745], %mul3A_743 {strides = array<i32>} : memref<128x128xf32, #tpu.memory_space<vmem>>, vector<16xf32>,
          %get3A_747 = arith.index_cast %add3A_698 : i32 to index
          %get3A_748 = arith.constant 96 : index
          %get3A_749 = tpu.vector_load %arg11[%get3A_747, %get3A_748] {strides = array<i32>} : memref<128x128xf32, #tpu.memory_space<vmem>>, vector<16xf32>,
          %mul3A_750 = vector.broadcast %squeeze3A_694 : f32 to vector<16xf32>
          %mul3A_751 = arith.mulf %get3A_749, %mul3A_750 : vector<16xf32>
          %swap3A_752 = arith.index_cast %add3A_698 : i32 to index
          %swap3A_753 = arith.constant 96 : index
          %swap3A_754 = tpu.vector_load %arg11[%swap3A_752, %swap3A_753] {strides = array<i32>} : memref<128x128xf32, #tpu.memory_space<vmem>>, vector<16xf32>,
          tpu.vector_store %arg11[%swap3A_752, %swap3A_753], %mul3A_751 {strides = array<i32>} : memref<128x128xf32, #tpu.memory_space<vmem>>, vector<16xf32>,
          %get3A_755 = arith.index_cast %add3A_698 : i32 to index
          %get3A_756 = arith.constant 112 : index
          %get3A_757 = tpu.vector_load %arg11[%get3A_755, %get3A_756] {strides = array<i32>} : memref<128x128xf32, #tpu.memory_space<vmem>>, vector<16xf32>,
          %mul3A_758 = vector.broadcast %squeeze3A_694 : f32 to vector<16xf32>
          %mul3A_759 = arith.mulf %get3A_757, %mul3A_758 : vector<16xf32>
          %swap3A_760 = arith.index_cast %add3A_698 : i32 to index
          %swap3A_761 = arith.constant 112 : index
          %swap3A_762 = tpu.vector_load %arg11[%swap3A_760, %swap3A_761] {strides = array<i32>} : memref<128x128xf32, #tpu.memory_space<vmem>>, vector<16xf32>,
          tpu.vector_store %arg11[%swap3A_760, %swap3A_761], %mul3A_759 {strides = array<i32>} : memref<128x128xf32, #tpu.memory_space<vmem>>, vector<16xf32>,
          %slice3A_763 = vector.extract_strided_slice %gather3A {offsets = [9], sizes = [1], strides = [1]} : vector<16xf32> to vector<1xf32>
          %squeeze3A_764 = vector.extract %slice3A_763[0] : f32 from vector<1xf32>
          %mul3A_765 = arith.constant 16 : i32
          %mul3A_766 = arith.muli %scan3A_130, %mul3A_765 : i32
          %add3A_767 = arith.constant 9 : i32
          %add3A_768 = arith.addi %mul3A_766, %add3A_767 : i32
          %get3A_769 = arith.index_cast %add3A_768 : i32 to index
          %get3A_770 = arith.constant 0 : index
          %get3A_771 = tpu.vector_load %arg11[%get3A_769, %get3A_770] {strides = array<i32>} : memref<128x128xf32, #tpu.memory_space<vmem>>, vector<16xf32>,
          %mul3A_772 = vector.broadcast %squeeze3A_764 : f32 to vector<16xf32>
          %mul3A_773 = arith.mulf %get3A_771, %mul3A_772 : vector<16xf32>
          %swap3A_774 = arith.index_cast %add3A_768 : i32 to index
          %swap3A_775 = arith.constant 0 : index
          %swap3A_776 = tpu.vector_load %arg11[%swap3A_774, %swap3A_775] {strides = array<i32>} : memref<128x128xf32, #tpu.memory_space<vmem>>, vector<16xf32>,
          tpu.vector_store %arg11[%swap3A_774, %swap3A_775], %mul3A_773 {strides = array<i32>} : memref<128x128xf32, #tpu.memory_space<vmem>>, vector<16xf32>,
          %get3A_777 = arith.index_cast %add3A_768 : i32 to index
          %get3A_778 = arith.constant 16 : index
          %get3A_779 = tpu.vector_load %arg11[%get3A_777, %get3A_778] {strides = array<i32>} : memref<128x128xf32, #tpu.memory_space<vmem>>, vector<16xf32>,
          %mul3A_780 = vector.broadcast %squeeze3A_764 : f32 to vector<16xf32>
          %mul3A_781 = arith.mulf %get3A_779, %mul3A_780 : vector<16xf32>
          %swap3A_782 = arith.index_cast %add3A_768 : i32 to index
          %swap3A_783 = arith.constant 16 : index
          %swap3A_784 = tpu.vector_load %arg11[%swap3A_782, %swap3A_783] {strides = array<i32>} : memref<128x128xf32, #tpu.memory_space<vmem>>, vector<16xf32>,
          tpu.vector_store %arg11[%swap3A_782, %swap3A_783], %mul3A_781 {strides = array<i32>} : memref<128x128xf32, #tpu.memory_space<vmem>>, vector<16xf32>,
          %get3A_785 = arith.index_cast %add3A_768 : i32 to index
          %get3A_786 = arith.constant 32 : index
          %get3A_787 = tpu.vector_load %arg11[%get3A_785, %get3A_786] {strides = array<i32>} : memref<128x128xf32, #tpu.memory_space<vmem>>, vector<16xf32>,
          %mul3A_788 = vector.broadcast %squeeze3A_764 : f32 to vector<16xf32>
          %mul3A_789 = arith.mulf %get3A_787, %mul3A_788 : vector<16xf32>
          %swap3A_790 = arith.index_cast %add3A_768 : i32 to index
          %swap3A_791 = arith.constant 32 : index
          %swap3A_792 = tpu.vector_load %arg11[%swap3A_790, %swap3A_791] {strides = array<i32>} : memref<128x128xf32, #tpu.memory_space<vmem>>, vector<16xf32>,
          tpu.vector_store %arg11[%swap3A_790, %swap3A_791], %mul3A_789 {strides = array<i32>} : memref<128x128xf32, #tpu.memory_space<vmem>>, vector<16xf32>,
          %get3A_793 = arith.index_cast %add3A_768 : i32 to index
          %get3A_794 = arith.constant 48 : index
          %get3A_795 = tpu.vector_load %arg11[%get3A_793, %get3A_794] {strides = array<i32>} : memref<128x128xf32, #tpu.memory_space<vmem>>, vector<16xf32>,
          %mul3A_796 = vector.broadcast %squeeze3A_764 : f32 to vector<16xf32>
          %mul3A_797 = arith.mulf %get3A_795, %mul3A_796 : vector<16xf32>
          %swap3A_798 = arith.index_cast %add3A_768 : i32 to index
          %swap3A_799 = arith.constant 48 : index
          %swap3A_800 = tpu.vector_load %arg11[%swap3A_798, %swap3A_799] {strides = array<i32>} : memref<128x128xf32, #tpu.memory_space<vmem>>, vector<16xf32>,
          tpu.vector_store %arg11[%swap3A_798, %swap3A_799], %mul3A_797 {strides = array<i32>} : memref<128x128xf32, #tpu.memory_space<vmem>>, vector<16xf32>,
          %get3A_801 = arith.index_cast %add3A_768 : i32 to index
          %get3A_802 = arith.constant 64 : index
          %get3A_803 = tpu.vector_load %arg11[%get3A_801, %get3A_802] {strides = array<i32>} : memref<128x128xf32, #tpu.memory_space<vmem>>, vector<16xf32>,
          %mul3A_804 = vector.broadcast %squeeze3A_764 : f32 to vector<16xf32>
          %mul3A_805 = arith.mulf %get3A_803, %mul3A_804 : vector<16xf32>
          %swap3A_806 = arith.index_cast %add3A_768 : i32 to index
          %swap3A_807 = arith.constant 64 : index
          %swap3A_808 = tpu.vector_load %arg11[%swap3A_806, %swap3A_807] {strides = array<i32>} : memref<128x128xf32, #tpu.memory_space<vmem>>, vector<16xf32>,
          tpu.vector_store %arg11[%swap3A_806, %swap3A_807], %mul3A_805 {strides = array<i32>} : memref<128x128xf32, #tpu.memory_space<vmem>>, vector<16xf32>,
          %get3A_809 = arith.index_cast %add3A_768 : i32 to index
          %get3A_810 = arith.constant 80 : index
          %get3A_811 = tpu.vector_load %arg11[%get3A_809, %get3A_810] {strides = array<i32>} : memref<128x128xf32, #tpu.memory_space<vmem>>, vector<16xf32>,
          %mul3A_812 = vector.broadcast %squeeze3A_764 : f32 to vector<16xf32>
          %mul3A_813 = arith.mulf %get3A_811, %mul3A_812 : vector<16xf32>
          %swap3A_814 = arith.index_cast %add3A_768 : i32 to index
          %swap3A_815 = arith.constant 80 : index
          %swap3A_816 = tpu.vector_load %arg11[%swap3A_814, %swap3A_815] {strides = array<i32>} : memref<128x128xf32, #tpu.memory_space<vmem>>, vector<16xf32>,
          tpu.vector_store %arg11[%swap3A_814, %swap3A_815], %mul3A_813 {strides = array<i32>} : memref<128x128xf32, #tpu.memory_space<vmem>>, vector<16xf32>,
          %get3A_817 = arith.index_cast %add3A_768 : i32 to index
          %get3A_818 = arith.constant 96 : index
          %get3A_819 = tpu.vector_load %arg11[%get3A_817, %get3A_818] {strides = array<i32>} : memref<128x128xf32, #tpu.memory_space<vmem>>, vector<16xf32>,
          %mul3A_820 = vector.broadcast %squeeze3A_764 : f32 to vector<16xf32>
          %mul3A_821 = arith.mulf %get3A_819, %mul3A_820 : vector<16xf32>
          %swap3A_822 = arith.index_cast %add3A_768 : i32 to index
          %swap3A_823 = arith.constant 96 : index
          %swap3A_824 = tpu.vector_load %arg11[%swap3A_822, %swap3A_823] {strides = array<i32>} : memref<128x128xf32, #tpu.memory_space<vmem>>, vector<16xf32>,
          tpu.vector_store %arg11[%swap3A_822, %swap3A_823], %mul3A_821 {strides = array<i32>} : memref<128x128xf32, #tpu.memory_space<vmem>>, vector<16xf32>,
          %get3A_825 = arith.index_cast %add3A_768 : i32 to index
          %get3A_826 = arith.constant 112 : index
          %get3A_827 = tpu.vector_load %arg11[%get3A_825, %get3A_826] {strides = array<i32>} : memref<128x128xf32, #tpu.memory_space<vmem>>, vector<16xf32>,
          %mul3A_828 = vector.broadcast %squeeze3A_764 : f32 to vector<16xf32>
          %mul3A_829 = arith.mulf %get3A_827, %mul3A_828 : vector<16xf32>
          %swap3A_830 = arith.index_cast %add3A_768 : i32 to index
          %swap3A_831 = arith.constant 112 : index
          %swap3A_832 = tpu.vector_load %arg11[%swap3A_830, %swap3A_831] {strides = array<i32>} : memref<128x128xf32, #tpu.memory_space<vmem>>, vector<16xf32>,
          tpu.vector_store %arg11[%swap3A_830, %swap3A_831], %mul3A_829 {strides = array<i32>} : memref<128x128xf32, #tpu.memory_space<vmem>>, vector<16xf32>,
          %slice3A_833 = vector.extract_strided_slice %gather3A {offsets = [10], sizes = [1], strides = [1]} : vector<16xf32> to vector<1xf32>
          %squeeze3A_834 = vector.extract %slice3A_833[0] : f32 from vector<1xf32>
          %mul3A_835 = arith.constant 16 : i32
          %mul3A_836 = arith.muli %scan3A_130, %mul3A_835 : i32
          %add3A_837 = arith.constant 10 : i32
          %add3A_838 = arith.addi %mul3A_836, %add3A_837 : i32
          %get3A_839 = arith.index_cast %add3A_838 : i32 to index
          %get3A_840 = arith.constant 0 : index
          %get3A_841 = tpu.vector_load %arg11[%get3A_839, %get3A_840] {strides = array<i32>} : memref<128x128xf32, #tpu.memory_space<vmem>>, vector<16xf32>,
          %mul3A_842 = vector.broadcast %squeeze3A_834 : f32 to vector<16xf32>
          %mul3A_843 = arith.mulf %get3A_841, %mul3A_842 : vector<16xf32>
          %swap3A_844 = arith.index_cast %add3A_838 : i32 to index
          %swap3A_845 = arith.constant 0 : index
          %swap3A_846 = tpu.vector_load %arg11[%swap3A_844, %swap3A_845] {strides = array<i32>} : memref<128x128xf32, #tpu.memory_space<vmem>>, vector<16xf32>,
          tpu.vector_store %arg11[%swap3A_844, %swap3A_845], %mul3A_843 {strides = array<i32>} : memref<128x128xf32, #tpu.memory_space<vmem>>, vector<16xf32>,
          %get3A_847 = arith.index_cast %add3A_838 : i32 to index
          %get3A_848 = arith.constant 16 : index
          %get3A_849 = tpu.vector_load %arg11[%get3A_847, %get3A_848] {strides = array<i32>} : memref<128x128xf32, #tpu.memory_space<vmem>>, vector<16xf32>,
          %mul3A_850 = vector.broadcast %squeeze3A_834 : f32 to vector<16xf32>
          %mul3A_851 = arith.mulf %get3A_849, %mul3A_850 : vector<16xf32>
          %swap3A_852 = arith.index_cast %add3A_838 : i32 to index
          %swap3A_853 = arith.constant 16 : index
          %swap3A_854 = tpu.vector_load %arg11[%swap3A_852, %swap3A_853] {strides = array<i32>} : memref<128x128xf32, #tpu.memory_space<vmem>>, vector<16xf32>,
          tpu.vector_store %arg11[%swap3A_852, %swap3A_853], %mul3A_851 {strides = array<i32>} : memref<128x128xf32, #tpu.memory_space<vmem>>, vector<16xf32>,
          %get3A_855 = arith.index_cast %add3A_838 : i32 to index
          %get3A_856 = arith.constant 32 : index
          %get3A_857 = tpu.vector_load %arg11[%get3A_855, %get3A_856] {strides = array<i32>} : memref<128x128xf32, #tpu.memory_space<vmem>>, vector<16xf32>,
          %mul3A_858 = vector.broadcast %squeeze3A_834 : f32 to vector<16xf32>
          %mul3A_859 = arith.mulf %get3A_857, %mul3A_858 : vector<16xf32>
          %swap3A_860 = arith.index_cast %add3A_838 : i32 to index
          %swap3A_861 = arith.constant 32 : index
          %swap3A_862 = tpu.vector_load %arg11[%swap3A_860, %swap3A_861] {strides = array<i32>} : memref<128x128xf32, #tpu.memory_space<vmem>>, vector<16xf32>,
          tpu.vector_store %arg11[%swap3A_860, %swap3A_861], %mul3A_859 {strides = array<i32>} : memref<128x128xf32, #tpu.memory_space<vmem>>, vector<16xf32>,
          %get3A_863 = arith.index_cast %add3A_838 : i32 to index
          %get3A_864 = arith.constant 48 : index
          %get3A_865 = tpu.vector_load %arg11[%get3A_863, %get3A_864] {strides = array<i32>} : memref<128x128xf32, #tpu.memory_space<vmem>>, vector<16xf32>,
          %mul3A_866 = vector.broadcast %squeeze3A_834 : f32 to vector<16xf32>
          %mul3A_867 = arith.mulf %get3A_865, %mul3A_866 : vector<16xf32>
          %swap3A_868 = arith.index_cast %add3A_838 : i32 to index
          %swap3A_869 = arith.constant 48 : index
          %swap3A_870 = tpu.vector_load %arg11[%swap3A_868, %swap3A_869] {strides = array<i32>} : memref<128x128xf32, #tpu.memory_space<vmem>>, vector<16xf32>,
          tpu.vector_store %arg11[%swap3A_868, %swap3A_869], %mul3A_867 {strides = array<i32>} : memref<128x128xf32, #tpu.memory_space<vmem>>, vector<16xf32>,
          %get3A_871 = arith.index_cast %add3A_838 : i32 to index
          %get3A_872 = arith.constant 64 : index
          %get3A_873 = tpu.vector_load %arg11[%get3A_871, %get3A_872] {strides = array<i32>} : memref<128x128xf32, #tpu.memory_space<vmem>>, vector<16xf32>,
          %mul3A_874 = vector.broadcast %squeeze3A_834 : f32 to vector<16xf32>
          %mul3A_875 = arith.mulf %get3A_873, %mul3A_874 : vector<16xf32>
          %swap3A_876 = arith.index_cast %add3A_838 : i32 to index
          %swap3A_877 = arith.constant 64 : index
          %swap3A_878 = tpu.vector_load %arg11[%swap3A_876, %swap3A_877] {strides = array<i32>} : memref<128x128xf32, #tpu.memory_space<vmem>>, vector<16xf32>,
          tpu.vector_store %arg11[%swap3A_876, %swap3A_877], %mul3A_875 {strides = array<i32>} : memref<128x128xf32, #tpu.memory_space<vmem>>, vector<16xf32>,
          %get3A_879 = arith.index_cast %add3A_838 : i32 to index
          %get3A_880 = arith.constant 80 : index
          %get3A_881 = tpu.vector_load %arg11[%get3A_879, %get3A_880] {strides = array<i32>} : memref<128x128xf32, #tpu.memory_space<vmem>>, vector<16xf32>,
          %mul3A_882 = vector.broadcast %squeeze3A_834 : f32 to vector<16xf32>
          %mul3A_883 = arith.mulf %get3A_881, %mul3A_882 : vector<16xf32>
          %swap3A_884 = arith.index_cast %add3A_838 : i32 to index
          %swap3A_885 = arith.constant 80 : index
          %swap3A_886 = tpu.vector_load %arg11[%swap3A_884, %swap3A_885] {strides = array<i32>} : memref<128x128xf32, #tpu.memory_space<vmem>>, vector<16xf32>,
          tpu.vector_store %arg11[%swap3A_884, %swap3A_885], %mul3A_883 {strides = array<i32>} : memref<128x128xf32, #tpu.memory_space<vmem>>, vector<16xf32>,
          %get3A_887 = arith.index_cast %add3A_838 : i32 to index
          %get3A_888 = arith.constant 96 : index
          %get3A_889 = tpu.vector_load %arg11[%get3A_887, %get3A_888] {strides = array<i32>} : memref<128x128xf32, #tpu.memory_space<vmem>>, vector<16xf32>,
          %mul3A_890 = vector.broadcast %squeeze3A_834 : f32 to vector<16xf32>
          %mul3A_891 = arith.mulf %get3A_889, %mul3A_890 : vector<16xf32>
          %swap3A_892 = arith.index_cast %add3A_838 : i32 to index
          %swap3A_893 = arith.constant 96 : index
          %swap3A_894 = tpu.vector_load %arg11[%swap3A_892, %swap3A_893] {strides = array<i32>} : memref<128x128xf32, #tpu.memory_space<vmem>>, vector<16xf32>,
          tpu.vector_store %arg11[%swap3A_892, %swap3A_893], %mul3A_891 {strides = array<i32>} : memref<128x128xf32, #tpu.memory_space<vmem>>, vector<16xf32>,
          %get3A_895 = arith.index_cast %add3A_838 : i32 to index
          %get3A_896 = arith.constant 112 : index
          %get3A_897 = tpu.vector_load %arg11[%get3A_895, %get3A_896] {strides = array<i32>} : memref<128x128xf32, #tpu.memory_space<vmem>>, vector<16xf32>,
          %mul3A_898 = vector.broadcast %squeeze3A_834 : f32 to vector<16xf32>
          %mul3A_899 = arith.mulf %get3A_897, %mul3A_898 : vector<16xf32>
          %swap3A_900 = arith.index_cast %add3A_838 : i32 to index
          %swap3A_901 = arith.constant 112 : index
          %swap3A_902 = tpu.vector_load %arg11[%swap3A_900, %swap3A_901] {strides = array<i32>} : memref<128x128xf32, #tpu.memory_space<vmem>>, vector<16xf32>,
          tpu.vector_store %arg11[%swap3A_900, %swap3A_901], %mul3A_899 {strides = array<i32>} : memref<128x128xf32, #tpu.memory_space<vmem>>, vector<16xf32>,
          %slice3A_903 = vector.extract_strided_slice %gather3A {offsets = [11], sizes = [1], strides = [1]} : vector<16xf32> to vector<1xf32>
          %squeeze3A_904 = vector.extract %slice3A_903[0] : f32 from vector<1xf32>
          %mul3A_905 = arith.constant 16 : i32
          %mul3A_906 = arith.muli %scan3A_130, %mul3A_905 : i32
          %add3A_907 = arith.constant 11 : i32
          %add3A_908 = arith.addi %mul3A_906, %add3A_907 : i32
          %get3A_909 = arith.index_cast %add3A_908 : i32 to index
          %get3A_910 = arith.constant 0 : index
          %get3A_911 = tpu.vector_load %arg11[%get3A_909, %get3A_910] {strides = array<i32>} : memref<128x128xf32, #tpu.memory_space<vmem>>, vector<16xf32>,
          %mul3A_912 = vector.broadcast %squeeze3A_904 : f32 to vector<16xf32>
          %mul3A_913 = arith.mulf %get3A_911, %mul3A_912 : vector<16xf32>
          %swap3A_914 = arith.index_cast %add3A_908 : i32 to index
          %swap3A_915 = arith.constant 0 : index
          %swap3A_916 = tpu.vector_load %arg11[%swap3A_914, %swap3A_915] {strides = array<i32>} : memref<128x128xf32, #tpu.memory_space<vmem>>, vector<16xf32>,
          tpu.vector_store %arg11[%swap3A_914, %swap3A_915], %mul3A_913 {strides = array<i32>} : memref<128x128xf32, #tpu.memory_space<vmem>>, vector<16xf32>,
          %get3A_917 = arith.index_cast %add3A_908 : i32 to index
          %get3A_918 = arith.constant 16 : index
          %get3A_919 = tpu.vector_load %arg11[%get3A_917, %get3A_918] {strides = array<i32>} : memref<128x128xf32, #tpu.memory_space<vmem>>, vector<16xf32>,
          %mul3A_920 = vector.broadcast %squeeze3A_904 : f32 to vector<16xf32>
          %mul3A_921 = arith.mulf %get3A_919, %mul3A_920 : vector<16xf32>
          %swap3A_922 = arith.index_cast %add3A_908 : i32 to index
          %swap3A_923 = arith.constant 16 : index
          %swap3A_924 = tpu.vector_load %arg11[%swap3A_922, %swap3A_923] {strides = array<i32>} : memref<128x128xf32, #tpu.memory_space<vmem>>, vector<16xf32>,
          tpu.vector_store %arg11[%swap3A_922, %swap3A_923], %mul3A_921 {strides = array<i32>} : memref<128x128xf32, #tpu.memory_space<vmem>>, vector<16xf32>,
          %get3A_925 = arith.index_cast %add3A_908 : i32 to index
          %get3A_926 = arith.constant 32 : index
          %get3A_927 = tpu.vector_load %arg11[%get3A_925, %get3A_926] {strides = array<i32>} : memref<128x128xf32, #tpu.memory_space<vmem>>, vector<16xf32>,
          %mul3A_928 = vector.broadcast %squeeze3A_904 : f32 to vector<16xf32>
          %mul3A_929 = arith.mulf %get3A_927, %mul3A_928 : vector<16xf32>
          %swap3A_930 = arith.index_cast %add3A_908 : i32 to index
          %swap3A_931 = arith.constant 32 : index
          %swap3A_932 = tpu.vector_load %arg11[%swap3A_930, %swap3A_931] {strides = array<i32>} : memref<128x128xf32, #tpu.memory_space<vmem>>, vector<16xf32>,
          tpu.vector_store %arg11[%swap3A_930, %swap3A_931], %mul3A_929 {strides = array<i32>} : memref<128x128xf32, #tpu.memory_space<vmem>>, vector<16xf32>,
          %get3A_933 = arith.index_cast %add3A_908 : i32 to index
          %get3A_934 = arith.constant 48 : index
          %get3A_935 = tpu.vector_load %arg11[%get3A_933, %get3A_934] {strides = array<i32>} : memref<128x128xf32, #tpu.memory_space<vmem>>, vector<16xf32>,
          %mul3A_936 = vector.broadcast %squeeze3A_904 : f32 to vector<16xf32>
          %mul3A_937 = arith.mulf %get3A_935, %mul3A_936 : vector<16xf32>
          %swap3A_938 = arith.index_cast %add3A_908 : i32 to index
          %swap3A_939 = arith.constant 48 : index
          %swap3A_940 = tpu.vector_load %arg11[%swap3A_938, %swap3A_939] {strides = array<i32>} : memref<128x128xf32, #tpu.memory_space<vmem>>, vector<16xf32>,
          tpu.vector_store %arg11[%swap3A_938, %swap3A_939], %mul3A_937 {strides = array<i32>} : memref<128x128xf32, #tpu.memory_space<vmem>>, vector<16xf32>,
          %get3A_941 = arith.index_cast %add3A_908 : i32 to index
          %get3A_942 = arith.constant 64 : index
          %get3A_943 = tpu.vector_load %arg11[%get3A_941, %get3A_942] {strides = array<i32>} : memref<128x128xf32, #tpu.memory_space<vmem>>, vector<16xf32>,
          %mul3A_944 = vector.broadcast %squeeze3A_904 : f32 to vector<16xf32>
          %mul3A_945 = arith.mulf %get3A_943, %mul3A_944 : vector<16xf32>
          %swap3A_946 = arith.index_cast %add3A_908 : i32 to index
          %swap3A_947 = arith.constant 64 : index
          %swap3A_948 = tpu.vector_load %arg11[%swap3A_946, %swap3A_947] {strides = array<i32>} : memref<128x128xf32, #tpu.memory_space<vmem>>, vector<16xf32>,
          tpu.vector_store %arg11[%swap3A_946, %swap3A_947], %mul3A_945 {strides = array<i32>} : memref<128x128xf32, #tpu.memory_space<vmem>>, vector<16xf32>,
          %get3A_949 = arith.index_cast %add3A_908 : i32 to index
          %get3A_950 = arith.constant 80 : index
          %get3A_951 = tpu.vector_load %arg11[%get3A_949, %get3A_950] {strides = array<i32>} : memref<128x128xf32, #tpu.memory_space<vmem>>, vector<16xf32>,
          %mul3A_952 = vector.broadcast %squeeze3A_904 : f32 to vector<16xf32>
          %mul3A_953 = arith.mulf %get3A_951, %mul3A_952 : vector<16xf32>
          %swap3A_954 = arith.index_cast %add3A_908 : i32 to index
          %swap3A_955 = arith.constant 80 : index
          %swap3A_956 = tpu.vector_load %arg11[%swap3A_954, %swap3A_955] {strides = array<i32>} : memref<128x128xf32, #tpu.memory_space<vmem>>, vector<16xf32>,
          tpu.vector_store %arg11[%swap3A_954, %swap3A_955], %mul3A_953 {strides = array<i32>} : memref<128x128xf32, #tpu.memory_space<vmem>>, vector<16xf32>,
          %get3A_957 = arith.index_cast %add3A_908 : i32 to index
          %get3A_958 = arith.constant 96 : index
          %get3A_959 = tpu.vector_load %arg11[%get3A_957, %get3A_958] {strides = array<i32>} : memref<128x128xf32, #tpu.memory_space<vmem>>, vector<16xf32>,
          %mul3A_960 = vector.broadcast %squeeze3A_904 : f32 to vector<16xf32>
          %mul3A_961 = arith.mulf %get3A_959, %mul3A_960 : vector<16xf32>
          %swap3A_962 = arith.index_cast %add3A_908 : i32 to index
          %swap3A_963 = arith.constant 96 : index
          %swap3A_964 = tpu.vector_load %arg11[%swap3A_962, %swap3A_963] {strides = array<i32>} : memref<128x128xf32, #tpu.memory_space<vmem>>, vector<16xf32>,
          tpu.vector_store %arg11[%swap3A_962, %swap3A_963], %mul3A_961 {strides = array<i32>} : memref<128x128xf32, #tpu.memory_space<vmem>>, vector<16xf32>,
          %get3A_965 = arith.index_cast %add3A_908 : i32 to index
          %get3A_966 = arith.constant 112 : index
          %get3A_967 = tpu.vector_load %arg11[%get3A_965, %get3A_966] {strides = array<i32>} : memref<128x128xf32, #tpu.memory_space<vmem>>, vector<16xf32>,
          %mul3A_968 = vector.broadcast %squeeze3A_904 : f32 to vector<16xf32>
          %mul3A_969 = arith.mulf %get3A_967, %mul3A_968 : vector<16xf32>
          %swap3A_970 = arith.index_cast %add3A_908 : i32 to index
          %swap3A_971 = arith.constant 112 : index
          %swap3A_972 = tpu.vector_load %arg11[%swap3A_970, %swap3A_971] {strides = array<i32>} : memref<128x128xf32, #tpu.memory_space<vmem>>, vector<16xf32>,
          tpu.vector_store %arg11[%swap3A_970, %swap3A_971], %mul3A_969 {strides = array<i32>} : memref<128x128xf32, #tpu.memory_space<vmem>>, vector<16xf32>,
          %slice3A_973 = vector.extract_strided_slice %gather3A {offsets = [12], sizes = [1], strides = [1]} : vector<16xf32> to vector<1xf32>
          %squeeze3A_974 = vector.extract %slice3A_973[0] : f32 from vector<1xf32>
          %mul3A_975 = arith.constant 16 : i32
          %mul3A_976 = arith.muli %scan3A_130, %mul3A_975 : i32
          %add3A_977 = arith.constant 12 : i32
          %add3A_978 = arith.addi %mul3A_976, %add3A_977 : i32
          %get3A_979 = arith.index_cast %add3A_978 : i32 to index
          %get3A_980 = arith.constant 0 : index
          %get3A_981 = tpu.vector_load %arg11[%get3A_979, %get3A_980] {strides = array<i32>} : memref<128x128xf32, #tpu.memory_space<vmem>>, vector<16xf32>,
          %mul3A_982 = vector.broadcast %squeeze3A_974 : f32 to vector<16xf32>
          %mul3A_983 = arith.mulf %get3A_981, %mul3A_982 : vector<16xf32>
          %swap3A_984 = arith.index_cast %add3A_978 : i32 to index
          %swap3A_985 = arith.constant 0 : index
          %swap3A_986 = tpu.vector_load %arg11[%swap3A_984, %swap3A_985] {strides = array<i32>} : memref<128x128xf32, #tpu.memory_space<vmem>>, vector<16xf32>,
          tpu.vector_store %arg11[%swap3A_984, %swap3A_985], %mul3A_983 {strides = array<i32>} : memref<128x128xf32, #tpu.memory_space<vmem>>, vector<16xf32>,
          %get3A_987 = arith.index_cast %add3A_978 : i32 to index
          %get3A_988 = arith.constant 16 : index
          %get3A_989 = tpu.vector_load %arg11[%get3A_987, %get3A_988] {strides = array<i32>} : memref<128x128xf32, #tpu.memory_space<vmem>>, vector<16xf32>,
          %mul3A_990 = vector.broadcast %squeeze3A_974 : f32 to vector<16xf32>
          %mul3A_991 = arith.mulf %get3A_989, %mul3A_990 : vector<16xf32>
          %swap3A_992 = arith.index_cast %add3A_978 : i32 to index
          %swap3A_993 = arith.constant 16 : index
          %swap3A_994 = tpu.vector_load %arg11[%swap3A_992, %swap3A_993] {strides = array<i32>} : memref<128x128xf32, #tpu.memory_space<vmem>>, vector<16xf32>,
          tpu.vector_store %arg11[%swap3A_992, %swap3A_993], %mul3A_991 {strides = array<i32>} : memref<128x128xf32, #tpu.memory_space<vmem>>, vector<16xf32>,
          %get3A_995 = arith.index_cast %add3A_978 : i32 to index
          %get3A_996 = arith.constant 32 : index
          %get3A_997 = tpu.vector_load %arg11[%get3A_995, %get3A_996] {strides = array<i32>} : memref<128x128xf32, #tpu.memory_space<vmem>>, vector<16xf32>,
          %mul3A_998 = vector.broadcast %squeeze3A_974 : f32 to vector<16xf32>
          %mul3A_999 = arith.mulf %get3A_997, %mul3A_998 : vector<16xf32>
          %swap3A_1000 = arith.index_cast %add3A_978 : i32 to index
          %swap3A_1001 = arith.constant 32 : index
          %swap3A_1002 = tpu.vector_load %arg11[%swap3A_1000, %swap3A_1001] {strides = array<i32>} : memref<128x128xf32, #tpu.memory_space<vmem>>, vector<16xf32>,
          tpu.vector_store %arg11[%swap3A_1000, %swap3A_1001], %mul3A_999 {strides = array<i32>} : memref<128x128xf32, #tpu.memory_space<vmem>>, vector<16xf32>,
          %get3A_1003 = arith.index_cast %add3A_978 : i32 to index
          %get3A_1004 = arith.constant 48 : index
          %get3A_1005 = tpu.vector_load %arg11[%get3A_1003, %get3A_1004] {strides = array<i32>} : memref<128x128xf32, #tpu.memory_space<vmem>>, vector<16xf32>,
          %mul3A_1006 = vector.broadcast %squeeze3A_974 : f32 to vector<16xf32>
          %mul3A_1007 = arith.mulf %get3A_1005, %mul3A_1006 : vector<16xf32>
          %swap3A_1008 = arith.index_cast %add3A_978 : i32 to index
          %swap3A_1009 = arith.constant 48 : index
          %swap3A_1010 = tpu.vector_load %arg11[%swap3A_1008, %swap3A_1009] {strides = array<i32>} : memref<128x128xf32, #tpu.memory_space<vmem>>, vector<16xf32>,
          tpu.vector_store %arg11[%swap3A_1008, %swap3A_1009], %mul3A_1007 {strides = array<i32>} : memref<128x128xf32, #tpu.memory_space<vmem>>, vector<16xf32>,
          %get3A_1011 = arith.index_cast %add3A_978 : i32 to index
          %get3A_1012 = arith.constant 64 : index
          %get3A_1013 = tpu.vector_load %arg11[%get3A_1011, %get3A_1012] {strides = array<i32>} : memref<128x128xf32, #tpu.memory_space<vmem>>, vector<16xf32>,
          %mul3A_1014 = vector.broadcast %squeeze3A_974 : f32 to vector<16xf32>
          %mul3A_1015 = arith.mulf %get3A_1013, %mul3A_1014 : vector<16xf32>
          %swap3A_1016 = arith.index_cast %add3A_978 : i32 to index
          %swap3A_1017 = arith.constant 64 : index
          %swap3A_1018 = tpu.vector_load %arg11[%swap3A_1016, %swap3A_1017] {strides = array<i32>} : memref<128x128xf32, #tpu.memory_space<vmem>>, vector<16xf32>,
          tpu.vector_store %arg11[%swap3A_1016, %swap3A_1017], %mul3A_1015 {strides = array<i32>} : memref<128x128xf32, #tpu.memory_space<vmem>>, vector<16xf32>,
          %get3A_1019 = arith.index_cast %add3A_978 : i32 to index
          %get3A_1020 = arith.constant 80 : index
          %get3A_1021 = tpu.vector_load %arg11[%get3A_1019, %get3A_1020] {strides = array<i32>} : memref<128x128xf32, #tpu.memory_space<vmem>>, vector<16xf32>,
          %mul3A_1022 = vector.broadcast %squeeze3A_974 : f32 to vector<16xf32>
          %mul3A_1023 = arith.mulf %get3A_1021, %mul3A_1022 : vector<16xf32>
          %swap3A_1024 = arith.index_cast %add3A_978 : i32 to index
          %swap3A_1025 = arith.constant 80 : index
          %swap3A_1026 = tpu.vector_load %arg11[%swap3A_1024, %swap3A_1025] {strides = array<i32>} : memref<128x128xf32, #tpu.memory_space<vmem>>, vector<16xf32>,
          tpu.vector_store %arg11[%swap3A_1024, %swap3A_1025], %mul3A_1023 {strides = array<i32>} : memref<128x128xf32, #tpu.memory_space<vmem>>, vector<16xf32>,
          %get3A_1027 = arith.index_cast %add3A_978 : i32 to index
          %get3A_1028 = arith.constant 96 : index
          %get3A_1029 = tpu.vector_load %arg11[%get3A_1027, %get3A_1028] {strides = array<i32>} : memref<128x128xf32, #tpu.memory_space<vmem>>, vector<16xf32>,
          %mul3A_1030 = vector.broadcast %squeeze3A_974 : f32 to vector<16xf32>
          %mul3A_1031 = arith.mulf %get3A_1029, %mul3A_1030 : vector<16xf32>
          %swap3A_1032 = arith.index_cast %add3A_978 : i32 to index
          %swap3A_1033 = arith.constant 96 : index
          %swap3A_1034 = tpu.vector_load %arg11[%swap3A_1032, %swap3A_1033] {strides = array<i32>} : memref<128x128xf32, #tpu.memory_space<vmem>>, vector<16xf32>,
          tpu.vector_store %arg11[%swap3A_1032, %swap3A_1033], %mul3A_1031 {strides = array<i32>} : memref<128x128xf32, #tpu.memory_space<vmem>>, vector<16xf32>,
          %get3A_1035 = arith.index_cast %add3A_978 : i32 to index
          %get3A_1036 = arith.constant 112 : index
          %get3A_1037 = tpu.vector_load %arg11[%get3A_1035, %get3A_1036] {strides = array<i32>} : memref<128x128xf32, #tpu.memory_space<vmem>>, vector<16xf32>,
          %mul3A_1038 = vector.broadcast %squeeze3A_974 : f32 to vector<16xf32>
          %mul3A_1039 = arith.mulf %get3A_1037, %mul3A_1038 : vector<16xf32>
          %swap3A_1040 = arith.index_cast %add3A_978 : i32 to index
          %swap3A_1041 = arith.constant 112 : index
          %swap3A_1042 = tpu.vector_load %arg11[%swap3A_1040, %swap3A_1041] {strides = array<i32>} : memref<128x128xf32, #tpu.memory_space<vmem>>, vector<16xf32>,
          tpu.vector_store %arg11[%swap3A_1040, %swap3A_1041], %mul3A_1039 {strides = array<i32>} : memref<128x128xf32, #tpu.memory_space<vmem>>, vector<16xf32>,
          %slice3A_1043 = vector.extract_strided_slice %gather3A {offsets = [13], sizes = [1], strides = [1]} : vector<16xf32> to vector<1xf32>
          %squeeze3A_1044 = vector.extract %slice3A_1043[0] : f32 from vector<1xf32>
          %mul3A_1045 = arith.constant 16 : i32
          %mul3A_1046 = arith.muli %scan3A_130, %mul3A_1045 : i32
          %add3A_1047 = arith.constant 13 : i32
          %add3A_1048 = arith.addi %mul3A_1046, %add3A_1047 : i32
          %get3A_1049 = arith.index_cast %add3A_1048 : i32 to index
          %get3A_1050 = arith.constant 0 : index
          %get3A_1051 = tpu.vector_load %arg11[%get3A_1049, %get3A_1050] {strides = array<i32>} : memref<128x128xf32, #tpu.memory_space<vmem>>, vector<16xf32>,
          %mul3A_1052 = vector.broadcast %squeeze3A_1044 : f32 to vector<16xf32>
          %mul3A_1053 = arith.mulf %get3A_1051, %mul3A_1052 : vector<16xf32>
          %swap3A_1054 = arith.index_cast %add3A_1048 : i32 to index
          %swap3A_1055 = arith.constant 0 : index
          %swap3A_1056 = tpu.vector_load %arg11[%swap3A_1054, %swap3A_1055] {strides = array<i32>} : memref<128x128xf32, #tpu.memory_space<vmem>>, vector<16xf32>,
          tpu.vector_store %arg11[%swap3A_1054, %swap3A_1055], %mul3A_1053 {strides = array<i32>} : memref<128x128xf32, #tpu.memory_space<vmem>>, vector<16xf32>,
          %get3A_1057 = arith.index_cast %add3A_1048 : i32 to index
          %get3A_1058 = arith.constant 16 : index
          %get3A_1059 = tpu.vector_load %arg11[%get3A_1057, %get3A_1058] {strides = array<i32>} : memref<128x128xf32, #tpu.memory_space<vmem>>, vector<16xf32>,
          %mul3A_1060 = vector.broadcast %squeeze3A_1044 : f32 to vector<16xf32>
          %mul3A_1061 = arith.mulf %get3A_1059, %mul3A_1060 : vector<16xf32>
          %swap3A_1062 = arith.index_cast %add3A_1048 : i32 to index
          %swap3A_1063 = arith.constant 16 : index
          %swap3A_1064 = tpu.vector_load %arg11[%swap3A_1062, %swap3A_1063] {strides = array<i32>} : memref<128x128xf32, #tpu.memory_space<vmem>>, vector<16xf32>,
          tpu.vector_store %arg11[%swap3A_1062, %swap3A_1063], %mul3A_1061 {strides = array<i32>} : memref<128x128xf32, #tpu.memory_space<vmem>>, vector<16xf32>,
          %get3A_1065 = arith.index_cast %add3A_1048 : i32 to index
          %get3A_1066 = arith.constant 32 : index
          %get3A_1067 = tpu.vector_load %arg11[%get3A_1065, %get3A_1066] {strides = array<i32>} : memref<128x128xf32, #tpu.memory_space<vmem>>, vector<16xf32>,
          %mul3A_1068 = vector.broadcast %squeeze3A_1044 : f32 to vector<16xf32>
          %mul3A_1069 = arith.mulf %get3A_1067, %mul3A_1068 : vector<16xf32>
          %swap3A_1070 = arith.index_cast %add3A_1048 : i32 to index
          %swap3A_1071 = arith.constant 32 : index
          %swap3A_1072 = tpu.vector_load %arg11[%swap3A_1070, %swap3A_1071] {strides = array<i32>} : memref<128x128xf32, #tpu.memory_space<vmem>>, vector<16xf32>,
          tpu.vector_store %arg11[%swap3A_1070, %swap3A_1071], %mul3A_1069 {strides = array<i32>} : memref<128x128xf32, #tpu.memory_space<vmem>>, vector<16xf32>,
          %get3A_1073 = arith.index_cast %add3A_1048 : i32 to index
          %get3A_1074 = arith.constant 48 : index
          %get3A_1075 = tpu.vector_load %arg11[%get3A_1073, %get3A_1074] {strides = array<i32>} : memref<128x128xf32, #tpu.memory_space<vmem>>, vector<16xf32>,
          %mul3A_1076 = vector.broadcast %squeeze3A_1044 : f32 to vector<16xf32>
          %mul3A_1077 = arith.mulf %get3A_1075, %mul3A_1076 : vector<16xf32>
          %swap3A_1078 = arith.index_cast %add3A_1048 : i32 to index
          %swap3A_1079 = arith.constant 48 : index
          %swap3A_1080 = tpu.vector_load %arg11[%swap3A_1078, %swap3A_1079] {strides = array<i32>} : memref<128x128xf32, #tpu.memory_space<vmem>>, vector<16xf32>,
          tpu.vector_store %arg11[%swap3A_1078, %swap3A_1079], %mul3A_1077 {strides = array<i32>} : memref<128x128xf32, #tpu.memory_space<vmem>>, vector<16xf32>,
          %get3A_1081 = arith.index_cast %add3A_1048 : i32 to index
          %get3A_1082 = arith.constant 64 : index
          %get3A_1083 = tpu.vector_load %arg11[%get3A_1081, %get3A_1082] {strides = array<i32>} : memref<128x128xf32, #tpu.memory_space<vmem>>, vector<16xf32>,
          %mul3A_1084 = vector.broadcast %squeeze3A_1044 : f32 to vector<16xf32>
          %mul3A_1085 = arith.mulf %get3A_1083, %mul3A_1084 : vector<16xf32>
          %swap3A_1086 = arith.index_cast %add3A_1048 : i32 to index
          %swap3A_1087 = arith.constant 64 : index
          %swap3A_1088 = tpu.vector_load %arg11[%swap3A_1086, %swap3A_1087] {strides = array<i32>} : memref<128x128xf32, #tpu.memory_space<vmem>>, vector<16xf32>,
          tpu.vector_store %arg11[%swap3A_1086, %swap3A_1087], %mul3A_1085 {strides = array<i32>} : memref<128x128xf32, #tpu.memory_space<vmem>>, vector<16xf32>,
          %get3A_1089 = arith.index_cast %add3A_1048 : i32 to index
          %get3A_1090 = arith.constant 80 : index
          %get3A_1091 = tpu.vector_load %arg11[%get3A_1089, %get3A_1090] {strides = array<i32>} : memref<128x128xf32, #tpu.memory_space<vmem>>, vector<16xf32>,
          %mul3A_1092 = vector.broadcast %squeeze3A_1044 : f32 to vector<16xf32>
          %mul3A_1093 = arith.mulf %get3A_1091, %mul3A_1092 : vector<16xf32>
          %swap3A_1094 = arith.index_cast %add3A_1048 : i32 to index
          %swap3A_1095 = arith.constant 80 : index
          %swap3A_1096 = tpu.vector_load %arg11[%swap3A_1094, %swap3A_1095] {strides = array<i32>} : memref<128x128xf32, #tpu.memory_space<vmem>>, vector<16xf32>,
          tpu.vector_store %arg11[%swap3A_1094, %swap3A_1095], %mul3A_1093 {strides = array<i32>} : memref<128x128xf32, #tpu.memory_space<vmem>>, vector<16xf32>,
          %get3A_1097 = arith.index_cast %add3A_1048 : i32 to index
          %get3A_1098 = arith.constant 96 : index
          %get3A_1099 = tpu.vector_load %arg11[%get3A_1097, %get3A_1098] {strides = array<i32>} : memref<128x128xf32, #tpu.memory_space<vmem>>, vector<16xf32>,
          %mul3A_1100 = vector.broadcast %squeeze3A_1044 : f32 to vector<16xf32>
          %mul3A_1101 = arith.mulf %get3A_1099, %mul3A_1100 : vector<16xf32>
          %swap3A_1102 = arith.index_cast %add3A_1048 : i32 to index
          %swap3A_1103 = arith.constant 96 : index
          %swap3A_1104 = tpu.vector_load %arg11[%swap3A_1102, %swap3A_1103] {strides = array<i32>} : memref<128x128xf32, #tpu.memory_space<vmem>>, vector<16xf32>,
          tpu.vector_store %arg11[%swap3A_1102, %swap3A_1103], %mul3A_1101 {strides = array<i32>} : memref<128x128xf32, #tpu.memory_space<vmem>>, vector<16xf32>,
          %get3A_1105 = arith.index_cast %add3A_1048 : i32 to index
          %get3A_1106 = arith.constant 112 : index
          %get3A_1107 = tpu.vector_load %arg11[%get3A_1105, %get3A_1106] {strides = array<i32>} : memref<128x128xf32, #tpu.memory_space<vmem>>, vector<16xf32>,
          %mul3A_1108 = vector.broadcast %squeeze3A_1044 : f32 to vector<16xf32>
          %mul3A_1109 = arith.mulf %get3A_1107, %mul3A_1108 : vector<16xf32>
          %swap3A_1110 = arith.index_cast %add3A_1048 : i32 to index
          %swap3A_1111 = arith.constant 112 : index
          %swap3A_1112 = tpu.vector_load %arg11[%swap3A_1110, %swap3A_1111] {strides = array<i32>} : memref<128x128xf32, #tpu.memory_space<vmem>>, vector<16xf32>,
          tpu.vector_store %arg11[%swap3A_1110, %swap3A_1111], %mul3A_1109 {strides = array<i32>} : memref<128x128xf32, #tpu.memory_space<vmem>>, vector<16xf32>,
          %slice3A_1113 = vector.extract_strided_slice %gather3A {offsets = [14], sizes = [1], strides = [1]} : vector<16xf32> to vector<1xf32>
          %squeeze3A_1114 = vector.extract %slice3A_1113[0] : f32 from vector<1xf32>
          %mul3A_1115 = arith.constant 16 : i32
          %mul3A_1116 = arith.muli %scan3A_130, %mul3A_1115 : i32
          %add3A_1117 = arith.constant 14 : i32
          %add3A_1118 = arith.addi %mul3A_1116, %add3A_1117 : i32
          %get3A_1119 = arith.index_cast %add3A_1118 : i32 to index
          %get3A_1120 = arith.constant 0 : index
          %get3A_1121 = tpu.vector_load %arg11[%get3A_1119, %get3A_1120] {strides = array<i32>} : memref<128x128xf32, #tpu.memory_space<vmem>>, vector<16xf32>,
          %mul3A_1122 = vector.broadcast %squeeze3A_1114 : f32 to vector<16xf32>
          %mul3A_1123 = arith.mulf %get3A_1121, %mul3A_1122 : vector<16xf32>
          %swap3A_1124 = arith.index_cast %add3A_1118 : i32 to index
          %swap3A_1125 = arith.constant 0 : index
          %swap3A_1126 = tpu.vector_load %arg11[%swap3A_1124, %swap3A_1125] {strides = array<i32>} : memref<128x128xf32, #tpu.memory_space<vmem>>, vector<16xf32>,
          tpu.vector_store %arg11[%swap3A_1124, %swap3A_1125], %mul3A_1123 {strides = array<i32>} : memref<128x128xf32, #tpu.memory_space<vmem>>, vector<16xf32>,
          %get3A_1127 = arith.index_cast %add3A_1118 : i32 to index
          %get3A_1128 = arith.constant 16 : index
          %get3A_1129 = tpu.vector_load %arg11[%get3A_1127, %get3A_1128] {strides = array<i32>} : memref<128x128xf32, #tpu.memory_space<vmem>>, vector<16xf32>,
          %mul3A_1130 = vector.broadcast %squeeze3A_1114 : f32 to vector<16xf32>
          %mul3A_1131 = arith.mulf %get3A_1129, %mul3A_1130 : vector<16xf32>
          %swap3A_1132 = arith.index_cast %add3A_1118 : i32 to index
          %swap3A_1133 = arith.constant 16 : index
          %swap3A_1134 = tpu.vector_load %arg11[%swap3A_1132, %swap3A_1133] {strides = array<i32>} : memref<128x128xf32, #tpu.memory_space<vmem>>, vector<16xf32>,
          tpu.vector_store %arg11[%swap3A_1132, %swap3A_1133], %mul3A_1131 {strides = array<i32>} : memref<128x128xf32, #tpu.memory_space<vmem>>, vector<16xf32>,
          %get3A_1135 = arith.index_cast %add3A_1118 : i32 to index
          %get3A_1136 = arith.constant 32 : index
          %get3A_1137 = tpu.vector_load %arg11[%get3A_1135, %get3A_1136] {strides = array<i32>} : memref<128x128xf32, #tpu.memory_space<vmem>>, vector<16xf32>,
          %mul3A_1138 = vector.broadcast %squeeze3A_1114 : f32 to vector<16xf32>
          %mul3A_1139 = arith.mulf %get3A_1137, %mul3A_1138 : vector<16xf32>
          %swap3A_1140 = arith.index_cast %add3A_1118 : i32 to index
          %swap3A_1141 = arith.constant 32 : index
          %swap3A_1142 = tpu.vector_load %arg11[%swap3A_1140, %swap3A_1141] {strides = array<i32>} : memref<128x128xf32, #tpu.memory_space<vmem>>, vector<16xf32>,
          tpu.vector_store %arg11[%swap3A_1140, %swap3A_1141], %mul3A_1139 {strides = array<i32>} : memref<128x128xf32, #tpu.memory_space<vmem>>, vector<16xf32>,
          %get3A_1143 = arith.index_cast %add3A_1118 : i32 to index
          %get3A_1144 = arith.constant 48 : index
          %get3A_1145 = tpu.vector_load %arg11[%get3A_1143, %get3A_1144] {strides = array<i32>} : memref<128x128xf32, #tpu.memory_space<vmem>>, vector<16xf32>,
          %mul3A_1146 = vector.broadcast %squeeze3A_1114 : f32 to vector<16xf32>
          %mul3A_1147 = arith.mulf %get3A_1145, %mul3A_1146 : vector<16xf32>
          %swap3A_1148 = arith.index_cast %add3A_1118 : i32 to index
          %swap3A_1149 = arith.constant 48 : index
          %swap3A_1150 = tpu.vector_load %arg11[%swap3A_1148, %swap3A_1149] {strides = array<i32>} : memref<128x128xf32, #tpu.memory_space<vmem>>, vector<16xf32>,
          tpu.vector_store %arg11[%swap3A_1148, %swap3A_1149], %mul3A_1147 {strides = array<i32>} : memref<128x128xf32, #tpu.memory_space<vmem>>, vector<16xf32>,
          %get3A_1151 = arith.index_cast %add3A_1118 : i32 to index
          %get3A_1152 = arith.constant 64 : index
          %get3A_1153 = tpu.vector_load %arg11[%get3A_1151, %get3A_1152] {strides = array<i32>} : memref<128x128xf32, #tpu.memory_space<vmem>>, vector<16xf32>,
          %mul3A_1154 = vector.broadcast %squeeze3A_1114 : f32 to vector<16xf32>
          %mul3A_1155 = arith.mulf %get3A_1153, %mul3A_1154 : vector<16xf32>
          %swap3A_1156 = arith.index_cast %add3A_1118 : i32 to index
          %swap3A_1157 = arith.constant 64 : index
          %swap3A_1158 = tpu.vector_load %arg11[%swap3A_1156, %swap3A_1157] {strides = array<i32>} : memref<128x128xf32, #tpu.memory_space<vmem>>, vector<16xf32>,
          tpu.vector_store %arg11[%swap3A_1156, %swap3A_1157], %mul3A_1155 {strides = array<i32>} : memref<128x128xf32, #tpu.memory_space<vmem>>, vector<16xf32>,
          %get3A_1159 = arith.index_cast %add3A_1118 : i32 to index
          %get3A_1160 = arith.constant 80 : index
          %get3A_1161 = tpu.vector_load %arg11[%get3A_1159, %get3A_1160] {strides = array<i32>} : memref<128x128xf32, #tpu.memory_space<vmem>>, vector<16xf32>,
          %mul3A_1162 = vector.broadcast %squeeze3A_1114 : f32 to vector<16xf32>
          %mul3A_1163 = arith.mulf %get3A_1161, %mul3A_1162 : vector<16xf32>
          %swap3A_1164 = arith.index_cast %add3A_1118 : i32 to index
          %swap3A_1165 = arith.constant 80 : index
          %swap3A_1166 = tpu.vector_load %arg11[%swap3A_1164, %swap3A_1165] {strides = array<i32>} : memref<128x128xf32, #tpu.memory_space<vmem>>, vector<16xf32>,
          tpu.vector_store %arg11[%swap3A_1164, %swap3A_1165], %mul3A_1163 {strides = array<i32>} : memref<128x128xf32, #tpu.memory_space<vmem>>, vector<16xf32>,
          %get3A_1167 = arith.index_cast %add3A_1118 : i32 to index
          %get3A_1168 = arith.constant 96 : index
          %get3A_1169 = tpu.vector_load %arg11[%get3A_1167, %get3A_1168] {strides = array<i32>} : memref<128x128xf32, #tpu.memory_space<vmem>>, vector<16xf32>,
          %mul3A_1170 = vector.broadcast %squeeze3A_1114 : f32 to vector<16xf32>
          %mul3A_1171 = arith.mulf %get3A_1169, %mul3A_1170 : vector<16xf32>
          %swap3A_1172 = arith.index_cast %add3A_1118 : i32 to index
          %swap3A_1173 = arith.constant 96 : index
          %swap3A_1174 = tpu.vector_load %arg11[%swap3A_1172, %swap3A_1173] {strides = array<i32>} : memref<128x128xf32, #tpu.memory_space<vmem>>, vector<16xf32>,
          tpu.vector_store %arg11[%swap3A_1172, %swap3A_1173], %mul3A_1171 {strides = array<i32>} : memref<128x128xf32, #tpu.memory_space<vmem>>, vector<16xf32>,
          %get3A_1175 = arith.index_cast %add3A_1118 : i32 to index
          %get3A_1176 = arith.constant 112 : index
          %get3A_1177 = tpu.vector_load %arg11[%get3A_1175, %get3A_1176] {strides = array<i32>} : memref<128x128xf32, #tpu.memory_space<vmem>>, vector<16xf32>,
          %mul3A_1178 = vector.broadcast %squeeze3A_1114 : f32 to vector<16xf32>
          %mul3A_1179 = arith.mulf %get3A_1177, %mul3A_1178 : vector<16xf32>
          %swap3A_1180 = arith.index_cast %add3A_1118 : i32 to index
          %swap3A_1181 = arith.constant 112 : index
          %swap3A_1182 = tpu.vector_load %arg11[%swap3A_1180, %swap3A_1181] {strides = array<i32>} : memref<128x128xf32, #tpu.memory_space<vmem>>, vector<16xf32>,
          tpu.vector_store %arg11[%swap3A_1180, %swap3A_1181], %mul3A_1179 {strides = array<i32>} : memref<128x128xf32, #tpu.memory_space<vmem>>, vector<16xf32>,
          %slice3A_1183 = vector.extract_strided_slice %gather3A {offsets = [15], sizes = [1], strides = [1]} : vector<16xf32> to vector<1xf32>
          %squeeze3A_1184 = vector.extract %slice3A_1183[0] : f32 from vector<1xf32>
          %mul3A_1185 = arith.constant 16 : i32
          %mul3A_1186 = arith.muli %scan3A_130, %mul3A_1185 : i32
          %add3A_1187 = arith.constant 15 : i32
          %add3A_1188 = arith.addi %mul3A_1186, %add3A_1187 : i32
          %get3A_1189 = arith.index_cast %add3A_1188 : i32 to index
          %get3A_1190 = arith.constant 0 : index
          %get3A_1191 = tpu.vector_load %arg11[%get3A_1189, %get3A_1190] {strides = array<i32>} : memref<128x128xf32, #tpu.memory_space<vmem>>, vector<16xf32>,
          %mul3A_1192 = vector.broadcast %squeeze3A_1184 : f32 to vector<16xf32>
          %mul3A_1193 = arith.mulf %get3A_1191, %mul3A_1192 : vector<16xf32>
          %swap3A_1194 = arith.index_cast %add3A_1188 : i32 to index
          %swap3A_1195 = arith.constant 0 : index
          %swap3A_1196 = tpu.vector_load %arg11[%swap3A_1194, %swap3A_1195] {strides = array<i32>} : memref<128x128xf32, #tpu.memory_space<vmem>>, vector<16xf32>,
          tpu.vector_store %arg11[%swap3A_1194, %swap3A_1195], %mul3A_1193 {strides = array<i32>} : memref<128x128xf32, #tpu.memory_space<vmem>>, vector<16xf32>,
          %get3A_1197 = arith.index_cast %add3A_1188 : i32 to index
          %get3A_1198 = arith.constant 16 : index
          %get3A_1199 = tpu.vector_load %arg11[%get3A_1197, %get3A_1198] {strides = array<i32>} : memref<128x128xf32, #tpu.memory_space<vmem>>, vector<16xf32>,
          %mul3A_1200 = vector.broadcast %squeeze3A_1184 : f32 to vector<16xf32>
          %mul3A_1201 = arith.mulf %get3A_1199, %mul3A_1200 : vector<16xf32>
          %swap3A_1202 = arith.index_cast %add3A_1188 : i32 to index
          %swap3A_1203 = arith.constant 16 : index
          %swap3A_1204 = tpu.vector_load %arg11[%swap3A_1202, %swap3A_1203] {strides = array<i32>} : memref<128x128xf32, #tpu.memory_space<vmem>>, vector<16xf32>,
          tpu.vector_store %arg11[%swap3A_1202, %swap3A_1203], %mul3A_1201 {strides = array<i32>} : memref<128x128xf32, #tpu.memory_space<vmem>>, vector<16xf32>,
          %get3A_1205 = arith.index_cast %add3A_1188 : i32 to index
          %get3A_1206 = arith.constant 32 : index
          %get3A_1207 = tpu.vector_load %arg11[%get3A_1205, %get3A_1206] {strides = array<i32>} : memref<128x128xf32, #tpu.memory_space<vmem>>, vector<16xf32>,
          %mul3A_1208 = vector.broadcast %squeeze3A_1184 : f32 to vector<16xf32>
          %mul3A_1209 = arith.mulf %get3A_1207, %mul3A_1208 : vector<16xf32>
          %swap3A_1210 = arith.index_cast %add3A_1188 : i32 to index
          %swap3A_1211 = arith.constant 32 : index
          %swap3A_1212 = tpu.vector_load %arg11[%swap3A_1210, %swap3A_1211] {strides = array<i32>} : memref<128x128xf32, #tpu.memory_space<vmem>>, vector<16xf32>,
          tpu.vector_store %arg11[%swap3A_1210, %swap3A_1211], %mul3A_1209 {strides = array<i32>} : memref<128x128xf32, #tpu.memory_space<vmem>>, vector<16xf32>,
          %get3A_1213 = arith.index_cast %add3A_1188 : i32 to index
          %get3A_1214 = arith.constant 48 : index
          %get3A_1215 = tpu.vector_load %arg11[%get3A_1213, %get3A_1214] {strides = array<i32>} : memref<128x128xf32, #tpu.memory_space<vmem>>, vector<16xf32>,
          %mul3A_1216 = vector.broadcast %squeeze3A_1184 : f32 to vector<16xf32>
          %mul3A_1217 = arith.mulf %get3A_1215, %mul3A_1216 : vector<16xf32>
          %swap3A_1218 = arith.index_cast %add3A_1188 : i32 to index
          %swap3A_1219 = arith.constant 48 : index
          %swap3A_1220 = tpu.vector_load %arg11[%swap3A_1218, %swap3A_1219] {strides = array<i32>} : memref<128x128xf32, #tpu.memory_space<vmem>>, vector<16xf32>,
          tpu.vector_store %arg11[%swap3A_1218, %swap3A_1219], %mul3A_1217 {strides = array<i32>} : memref<128x128xf32, #tpu.memory_space<vmem>>, vector<16xf32>,
          %get3A_1221 = arith.index_cast %add3A_1188 : i32 to index
          %get3A_1222 = arith.constant 64 : index
          %get3A_1223 = tpu.vector_load %arg11[%get3A_1221, %get3A_1222] {strides = array<i32>} : memref<128x128xf32, #tpu.memory_space<vmem>>, vector<16xf32>,
          %mul3A_1224 = vector.broadcast %squeeze3A_1184 : f32 to vector<16xf32>
          %mul3A_1225 = arith.mulf %get3A_1223, %mul3A_1224 : vector<16xf32>
          %swap3A_1226 = arith.index_cast %add3A_1188 : i32 to index
          %swap3A_1227 = arith.constant 64 : index
          %swap3A_1228 = tpu.vector_load %arg11[%swap3A_1226, %swap3A_1227] {strides = array<i32>} : memref<128x128xf32, #tpu.memory_space<vmem>>, vector<16xf32>,
          tpu.vector_store %arg11[%swap3A_1226, %swap3A_1227], %mul3A_1225 {strides = array<i32>} : memref<128x128xf32, #tpu.memory_space<vmem>>, vector<16xf32>,
          %get3A_1229 = arith.index_cast %add3A_1188 : i32 to index
          %get3A_1230 = arith.constant 80 : index
          %get3A_1231 = tpu.vector_load %arg11[%get3A_1229, %get3A_1230] {strides = array<i32>} : memref<128x128xf32, #tpu.memory_space<vmem>>, vector<16xf32>,
          %mul3A_1232 = vector.broadcast %squeeze3A_1184 : f32 to vector<16xf32>
          %mul3A_1233 = arith.mulf %get3A_1231, %mul3A_1232 : vector<16xf32>
          %swap3A_1234 = arith.index_cast %add3A_1188 : i32 to index
          %swap3A_1235 = arith.constant 80 : index
          %swap3A_1236 = tpu.vector_load %arg11[%swap3A_1234, %swap3A_1235] {strides = array<i32>} : memref<128x128xf32, #tpu.memory_space<vmem>>, vector<16xf32>,
          tpu.vector_store %arg11[%swap3A_1234, %swap3A_1235], %mul3A_1233 {strides = array<i32>} : memref<128x128xf32, #tpu.memory_space<vmem>>, vector<16xf32>,
          %get3A_1237 = arith.index_cast %add3A_1188 : i32 to index
          %get3A_1238 = arith.constant 96 : index
          %get3A_1239 = tpu.vector_load %arg11[%get3A_1237, %get3A_1238] {strides = array<i32>} : memref<128x128xf32, #tpu.memory_space<vmem>>, vector<16xf32>,
          %mul3A_1240 = vector.broadcast %squeeze3A_1184 : f32 to vector<16xf32>
          %mul3A_1241 = arith.mulf %get3A_1239, %mul3A_1240 : vector<16xf32>
          %swap3A_1242 = arith.index_cast %add3A_1188 : i32 to index
          %swap3A_1243 = arith.constant 96 : index
          %swap3A_1244 = tpu.vector_load %arg11[%swap3A_1242, %swap3A_1243] {strides = array<i32>} : memref<128x128xf32, #tpu.memory_space<vmem>>, vector<16xf32>,
          tpu.vector_store %arg11[%swap3A_1242, %swap3A_1243], %mul3A_1241 {strides = array<i32>} : memref<128x128xf32, #tpu.memory_space<vmem>>, vector<16xf32>,
          %get3A_1245 = arith.index_cast %add3A_1188 : i32 to index
          %get3A_1246 = arith.constant 112 : index
          %get3A_1247 = tpu.vector_load %arg11[%get3A_1245, %get3A_1246] {strides = array<i32>} : memref<128x128xf32, #tpu.memory_space<vmem>>, vector<16xf32>,
          %mul3A_1248 = vector.broadcast %squeeze3A_1184 : f32 to vector<16xf32>
          %mul3A_1249 = arith.mulf %get3A_1247, %mul3A_1248 : vector<16xf32>
          %swap3A_1250 = arith.index_cast %add3A_1188 : i32 to index
          %swap3A_1251 = arith.constant 112 : index
          %swap3A_1252 = tpu.vector_load %arg11[%swap3A_1250, %swap3A_1251] {strides = array<i32>} : memref<128x128xf32, #tpu.memory_space<vmem>>, vector<16xf32>,
          tpu.vector_store %arg11[%swap3A_1250, %swap3A_1251], %mul3A_1249 {strides = array<i32>} : memref<128x128xf32, #tpu.memory_space<vmem>>, vector<16xf32>,
          %scan3A_1253 = arith.constant 0 : i32
          scf.yield %scan3A_1253 : i32
        }
        %scan3A_89 = arith.constant 8 : i32
        %dma_start3A_90 = arith.constant 0 : i32
        %dma_start3A_91 = tpu.memref_slice %arg9[%add3A_66, %dma_start3A_90] : memref<32x128xi32, #tpu.memory_space<vmem>> -> memref<1x128xi32, #tpu.memory_space<vmem>>
        %dma_start3A_92 = tpu.memref_squeeze %dma_start3A_91 : memref<1x128xi32, #tpu.memory_space<vmem>> -> memref<128xi32, #tpu.memory_space<vmem>>
        %dma_start3A_93 = arith.constant 0 : i32
        %dma_start3A_94 = arith.constant 0 : i32
        %dma_start3A_95 = tpu.memref_slice %arg14[%dma_start3A_93, %dma_start3A_94] : memref<10000x128xf32, #tpu.memory_space<vmem_shared>> -> memref<10000x128xf32, #tpu.memory_space<vmem_shared>>
        tpu.enqueue_indirect_dma source(%arg11 : memref<128x128xf32, #tpu.memory_space<vmem>>) target(%dma_start3A_95 : memref<10000x128xf32, #tpu.memory_space<vmem_shared>>) offsets(%dma_start3A_92 : memref<128xi32, #tpu.memory_space<vmem>>) semaphore(%arg16 : memref<!tpu.dma_semaphore, #tpu.memory_space<semaphore_mem>>) {add = true}
        %add3A_96 = arith.constant 1 : i32
        %add3A_97 = arith.addi %mul3A_64, %add3A_96 : i32
        %gt3A_98 = arith.constant 0 : i32
        %gt3A_99 = arith.cmpi sgt, %add3A_97, %gt3A_98 : i32
        %convert_element_type3A_100 = arith.extui %gt3A_99 : i1 to i32
        %cond3A_101 = arith.constant 0 : i32
        %cond3A_102 = arith.cmpi ne, %convert_element_type3A_100, %cond3A_101 : i32
        scf.if %cond3A_102 {
          %dma_wait3A_130 = arith.constant 0 : i32
          %dma_wait3A_131 = tpu.memref_slice %arg9[%add3A_97, %dma_wait3A_130] : memref<32x128xi32, #tpu.memory_space<vmem>> -> memref<1x128xi32, #tpu.memory_space<vmem>>
          %dma_wait3A_132 = tpu.memref_squeeze %dma_wait3A_131 : memref<1x128xi32, #tpu.memory_space<vmem>> -> memref<128xi32, #tpu.memory_space<vmem>>
          %dma_wait3A_133 = arith.constant 0 : i32
          %dma_wait3A_134 = arith.constant 0 : i32
          %dma_wait3A_135 = tpu.memref_slice %arg14[%dma_wait3A_133, %dma_wait3A_134] : memref<10000x128xf32, #tpu.memory_space<vmem_shared>> -> memref<10000x128xf32, #tpu.memory_space<vmem_shared>>
          tpu.wait_indirect_dma semaphore(%arg16 : memref<!tpu.dma_semaphore, #tpu.memory_space<semaphore_mem>>) src(%arg11 : memref<128x128xf32, #tpu.memory_space<vmem>>) dst(%dma_wait3A_135 : memref<10000x128xf32, #tpu.memory_space<vmem_shared>>)
        } else {
        }
        %add3A_103 = arith.constant 1 : i32
        %add3A_104 = arith.addi %add3A_97, %add3A_103 : i32
        %lt3A_105 = arith.constant 32 : i32
        %lt3A_106 = arith.cmpi slt, %add3A_104, %lt3A_105 : i32
        %convert_element_type3A_107 = arith.extui %lt3A_106 : i1 to i32
        %cond3A_108 = arith.constant 0 : i32
        %cond3A_109 = arith.cmpi ne, %convert_element_type3A_107, %cond3A_108 : i32
        scf.if %cond3A_109 {
          %add3A_130 = arith.constant 1 : i32
          %add3A_131 = arith.addi %add3A_97, %add3A_130 : i32
          %dma_start3A_132 = arith.constant 0 : i32
          %dma_start3A_133 = tpu.memref_slice %arg8[%add3A_131, %dma_start3A_132] : memref<32x128xi32, #tpu.memory_space<vmem>> -> memref<1x128xi32, #tpu.memory_space<vmem>>
          %dma_start3A_134 = tpu.memref_squeeze %dma_start3A_133 : memref<1x128xi32, #tpu.memory_space<vmem>> -> memref<128xi32, #tpu.memory_space<vmem>>
          %dma_start3A_135 = arith.constant 0 : i32
          %dma_start3A_136 = arith.constant 0 : i32
          %dma_start3A_137 = tpu.memref_slice %arg2[%dma_start3A_135, %dma_start3A_136] : memref<10000x128xf32, #tpu.memory_space<hbm>> -> memref<10000x128xf32, #tpu.memory_space<hbm>>
          tpu.enqueue_indirect_dma source(%dma_start3A_137 : memref<10000x128xf32, #tpu.memory_space<hbm>>) target(%arg11 : memref<128x128xf32, #tpu.memory_space<vmem>>) offsets(%dma_start3A_134 : memref<128xi32, #tpu.memory_space<vmem>>) semaphore(%arg15 : memref<!tpu.dma_semaphore, #tpu.memory_space<semaphore_mem>>)
        } else {
        }
        %dma_wait3A_110 = arith.constant 0 : i32
        %dma_wait3A_111 = tpu.memref_slice %arg8[%add3A_97, %dma_wait3A_110] : memref<32x128xi32, #tpu.memory_space<vmem>> -> memref<1x128xi32, #tpu.memory_space<vmem>>
        %dma_wait3A_112 = tpu.memref_squeeze %dma_wait3A_111 : memref<1x128xi32, #tpu.memory_space<vmem>> -> memref<128xi32, #tpu.memory_space<vmem>>
        %dma_wait3A_113 = arith.constant 0 : i32
        %dma_wait3A_114 = arith.constant 0 : i32
        %dma_wait3A_115 = tpu.memref_slice %arg2[%dma_wait3A_113, %dma_wait3A_114] : memref<10000x128xf32, #tpu.memory_space<hbm>> -> memref<10000x128xf32, #tpu.memory_space<hbm>>
        tpu.wait_indirect_dma semaphore(%arg15 : memref<!tpu.dma_semaphore, #tpu.memory_space<semaphore_mem>>) src(%dma_wait3A_115 : memref<10000x128xf32, #tpu.memory_space<hbm>>) dst(%arg12 : memref<128x128xf32, #tpu.memory_space<vmem>>)
        %scan3A_116 = arith.constant 0 : i32
        %scan3A_117 = arith.constant 0 : i32
        %scan3A_118 = arith.constant 8 : i32
        %scan3A_119 = arith.addi %scan3A_117, %scan3A_118 : i32
        %scan3A_120 = arith.constant 1 : i32
        %scan3A_121 = scf.for %scan3A_130 = %scan3A_117 to %scan3A_119 step %scan3A_120 iter_args(%scan3A_131 = %scan3A_116) -> (i32)  : i32 {
          %mul3A_132 = arith.constant 16 : i32
          %mul3A_133 = arith.muli %scan3A_130, %mul3A_132 : i32
          %get3A = arith.index_cast %add3A_97 : i32 to index
          %get3A_134 = arith.index_cast %mul3A_133 : i32 to index
          %get3A_135 = tpu.vector_load %arg10[%get3A, %get3A_134] {strides = array<i32>} : memref<32x128xi32, #tpu.memory_space<vmem>>, vector<16xi32>,
          %gather3A = tpu.vector_load_idx %arg13[%get3A_135] : memref<416xf32, #tpu.memory_space<vmem>>[vector<16xi32>], vector<16xf32>,
          %slice3A = vector.extract_strided_slice %gather3A {offsets = [0], sizes = [1], strides = [1]} : vector<16xf32> to vector<1xf32>
          %squeeze3A = vector.extract %slice3A[0] : f32 from vector<1xf32>
          %mul3A_136 = arith.constant 16 : i32
          %mul3A_137 = arith.muli %scan3A_130, %mul3A_136 : i32
          %add3A_138 = arith.constant 0 : i32
          %add3A_139 = arith.addi %mul3A_137, %add3A_138 : i32
          %get3A_140 = arith.index_cast %add3A_139 : i32 to index
          %get3A_141 = arith.constant 0 : index
          %get3A_142 = tpu.vector_load %arg12[%get3A_140, %get3A_141] {strides = array<i32>} : memref<128x128xf32, #tpu.memory_space<vmem>>, vector<16xf32>,
          %mul3A_143 = vector.broadcast %squeeze3A : f32 to vector<16xf32>
          %mul3A_144 = arith.mulf %get3A_142, %mul3A_143 : vector<16xf32>
          %swap3A = arith.index_cast %add3A_139 : i32 to index
          %swap3A_145 = arith.constant 0 : index
          %swap3A_146 = tpu.vector_load %arg12[%swap3A, %swap3A_145] {strides = array<i32>} : memref<128x128xf32, #tpu.memory_space<vmem>>, vector<16xf32>,
          tpu.vector_store %arg12[%swap3A, %swap3A_145], %mul3A_144 {strides = array<i32>} : memref<128x128xf32, #tpu.memory_space<vmem>>, vector<16xf32>,
          %get3A_147 = arith.index_cast %add3A_139 : i32 to index
          %get3A_148 = arith.constant 16 : index
          %get3A_149 = tpu.vector_load %arg12[%get3A_147, %get3A_148] {strides = array<i32>} : memref<128x128xf32, #tpu.memory_space<vmem>>, vector<16xf32>,
          %mul3A_150 = vector.broadcast %squeeze3A : f32 to vector<16xf32>
          %mul3A_151 = arith.mulf %get3A_149, %mul3A_150 : vector<16xf32>
          %swap3A_152 = arith.index_cast %add3A_139 : i32 to index
          %swap3A_153 = arith.constant 16 : index
          %swap3A_154 = tpu.vector_load %arg12[%swap3A_152, %swap3A_153] {strides = array<i32>} : memref<128x128xf32, #tpu.memory_space<vmem>>, vector<16xf32>,
          tpu.vector_store %arg12[%swap3A_152, %swap3A_153], %mul3A_151 {strides = array<i32>} : memref<128x128xf32, #tpu.memory_space<vmem>>, vector<16xf32>,
          %get3A_155 = arith.index_cast %add3A_139 : i32 to index
          %get3A_156 = arith.constant 32 : index
          %get3A_157 = tpu.vector_load %arg12[%get3A_155, %get3A_156] {strides = array<i32>} : memref<128x128xf32, #tpu.memory_space<vmem>>, vector<16xf32>,
          %mul3A_158 = vector.broadcast %squeeze3A : f32 to vector<16xf32>
          %mul3A_159 = arith.mulf %get3A_157, %mul3A_158 : vector<16xf32>
          %swap3A_160 = arith.index_cast %add3A_139 : i32 to index
          %swap3A_161 = arith.constant 32 : index
          %swap3A_162 = tpu.vector_load %arg12[%swap3A_160, %swap3A_161] {strides = array<i32>} : memref<128x128xf32, #tpu.memory_space<vmem>>, vector<16xf32>,
          tpu.vector_store %arg12[%swap3A_160, %swap3A_161], %mul3A_159 {strides = array<i32>} : memref<128x128xf32, #tpu.memory_space<vmem>>, vector<16xf32>,
          %get3A_163 = arith.index_cast %add3A_139 : i32 to index
          %get3A_164 = arith.constant 48 : index
          %get3A_165 = tpu.vector_load %arg12[%get3A_163, %get3A_164] {strides = array<i32>} : memref<128x128xf32, #tpu.memory_space<vmem>>, vector<16xf32>,
          %mul3A_166 = vector.broadcast %squeeze3A : f32 to vector<16xf32>
          %mul3A_167 = arith.mulf %get3A_165, %mul3A_166 : vector<16xf32>
          %swap3A_168 = arith.index_cast %add3A_139 : i32 to index
          %swap3A_169 = arith.constant 48 : index
          %swap3A_170 = tpu.vector_load %arg12[%swap3A_168, %swap3A_169] {strides = array<i32>} : memref<128x128xf32, #tpu.memory_space<vmem>>, vector<16xf32>,
          tpu.vector_store %arg12[%swap3A_168, %swap3A_169], %mul3A_167 {strides = array<i32>} : memref<128x128xf32, #tpu.memory_space<vmem>>, vector<16xf32>,
          %get3A_171 = arith.index_cast %add3A_139 : i32 to index
          %get3A_172 = arith.constant 64 : index
          %get3A_173 = tpu.vector_load %arg12[%get3A_171, %get3A_172] {strides = array<i32>} : memref<128x128xf32, #tpu.memory_space<vmem>>, vector<16xf32>,
          %mul3A_174 = vector.broadcast %squeeze3A : f32 to vector<16xf32>
          %mul3A_175 = arith.mulf %get3A_173, %mul3A_174 : vector<16xf32>
          %swap3A_176 = arith.index_cast %add3A_139 : i32 to index
          %swap3A_177 = arith.constant 64 : index
          %swap3A_178 = tpu.vector_load %arg12[%swap3A_176, %swap3A_177] {strides = array<i32>} : memref<128x128xf32, #tpu.memory_space<vmem>>, vector<16xf32>,
          tpu.vector_store %arg12[%swap3A_176, %swap3A_177], %mul3A_175 {strides = array<i32>} : memref<128x128xf32, #tpu.memory_space<vmem>>, vector<16xf32>,
          %get3A_179 = arith.index_cast %add3A_139 : i32 to index
          %get3A_180 = arith.constant 80 : index
          %get3A_181 = tpu.vector_load %arg12[%get3A_179, %get3A_180] {strides = array<i32>} : memref<128x128xf32, #tpu.memory_space<vmem>>, vector<16xf32>,
          %mul3A_182 = vector.broadcast %squeeze3A : f32 to vector<16xf32>
          %mul3A_183 = arith.mulf %get3A_181, %mul3A_182 : vector<16xf32>
          %swap3A_184 = arith.index_cast %add3A_139 : i32 to index
          %swap3A_185 = arith.constant 80 : index
          %swap3A_186 = tpu.vector_load %arg12[%swap3A_184, %swap3A_185] {strides = array<i32>} : memref<128x128xf32, #tpu.memory_space<vmem>>, vector<16xf32>,
          tpu.vector_store %arg12[%swap3A_184, %swap3A_185], %mul3A_183 {strides = array<i32>} : memref<128x128xf32, #tpu.memory_space<vmem>>, vector<16xf32>,
          %get3A_187 = arith.index_cast %add3A_139 : i32 to index
          %get3A_188 = arith.constant 96 : index
          %get3A_189 = tpu.vector_load %arg12[%get3A_187, %get3A_188] {strides = array<i32>} : memref<128x128xf32, #tpu.memory_space<vmem>>, vector<16xf32>,
          %mul3A_190 = vector.broadcast %squeeze3A : f32 to vector<16xf32>
          %mul3A_191 = arith.mulf %get3A_189, %mul3A_190 : vector<16xf32>
          %swap3A_192 = arith.index_cast %add3A_139 : i32 to index
          %swap3A_193 = arith.constant 96 : index
          %swap3A_194 = tpu.vector_load %arg12[%swap3A_192, %swap3A_193] {strides = array<i32>} : memref<128x128xf32, #tpu.memory_space<vmem>>, vector<16xf32>,
          tpu.vector_store %arg12[%swap3A_192, %swap3A_193], %mul3A_191 {strides = array<i32>} : memref<128x128xf32, #tpu.memory_space<vmem>>, vector<16xf32>,
          %get3A_195 = arith.index_cast %add3A_139 : i32 to index
          %get3A_196 = arith.constant 112 : index
          %get3A_197 = tpu.vector_load %arg12[%get3A_195, %get3A_196] {strides = array<i32>} : memref<128x128xf32, #tpu.memory_space<vmem>>, vector<16xf32>,
          %mul3A_198 = vector.broadcast %squeeze3A : f32 to vector<16xf32>
          %mul3A_199 = arith.mulf %get3A_197, %mul3A_198 : vector<16xf32>
          %swap3A_200 = arith.index_cast %add3A_139 : i32 to index
          %swap3A_201 = arith.constant 112 : index
          %swap3A_202 = tpu.vector_load %arg12[%swap3A_200, %swap3A_201] {strides = array<i32>} : memref<128x128xf32, #tpu.memory_space<vmem>>, vector<16xf32>,
          tpu.vector_store %arg12[%swap3A_200, %swap3A_201], %mul3A_199 {strides = array<i32>} : memref<128x128xf32, #tpu.memory_space<vmem>>, vector<16xf32>,
          %slice3A_203 = vector.extract_strided_slice %gather3A {offsets = [1], sizes = [1], strides = [1]} : vector<16xf32> to vector<1xf32>
          %squeeze3A_204 = vector.extract %slice3A_203[0] : f32 from vector<1xf32>
          %mul3A_205 = arith.constant 16 : i32
          %mul3A_206 = arith.muli %scan3A_130, %mul3A_205 : i32
          %add3A_207 = arith.constant 1 : i32
          %add3A_208 = arith.addi %mul3A_206, %add3A_207 : i32
          %get3A_209 = arith.index_cast %add3A_208 : i32 to index
          %get3A_210 = arith.constant 0 : index
          %get3A_211 = tpu.vector_load %arg12[%get3A_209, %get3A_210] {strides = array<i32>} : memref<128x128xf32, #tpu.memory_space<vmem>>, vector<16xf32>,
          %mul3A_212 = vector.broadcast %squeeze3A_204 : f32 to vector<16xf32>
          %mul3A_213 = arith.mulf %get3A_211, %mul3A_212 : vector<16xf32>
          %swap3A_214 = arith.index_cast %add3A_208 : i32 to index
          %swap3A_215 = arith.constant 0 : index
          %swap3A_216 = tpu.vector_load %arg12[%swap3A_214, %swap3A_215] {strides = array<i32>} : memref<128x128xf32, #tpu.memory_space<vmem>>, vector<16xf32>,
          tpu.vector_store %arg12[%swap3A_214, %swap3A_215], %mul3A_213 {strides = array<i32>} : memref<128x128xf32, #tpu.memory_space<vmem>>, vector<16xf32>,
          %get3A_217 = arith.index_cast %add3A_208 : i32 to index
          %get3A_218 = arith.constant 16 : index
          %get3A_219 = tpu.vector_load %arg12[%get3A_217, %get3A_218] {strides = array<i32>} : memref<128x128xf32, #tpu.memory_space<vmem>>, vector<16xf32>,
          %mul3A_220 = vector.broadcast %squeeze3A_204 : f32 to vector<16xf32>
          %mul3A_221 = arith.mulf %get3A_219, %mul3A_220 : vector<16xf32>
          %swap3A_222 = arith.index_cast %add3A_208 : i32 to index
          %swap3A_223 = arith.constant 16 : index
          %swap3A_224 = tpu.vector_load %arg12[%swap3A_222, %swap3A_223] {strides = array<i32>} : memref<128x128xf32, #tpu.memory_space<vmem>>, vector<16xf32>,
          tpu.vector_store %arg12[%swap3A_222, %swap3A_223], %mul3A_221 {strides = array<i32>} : memref<128x128xf32, #tpu.memory_space<vmem>>, vector<16xf32>,
          %get3A_225 = arith.index_cast %add3A_208 : i32 to index
          %get3A_226 = arith.constant 32 : index
          %get3A_227 = tpu.vector_load %arg12[%get3A_225, %get3A_226] {strides = array<i32>} : memref<128x128xf32, #tpu.memory_space<vmem>>, vector<16xf32>,
          %mul3A_228 = vector.broadcast %squeeze3A_204 : f32 to vector<16xf32>
          %mul3A_229 = arith.mulf %get3A_227, %mul3A_228 : vector<16xf32>
          %swap3A_230 = arith.index_cast %add3A_208 : i32 to index
          %swap3A_231 = arith.constant 32 : index
          %swap3A_232 = tpu.vector_load %arg12[%swap3A_230, %swap3A_231] {strides = array<i32>} : memref<128x128xf32, #tpu.memory_space<vmem>>, vector<16xf32>,
          tpu.vector_store %arg12[%swap3A_230, %swap3A_231], %mul3A_229 {strides = array<i32>} : memref<128x128xf32, #tpu.memory_space<vmem>>, vector<16xf32>,
          %get3A_233 = arith.index_cast %add3A_208 : i32 to index
          %get3A_234 = arith.constant 48 : index
          %get3A_235 = tpu.vector_load %arg12[%get3A_233, %get3A_234] {strides = array<i32>} : memref<128x128xf32, #tpu.memory_space<vmem>>, vector<16xf32>,
          %mul3A_236 = vector.broadcast %squeeze3A_204 : f32 to vector<16xf32>
          %mul3A_237 = arith.mulf %get3A_235, %mul3A_236 : vector<16xf32>
          %swap3A_238 = arith.index_cast %add3A_208 : i32 to index
          %swap3A_239 = arith.constant 48 : index
          %swap3A_240 = tpu.vector_load %arg12[%swap3A_238, %swap3A_239] {strides = array<i32>} : memref<128x128xf32, #tpu.memory_space<vmem>>, vector<16xf32>,
          tpu.vector_store %arg12[%swap3A_238, %swap3A_239], %mul3A_237 {strides = array<i32>} : memref<128x128xf32, #tpu.memory_space<vmem>>, vector<16xf32>,
          %get3A_241 = arith.index_cast %add3A_208 : i32 to index
          %get3A_242 = arith.constant 64 : index
          %get3A_243 = tpu.vector_load %arg12[%get3A_241, %get3A_242] {strides = array<i32>} : memref<128x128xf32, #tpu.memory_space<vmem>>, vector<16xf32>,
          %mul3A_244 = vector.broadcast %squeeze3A_204 : f32 to vector<16xf32>
          %mul3A_245 = arith.mulf %get3A_243, %mul3A_244 : vector<16xf32>
          %swap3A_246 = arith.index_cast %add3A_208 : i32 to index
          %swap3A_247 = arith.constant 64 : index
          %swap3A_248 = tpu.vector_load %arg12[%swap3A_246, %swap3A_247] {strides = array<i32>} : memref<128x128xf32, #tpu.memory_space<vmem>>, vector<16xf32>,
          tpu.vector_store %arg12[%swap3A_246, %swap3A_247], %mul3A_245 {strides = array<i32>} : memref<128x128xf32, #tpu.memory_space<vmem>>, vector<16xf32>,
          %get3A_249 = arith.index_cast %add3A_208 : i32 to index
          %get3A_250 = arith.constant 80 : index
          %get3A_251 = tpu.vector_load %arg12[%get3A_249, %get3A_250] {strides = array<i32>} : memref<128x128xf32, #tpu.memory_space<vmem>>, vector<16xf32>,
          %mul3A_252 = vector.broadcast %squeeze3A_204 : f32 to vector<16xf32>
          %mul3A_253 = arith.mulf %get3A_251, %mul3A_252 : vector<16xf32>
          %swap3A_254 = arith.index_cast %add3A_208 : i32 to index
          %swap3A_255 = arith.constant 80 : index
          %swap3A_256 = tpu.vector_load %arg12[%swap3A_254, %swap3A_255] {strides = array<i32>} : memref<128x128xf32, #tpu.memory_space<vmem>>, vector<16xf32>,
          tpu.vector_store %arg12[%swap3A_254, %swap3A_255], %mul3A_253 {strides = array<i32>} : memref<128x128xf32, #tpu.memory_space<vmem>>, vector<16xf32>,
          %get3A_257 = arith.index_cast %add3A_208 : i32 to index
          %get3A_258 = arith.constant 96 : index
          %get3A_259 = tpu.vector_load %arg12[%get3A_257, %get3A_258] {strides = array<i32>} : memref<128x128xf32, #tpu.memory_space<vmem>>, vector<16xf32>,
          %mul3A_260 = vector.broadcast %squeeze3A_204 : f32 to vector<16xf32>
          %mul3A_261 = arith.mulf %get3A_259, %mul3A_260 : vector<16xf32>
          %swap3A_262 = arith.index_cast %add3A_208 : i32 to index
          %swap3A_263 = arith.constant 96 : index
          %swap3A_264 = tpu.vector_load %arg12[%swap3A_262, %swap3A_263] {strides = array<i32>} : memref<128x128xf32, #tpu.memory_space<vmem>>, vector<16xf32>,
          tpu.vector_store %arg12[%swap3A_262, %swap3A_263], %mul3A_261 {strides = array<i32>} : memref<128x128xf32, #tpu.memory_space<vmem>>, vector<16xf32>,
          %get3A_265 = arith.index_cast %add3A_208 : i32 to index
          %get3A_266 = arith.constant 112 : index
          %get3A_267 = tpu.vector_load %arg12[%get3A_265, %get3A_266] {strides = array<i32>} : memref<128x128xf32, #tpu.memory_space<vmem>>, vector<16xf32>,
          %mul3A_268 = vector.broadcast %squeeze3A_204 : f32 to vector<16xf32>
          %mul3A_269 = arith.mulf %get3A_267, %mul3A_268 : vector<16xf32>
          %swap3A_270 = arith.index_cast %add3A_208 : i32 to index
          %swap3A_271 = arith.constant 112 : index
          %swap3A_272 = tpu.vector_load %arg12[%swap3A_270, %swap3A_271] {strides = array<i32>} : memref<128x128xf32, #tpu.memory_space<vmem>>, vector<16xf32>,
          tpu.vector_store %arg12[%swap3A_270, %swap3A_271], %mul3A_269 {strides = array<i32>} : memref<128x128xf32, #tpu.memory_space<vmem>>, vector<16xf32>,
          %slice3A_273 = vector.extract_strided_slice %gather3A {offsets = [2], sizes = [1], strides = [1]} : vector<16xf32> to vector<1xf32>
          %squeeze3A_274 = vector.extract %slice3A_273[0] : f32 from vector<1xf32>
          %mul3A_275 = arith.constant 16 : i32
          %mul3A_276 = arith.muli %scan3A_130, %mul3A_275 : i32
          %add3A_277 = arith.constant 2 : i32
          %add3A_278 = arith.addi %mul3A_276, %add3A_277 : i32
          %get3A_279 = arith.index_cast %add3A_278 : i32 to index
          %get3A_280 = arith.constant 0 : index
          %get3A_281 = tpu.vector_load %arg12[%get3A_279, %get3A_280] {strides = array<i32>} : memref<128x128xf32, #tpu.memory_space<vmem>>, vector<16xf32>,
          %mul3A_282 = vector.broadcast %squeeze3A_274 : f32 to vector<16xf32>
          %mul3A_283 = arith.mulf %get3A_281, %mul3A_282 : vector<16xf32>
          %swap3A_284 = arith.index_cast %add3A_278 : i32 to index
          %swap3A_285 = arith.constant 0 : index
          %swap3A_286 = tpu.vector_load %arg12[%swap3A_284, %swap3A_285] {strides = array<i32>} : memref<128x128xf32, #tpu.memory_space<vmem>>, vector<16xf32>,
          tpu.vector_store %arg12[%swap3A_284, %swap3A_285], %mul3A_283 {strides = array<i32>} : memref<128x128xf32, #tpu.memory_space<vmem>>, vector<16xf32>,
          %get3A_287 = arith.index_cast %add3A_278 : i32 to index
          %get3A_288 = arith.constant 16 : index
          %get3A_289 = tpu.vector_load %arg12[%get3A_287, %get3A_288] {strides = array<i32>} : memref<128x128xf32, #tpu.memory_space<vmem>>, vector<16xf32>,
          %mul3A_290 = vector.broadcast %squeeze3A_274 : f32 to vector<16xf32>
          %mul3A_291 = arith.mulf %get3A_289, %mul3A_290 : vector<16xf32>
          %swap3A_292 = arith.index_cast %add3A_278 : i32 to index
          %swap3A_293 = arith.constant 16 : index
          %swap3A_294 = tpu.vector_load %arg12[%swap3A_292, %swap3A_293] {strides = array<i32>} : memref<128x128xf32, #tpu.memory_space<vmem>>, vector<16xf32>,
          tpu.vector_store %arg12[%swap3A_292, %swap3A_293], %mul3A_291 {strides = array<i32>} : memref<128x128xf32, #tpu.memory_space<vmem>>, vector<16xf32>,
          %get3A_295 = arith.index_cast %add3A_278 : i32 to index
          %get3A_296 = arith.constant 32 : index
          %get3A_297 = tpu.vector_load %arg12[%get3A_295, %get3A_296] {strides = array<i32>} : memref<128x128xf32, #tpu.memory_space<vmem>>, vector<16xf32>,
          %mul3A_298 = vector.broadcast %squeeze3A_274 : f32 to vector<16xf32>
          %mul3A_299 = arith.mulf %get3A_297, %mul3A_298 : vector<16xf32>
          %swap3A_300 = arith.index_cast %add3A_278 : i32 to index
          %swap3A_301 = arith.constant 32 : index
          %swap3A_302 = tpu.vector_load %arg12[%swap3A_300, %swap3A_301] {strides = array<i32>} : memref<128x128xf32, #tpu.memory_space<vmem>>, vector<16xf32>,
          tpu.vector_store %arg12[%swap3A_300, %swap3A_301], %mul3A_299 {strides = array<i32>} : memref<128x128xf32, #tpu.memory_space<vmem>>, vector<16xf32>,
          %get3A_303 = arith.index_cast %add3A_278 : i32 to index
          %get3A_304 = arith.constant 48 : index
          %get3A_305 = tpu.vector_load %arg12[%get3A_303, %get3A_304] {strides = array<i32>} : memref<128x128xf32, #tpu.memory_space<vmem>>, vector<16xf32>,
          %mul3A_306 = vector.broadcast %squeeze3A_274 : f32 to vector<16xf32>
          %mul3A_307 = arith.mulf %get3A_305, %mul3A_306 : vector<16xf32>
          %swap3A_308 = arith.index_cast %add3A_278 : i32 to index
          %swap3A_309 = arith.constant 48 : index
          %swap3A_310 = tpu.vector_load %arg12[%swap3A_308, %swap3A_309] {strides = array<i32>} : memref<128x128xf32, #tpu.memory_space<vmem>>, vector<16xf32>,
          tpu.vector_store %arg12[%swap3A_308, %swap3A_309], %mul3A_307 {strides = array<i32>} : memref<128x128xf32, #tpu.memory_space<vmem>>, vector<16xf32>,
          %get3A_311 = arith.index_cast %add3A_278 : i32 to index
          %get3A_312 = arith.constant 64 : index
          %get3A_313 = tpu.vector_load %arg12[%get3A_311, %get3A_312] {strides = array<i32>} : memref<128x128xf32, #tpu.memory_space<vmem>>, vector<16xf32>,
          %mul3A_314 = vector.broadcast %squeeze3A_274 : f32 to vector<16xf32>
          %mul3A_315 = arith.mulf %get3A_313, %mul3A_314 : vector<16xf32>
          %swap3A_316 = arith.index_cast %add3A_278 : i32 to index
          %swap3A_317 = arith.constant 64 : index
          %swap3A_318 = tpu.vector_load %arg12[%swap3A_316, %swap3A_317] {strides = array<i32>} : memref<128x128xf32, #tpu.memory_space<vmem>>, vector<16xf32>,
          tpu.vector_store %arg12[%swap3A_316, %swap3A_317], %mul3A_315 {strides = array<i32>} : memref<128x128xf32, #tpu.memory_space<vmem>>, vector<16xf32>,
          %get3A_319 = arith.index_cast %add3A_278 : i32 to index
          %get3A_320 = arith.constant 80 : index
          %get3A_321 = tpu.vector_load %arg12[%get3A_319, %get3A_320] {strides = array<i32>} : memref<128x128xf32, #tpu.memory_space<vmem>>, vector<16xf32>,
          %mul3A_322 = vector.broadcast %squeeze3A_274 : f32 to vector<16xf32>
          %mul3A_323 = arith.mulf %get3A_321, %mul3A_322 : vector<16xf32>
          %swap3A_324 = arith.index_cast %add3A_278 : i32 to index
          %swap3A_325 = arith.constant 80 : index
          %swap3A_326 = tpu.vector_load %arg12[%swap3A_324, %swap3A_325] {strides = array<i32>} : memref<128x128xf32, #tpu.memory_space<vmem>>, vector<16xf32>,
          tpu.vector_store %arg12[%swap3A_324, %swap3A_325], %mul3A_323 {strides = array<i32>} : memref<128x128xf32, #tpu.memory_space<vmem>>, vector<16xf32>,
          %get3A_327 = arith.index_cast %add3A_278 : i32 to index
          %get3A_328 = arith.constant 96 : index
          %get3A_329 = tpu.vector_load %arg12[%get3A_327, %get3A_328] {strides = array<i32>} : memref<128x128xf32, #tpu.memory_space<vmem>>, vector<16xf32>,
          %mul3A_330 = vector.broadcast %squeeze3A_274 : f32 to vector<16xf32>
          %mul3A_331 = arith.mulf %get3A_329, %mul3A_330 : vector<16xf32>
          %swap3A_332 = arith.index_cast %add3A_278 : i32 to index
          %swap3A_333 = arith.constant 96 : index
          %swap3A_334 = tpu.vector_load %arg12[%swap3A_332, %swap3A_333] {strides = array<i32>} : memref<128x128xf32, #tpu.memory_space<vmem>>, vector<16xf32>,
          tpu.vector_store %arg12[%swap3A_332, %swap3A_333], %mul3A_331 {strides = array<i32>} : memref<128x128xf32, #tpu.memory_space<vmem>>, vector<16xf32>,
          %get3A_335 = arith.index_cast %add3A_278 : i32 to index
          %get3A_336 = arith.constant 112 : index
          %get3A_337 = tpu.vector_load %arg12[%get3A_335, %get3A_336] {strides = array<i32>} : memref<128x128xf32, #tpu.memory_space<vmem>>, vector<16xf32>,
          %mul3A_338 = vector.broadcast %squeeze3A_274 : f32 to vector<16xf32>
          %mul3A_339 = arith.mulf %get3A_337, %mul3A_338 : vector<16xf32>
          %swap3A_340 = arith.index_cast %add3A_278 : i32 to index
          %swap3A_341 = arith.constant 112 : index
          %swap3A_342 = tpu.vector_load %arg12[%swap3A_340, %swap3A_341] {strides = array<i32>} : memref<128x128xf32, #tpu.memory_space<vmem>>, vector<16xf32>,
          tpu.vector_store %arg12[%swap3A_340, %swap3A_341], %mul3A_339 {strides = array<i32>} : memref<128x128xf32, #tpu.memory_space<vmem>>, vector<16xf32>,
          %slice3A_343 = vector.extract_strided_slice %gather3A {offsets = [3], sizes = [1], strides = [1]} : vector<16xf32> to vector<1xf32>
          %squeeze3A_344 = vector.extract %slice3A_343[0] : f32 from vector<1xf32>
          %mul3A_345 = arith.constant 16 : i32
          %mul3A_346 = arith.muli %scan3A_130, %mul3A_345 : i32
          %add3A_347 = arith.constant 3 : i32
          %add3A_348 = arith.addi %mul3A_346, %add3A_347 : i32
          %get3A_349 = arith.index_cast %add3A_348 : i32 to index
          %get3A_350 = arith.constant 0 : index
          %get3A_351 = tpu.vector_load %arg12[%get3A_349, %get3A_350] {strides = array<i32>} : memref<128x128xf32, #tpu.memory_space<vmem>>, vector<16xf32>,
          %mul3A_352 = vector.broadcast %squeeze3A_344 : f32 to vector<16xf32>
          %mul3A_353 = arith.mulf %get3A_351, %mul3A_352 : vector<16xf32>
          %swap3A_354 = arith.index_cast %add3A_348 : i32 to index
          %swap3A_355 = arith.constant 0 : index
          %swap3A_356 = tpu.vector_load %arg12[%swap3A_354, %swap3A_355] {strides = array<i32>} : memref<128x128xf32, #tpu.memory_space<vmem>>, vector<16xf32>,
          tpu.vector_store %arg12[%swap3A_354, %swap3A_355], %mul3A_353 {strides = array<i32>} : memref<128x128xf32, #tpu.memory_space<vmem>>, vector<16xf32>,
          %get3A_357 = arith.index_cast %add3A_348 : i32 to index
          %get3A_358 = arith.constant 16 : index
          %get3A_359 = tpu.vector_load %arg12[%get3A_357, %get3A_358] {strides = array<i32>} : memref<128x128xf32, #tpu.memory_space<vmem>>, vector<16xf32>,
          %mul3A_360 = vector.broadcast %squeeze3A_344 : f32 to vector<16xf32>
          %mul3A_361 = arith.mulf %get3A_359, %mul3A_360 : vector<16xf32>
          %swap3A_362 = arith.index_cast %add3A_348 : i32 to index
          %swap3A_363 = arith.constant 16 : index
          %swap3A_364 = tpu.vector_load %arg12[%swap3A_362, %swap3A_363] {strides = array<i32>} : memref<128x128xf32, #tpu.memory_space<vmem>>, vector<16xf32>,
          tpu.vector_store %arg12[%swap3A_362, %swap3A_363], %mul3A_361 {strides = array<i32>} : memref<128x128xf32, #tpu.memory_space<vmem>>, vector<16xf32>,
          %get3A_365 = arith.index_cast %add3A_348 : i32 to index
          %get3A_366 = arith.constant 32 : index
          %get3A_367 = tpu.vector_load %arg12[%get3A_365, %get3A_366] {strides = array<i32>} : memref<128x128xf32, #tpu.memory_space<vmem>>, vector<16xf32>,
          %mul3A_368 = vector.broadcast %squeeze3A_344 : f32 to vector<16xf32>
          %mul3A_369 = arith.mulf %get3A_367, %mul3A_368 : vector<16xf32>
          %swap3A_370 = arith.index_cast %add3A_348 : i32 to index
          %swap3A_371 = arith.constant 32 : index
          %swap3A_372 = tpu.vector_load %arg12[%swap3A_370, %swap3A_371] {strides = array<i32>} : memref<128x128xf32, #tpu.memory_space<vmem>>, vector<16xf32>,
          tpu.vector_store %arg12[%swap3A_370, %swap3A_371], %mul3A_369 {strides = array<i32>} : memref<128x128xf32, #tpu.memory_space<vmem>>, vector<16xf32>,
          %get3A_373 = arith.index_cast %add3A_348 : i32 to index
          %get3A_374 = arith.constant 48 : index
          %get3A_375 = tpu.vector_load %arg12[%get3A_373, %get3A_374] {strides = array<i32>} : memref<128x128xf32, #tpu.memory_space<vmem>>, vector<16xf32>,
          %mul3A_376 = vector.broadcast %squeeze3A_344 : f32 to vector<16xf32>
          %mul3A_377 = arith.mulf %get3A_375, %mul3A_376 : vector<16xf32>
          %swap3A_378 = arith.index_cast %add3A_348 : i32 to index
          %swap3A_379 = arith.constant 48 : index
          %swap3A_380 = tpu.vector_load %arg12[%swap3A_378, %swap3A_379] {strides = array<i32>} : memref<128x128xf32, #tpu.memory_space<vmem>>, vector<16xf32>,
          tpu.vector_store %arg12[%swap3A_378, %swap3A_379], %mul3A_377 {strides = array<i32>} : memref<128x128xf32, #tpu.memory_space<vmem>>, vector<16xf32>,
          %get3A_381 = arith.index_cast %add3A_348 : i32 to index
          %get3A_382 = arith.constant 64 : index
          %get3A_383 = tpu.vector_load %arg12[%get3A_381, %get3A_382] {strides = array<i32>} : memref<128x128xf32, #tpu.memory_space<vmem>>, vector<16xf32>,
          %mul3A_384 = vector.broadcast %squeeze3A_344 : f32 to vector<16xf32>
          %mul3A_385 = arith.mulf %get3A_383, %mul3A_384 : vector<16xf32>
          %swap3A_386 = arith.index_cast %add3A_348 : i32 to index
          %swap3A_387 = arith.constant 64 : index
          %swap3A_388 = tpu.vector_load %arg12[%swap3A_386, %swap3A_387] {strides = array<i32>} : memref<128x128xf32, #tpu.memory_space<vmem>>, vector<16xf32>,
          tpu.vector_store %arg12[%swap3A_386, %swap3A_387], %mul3A_385 {strides = array<i32>} : memref<128x128xf32, #tpu.memory_space<vmem>>, vector<16xf32>,
          %get3A_389 = arith.index_cast %add3A_348 : i32 to index
          %get3A_390 = arith.constant 80 : index
          %get3A_391 = tpu.vector_load %arg12[%get3A_389, %get3A_390] {strides = array<i32>} : memref<128x128xf32, #tpu.memory_space<vmem>>, vector<16xf32>,
          %mul3A_392 = vector.broadcast %squeeze3A_344 : f32 to vector<16xf32>
          %mul3A_393 = arith.mulf %get3A_391, %mul3A_392 : vector<16xf32>
          %swap3A_394 = arith.index_cast %add3A_348 : i32 to index
          %swap3A_395 = arith.constant 80 : index
          %swap3A_396 = tpu.vector_load %arg12[%swap3A_394, %swap3A_395] {strides = array<i32>} : memref<128x128xf32, #tpu.memory_space<vmem>>, vector<16xf32>,
          tpu.vector_store %arg12[%swap3A_394, %swap3A_395], %mul3A_393 {strides = array<i32>} : memref<128x128xf32, #tpu.memory_space<vmem>>, vector<16xf32>,
          %get3A_397 = arith.index_cast %add3A_348 : i32 to index
          %get3A_398 = arith.constant 96 : index
          %get3A_399 = tpu.vector_load %arg12[%get3A_397, %get3A_398] {strides = array<i32>} : memref<128x128xf32, #tpu.memory_space<vmem>>, vector<16xf32>,
          %mul3A_400 = vector.broadcast %squeeze3A_344 : f32 to vector<16xf32>
          %mul3A_401 = arith.mulf %get3A_399, %mul3A_400 : vector<16xf32>
          %swap3A_402 = arith.index_cast %add3A_348 : i32 to index
          %swap3A_403 = arith.constant 96 : index
          %swap3A_404 = tpu.vector_load %arg12[%swap3A_402, %swap3A_403] {strides = array<i32>} : memref<128x128xf32, #tpu.memory_space<vmem>>, vector<16xf32>,
          tpu.vector_store %arg12[%swap3A_402, %swap3A_403], %mul3A_401 {strides = array<i32>} : memref<128x128xf32, #tpu.memory_space<vmem>>, vector<16xf32>,
          %get3A_405 = arith.index_cast %add3A_348 : i32 to index
          %get3A_406 = arith.constant 112 : index
          %get3A_407 = tpu.vector_load %arg12[%get3A_405, %get3A_406] {strides = array<i32>} : memref<128x128xf32, #tpu.memory_space<vmem>>, vector<16xf32>,
          %mul3A_408 = vector.broadcast %squeeze3A_344 : f32 to vector<16xf32>
          %mul3A_409 = arith.mulf %get3A_407, %mul3A_408 : vector<16xf32>
          %swap3A_410 = arith.index_cast %add3A_348 : i32 to index
          %swap3A_411 = arith.constant 112 : index
          %swap3A_412 = tpu.vector_load %arg12[%swap3A_410, %swap3A_411] {strides = array<i32>} : memref<128x128xf32, #tpu.memory_space<vmem>>, vector<16xf32>,
          tpu.vector_store %arg12[%swap3A_410, %swap3A_411], %mul3A_409 {strides = array<i32>} : memref<128x128xf32, #tpu.memory_space<vmem>>, vector<16xf32>,
          %slice3A_413 = vector.extract_strided_slice %gather3A {offsets = [4], sizes = [1], strides = [1]} : vector<16xf32> to vector<1xf32>
          %squeeze3A_414 = vector.extract %slice3A_413[0] : f32 from vector<1xf32>
          %mul3A_415 = arith.constant 16 : i32
          %mul3A_416 = arith.muli %scan3A_130, %mul3A_415 : i32
          %add3A_417 = arith.constant 4 : i32
          %add3A_418 = arith.addi %mul3A_416, %add3A_417 : i32
          %get3A_419 = arith.index_cast %add3A_418 : i32 to index
          %get3A_420 = arith.constant 0 : index
          %get3A_421 = tpu.vector_load %arg12[%get3A_419, %get3A_420] {strides = array<i32>} : memref<128x128xf32, #tpu.memory_space<vmem>>, vector<16xf32>,
          %mul3A_422 = vector.broadcast %squeeze3A_414 : f32 to vector<16xf32>
          %mul3A_423 = arith.mulf %get3A_421, %mul3A_422 : vector<16xf32>
          %swap3A_424 = arith.index_cast %add3A_418 : i32 to index
          %swap3A_425 = arith.constant 0 : index
          %swap3A_426 = tpu.vector_load %arg12[%swap3A_424, %swap3A_425] {strides = array<i32>} : memref<128x128xf32, #tpu.memory_space<vmem>>, vector<16xf32>,
          tpu.vector_store %arg12[%swap3A_424, %swap3A_425], %mul3A_423 {strides = array<i32>} : memref<128x128xf32, #tpu.memory_space<vmem>>, vector<16xf32>,
          %get3A_427 = arith.index_cast %add3A_418 : i32 to index
          %get3A_428 = arith.constant 16 : index
          %get3A_429 = tpu.vector_load %arg12[%get3A_427, %get3A_428] {strides = array<i32>} : memref<128x128xf32, #tpu.memory_space<vmem>>, vector<16xf32>,
          %mul3A_430 = vector.broadcast %squeeze3A_414 : f32 to vector<16xf32>
          %mul3A_431 = arith.mulf %get3A_429, %mul3A_430 : vector<16xf32>
          %swap3A_432 = arith.index_cast %add3A_418 : i32 to index
          %swap3A_433 = arith.constant 16 : index
          %swap3A_434 = tpu.vector_load %arg12[%swap3A_432, %swap3A_433] {strides = array<i32>} : memref<128x128xf32, #tpu.memory_space<vmem>>, vector<16xf32>,
          tpu.vector_store %arg12[%swap3A_432, %swap3A_433], %mul3A_431 {strides = array<i32>} : memref<128x128xf32, #tpu.memory_space<vmem>>, vector<16xf32>,
          %get3A_435 = arith.index_cast %add3A_418 : i32 to index
          %get3A_436 = arith.constant 32 : index
          %get3A_437 = tpu.vector_load %arg12[%get3A_435, %get3A_436] {strides = array<i32>} : memref<128x128xf32, #tpu.memory_space<vmem>>, vector<16xf32>,
          %mul3A_438 = vector.broadcast %squeeze3A_414 : f32 to vector<16xf32>
          %mul3A_439 = arith.mulf %get3A_437, %mul3A_438 : vector<16xf32>
          %swap3A_440 = arith.index_cast %add3A_418 : i32 to index
          %swap3A_441 = arith.constant 32 : index
          %swap3A_442 = tpu.vector_load %arg12[%swap3A_440, %swap3A_441] {strides = array<i32>} : memref<128x128xf32, #tpu.memory_space<vmem>>, vector<16xf32>,
          tpu.vector_store %arg12[%swap3A_440, %swap3A_441], %mul3A_439 {strides = array<i32>} : memref<128x128xf32, #tpu.memory_space<vmem>>, vector<16xf32>,
          %get3A_443 = arith.index_cast %add3A_418 : i32 to index
          %get3A_444 = arith.constant 48 : index
          %get3A_445 = tpu.vector_load %arg12[%get3A_443, %get3A_444] {strides = array<i32>} : memref<128x128xf32, #tpu.memory_space<vmem>>, vector<16xf32>,
          %mul3A_446 = vector.broadcast %squeeze3A_414 : f32 to vector<16xf32>
          %mul3A_447 = arith.mulf %get3A_445, %mul3A_446 : vector<16xf32>
          %swap3A_448 = arith.index_cast %add3A_418 : i32 to index
          %swap3A_449 = arith.constant 48 : index
          %swap3A_450 = tpu.vector_load %arg12[%swap3A_448, %swap3A_449] {strides = array<i32>} : memref<128x128xf32, #tpu.memory_space<vmem>>, vector<16xf32>,
          tpu.vector_store %arg12[%swap3A_448, %swap3A_449], %mul3A_447 {strides = array<i32>} : memref<128x128xf32, #tpu.memory_space<vmem>>, vector<16xf32>,
          %get3A_451 = arith.index_cast %add3A_418 : i32 to index
          %get3A_452 = arith.constant 64 : index
          %get3A_453 = tpu.vector_load %arg12[%get3A_451, %get3A_452] {strides = array<i32>} : memref<128x128xf32, #tpu.memory_space<vmem>>, vector<16xf32>,
          %mul3A_454 = vector.broadcast %squeeze3A_414 : f32 to vector<16xf32>
          %mul3A_455 = arith.mulf %get3A_453, %mul3A_454 : vector<16xf32>
          %swap3A_456 = arith.index_cast %add3A_418 : i32 to index
          %swap3A_457 = arith.constant 64 : index
          %swap3A_458 = tpu.vector_load %arg12[%swap3A_456, %swap3A_457] {strides = array<i32>} : memref<128x128xf32, #tpu.memory_space<vmem>>, vector<16xf32>,
          tpu.vector_store %arg12[%swap3A_456, %swap3A_457], %mul3A_455 {strides = array<i32>} : memref<128x128xf32, #tpu.memory_space<vmem>>, vector<16xf32>,
          %get3A_459 = arith.index_cast %add3A_418 : i32 to index
          %get3A_460 = arith.constant 80 : index
          %get3A_461 = tpu.vector_load %arg12[%get3A_459, %get3A_460] {strides = array<i32>} : memref<128x128xf32, #tpu.memory_space<vmem>>, vector<16xf32>,
          %mul3A_462 = vector.broadcast %squeeze3A_414 : f32 to vector<16xf32>
          %mul3A_463 = arith.mulf %get3A_461, %mul3A_462 : vector<16xf32>
          %swap3A_464 = arith.index_cast %add3A_418 : i32 to index
          %swap3A_465 = arith.constant 80 : index
          %swap3A_466 = tpu.vector_load %arg12[%swap3A_464, %swap3A_465] {strides = array<i32>} : memref<128x128xf32, #tpu.memory_space<vmem>>, vector<16xf32>,
          tpu.vector_store %arg12[%swap3A_464, %swap3A_465], %mul3A_463 {strides = array<i32>} : memref<128x128xf32, #tpu.memory_space<vmem>>, vector<16xf32>,
          %get3A_467 = arith.index_cast %add3A_418 : i32 to index
          %get3A_468 = arith.constant 96 : index
          %get3A_469 = tpu.vector_load %arg12[%get3A_467, %get3A_468] {strides = array<i32>} : memref<128x128xf32, #tpu.memory_space<vmem>>, vector<16xf32>,
          %mul3A_470 = vector.broadcast %squeeze3A_414 : f32 to vector<16xf32>
          %mul3A_471 = arith.mulf %get3A_469, %mul3A_470 : vector<16xf32>
          %swap3A_472 = arith.index_cast %add3A_418 : i32 to index
          %swap3A_473 = arith.constant 96 : index
          %swap3A_474 = tpu.vector_load %arg12[%swap3A_472, %swap3A_473] {strides = array<i32>} : memref<128x128xf32, #tpu.memory_space<vmem>>, vector<16xf32>,
          tpu.vector_store %arg12[%swap3A_472, %swap3A_473], %mul3A_471 {strides = array<i32>} : memref<128x128xf32, #tpu.memory_space<vmem>>, vector<16xf32>,
          %get3A_475 = arith.index_cast %add3A_418 : i32 to index
          %get3A_476 = arith.constant 112 : index
          %get3A_477 = tpu.vector_load %arg12[%get3A_475, %get3A_476] {strides = array<i32>} : memref<128x128xf32, #tpu.memory_space<vmem>>, vector<16xf32>,
          %mul3A_478 = vector.broadcast %squeeze3A_414 : f32 to vector<16xf32>
          %mul3A_479 = arith.mulf %get3A_477, %mul3A_478 : vector<16xf32>
          %swap3A_480 = arith.index_cast %add3A_418 : i32 to index
          %swap3A_481 = arith.constant 112 : index
          %swap3A_482 = tpu.vector_load %arg12[%swap3A_480, %swap3A_481] {strides = array<i32>} : memref<128x128xf32, #tpu.memory_space<vmem>>, vector<16xf32>,
          tpu.vector_store %arg12[%swap3A_480, %swap3A_481], %mul3A_479 {strides = array<i32>} : memref<128x128xf32, #tpu.memory_space<vmem>>, vector<16xf32>,
          %slice3A_483 = vector.extract_strided_slice %gather3A {offsets = [5], sizes = [1], strides = [1]} : vector<16xf32> to vector<1xf32>
          %squeeze3A_484 = vector.extract %slice3A_483[0] : f32 from vector<1xf32>
          %mul3A_485 = arith.constant 16 : i32
          %mul3A_486 = arith.muli %scan3A_130, %mul3A_485 : i32
          %add3A_487 = arith.constant 5 : i32
          %add3A_488 = arith.addi %mul3A_486, %add3A_487 : i32
          %get3A_489 = arith.index_cast %add3A_488 : i32 to index
          %get3A_490 = arith.constant 0 : index
          %get3A_491 = tpu.vector_load %arg12[%get3A_489, %get3A_490] {strides = array<i32>} : memref<128x128xf32, #tpu.memory_space<vmem>>, vector<16xf32>,
          %mul3A_492 = vector.broadcast %squeeze3A_484 : f32 to vector<16xf32>
          %mul3A_493 = arith.mulf %get3A_491, %mul3A_492 : vector<16xf32>
          %swap3A_494 = arith.index_cast %add3A_488 : i32 to index
          %swap3A_495 = arith.constant 0 : index
          %swap3A_496 = tpu.vector_load %arg12[%swap3A_494, %swap3A_495] {strides = array<i32>} : memref<128x128xf32, #tpu.memory_space<vmem>>, vector<16xf32>,
          tpu.vector_store %arg12[%swap3A_494, %swap3A_495], %mul3A_493 {strides = array<i32>} : memref<128x128xf32, #tpu.memory_space<vmem>>, vector<16xf32>,
          %get3A_497 = arith.index_cast %add3A_488 : i32 to index
          %get3A_498 = arith.constant 16 : index
          %get3A_499 = tpu.vector_load %arg12[%get3A_497, %get3A_498] {strides = array<i32>} : memref<128x128xf32, #tpu.memory_space<vmem>>, vector<16xf32>,
          %mul3A_500 = vector.broadcast %squeeze3A_484 : f32 to vector<16xf32>
          %mul3A_501 = arith.mulf %get3A_499, %mul3A_500 : vector<16xf32>
          %swap3A_502 = arith.index_cast %add3A_488 : i32 to index
          %swap3A_503 = arith.constant 16 : index
          %swap3A_504 = tpu.vector_load %arg12[%swap3A_502, %swap3A_503] {strides = array<i32>} : memref<128x128xf32, #tpu.memory_space<vmem>>, vector<16xf32>,
          tpu.vector_store %arg12[%swap3A_502, %swap3A_503], %mul3A_501 {strides = array<i32>} : memref<128x128xf32, #tpu.memory_space<vmem>>, vector<16xf32>,
          %get3A_505 = arith.index_cast %add3A_488 : i32 to index
          %get3A_506 = arith.constant 32 : index
          %get3A_507 = tpu.vector_load %arg12[%get3A_505, %get3A_506] {strides = array<i32>} : memref<128x128xf32, #tpu.memory_space<vmem>>, vector<16xf32>,
          %mul3A_508 = vector.broadcast %squeeze3A_484 : f32 to vector<16xf32>
          %mul3A_509 = arith.mulf %get3A_507, %mul3A_508 : vector<16xf32>
          %swap3A_510 = arith.index_cast %add3A_488 : i32 to index
          %swap3A_511 = arith.constant 32 : index
          %swap3A_512 = tpu.vector_load %arg12[%swap3A_510, %swap3A_511] {strides = array<i32>} : memref<128x128xf32, #tpu.memory_space<vmem>>, vector<16xf32>,
          tpu.vector_store %arg12[%swap3A_510, %swap3A_511], %mul3A_509 {strides = array<i32>} : memref<128x128xf32, #tpu.memory_space<vmem>>, vector<16xf32>,
          %get3A_513 = arith.index_cast %add3A_488 : i32 to index
          %get3A_514 = arith.constant 48 : index
          %get3A_515 = tpu.vector_load %arg12[%get3A_513, %get3A_514] {strides = array<i32>} : memref<128x128xf32, #tpu.memory_space<vmem>>, vector<16xf32>,
          %mul3A_516 = vector.broadcast %squeeze3A_484 : f32 to vector<16xf32>
          %mul3A_517 = arith.mulf %get3A_515, %mul3A_516 : vector<16xf32>
          %swap3A_518 = arith.index_cast %add3A_488 : i32 to index
          %swap3A_519 = arith.constant 48 : index
          %swap3A_520 = tpu.vector_load %arg12[%swap3A_518, %swap3A_519] {strides = array<i32>} : memref<128x128xf32, #tpu.memory_space<vmem>>, vector<16xf32>,
          tpu.vector_store %arg12[%swap3A_518, %swap3A_519], %mul3A_517 {strides = array<i32>} : memref<128x128xf32, #tpu.memory_space<vmem>>, vector<16xf32>,
          %get3A_521 = arith.index_cast %add3A_488 : i32 to index
          %get3A_522 = arith.constant 64 : index
          %get3A_523 = tpu.vector_load %arg12[%get3A_521, %get3A_522] {strides = array<i32>} : memref<128x128xf32, #tpu.memory_space<vmem>>, vector<16xf32>,
          %mul3A_524 = vector.broadcast %squeeze3A_484 : f32 to vector<16xf32>
          %mul3A_525 = arith.mulf %get3A_523, %mul3A_524 : vector<16xf32>
          %swap3A_526 = arith.index_cast %add3A_488 : i32 to index
          %swap3A_527 = arith.constant 64 : index
          %swap3A_528 = tpu.vector_load %arg12[%swap3A_526, %swap3A_527] {strides = array<i32>} : memref<128x128xf32, #tpu.memory_space<vmem>>, vector<16xf32>,
          tpu.vector_store %arg12[%swap3A_526, %swap3A_527], %mul3A_525 {strides = array<i32>} : memref<128x128xf32, #tpu.memory_space<vmem>>, vector<16xf32>,
          %get3A_529 = arith.index_cast %add3A_488 : i32 to index
          %get3A_530 = arith.constant 80 : index
          %get3A_531 = tpu.vector_load %arg12[%get3A_529, %get3A_530] {strides = array<i32>} : memref<128x128xf32, #tpu.memory_space<vmem>>, vector<16xf32>,
          %mul3A_532 = vector.broadcast %squeeze3A_484 : f32 to vector<16xf32>
          %mul3A_533 = arith.mulf %get3A_531, %mul3A_532 : vector<16xf32>
          %swap3A_534 = arith.index_cast %add3A_488 : i32 to index
          %swap3A_535 = arith.constant 80 : index
          %swap3A_536 = tpu.vector_load %arg12[%swap3A_534, %swap3A_535] {strides = array<i32>} : memref<128x128xf32, #tpu.memory_space<vmem>>, vector<16xf32>,
          tpu.vector_store %arg12[%swap3A_534, %swap3A_535], %mul3A_533 {strides = array<i32>} : memref<128x128xf32, #tpu.memory_space<vmem>>, vector<16xf32>,
          %get3A_537 = arith.index_cast %add3A_488 : i32 to index
          %get3A_538 = arith.constant 96 : index
          %get3A_539 = tpu.vector_load %arg12[%get3A_537, %get3A_538] {strides = array<i32>} : memref<128x128xf32, #tpu.memory_space<vmem>>, vector<16xf32>,
          %mul3A_540 = vector.broadcast %squeeze3A_484 : f32 to vector<16xf32>
          %mul3A_541 = arith.mulf %get3A_539, %mul3A_540 : vector<16xf32>
          %swap3A_542 = arith.index_cast %add3A_488 : i32 to index
          %swap3A_543 = arith.constant 96 : index
          %swap3A_544 = tpu.vector_load %arg12[%swap3A_542, %swap3A_543] {strides = array<i32>} : memref<128x128xf32, #tpu.memory_space<vmem>>, vector<16xf32>,
          tpu.vector_store %arg12[%swap3A_542, %swap3A_543], %mul3A_541 {strides = array<i32>} : memref<128x128xf32, #tpu.memory_space<vmem>>, vector<16xf32>,
          %get3A_545 = arith.index_cast %add3A_488 : i32 to index
          %get3A_546 = arith.constant 112 : index
          %get3A_547 = tpu.vector_load %arg12[%get3A_545, %get3A_546] {strides = array<i32>} : memref<128x128xf32, #tpu.memory_space<vmem>>, vector<16xf32>,
          %mul3A_548 = vector.broadcast %squeeze3A_484 : f32 to vector<16xf32>
          %mul3A_549 = arith.mulf %get3A_547, %mul3A_548 : vector<16xf32>
          %swap3A_550 = arith.index_cast %add3A_488 : i32 to index
          %swap3A_551 = arith.constant 112 : index
          %swap3A_552 = tpu.vector_load %arg12[%swap3A_550, %swap3A_551] {strides = array<i32>} : memref<128x128xf32, #tpu.memory_space<vmem>>, vector<16xf32>,
          tpu.vector_store %arg12[%swap3A_550, %swap3A_551], %mul3A_549 {strides = array<i32>} : memref<128x128xf32, #tpu.memory_space<vmem>>, vector<16xf32>,
          %slice3A_553 = vector.extract_strided_slice %gather3A {offsets = [6], sizes = [1], strides = [1]} : vector<16xf32> to vector<1xf32>
          %squeeze3A_554 = vector.extract %slice3A_553[0] : f32 from vector<1xf32>
          %mul3A_555 = arith.constant 16 : i32
          %mul3A_556 = arith.muli %scan3A_130, %mul3A_555 : i32
          %add3A_557 = arith.constant 6 : i32
          %add3A_558 = arith.addi %mul3A_556, %add3A_557 : i32
          %get3A_559 = arith.index_cast %add3A_558 : i32 to index
          %get3A_560 = arith.constant 0 : index
          %get3A_561 = tpu.vector_load %arg12[%get3A_559, %get3A_560] {strides = array<i32>} : memref<128x128xf32, #tpu.memory_space<vmem>>, vector<16xf32>,
          %mul3A_562 = vector.broadcast %squeeze3A_554 : f32 to vector<16xf32>
          %mul3A_563 = arith.mulf %get3A_561, %mul3A_562 : vector<16xf32>
          %swap3A_564 = arith.index_cast %add3A_558 : i32 to index
          %swap3A_565 = arith.constant 0 : index
          %swap3A_566 = tpu.vector_load %arg12[%swap3A_564, %swap3A_565] {strides = array<i32>} : memref<128x128xf32, #tpu.memory_space<vmem>>, vector<16xf32>,
          tpu.vector_store %arg12[%swap3A_564, %swap3A_565], %mul3A_563 {strides = array<i32>} : memref<128x128xf32, #tpu.memory_space<vmem>>, vector<16xf32>,
          %get3A_567 = arith.index_cast %add3A_558 : i32 to index
          %get3A_568 = arith.constant 16 : index
          %get3A_569 = tpu.vector_load %arg12[%get3A_567, %get3A_568] {strides = array<i32>} : memref<128x128xf32, #tpu.memory_space<vmem>>, vector<16xf32>,
          %mul3A_570 = vector.broadcast %squeeze3A_554 : f32 to vector<16xf32>
          %mul3A_571 = arith.mulf %get3A_569, %mul3A_570 : vector<16xf32>
          %swap3A_572 = arith.index_cast %add3A_558 : i32 to index
          %swap3A_573 = arith.constant 16 : index
          %swap3A_574 = tpu.vector_load %arg12[%swap3A_572, %swap3A_573] {strides = array<i32>} : memref<128x128xf32, #tpu.memory_space<vmem>>, vector<16xf32>,
          tpu.vector_store %arg12[%swap3A_572, %swap3A_573], %mul3A_571 {strides = array<i32>} : memref<128x128xf32, #tpu.memory_space<vmem>>, vector<16xf32>,
          %get3A_575 = arith.index_cast %add3A_558 : i32 to index
          %get3A_576 = arith.constant 32 : index
          %get3A_577 = tpu.vector_load %arg12[%get3A_575, %get3A_576] {strides = array<i32>} : memref<128x128xf32, #tpu.memory_space<vmem>>, vector<16xf32>,
          %mul3A_578 = vector.broadcast %squeeze3A_554 : f32 to vector<16xf32>
          %mul3A_579 = arith.mulf %get3A_577, %mul3A_578 : vector<16xf32>
          %swap3A_580 = arith.index_cast %add3A_558 : i32 to index
          %swap3A_581 = arith.constant 32 : index
          %swap3A_582 = tpu.vector_load %arg12[%swap3A_580, %swap3A_581] {strides = array<i32>} : memref<128x128xf32, #tpu.memory_space<vmem>>, vector<16xf32>,
          tpu.vector_store %arg12[%swap3A_580, %swap3A_581], %mul3A_579 {strides = array<i32>} : memref<128x128xf32, #tpu.memory_space<vmem>>, vector<16xf32>,
          %get3A_583 = arith.index_cast %add3A_558 : i32 to index
          %get3A_584 = arith.constant 48 : index
          %get3A_585 = tpu.vector_load %arg12[%get3A_583, %get3A_584] {strides = array<i32>} : memref<128x128xf32, #tpu.memory_space<vmem>>, vector<16xf32>,
          %mul3A_586 = vector.broadcast %squeeze3A_554 : f32 to vector<16xf32>
          %mul3A_587 = arith.mulf %get3A_585, %mul3A_586 : vector<16xf32>
          %swap3A_588 = arith.index_cast %add3A_558 : i32 to index
          %swap3A_589 = arith.constant 48 : index
          %swap3A_590 = tpu.vector_load %arg12[%swap3A_588, %swap3A_589] {strides = array<i32>} : memref<128x128xf32, #tpu.memory_space<vmem>>, vector<16xf32>,
          tpu.vector_store %arg12[%swap3A_588, %swap3A_589], %mul3A_587 {strides = array<i32>} : memref<128x128xf32, #tpu.memory_space<vmem>>, vector<16xf32>,
          %get3A_591 = arith.index_cast %add3A_558 : i32 to index
          %get3A_592 = arith.constant 64 : index
          %get3A_593 = tpu.vector_load %arg12[%get3A_591, %get3A_592] {strides = array<i32>} : memref<128x128xf32, #tpu.memory_space<vmem>>, vector<16xf32>,
          %mul3A_594 = vector.broadcast %squeeze3A_554 : f32 to vector<16xf32>
          %mul3A_595 = arith.mulf %get3A_593, %mul3A_594 : vector<16xf32>
          %swap3A_596 = arith.index_cast %add3A_558 : i32 to index
          %swap3A_597 = arith.constant 64 : index
          %swap3A_598 = tpu.vector_load %arg12[%swap3A_596, %swap3A_597] {strides = array<i32>} : memref<128x128xf32, #tpu.memory_space<vmem>>, vector<16xf32>,
          tpu.vector_store %arg12[%swap3A_596, %swap3A_597], %mul3A_595 {strides = array<i32>} : memref<128x128xf32, #tpu.memory_space<vmem>>, vector<16xf32>,
          %get3A_599 = arith.index_cast %add3A_558 : i32 to index
          %get3A_600 = arith.constant 80 : index
          %get3A_601 = tpu.vector_load %arg12[%get3A_599, %get3A_600] {strides = array<i32>} : memref<128x128xf32, #tpu.memory_space<vmem>>, vector<16xf32>,
          %mul3A_602 = vector.broadcast %squeeze3A_554 : f32 to vector<16xf32>
          %mul3A_603 = arith.mulf %get3A_601, %mul3A_602 : vector<16xf32>
          %swap3A_604 = arith.index_cast %add3A_558 : i32 to index
          %swap3A_605 = arith.constant 80 : index
          %swap3A_606 = tpu.vector_load %arg12[%swap3A_604, %swap3A_605] {strides = array<i32>} : memref<128x128xf32, #tpu.memory_space<vmem>>, vector<16xf32>,
          tpu.vector_store %arg12[%swap3A_604, %swap3A_605], %mul3A_603 {strides = array<i32>} : memref<128x128xf32, #tpu.memory_space<vmem>>, vector<16xf32>,
          %get3A_607 = arith.index_cast %add3A_558 : i32 to index
          %get3A_608 = arith.constant 96 : index
          %get3A_609 = tpu.vector_load %arg12[%get3A_607, %get3A_608] {strides = array<i32>} : memref<128x128xf32, #tpu.memory_space<vmem>>, vector<16xf32>,
          %mul3A_610 = vector.broadcast %squeeze3A_554 : f32 to vector<16xf32>
          %mul3A_611 = arith.mulf %get3A_609, %mul3A_610 : vector<16xf32>
          %swap3A_612 = arith.index_cast %add3A_558 : i32 to index
          %swap3A_613 = arith.constant 96 : index
          %swap3A_614 = tpu.vector_load %arg12[%swap3A_612, %swap3A_613] {strides = array<i32>} : memref<128x128xf32, #tpu.memory_space<vmem>>, vector<16xf32>,
          tpu.vector_store %arg12[%swap3A_612, %swap3A_613], %mul3A_611 {strides = array<i32>} : memref<128x128xf32, #tpu.memory_space<vmem>>, vector<16xf32>,
          %get3A_615 = arith.index_cast %add3A_558 : i32 to index
          %get3A_616 = arith.constant 112 : index
          %get3A_617 = tpu.vector_load %arg12[%get3A_615, %get3A_616] {strides = array<i32>} : memref<128x128xf32, #tpu.memory_space<vmem>>, vector<16xf32>,
          %mul3A_618 = vector.broadcast %squeeze3A_554 : f32 to vector<16xf32>
          %mul3A_619 = arith.mulf %get3A_617, %mul3A_618 : vector<16xf32>
          %swap3A_620 = arith.index_cast %add3A_558 : i32 to index
          %swap3A_621 = arith.constant 112 : index
          %swap3A_622 = tpu.vector_load %arg12[%swap3A_620, %swap3A_621] {strides = array<i32>} : memref<128x128xf32, #tpu.memory_space<vmem>>, vector<16xf32>,
          tpu.vector_store %arg12[%swap3A_620, %swap3A_621], %mul3A_619 {strides = array<i32>} : memref<128x128xf32, #tpu.memory_space<vmem>>, vector<16xf32>,
          %slice3A_623 = vector.extract_strided_slice %gather3A {offsets = [7], sizes = [1], strides = [1]} : vector<16xf32> to vector<1xf32>
          %squeeze3A_624 = vector.extract %slice3A_623[0] : f32 from vector<1xf32>
          %mul3A_625 = arith.constant 16 : i32
          %mul3A_626 = arith.muli %scan3A_130, %mul3A_625 : i32
          %add3A_627 = arith.constant 7 : i32
          %add3A_628 = arith.addi %mul3A_626, %add3A_627 : i32
          %get3A_629 = arith.index_cast %add3A_628 : i32 to index
          %get3A_630 = arith.constant 0 : index
          %get3A_631 = tpu.vector_load %arg12[%get3A_629, %get3A_630] {strides = array<i32>} : memref<128x128xf32, #tpu.memory_space<vmem>>, vector<16xf32>,
          %mul3A_632 = vector.broadcast %squeeze3A_624 : f32 to vector<16xf32>
          %mul3A_633 = arith.mulf %get3A_631, %mul3A_632 : vector<16xf32>
          %swap3A_634 = arith.index_cast %add3A_628 : i32 to index
          %swap3A_635 = arith.constant 0 : index
          %swap3A_636 = tpu.vector_load %arg12[%swap3A_634, %swap3A_635] {strides = array<i32>} : memref<128x128xf32, #tpu.memory_space<vmem>>, vector<16xf32>,
          tpu.vector_store %arg12[%swap3A_634, %swap3A_635], %mul3A_633 {strides = array<i32>} : memref<128x128xf32, #tpu.memory_space<vmem>>, vector<16xf32>,
          %get3A_637 = arith.index_cast %add3A_628 : i32 to index
          %get3A_638 = arith.constant 16 : index
          %get3A_639 = tpu.vector_load %arg12[%get3A_637, %get3A_638] {strides = array<i32>} : memref<128x128xf32, #tpu.memory_space<vmem>>, vector<16xf32>,
          %mul3A_640 = vector.broadcast %squeeze3A_624 : f32 to vector<16xf32>
          %mul3A_641 = arith.mulf %get3A_639, %mul3A_640 : vector<16xf32>
          %swap3A_642 = arith.index_cast %add3A_628 : i32 to index
          %swap3A_643 = arith.constant 16 : index
          %swap3A_644 = tpu.vector_load %arg12[%swap3A_642, %swap3A_643] {strides = array<i32>} : memref<128x128xf32, #tpu.memory_space<vmem>>, vector<16xf32>,
          tpu.vector_store %arg12[%swap3A_642, %swap3A_643], %mul3A_641 {strides = array<i32>} : memref<128x128xf32, #tpu.memory_space<vmem>>, vector<16xf32>,
          %get3A_645 = arith.index_cast %add3A_628 : i32 to index
          %get3A_646 = arith.constant 32 : index
          %get3A_647 = tpu.vector_load %arg12[%get3A_645, %get3A_646] {strides = array<i32>} : memref<128x128xf32, #tpu.memory_space<vmem>>, vector<16xf32>,
          %mul3A_648 = vector.broadcast %squeeze3A_624 : f32 to vector<16xf32>
          %mul3A_649 = arith.mulf %get3A_647, %mul3A_648 : vector<16xf32>
          %swap3A_650 = arith.index_cast %add3A_628 : i32 to index
          %swap3A_651 = arith.constant 32 : index
          %swap3A_652 = tpu.vector_load %arg12[%swap3A_650, %swap3A_651] {strides = array<i32>} : memref<128x128xf32, #tpu.memory_space<vmem>>, vector<16xf32>,
          tpu.vector_store %arg12[%swap3A_650, %swap3A_651], %mul3A_649 {strides = array<i32>} : memref<128x128xf32, #tpu.memory_space<vmem>>, vector<16xf32>,
          %get3A_653 = arith.index_cast %add3A_628 : i32 to index
          %get3A_654 = arith.constant 48 : index
          %get3A_655 = tpu.vector_load %arg12[%get3A_653, %get3A_654] {strides = array<i32>} : memref<128x128xf32, #tpu.memory_space<vmem>>, vector<16xf32>,
          %mul3A_656 = vector.broadcast %squeeze3A_624 : f32 to vector<16xf32>
          %mul3A_657 = arith.mulf %get3A_655, %mul3A_656 : vector<16xf32>
          %swap3A_658 = arith.index_cast %add3A_628 : i32 to index
          %swap3A_659 = arith.constant 48 : index
          %swap3A_660 = tpu.vector_load %arg12[%swap3A_658, %swap3A_659] {strides = array<i32>} : memref<128x128xf32, #tpu.memory_space<vmem>>, vector<16xf32>,
          tpu.vector_store %arg12[%swap3A_658, %swap3A_659], %mul3A_657 {strides = array<i32>} : memref<128x128xf32, #tpu.memory_space<vmem>>, vector<16xf32>,
          %get3A_661 = arith.index_cast %add3A_628 : i32 to index
          %get3A_662 = arith.constant 64 : index
          %get3A_663 = tpu.vector_load %arg12[%get3A_661, %get3A_662] {strides = array<i32>} : memref<128x128xf32, #tpu.memory_space<vmem>>, vector<16xf32>,
          %mul3A_664 = vector.broadcast %squeeze3A_624 : f32 to vector<16xf32>
          %mul3A_665 = arith.mulf %get3A_663, %mul3A_664 : vector<16xf32>
          %swap3A_666 = arith.index_cast %add3A_628 : i32 to index
          %swap3A_667 = arith.constant 64 : index
          %swap3A_668 = tpu.vector_load %arg12[%swap3A_666, %swap3A_667] {strides = array<i32>} : memref<128x128xf32, #tpu.memory_space<vmem>>, vector<16xf32>,
          tpu.vector_store %arg12[%swap3A_666, %swap3A_667], %mul3A_665 {strides = array<i32>} : memref<128x128xf32, #tpu.memory_space<vmem>>, vector<16xf32>,
          %get3A_669 = arith.index_cast %add3A_628 : i32 to index
          %get3A_670 = arith.constant 80 : index
          %get3A_671 = tpu.vector_load %arg12[%get3A_669, %get3A_670] {strides = array<i32>} : memref<128x128xf32, #tpu.memory_space<vmem>>, vector<16xf32>,
          %mul3A_672 = vector.broadcast %squeeze3A_624 : f32 to vector<16xf32>
          %mul3A_673 = arith.mulf %get3A_671, %mul3A_672 : vector<16xf32>
          %swap3A_674 = arith.index_cast %add3A_628 : i32 to index
          %swap3A_675 = arith.constant 80 : index
          %swap3A_676 = tpu.vector_load %arg12[%swap3A_674, %swap3A_675] {strides = array<i32>} : memref<128x128xf32, #tpu.memory_space<vmem>>, vector<16xf32>,
          tpu.vector_store %arg12[%swap3A_674, %swap3A_675], %mul3A_673 {strides = array<i32>} : memref<128x128xf32, #tpu.memory_space<vmem>>, vector<16xf32>,
          %get3A_677 = arith.index_cast %add3A_628 : i32 to index
          %get3A_678 = arith.constant 96 : index
          %get3A_679 = tpu.vector_load %arg12[%get3A_677, %get3A_678] {strides = array<i32>} : memref<128x128xf32, #tpu.memory_space<vmem>>, vector<16xf32>,
          %mul3A_680 = vector.broadcast %squeeze3A_624 : f32 to vector<16xf32>
          %mul3A_681 = arith.mulf %get3A_679, %mul3A_680 : vector<16xf32>
          %swap3A_682 = arith.index_cast %add3A_628 : i32 to index
          %swap3A_683 = arith.constant 96 : index
          %swap3A_684 = tpu.vector_load %arg12[%swap3A_682, %swap3A_683] {strides = array<i32>} : memref<128x128xf32, #tpu.memory_space<vmem>>, vector<16xf32>,
          tpu.vector_store %arg12[%swap3A_682, %swap3A_683], %mul3A_681 {strides = array<i32>} : memref<128x128xf32, #tpu.memory_space<vmem>>, vector<16xf32>,
          %get3A_685 = arith.index_cast %add3A_628 : i32 to index
          %get3A_686 = arith.constant 112 : index
          %get3A_687 = tpu.vector_load %arg12[%get3A_685, %get3A_686] {strides = array<i32>} : memref<128x128xf32, #tpu.memory_space<vmem>>, vector<16xf32>,
          %mul3A_688 = vector.broadcast %squeeze3A_624 : f32 to vector<16xf32>
          %mul3A_689 = arith.mulf %get3A_687, %mul3A_688 : vector<16xf32>
          %swap3A_690 = arith.index_cast %add3A_628 : i32 to index
          %swap3A_691 = arith.constant 112 : index
          %swap3A_692 = tpu.vector_load %arg12[%swap3A_690, %swap3A_691] {strides = array<i32>} : memref<128x128xf32, #tpu.memory_space<vmem>>, vector<16xf32>,
          tpu.vector_store %arg12[%swap3A_690, %swap3A_691], %mul3A_689 {strides = array<i32>} : memref<128x128xf32, #tpu.memory_space<vmem>>, vector<16xf32>,
          %slice3A_693 = vector.extract_strided_slice %gather3A {offsets = [8], sizes = [1], strides = [1]} : vector<16xf32> to vector<1xf32>
          %squeeze3A_694 = vector.extract %slice3A_693[0] : f32 from vector<1xf32>
          %mul3A_695 = arith.constant 16 : i32
          %mul3A_696 = arith.muli %scan3A_130, %mul3A_695 : i32
          %add3A_697 = arith.constant 8 : i32
          %add3A_698 = arith.addi %mul3A_696, %add3A_697 : i32
          %get3A_699 = arith.index_cast %add3A_698 : i32 to index
          %get3A_700 = arith.constant 0 : index
          %get3A_701 = tpu.vector_load %arg12[%get3A_699, %get3A_700] {strides = array<i32>} : memref<128x128xf32, #tpu.memory_space<vmem>>, vector<16xf32>,
          %mul3A_702 = vector.broadcast %squeeze3A_694 : f32 to vector<16xf32>
          %mul3A_703 = arith.mulf %get3A_701, %mul3A_702 : vector<16xf32>
          %swap3A_704 = arith.index_cast %add3A_698 : i32 to index
          %swap3A_705 = arith.constant 0 : index
          %swap3A_706 = tpu.vector_load %arg12[%swap3A_704, %swap3A_705] {strides = array<i32>} : memref<128x128xf32, #tpu.memory_space<vmem>>, vector<16xf32>,
          tpu.vector_store %arg12[%swap3A_704, %swap3A_705], %mul3A_703 {strides = array<i32>} : memref<128x128xf32, #tpu.memory_space<vmem>>, vector<16xf32>,
          %get3A_707 = arith.index_cast %add3A_698 : i32 to index
          %get3A_708 = arith.constant 16 : index
          %get3A_709 = tpu.vector_load %arg12[%get3A_707, %get3A_708] {strides = array<i32>} : memref<128x128xf32, #tpu.memory_space<vmem>>, vector<16xf32>,
          %mul3A_710 = vector.broadcast %squeeze3A_694 : f32 to vector<16xf32>
          %mul3A_711 = arith.mulf %get3A_709, %mul3A_710 : vector<16xf32>
          %swap3A_712 = arith.index_cast %add3A_698 : i32 to index
          %swap3A_713 = arith.constant 16 : index
          %swap3A_714 = tpu.vector_load %arg12[%swap3A_712, %swap3A_713] {strides = array<i32>} : memref<128x128xf32, #tpu.memory_space<vmem>>, vector<16xf32>,
          tpu.vector_store %arg12[%swap3A_712, %swap3A_713], %mul3A_711 {strides = array<i32>} : memref<128x128xf32, #tpu.memory_space<vmem>>, vector<16xf32>,
          %get3A_715 = arith.index_cast %add3A_698 : i32 to index
          %get3A_716 = arith.constant 32 : index
          %get3A_717 = tpu.vector_load %arg12[%get3A_715, %get3A_716] {strides = array<i32>} : memref<128x128xf32, #tpu.memory_space<vmem>>, vector<16xf32>,
          %mul3A_718 = vector.broadcast %squeeze3A_694 : f32 to vector<16xf32>
          %mul3A_719 = arith.mulf %get3A_717, %mul3A_718 : vector<16xf32>
          %swap3A_720 = arith.index_cast %add3A_698 : i32 to index
          %swap3A_721 = arith.constant 32 : index
          %swap3A_722 = tpu.vector_load %arg12[%swap3A_720, %swap3A_721] {strides = array<i32>} : memref<128x128xf32, #tpu.memory_space<vmem>>, vector<16xf32>,
          tpu.vector_store %arg12[%swap3A_720, %swap3A_721], %mul3A_719 {strides = array<i32>} : memref<128x128xf32, #tpu.memory_space<vmem>>, vector<16xf32>,
          %get3A_723 = arith.index_cast %add3A_698 : i32 to index
          %get3A_724 = arith.constant 48 : index
          %get3A_725 = tpu.vector_load %arg12[%get3A_723, %get3A_724] {strides = array<i32>} : memref<128x128xf32, #tpu.memory_space<vmem>>, vector<16xf32>,
          %mul3A_726 = vector.broadcast %squeeze3A_694 : f32 to vector<16xf32>
          %mul3A_727 = arith.mulf %get3A_725, %mul3A_726 : vector<16xf32>
          %swap3A_728 = arith.index_cast %add3A_698 : i32 to index
          %swap3A_729 = arith.constant 48 : index
          %swap3A_730 = tpu.vector_load %arg12[%swap3A_728, %swap3A_729] {strides = array<i32>} : memref<128x128xf32, #tpu.memory_space<vmem>>, vector<16xf32>,
          tpu.vector_store %arg12[%swap3A_728, %swap3A_729], %mul3A_727 {strides = array<i32>} : memref<128x128xf32, #tpu.memory_space<vmem>>, vector<16xf32>,
          %get3A_731 = arith.index_cast %add3A_698 : i32 to index
          %get3A_732 = arith.constant 64 : index
          %get3A_733 = tpu.vector_load %arg12[%get3A_731, %get3A_732] {strides = array<i32>} : memref<128x128xf32, #tpu.memory_space<vmem>>, vector<16xf32>,
          %mul3A_734 = vector.broadcast %squeeze3A_694 : f32 to vector<16xf32>
          %mul3A_735 = arith.mulf %get3A_733, %mul3A_734 : vector<16xf32>
          %swap3A_736 = arith.index_cast %add3A_698 : i32 to index
          %swap3A_737 = arith.constant 64 : index
          %swap3A_738 = tpu.vector_load %arg12[%swap3A_736, %swap3A_737] {strides = array<i32>} : memref<128x128xf32, #tpu.memory_space<vmem>>, vector<16xf32>,
          tpu.vector_store %arg12[%swap3A_736, %swap3A_737], %mul3A_735 {strides = array<i32>} : memref<128x128xf32, #tpu.memory_space<vmem>>, vector<16xf32>,
          %get3A_739 = arith.index_cast %add3A_698 : i32 to index
          %get3A_740 = arith.constant 80 : index
          %get3A_741 = tpu.vector_load %arg12[%get3A_739, %get3A_740] {strides = array<i32>} : memref<128x128xf32, #tpu.memory_space<vmem>>, vector<16xf32>,
          %mul3A_742 = vector.broadcast %squeeze3A_694 : f32 to vector<16xf32>
          %mul3A_743 = arith.mulf %get3A_741, %mul3A_742 : vector<16xf32>
          %swap3A_744 = arith.index_cast %add3A_698 : i32 to index
          %swap3A_745 = arith.constant 80 : index
          %swap3A_746 = tpu.vector_load %arg12[%swap3A_744, %swap3A_745] {strides = array<i32>} : memref<128x128xf32, #tpu.memory_space<vmem>>, vector<16xf32>,
          tpu.vector_store %arg12[%swap3A_744, %swap3A_745], %mul3A_743 {strides = array<i32>} : memref<128x128xf32, #tpu.memory_space<vmem>>, vector<16xf32>,
          %get3A_747 = arith.index_cast %add3A_698 : i32 to index
          %get3A_748 = arith.constant 96 : index
          %get3A_749 = tpu.vector_load %arg12[%get3A_747, %get3A_748] {strides = array<i32>} : memref<128x128xf32, #tpu.memory_space<vmem>>, vector<16xf32>,
          %mul3A_750 = vector.broadcast %squeeze3A_694 : f32 to vector<16xf32>
          %mul3A_751 = arith.mulf %get3A_749, %mul3A_750 : vector<16xf32>
          %swap3A_752 = arith.index_cast %add3A_698 : i32 to index
          %swap3A_753 = arith.constant 96 : index
          %swap3A_754 = tpu.vector_load %arg12[%swap3A_752, %swap3A_753] {strides = array<i32>} : memref<128x128xf32, #tpu.memory_space<vmem>>, vector<16xf32>,
          tpu.vector_store %arg12[%swap3A_752, %swap3A_753], %mul3A_751 {strides = array<i32>} : memref<128x128xf32, #tpu.memory_space<vmem>>, vector<16xf32>,
          %get3A_755 = arith.index_cast %add3A_698 : i32 to index
          %get3A_756 = arith.constant 112 : index
          %get3A_757 = tpu.vector_load %arg12[%get3A_755, %get3A_756] {strides = array<i32>} : memref<128x128xf32, #tpu.memory_space<vmem>>, vector<16xf32>,
          %mul3A_758 = vector.broadcast %squeeze3A_694 : f32 to vector<16xf32>
          %mul3A_759 = arith.mulf %get3A_757, %mul3A_758 : vector<16xf32>
          %swap3A_760 = arith.index_cast %add3A_698 : i32 to index
          %swap3A_761 = arith.constant 112 : index
          %swap3A_762 = tpu.vector_load %arg12[%swap3A_760, %swap3A_761] {strides = array<i32>} : memref<128x128xf32, #tpu.memory_space<vmem>>, vector<16xf32>,
          tpu.vector_store %arg12[%swap3A_760, %swap3A_761], %mul3A_759 {strides = array<i32>} : memref<128x128xf32, #tpu.memory_space<vmem>>, vector<16xf32>,
          %slice3A_763 = vector.extract_strided_slice %gather3A {offsets = [9], sizes = [1], strides = [1]} : vector<16xf32> to vector<1xf32>
          %squeeze3A_764 = vector.extract %slice3A_763[0] : f32 from vector<1xf32>
          %mul3A_765 = arith.constant 16 : i32
          %mul3A_766 = arith.muli %scan3A_130, %mul3A_765 : i32
          %add3A_767 = arith.constant 9 : i32
          %add3A_768 = arith.addi %mul3A_766, %add3A_767 : i32
          %get3A_769 = arith.index_cast %add3A_768 : i32 to index
          %get3A_770 = arith.constant 0 : index
          %get3A_771 = tpu.vector_load %arg12[%get3A_769, %get3A_770] {strides = array<i32>} : memref<128x128xf32, #tpu.memory_space<vmem>>, vector<16xf32>,
          %mul3A_772 = vector.broadcast %squeeze3A_764 : f32 to vector<16xf32>
          %mul3A_773 = arith.mulf %get3A_771, %mul3A_772 : vector<16xf32>
          %swap3A_774 = arith.index_cast %add3A_768 : i32 to index
          %swap3A_775 = arith.constant 0 : index
          %swap3A_776 = tpu.vector_load %arg12[%swap3A_774, %swap3A_775] {strides = array<i32>} : memref<128x128xf32, #tpu.memory_space<vmem>>, vector<16xf32>,
          tpu.vector_store %arg12[%swap3A_774, %swap3A_775], %mul3A_773 {strides = array<i32>} : memref<128x128xf32, #tpu.memory_space<vmem>>, vector<16xf32>,
          %get3A_777 = arith.index_cast %add3A_768 : i32 to index
          %get3A_778 = arith.constant 16 : index
          %get3A_779 = tpu.vector_load %arg12[%get3A_777, %get3A_778] {strides = array<i32>} : memref<128x128xf32, #tpu.memory_space<vmem>>, vector<16xf32>,
          %mul3A_780 = vector.broadcast %squeeze3A_764 : f32 to vector<16xf32>
          %mul3A_781 = arith.mulf %get3A_779, %mul3A_780 : vector<16xf32>
          %swap3A_782 = arith.index_cast %add3A_768 : i32 to index
          %swap3A_783 = arith.constant 16 : index
          %swap3A_784 = tpu.vector_load %arg12[%swap3A_782, %swap3A_783] {strides = array<i32>} : memref<128x128xf32, #tpu.memory_space<vmem>>, vector<16xf32>,
          tpu.vector_store %arg12[%swap3A_782, %swap3A_783], %mul3A_781 {strides = array<i32>} : memref<128x128xf32, #tpu.memory_space<vmem>>, vector<16xf32>,
          %get3A_785 = arith.index_cast %add3A_768 : i32 to index
          %get3A_786 = arith.constant 32 : index
          %get3A_787 = tpu.vector_load %arg12[%get3A_785, %get3A_786] {strides = array<i32>} : memref<128x128xf32, #tpu.memory_space<vmem>>, vector<16xf32>,
          %mul3A_788 = vector.broadcast %squeeze3A_764 : f32 to vector<16xf32>
          %mul3A_789 = arith.mulf %get3A_787, %mul3A_788 : vector<16xf32>
          %swap3A_790 = arith.index_cast %add3A_768 : i32 to index
          %swap3A_791 = arith.constant 32 : index
          %swap3A_792 = tpu.vector_load %arg12[%swap3A_790, %swap3A_791] {strides = array<i32>} : memref<128x128xf32, #tpu.memory_space<vmem>>, vector<16xf32>,
          tpu.vector_store %arg12[%swap3A_790, %swap3A_791], %mul3A_789 {strides = array<i32>} : memref<128x128xf32, #tpu.memory_space<vmem>>, vector<16xf32>,
          %get3A_793 = arith.index_cast %add3A_768 : i32 to index
          %get3A_794 = arith.constant 48 : index
          %get3A_795 = tpu.vector_load %arg12[%get3A_793, %get3A_794] {strides = array<i32>} : memref<128x128xf32, #tpu.memory_space<vmem>>, vector<16xf32>,
          %mul3A_796 = vector.broadcast %squeeze3A_764 : f32 to vector<16xf32>
          %mul3A_797 = arith.mulf %get3A_795, %mul3A_796 : vector<16xf32>
          %swap3A_798 = arith.index_cast %add3A_768 : i32 to index
          %swap3A_799 = arith.constant 48 : index
          %swap3A_800 = tpu.vector_load %arg12[%swap3A_798, %swap3A_799] {strides = array<i32>} : memref<128x128xf32, #tpu.memory_space<vmem>>, vector<16xf32>,
          tpu.vector_store %arg12[%swap3A_798, %swap3A_799], %mul3A_797 {strides = array<i32>} : memref<128x128xf32, #tpu.memory_space<vmem>>, vector<16xf32>,
          %get3A_801 = arith.index_cast %add3A_768 : i32 to index
          %get3A_802 = arith.constant 64 : index
          %get3A_803 = tpu.vector_load %arg12[%get3A_801, %get3A_802] {strides = array<i32>} : memref<128x128xf32, #tpu.memory_space<vmem>>, vector<16xf32>,
          %mul3A_804 = vector.broadcast %squeeze3A_764 : f32 to vector<16xf32>
          %mul3A_805 = arith.mulf %get3A_803, %mul3A_804 : vector<16xf32>
          %swap3A_806 = arith.index_cast %add3A_768 : i32 to index
          %swap3A_807 = arith.constant 64 : index
          %swap3A_808 = tpu.vector_load %arg12[%swap3A_806, %swap3A_807] {strides = array<i32>} : memref<128x128xf32, #tpu.memory_space<vmem>>, vector<16xf32>,
          tpu.vector_store %arg12[%swap3A_806, %swap3A_807], %mul3A_805 {strides = array<i32>} : memref<128x128xf32, #tpu.memory_space<vmem>>, vector<16xf32>,
          %get3A_809 = arith.index_cast %add3A_768 : i32 to index
          %get3A_810 = arith.constant 80 : index
          %get3A_811 = tpu.vector_load %arg12[%get3A_809, %get3A_810] {strides = array<i32>} : memref<128x128xf32, #tpu.memory_space<vmem>>, vector<16xf32>,
          %mul3A_812 = vector.broadcast %squeeze3A_764 : f32 to vector<16xf32>
          %mul3A_813 = arith.mulf %get3A_811, %mul3A_812 : vector<16xf32>
          %swap3A_814 = arith.index_cast %add3A_768 : i32 to index
          %swap3A_815 = arith.constant 80 : index
          %swap3A_816 = tpu.vector_load %arg12[%swap3A_814, %swap3A_815] {strides = array<i32>} : memref<128x128xf32, #tpu.memory_space<vmem>>, vector<16xf32>,
          tpu.vector_store %arg12[%swap3A_814, %swap3A_815], %mul3A_813 {strides = array<i32>} : memref<128x128xf32, #tpu.memory_space<vmem>>, vector<16xf32>,
          %get3A_817 = arith.index_cast %add3A_768 : i32 to index
          %get3A_818 = arith.constant 96 : index
          %get3A_819 = tpu.vector_load %arg12[%get3A_817, %get3A_818] {strides = array<i32>} : memref<128x128xf32, #tpu.memory_space<vmem>>, vector<16xf32>,
          %mul3A_820 = vector.broadcast %squeeze3A_764 : f32 to vector<16xf32>
          %mul3A_821 = arith.mulf %get3A_819, %mul3A_820 : vector<16xf32>
          %swap3A_822 = arith.index_cast %add3A_768 : i32 to index
          %swap3A_823 = arith.constant 96 : index
          %swap3A_824 = tpu.vector_load %arg12[%swap3A_822, %swap3A_823] {strides = array<i32>} : memref<128x128xf32, #tpu.memory_space<vmem>>, vector<16xf32>,
          tpu.vector_store %arg12[%swap3A_822, %swap3A_823], %mul3A_821 {strides = array<i32>} : memref<128x128xf32, #tpu.memory_space<vmem>>, vector<16xf32>,
          %get3A_825 = arith.index_cast %add3A_768 : i32 to index
          %get3A_826 = arith.constant 112 : index
          %get3A_827 = tpu.vector_load %arg12[%get3A_825, %get3A_826] {strides = array<i32>} : memref<128x128xf32, #tpu.memory_space<vmem>>, vector<16xf32>,
          %mul3A_828 = vector.broadcast %squeeze3A_764 : f32 to vector<16xf32>
          %mul3A_829 = arith.mulf %get3A_827, %mul3A_828 : vector<16xf32>
          %swap3A_830 = arith.index_cast %add3A_768 : i32 to index
          %swap3A_831 = arith.constant 112 : index
          %swap3A_832 = tpu.vector_load %arg12[%swap3A_830, %swap3A_831] {strides = array<i32>} : memref<128x128xf32, #tpu.memory_space<vmem>>, vector<16xf32>,
          tpu.vector_store %arg12[%swap3A_830, %swap3A_831], %mul3A_829 {strides = array<i32>} : memref<128x128xf32, #tpu.memory_space<vmem>>, vector<16xf32>,
          %slice3A_833 = vector.extract_strided_slice %gather3A {offsets = [10], sizes = [1], strides = [1]} : vector<16xf32> to vector<1xf32>
          %squeeze3A_834 = vector.extract %slice3A_833[0] : f32 from vector<1xf32>
          %mul3A_835 = arith.constant 16 : i32
          %mul3A_836 = arith.muli %scan3A_130, %mul3A_835 : i32
          %add3A_837 = arith.constant 10 : i32
          %add3A_838 = arith.addi %mul3A_836, %add3A_837 : i32
          %get3A_839 = arith.index_cast %add3A_838 : i32 to index
          %get3A_840 = arith.constant 0 : index
          %get3A_841 = tpu.vector_load %arg12[%get3A_839, %get3A_840] {strides = array<i32>} : memref<128x128xf32, #tpu.memory_space<vmem>>, vector<16xf32>,
          %mul3A_842 = vector.broadcast %squeeze3A_834 : f32 to vector<16xf32>
          %mul3A_843 = arith.mulf %get3A_841, %mul3A_842 : vector<16xf32>
          %swap3A_844 = arith.index_cast %add3A_838 : i32 to index
          %swap3A_845 = arith.constant 0 : index
          %swap3A_846 = tpu.vector_load %arg12[%swap3A_844, %swap3A_845] {strides = array<i32>} : memref<128x128xf32, #tpu.memory_space<vmem>>, vector<16xf32>,
          tpu.vector_store %arg12[%swap3A_844, %swap3A_845], %mul3A_843 {strides = array<i32>} : memref<128x128xf32, #tpu.memory_space<vmem>>, vector<16xf32>,
          %get3A_847 = arith.index_cast %add3A_838 : i32 to index
          %get3A_848 = arith.constant 16 : index
          %get3A_849 = tpu.vector_load %arg12[%get3A_847, %get3A_848] {strides = array<i32>} : memref<128x128xf32, #tpu.memory_space<vmem>>, vector<16xf32>,
          %mul3A_850 = vector.broadcast %squeeze3A_834 : f32 to vector<16xf32>
          %mul3A_851 = arith.mulf %get3A_849, %mul3A_850 : vector<16xf32>
          %swap3A_852 = arith.index_cast %add3A_838 : i32 to index
          %swap3A_853 = arith.constant 16 : index
          %swap3A_854 = tpu.vector_load %arg12[%swap3A_852, %swap3A_853] {strides = array<i32>} : memref<128x128xf32, #tpu.memory_space<vmem>>, vector<16xf32>,
          tpu.vector_store %arg12[%swap3A_852, %swap3A_853], %mul3A_851 {strides = array<i32>} : memref<128x128xf32, #tpu.memory_space<vmem>>, vector<16xf32>,
          %get3A_855 = arith.index_cast %add3A_838 : i32 to index
          %get3A_856 = arith.constant 32 : index
          %get3A_857 = tpu.vector_load %arg12[%get3A_855, %get3A_856] {strides = array<i32>} : memref<128x128xf32, #tpu.memory_space<vmem>>, vector<16xf32>,
          %mul3A_858 = vector.broadcast %squeeze3A_834 : f32 to vector<16xf32>
          %mul3A_859 = arith.mulf %get3A_857, %mul3A_858 : vector<16xf32>
          %swap3A_860 = arith.index_cast %add3A_838 : i32 to index
          %swap3A_861 = arith.constant 32 : index
          %swap3A_862 = tpu.vector_load %arg12[%swap3A_860, %swap3A_861] {strides = array<i32>} : memref<128x128xf32, #tpu.memory_space<vmem>>, vector<16xf32>,
          tpu.vector_store %arg12[%swap3A_860, %swap3A_861], %mul3A_859 {strides = array<i32>} : memref<128x128xf32, #tpu.memory_space<vmem>>, vector<16xf32>,
          %get3A_863 = arith.index_cast %add3A_838 : i32 to index
          %get3A_864 = arith.constant 48 : index
          %get3A_865 = tpu.vector_load %arg12[%get3A_863, %get3A_864] {strides = array<i32>} : memref<128x128xf32, #tpu.memory_space<vmem>>, vector<16xf32>,
          %mul3A_866 = vector.broadcast %squeeze3A_834 : f32 to vector<16xf32>
          %mul3A_867 = arith.mulf %get3A_865, %mul3A_866 : vector<16xf32>
          %swap3A_868 = arith.index_cast %add3A_838 : i32 to index
          %swap3A_869 = arith.constant 48 : index
          %swap3A_870 = tpu.vector_load %arg12[%swap3A_868, %swap3A_869] {strides = array<i32>} : memref<128x128xf32, #tpu.memory_space<vmem>>, vector<16xf32>,
          tpu.vector_store %arg12[%swap3A_868, %swap3A_869], %mul3A_867 {strides = array<i32>} : memref<128x128xf32, #tpu.memory_space<vmem>>, vector<16xf32>,
          %get3A_871 = arith.index_cast %add3A_838 : i32 to index
          %get3A_872 = arith.constant 64 : index
          %get3A_873 = tpu.vector_load %arg12[%get3A_871, %get3A_872] {strides = array<i32>} : memref<128x128xf32, #tpu.memory_space<vmem>>, vector<16xf32>,
          %mul3A_874 = vector.broadcast %squeeze3A_834 : f32 to vector<16xf32>
          %mul3A_875 = arith.mulf %get3A_873, %mul3A_874 : vector<16xf32>
          %swap3A_876 = arith.index_cast %add3A_838 : i32 to index
          %swap3A_877 = arith.constant 64 : index
          %swap3A_878 = tpu.vector_load %arg12[%swap3A_876, %swap3A_877] {strides = array<i32>} : memref<128x128xf32, #tpu.memory_space<vmem>>, vector<16xf32>,
          tpu.vector_store %arg12[%swap3A_876, %swap3A_877], %mul3A_875 {strides = array<i32>} : memref<128x128xf32, #tpu.memory_space<vmem>>, vector<16xf32>,
          %get3A_879 = arith.index_cast %add3A_838 : i32 to index
          %get3A_880 = arith.constant 80 : index
          %get3A_881 = tpu.vector_load %arg12[%get3A_879, %get3A_880] {strides = array<i32>} : memref<128x128xf32, #tpu.memory_space<vmem>>, vector<16xf32>,
          %mul3A_882 = vector.broadcast %squeeze3A_834 : f32 to vector<16xf32>
          %mul3A_883 = arith.mulf %get3A_881, %mul3A_882 : vector<16xf32>
          %swap3A_884 = arith.index_cast %add3A_838 : i32 to index
          %swap3A_885 = arith.constant 80 : index
          %swap3A_886 = tpu.vector_load %arg12[%swap3A_884, %swap3A_885] {strides = array<i32>} : memref<128x128xf32, #tpu.memory_space<vmem>>, vector<16xf32>,
          tpu.vector_store %arg12[%swap3A_884, %swap3A_885], %mul3A_883 {strides = array<i32>} : memref<128x128xf32, #tpu.memory_space<vmem>>, vector<16xf32>,
          %get3A_887 = arith.index_cast %add3A_838 : i32 to index
          %get3A_888 = arith.constant 96 : index
          %get3A_889 = tpu.vector_load %arg12[%get3A_887, %get3A_888] {strides = array<i32>} : memref<128x128xf32, #tpu.memory_space<vmem>>, vector<16xf32>,
          %mul3A_890 = vector.broadcast %squeeze3A_834 : f32 to vector<16xf32>
          %mul3A_891 = arith.mulf %get3A_889, %mul3A_890 : vector<16xf32>
          %swap3A_892 = arith.index_cast %add3A_838 : i32 to index
          %swap3A_893 = arith.constant 96 : index
          %swap3A_894 = tpu.vector_load %arg12[%swap3A_892, %swap3A_893] {strides = array<i32>} : memref<128x128xf32, #tpu.memory_space<vmem>>, vector<16xf32>,
          tpu.vector_store %arg12[%swap3A_892, %swap3A_893], %mul3A_891 {strides = array<i32>} : memref<128x128xf32, #tpu.memory_space<vmem>>, vector<16xf32>,
          %get3A_895 = arith.index_cast %add3A_838 : i32 to index
          %get3A_896 = arith.constant 112 : index
          %get3A_897 = tpu.vector_load %arg12[%get3A_895, %get3A_896] {strides = array<i32>} : memref<128x128xf32, #tpu.memory_space<vmem>>, vector<16xf32>,
          %mul3A_898 = vector.broadcast %squeeze3A_834 : f32 to vector<16xf32>
          %mul3A_899 = arith.mulf %get3A_897, %mul3A_898 : vector<16xf32>
          %swap3A_900 = arith.index_cast %add3A_838 : i32 to index
          %swap3A_901 = arith.constant 112 : index
          %swap3A_902 = tpu.vector_load %arg12[%swap3A_900, %swap3A_901] {strides = array<i32>} : memref<128x128xf32, #tpu.memory_space<vmem>>, vector<16xf32>,
          tpu.vector_store %arg12[%swap3A_900, %swap3A_901], %mul3A_899 {strides = array<i32>} : memref<128x128xf32, #tpu.memory_space<vmem>>, vector<16xf32>,
          %slice3A_903 = vector.extract_strided_slice %gather3A {offsets = [11], sizes = [1], strides = [1]} : vector<16xf32> to vector<1xf32>
          %squeeze3A_904 = vector.extract %slice3A_903[0] : f32 from vector<1xf32>
          %mul3A_905 = arith.constant 16 : i32
          %mul3A_906 = arith.muli %scan3A_130, %mul3A_905 : i32
          %add3A_907 = arith.constant 11 : i32
          %add3A_908 = arith.addi %mul3A_906, %add3A_907 : i32
          %get3A_909 = arith.index_cast %add3A_908 : i32 to index
          %get3A_910 = arith.constant 0 : index
          %get3A_911 = tpu.vector_load %arg12[%get3A_909, %get3A_910] {strides = array<i32>} : memref<128x128xf32, #tpu.memory_space<vmem>>, vector<16xf32>,
          %mul3A_912 = vector.broadcast %squeeze3A_904 : f32 to vector<16xf32>
          %mul3A_913 = arith.mulf %get3A_911, %mul3A_912 : vector<16xf32>
          %swap3A_914 = arith.index_cast %add3A_908 : i32 to index
          %swap3A_915 = arith.constant 0 : index
          %swap3A_916 = tpu.vector_load %arg12[%swap3A_914, %swap3A_915] {strides = array<i32>} : memref<128x128xf32, #tpu.memory_space<vmem>>, vector<16xf32>,
          tpu.vector_store %arg12[%swap3A_914, %swap3A_915], %mul3A_913 {strides = array<i32>} : memref<128x128xf32, #tpu.memory_space<vmem>>, vector<16xf32>,
          %get3A_917 = arith.index_cast %add3A_908 : i32 to index
          %get3A_918 = arith.constant 16 : index
          %get3A_919 = tpu.vector_load %arg12[%get3A_917, %get3A_918] {strides = array<i32>} : memref<128x128xf32, #tpu.memory_space<vmem>>, vector<16xf32>,
          %mul3A_920 = vector.broadcast %squeeze3A_904 : f32 to vector<16xf32>
          %mul3A_921 = arith.mulf %get3A_919, %mul3A_920 : vector<16xf32>
          %swap3A_922 = arith.index_cast %add3A_908 : i32 to index
          %swap3A_923 = arith.constant 16 : index
          %swap3A_924 = tpu.vector_load %arg12[%swap3A_922, %swap3A_923] {strides = array<i32>} : memref<128x128xf32, #tpu.memory_space<vmem>>, vector<16xf32>,
          tpu.vector_store %arg12[%swap3A_922, %swap3A_923], %mul3A_921 {strides = array<i32>} : memref<128x128xf32, #tpu.memory_space<vmem>>, vector<16xf32>,
          %get3A_925 = arith.index_cast %add3A_908 : i32 to index
          %get3A_926 = arith.constant 32 : index
          %get3A_927 = tpu.vector_load %arg12[%get3A_925, %get3A_926] {strides = array<i32>} : memref<128x128xf32, #tpu.memory_space<vmem>>, vector<16xf32>,
          %mul3A_928 = vector.broadcast %squeeze3A_904 : f32 to vector<16xf32>
          %mul3A_929 = arith.mulf %get3A_927, %mul3A_928 : vector<16xf32>
          %swap3A_930 = arith.index_cast %add3A_908 : i32 to index
          %swap3A_931 = arith.constant 32 : index
          %swap3A_932 = tpu.vector_load %arg12[%swap3A_930, %swap3A_931] {strides = array<i32>} : memref<128x128xf32, #tpu.memory_space<vmem>>, vector<16xf32>,
          tpu.vector_store %arg12[%swap3A_930, %swap3A_931], %mul3A_929 {strides = array<i32>} : memref<128x128xf32, #tpu.memory_space<vmem>>, vector<16xf32>,
          %get3A_933 = arith.index_cast %add3A_908 : i32 to index
          %get3A_934 = arith.constant 48 : index
          %get3A_935 = tpu.vector_load %arg12[%get3A_933, %get3A_934] {strides = array<i32>} : memref<128x128xf32, #tpu.memory_space<vmem>>, vector<16xf32>,
          %mul3A_936 = vector.broadcast %squeeze3A_904 : f32 to vector<16xf32>
          %mul3A_937 = arith.mulf %get3A_935, %mul3A_936 : vector<16xf32>
          %swap3A_938 = arith.index_cast %add3A_908 : i32 to index
          %swap3A_939 = arith.constant 48 : index
          %swap3A_940 = tpu.vector_load %arg12[%swap3A_938, %swap3A_939] {strides = array<i32>} : memref<128x128xf32, #tpu.memory_space<vmem>>, vector<16xf32>,
          tpu.vector_store %arg12[%swap3A_938, %swap3A_939], %mul3A_937 {strides = array<i32>} : memref<128x128xf32, #tpu.memory_space<vmem>>, vector<16xf32>,
          %get3A_941 = arith.index_cast %add3A_908 : i32 to index
          %get3A_942 = arith.constant 64 : index
          %get3A_943 = tpu.vector_load %arg12[%get3A_941, %get3A_942] {strides = array<i32>} : memref<128x128xf32, #tpu.memory_space<vmem>>, vector<16xf32>,
          %mul3A_944 = vector.broadcast %squeeze3A_904 : f32 to vector<16xf32>
          %mul3A_945 = arith.mulf %get3A_943, %mul3A_944 : vector<16xf32>
          %swap3A_946 = arith.index_cast %add3A_908 : i32 to index
          %swap3A_947 = arith.constant 64 : index
          %swap3A_948 = tpu.vector_load %arg12[%swap3A_946, %swap3A_947] {strides = array<i32>} : memref<128x128xf32, #tpu.memory_space<vmem>>, vector<16xf32>,
          tpu.vector_store %arg12[%swap3A_946, %swap3A_947], %mul3A_945 {strides = array<i32>} : memref<128x128xf32, #tpu.memory_space<vmem>>, vector<16xf32>,
          %get3A_949 = arith.index_cast %add3A_908 : i32 to index
          %get3A_950 = arith.constant 80 : index
          %get3A_951 = tpu.vector_load %arg12[%get3A_949, %get3A_950] {strides = array<i32>} : memref<128x128xf32, #tpu.memory_space<vmem>>, vector<16xf32>,
          %mul3A_952 = vector.broadcast %squeeze3A_904 : f32 to vector<16xf32>
          %mul3A_953 = arith.mulf %get3A_951, %mul3A_952 : vector<16xf32>
          %swap3A_954 = arith.index_cast %add3A_908 : i32 to index
          %swap3A_955 = arith.constant 80 : index
          %swap3A_956 = tpu.vector_load %arg12[%swap3A_954, %swap3A_955] {strides = array<i32>} : memref<128x128xf32, #tpu.memory_space<vmem>>, vector<16xf32>,
          tpu.vector_store %arg12[%swap3A_954, %swap3A_955], %mul3A_953 {strides = array<i32>} : memref<128x128xf32, #tpu.memory_space<vmem>>, vector<16xf32>,
          %get3A_957 = arith.index_cast %add3A_908 : i32 to index
          %get3A_958 = arith.constant 96 : index
          %get3A_959 = tpu.vector_load %arg12[%get3A_957, %get3A_958] {strides = array<i32>} : memref<128x128xf32, #tpu.memory_space<vmem>>, vector<16xf32>,
          %mul3A_960 = vector.broadcast %squeeze3A_904 : f32 to vector<16xf32>
          %mul3A_961 = arith.mulf %get3A_959, %mul3A_960 : vector<16xf32>
          %swap3A_962 = arith.index_cast %add3A_908 : i32 to index
          %swap3A_963 = arith.constant 96 : index
          %swap3A_964 = tpu.vector_load %arg12[%swap3A_962, %swap3A_963] {strides = array<i32>} : memref<128x128xf32, #tpu.memory_space<vmem>>, vector<16xf32>,
          tpu.vector_store %arg12[%swap3A_962, %swap3A_963], %mul3A_961 {strides = array<i32>} : memref<128x128xf32, #tpu.memory_space<vmem>>, vector<16xf32>,
          %get3A_965 = arith.index_cast %add3A_908 : i32 to index
          %get3A_966 = arith.constant 112 : index
          %get3A_967 = tpu.vector_load %arg12[%get3A_965, %get3A_966] {strides = array<i32>} : memref<128x128xf32, #tpu.memory_space<vmem>>, vector<16xf32>,
          %mul3A_968 = vector.broadcast %squeeze3A_904 : f32 to vector<16xf32>
          %mul3A_969 = arith.mulf %get3A_967, %mul3A_968 : vector<16xf32>
          %swap3A_970 = arith.index_cast %add3A_908 : i32 to index
          %swap3A_971 = arith.constant 112 : index
          %swap3A_972 = tpu.vector_load %arg12[%swap3A_970, %swap3A_971] {strides = array<i32>} : memref<128x128xf32, #tpu.memory_space<vmem>>, vector<16xf32>,
          tpu.vector_store %arg12[%swap3A_970, %swap3A_971], %mul3A_969 {strides = array<i32>} : memref<128x128xf32, #tpu.memory_space<vmem>>, vector<16xf32>,
          %slice3A_973 = vector.extract_strided_slice %gather3A {offsets = [12], sizes = [1], strides = [1]} : vector<16xf32> to vector<1xf32>
          %squeeze3A_974 = vector.extract %slice3A_973[0] : f32 from vector<1xf32>
          %mul3A_975 = arith.constant 16 : i32
          %mul3A_976 = arith.muli %scan3A_130, %mul3A_975 : i32
          %add3A_977 = arith.constant 12 : i32
          %add3A_978 = arith.addi %mul3A_976, %add3A_977 : i32
          %get3A_979 = arith.index_cast %add3A_978 : i32 to index
          %get3A_980 = arith.constant 0 : index
          %get3A_981 = tpu.vector_load %arg12[%get3A_979, %get3A_980] {strides = array<i32>} : memref<128x128xf32, #tpu.memory_space<vmem>>, vector<16xf32>,
          %mul3A_982 = vector.broadcast %squeeze3A_974 : f32 to vector<16xf32>
          %mul3A_983 = arith.mulf %get3A_981, %mul3A_982 : vector<16xf32>
          %swap3A_984 = arith.index_cast %add3A_978 : i32 to index
          %swap3A_985 = arith.constant 0 : index
          %swap3A_986 = tpu.vector_load %arg12[%swap3A_984, %swap3A_985] {strides = array<i32>} : memref<128x128xf32, #tpu.memory_space<vmem>>, vector<16xf32>,
          tpu.vector_store %arg12[%swap3A_984, %swap3A_985], %mul3A_983 {strides = array<i32>} : memref<128x128xf32, #tpu.memory_space<vmem>>, vector<16xf32>,
          %get3A_987 = arith.index_cast %add3A_978 : i32 to index
          %get3A_988 = arith.constant 16 : index
          %get3A_989 = tpu.vector_load %arg12[%get3A_987, %get3A_988] {strides = array<i32>} : memref<128x128xf32, #tpu.memory_space<vmem>>, vector<16xf32>,
          %mul3A_990 = vector.broadcast %squeeze3A_974 : f32 to vector<16xf32>
          %mul3A_991 = arith.mulf %get3A_989, %mul3A_990 : vector<16xf32>
          %swap3A_992 = arith.index_cast %add3A_978 : i32 to index
          %swap3A_993 = arith.constant 16 : index
          %swap3A_994 = tpu.vector_load %arg12[%swap3A_992, %swap3A_993] {strides = array<i32>} : memref<128x128xf32, #tpu.memory_space<vmem>>, vector<16xf32>,
          tpu.vector_store %arg12[%swap3A_992, %swap3A_993], %mul3A_991 {strides = array<i32>} : memref<128x128xf32, #tpu.memory_space<vmem>>, vector<16xf32>,
          %get3A_995 = arith.index_cast %add3A_978 : i32 to index
          %get3A_996 = arith.constant 32 : index
          %get3A_997 = tpu.vector_load %arg12[%get3A_995, %get3A_996] {strides = array<i32>} : memref<128x128xf32, #tpu.memory_space<vmem>>, vector<16xf32>,
          %mul3A_998 = vector.broadcast %squeeze3A_974 : f32 to vector<16xf32>
          %mul3A_999 = arith.mulf %get3A_997, %mul3A_998 : vector<16xf32>
          %swap3A_1000 = arith.index_cast %add3A_978 : i32 to index
          %swap3A_1001 = arith.constant 32 : index
          %swap3A_1002 = tpu.vector_load %arg12[%swap3A_1000, %swap3A_1001] {strides = array<i32>} : memref<128x128xf32, #tpu.memory_space<vmem>>, vector<16xf32>,
          tpu.vector_store %arg12[%swap3A_1000, %swap3A_1001], %mul3A_999 {strides = array<i32>} : memref<128x128xf32, #tpu.memory_space<vmem>>, vector<16xf32>,
          %get3A_1003 = arith.index_cast %add3A_978 : i32 to index
          %get3A_1004 = arith.constant 48 : index
          %get3A_1005 = tpu.vector_load %arg12[%get3A_1003, %get3A_1004] {strides = array<i32>} : memref<128x128xf32, #tpu.memory_space<vmem>>, vector<16xf32>,
          %mul3A_1006 = vector.broadcast %squeeze3A_974 : f32 to vector<16xf32>
          %mul3A_1007 = arith.mulf %get3A_1005, %mul3A_1006 : vector<16xf32>
          %swap3A_1008 = arith.index_cast %add3A_978 : i32 to index
          %swap3A_1009 = arith.constant 48 : index
          %swap3A_1010 = tpu.vector_load %arg12[%swap3A_1008, %swap3A_1009] {strides = array<i32>} : memref<128x128xf32, #tpu.memory_space<vmem>>, vector<16xf32>,
          tpu.vector_store %arg12[%swap3A_1008, %swap3A_1009], %mul3A_1007 {strides = array<i32>} : memref<128x128xf32, #tpu.memory_space<vmem>>, vector<16xf32>,
          %get3A_1011 = arith.index_cast %add3A_978 : i32 to index
          %get3A_1012 = arith.constant 64 : index
          %get3A_1013 = tpu.vector_load %arg12[%get3A_1011, %get3A_1012] {strides = array<i32>} : memref<128x128xf32, #tpu.memory_space<vmem>>, vector<16xf32>,
          %mul3A_1014 = vector.broadcast %squeeze3A_974 : f32 to vector<16xf32>
          %mul3A_1015 = arith.mulf %get3A_1013, %mul3A_1014 : vector<16xf32>
          %swap3A_1016 = arith.index_cast %add3A_978 : i32 to index
          %swap3A_1017 = arith.constant 64 : index
          %swap3A_1018 = tpu.vector_load %arg12[%swap3A_1016, %swap3A_1017] {strides = array<i32>} : memref<128x128xf32, #tpu.memory_space<vmem>>, vector<16xf32>,
          tpu.vector_store %arg12[%swap3A_1016, %swap3A_1017], %mul3A_1015 {strides = array<i32>} : memref<128x128xf32, #tpu.memory_space<vmem>>, vector<16xf32>,
          %get3A_1019 = arith.index_cast %add3A_978 : i32 to index
          %get3A_1020 = arith.constant 80 : index
          %get3A_1021 = tpu.vector_load %arg12[%get3A_1019, %get3A_1020] {strides = array<i32>} : memref<128x128xf32, #tpu.memory_space<vmem>>, vector<16xf32>,
          %mul3A_1022 = vector.broadcast %squeeze3A_974 : f32 to vector<16xf32>
          %mul3A_1023 = arith.mulf %get3A_1021, %mul3A_1022 : vector<16xf32>
          %swap3A_1024 = arith.index_cast %add3A_978 : i32 to index
          %swap3A_1025 = arith.constant 80 : index
          %swap3A_1026 = tpu.vector_load %arg12[%swap3A_1024, %swap3A_1025] {strides = array<i32>} : memref<128x128xf32, #tpu.memory_space<vmem>>, vector<16xf32>,
          tpu.vector_store %arg12[%swap3A_1024, %swap3A_1025], %mul3A_1023 {strides = array<i32>} : memref<128x128xf32, #tpu.memory_space<vmem>>, vector<16xf32>,
          %get3A_1027 = arith.index_cast %add3A_978 : i32 to index
          %get3A_1028 = arith.constant 96 : index
          %get3A_1029 = tpu.vector_load %arg12[%get3A_1027, %get3A_1028] {strides = array<i32>} : memref<128x128xf32, #tpu.memory_space<vmem>>, vector<16xf32>,
          %mul3A_1030 = vector.broadcast %squeeze3A_974 : f32 to vector<16xf32>
          %mul3A_1031 = arith.mulf %get3A_1029, %mul3A_1030 : vector<16xf32>
          %swap3A_1032 = arith.index_cast %add3A_978 : i32 to index
          %swap3A_1033 = arith.constant 96 : index
          %swap3A_1034 = tpu.vector_load %arg12[%swap3A_1032, %swap3A_1033] {strides = array<i32>} : memref<128x128xf32, #tpu.memory_space<vmem>>, vector<16xf32>,
          tpu.vector_store %arg12[%swap3A_1032, %swap3A_1033], %mul3A_1031 {strides = array<i32>} : memref<128x128xf32, #tpu.memory_space<vmem>>, vector<16xf32>,
          %get3A_1035 = arith.index_cast %add3A_978 : i32 to index
          %get3A_1036 = arith.constant 112 : index
          %get3A_1037 = tpu.vector_load %arg12[%get3A_1035, %get3A_1036] {strides = array<i32>} : memref<128x128xf32, #tpu.memory_space<vmem>>, vector<16xf32>,
          %mul3A_1038 = vector.broadcast %squeeze3A_974 : f32 to vector<16xf32>
          %mul3A_1039 = arith.mulf %get3A_1037, %mul3A_1038 : vector<16xf32>
          %swap3A_1040 = arith.index_cast %add3A_978 : i32 to index
          %swap3A_1041 = arith.constant 112 : index
          %swap3A_1042 = tpu.vector_load %arg12[%swap3A_1040, %swap3A_1041] {strides = array<i32>} : memref<128x128xf32, #tpu.memory_space<vmem>>, vector<16xf32>,
          tpu.vector_store %arg12[%swap3A_1040, %swap3A_1041], %mul3A_1039 {strides = array<i32>} : memref<128x128xf32, #tpu.memory_space<vmem>>, vector<16xf32>,
          %slice3A_1043 = vector.extract_strided_slice %gather3A {offsets = [13], sizes = [1], strides = [1]} : vector<16xf32> to vector<1xf32>
          %squeeze3A_1044 = vector.extract %slice3A_1043[0] : f32 from vector<1xf32>
          %mul3A_1045 = arith.constant 16 : i32
          %mul3A_1046 = arith.muli %scan3A_130, %mul3A_1045 : i32
          %add3A_1047 = arith.constant 13 : i32
          %add3A_1048 = arith.addi %mul3A_1046, %add3A_1047 : i32
          %get3A_1049 = arith.index_cast %add3A_1048 : i32 to index
          %get3A_1050 = arith.constant 0 : index
          %get3A_1051 = tpu.vector_load %arg12[%get3A_1049, %get3A_1050] {strides = array<i32>} : memref<128x128xf32, #tpu.memory_space<vmem>>, vector<16xf32>,
          %mul3A_1052 = vector.broadcast %squeeze3A_1044 : f32 to vector<16xf32>
          %mul3A_1053 = arith.mulf %get3A_1051, %mul3A_1052 : vector<16xf32>
          %swap3A_1054 = arith.index_cast %add3A_1048 : i32 to index
          %swap3A_1055 = arith.constant 0 : index
          %swap3A_1056 = tpu.vector_load %arg12[%swap3A_1054, %swap3A_1055] {strides = array<i32>} : memref<128x128xf32, #tpu.memory_space<vmem>>, vector<16xf32>,
          tpu.vector_store %arg12[%swap3A_1054, %swap3A_1055], %mul3A_1053 {strides = array<i32>} : memref<128x128xf32, #tpu.memory_space<vmem>>, vector<16xf32>,
          %get3A_1057 = arith.index_cast %add3A_1048 : i32 to index
          %get3A_1058 = arith.constant 16 : index
          %get3A_1059 = tpu.vector_load %arg12[%get3A_1057, %get3A_1058] {strides = array<i32>} : memref<128x128xf32, #tpu.memory_space<vmem>>, vector<16xf32>,
          %mul3A_1060 = vector.broadcast %squeeze3A_1044 : f32 to vector<16xf32>
          %mul3A_1061 = arith.mulf %get3A_1059, %mul3A_1060 : vector<16xf32>
          %swap3A_1062 = arith.index_cast %add3A_1048 : i32 to index
          %swap3A_1063 = arith.constant 16 : index
          %swap3A_1064 = tpu.vector_load %arg12[%swap3A_1062, %swap3A_1063] {strides = array<i32>} : memref<128x128xf32, #tpu.memory_space<vmem>>, vector<16xf32>,
          tpu.vector_store %arg12[%swap3A_1062, %swap3A_1063], %mul3A_1061 {strides = array<i32>} : memref<128x128xf32, #tpu.memory_space<vmem>>, vector<16xf32>,
          %get3A_1065 = arith.index_cast %add3A_1048 : i32 to index
          %get3A_1066 = arith.constant 32 : index
          %get3A_1067 = tpu.vector_load %arg12[%get3A_1065, %get3A_1066] {strides = array<i32>} : memref<128x128xf32, #tpu.memory_space<vmem>>, vector<16xf32>,
          %mul3A_1068 = vector.broadcast %squeeze3A_1044 : f32 to vector<16xf32>
          %mul3A_1069 = arith.mulf %get3A_1067, %mul3A_1068 : vector<16xf32>
          %swap3A_1070 = arith.index_cast %add3A_1048 : i32 to index
          %swap3A_1071 = arith.constant 32 : index
          %swap3A_1072 = tpu.vector_load %arg12[%swap3A_1070, %swap3A_1071] {strides = array<i32>} : memref<128x128xf32, #tpu.memory_space<vmem>>, vector<16xf32>,
          tpu.vector_store %arg12[%swap3A_1070, %swap3A_1071], %mul3A_1069 {strides = array<i32>} : memref<128x128xf32, #tpu.memory_space<vmem>>, vector<16xf32>,
          %get3A_1073 = arith.index_cast %add3A_1048 : i32 to index
          %get3A_1074 = arith.constant 48 : index
          %get3A_1075 = tpu.vector_load %arg12[%get3A_1073, %get3A_1074] {strides = array<i32>} : memref<128x128xf32, #tpu.memory_space<vmem>>, vector<16xf32>,
          %mul3A_1076 = vector.broadcast %squeeze3A_1044 : f32 to vector<16xf32>
          %mul3A_1077 = arith.mulf %get3A_1075, %mul3A_1076 : vector<16xf32>
          %swap3A_1078 = arith.index_cast %add3A_1048 : i32 to index
          %swap3A_1079 = arith.constant 48 : index
          %swap3A_1080 = tpu.vector_load %arg12[%swap3A_1078, %swap3A_1079] {strides = array<i32>} : memref<128x128xf32, #tpu.memory_space<vmem>>, vector<16xf32>,
          tpu.vector_store %arg12[%swap3A_1078, %swap3A_1079], %mul3A_1077 {strides = array<i32>} : memref<128x128xf32, #tpu.memory_space<vmem>>, vector<16xf32>,
          %get3A_1081 = arith.index_cast %add3A_1048 : i32 to index
          %get3A_1082 = arith.constant 64 : index
          %get3A_1083 = tpu.vector_load %arg12[%get3A_1081, %get3A_1082] {strides = array<i32>} : memref<128x128xf32, #tpu.memory_space<vmem>>, vector<16xf32>,
          %mul3A_1084 = vector.broadcast %squeeze3A_1044 : f32 to vector<16xf32>
          %mul3A_1085 = arith.mulf %get3A_1083, %mul3A_1084 : vector<16xf32>
          %swap3A_1086 = arith.index_cast %add3A_1048 : i32 to index
          %swap3A_1087 = arith.constant 64 : index
          %swap3A_1088 = tpu.vector_load %arg12[%swap3A_1086, %swap3A_1087] {strides = array<i32>} : memref<128x128xf32, #tpu.memory_space<vmem>>, vector<16xf32>,
          tpu.vector_store %arg12[%swap3A_1086, %swap3A_1087], %mul3A_1085 {strides = array<i32>} : memref<128x128xf32, #tpu.memory_space<vmem>>, vector<16xf32>,
          %get3A_1089 = arith.index_cast %add3A_1048 : i32 to index
          %get3A_1090 = arith.constant 80 : index
          %get3A_1091 = tpu.vector_load %arg12[%get3A_1089, %get3A_1090] {strides = array<i32>} : memref<128x128xf32, #tpu.memory_space<vmem>>, vector<16xf32>,
          %mul3A_1092 = vector.broadcast %squeeze3A_1044 : f32 to vector<16xf32>
          %mul3A_1093 = arith.mulf %get3A_1091, %mul3A_1092 : vector<16xf32>
          %swap3A_1094 = arith.index_cast %add3A_1048 : i32 to index
          %swap3A_1095 = arith.constant 80 : index
          %swap3A_1096 = tpu.vector_load %arg12[%swap3A_1094, %swap3A_1095] {strides = array<i32>} : memref<128x128xf32, #tpu.memory_space<vmem>>, vector<16xf32>,
          tpu.vector_store %arg12[%swap3A_1094, %swap3A_1095], %mul3A_1093 {strides = array<i32>} : memref<128x128xf32, #tpu.memory_space<vmem>>, vector<16xf32>,
          %get3A_1097 = arith.index_cast %add3A_1048 : i32 to index
          %get3A_1098 = arith.constant 96 : index
          %get3A_1099 = tpu.vector_load %arg12[%get3A_1097, %get3A_1098] {strides = array<i32>} : memref<128x128xf32, #tpu.memory_space<vmem>>, vector<16xf32>,
          %mul3A_1100 = vector.broadcast %squeeze3A_1044 : f32 to vector<16xf32>
          %mul3A_1101 = arith.mulf %get3A_1099, %mul3A_1100 : vector<16xf32>
          %swap3A_1102 = arith.index_cast %add3A_1048 : i32 to index
          %swap3A_1103 = arith.constant 96 : index
          %swap3A_1104 = tpu.vector_load %arg12[%swap3A_1102, %swap3A_1103] {strides = array<i32>} : memref<128x128xf32, #tpu.memory_space<vmem>>, vector<16xf32>,
          tpu.vector_store %arg12[%swap3A_1102, %swap3A_1103], %mul3A_1101 {strides = array<i32>} : memref<128x128xf32, #tpu.memory_space<vmem>>, vector<16xf32>,
          %get3A_1105 = arith.index_cast %add3A_1048 : i32 to index
          %get3A_1106 = arith.constant 112 : index
          %get3A_1107 = tpu.vector_load %arg12[%get3A_1105, %get3A_1106] {strides = array<i32>} : memref<128x128xf32, #tpu.memory_space<vmem>>, vector<16xf32>,
          %mul3A_1108 = vector.broadcast %squeeze3A_1044 : f32 to vector<16xf32>
          %mul3A_1109 = arith.mulf %get3A_1107, %mul3A_1108 : vector<16xf32>
          %swap3A_1110 = arith.index_cast %add3A_1048 : i32 to index
          %swap3A_1111 = arith.constant 112 : index
          %swap3A_1112 = tpu.vector_load %arg12[%swap3A_1110, %swap3A_1111] {strides = array<i32>} : memref<128x128xf32, #tpu.memory_space<vmem>>, vector<16xf32>,
          tpu.vector_store %arg12[%swap3A_1110, %swap3A_1111], %mul3A_1109 {strides = array<i32>} : memref<128x128xf32, #tpu.memory_space<vmem>>, vector<16xf32>,
          %slice3A_1113 = vector.extract_strided_slice %gather3A {offsets = [14], sizes = [1], strides = [1]} : vector<16xf32> to vector<1xf32>
          %squeeze3A_1114 = vector.extract %slice3A_1113[0] : f32 from vector<1xf32>
          %mul3A_1115 = arith.constant 16 : i32
          %mul3A_1116 = arith.muli %scan3A_130, %mul3A_1115 : i32
          %add3A_1117 = arith.constant 14 : i32
          %add3A_1118 = arith.addi %mul3A_1116, %add3A_1117 : i32
          %get3A_1119 = arith.index_cast %add3A_1118 : i32 to index
          %get3A_1120 = arith.constant 0 : index
          %get3A_1121 = tpu.vector_load %arg12[%get3A_1119, %get3A_1120] {strides = array<i32>} : memref<128x128xf32, #tpu.memory_space<vmem>>, vector<16xf32>,
          %mul3A_1122 = vector.broadcast %squeeze3A_1114 : f32 to vector<16xf32>
          %mul3A_1123 = arith.mulf %get3A_1121, %mul3A_1122 : vector<16xf32>
          %swap3A_1124 = arith.index_cast %add3A_1118 : i32 to index
          %swap3A_1125 = arith.constant 0 : index
          %swap3A_1126 = tpu.vector_load %arg12[%swap3A_1124, %swap3A_1125] {strides = array<i32>} : memref<128x128xf32, #tpu.memory_space<vmem>>, vector<16xf32>,
          tpu.vector_store %arg12[%swap3A_1124, %swap3A_1125], %mul3A_1123 {strides = array<i32>} : memref<128x128xf32, #tpu.memory_space<vmem>>, vector<16xf32>,
          %get3A_1127 = arith.index_cast %add3A_1118 : i32 to index
          %get3A_1128 = arith.constant 16 : index
          %get3A_1129 = tpu.vector_load %arg12[%get3A_1127, %get3A_1128] {strides = array<i32>} : memref<128x128xf32, #tpu.memory_space<vmem>>, vector<16xf32>,
          %mul3A_1130 = vector.broadcast %squeeze3A_1114 : f32 to vector<16xf32>
          %mul3A_1131 = arith.mulf %get3A_1129, %mul3A_1130 : vector<16xf32>
          %swap3A_1132 = arith.index_cast %add3A_1118 : i32 to index
          %swap3A_1133 = arith.constant 16 : index
          %swap3A_1134 = tpu.vector_load %arg12[%swap3A_1132, %swap3A_1133] {strides = array<i32>} : memref<128x128xf32, #tpu.memory_space<vmem>>, vector<16xf32>,
          tpu.vector_store %arg12[%swap3A_1132, %swap3A_1133], %mul3A_1131 {strides = array<i32>} : memref<128x128xf32, #tpu.memory_space<vmem>>, vector<16xf32>,
          %get3A_1135 = arith.index_cast %add3A_1118 : i32 to index
          %get3A_1136 = arith.constant 32 : index
          %get3A_1137 = tpu.vector_load %arg12[%get3A_1135, %get3A_1136] {strides = array<i32>} : memref<128x128xf32, #tpu.memory_space<vmem>>, vector<16xf32>,
          %mul3A_1138 = vector.broadcast %squeeze3A_1114 : f32 to vector<16xf32>
          %mul3A_1139 = arith.mulf %get3A_1137, %mul3A_1138 : vector<16xf32>
          %swap3A_1140 = arith.index_cast %add3A_1118 : i32 to index
          %swap3A_1141 = arith.constant 32 : index
          %swap3A_1142 = tpu.vector_load %arg12[%swap3A_1140, %swap3A_1141] {strides = array<i32>} : memref<128x128xf32, #tpu.memory_space<vmem>>, vector<16xf32>,
          tpu.vector_store %arg12[%swap3A_1140, %swap3A_1141], %mul3A_1139 {strides = array<i32>} : memref<128x128xf32, #tpu.memory_space<vmem>>, vector<16xf32>,
          %get3A_1143 = arith.index_cast %add3A_1118 : i32 to index
          %get3A_1144 = arith.constant 48 : index
          %get3A_1145 = tpu.vector_load %arg12[%get3A_1143, %get3A_1144] {strides = array<i32>} : memref<128x128xf32, #tpu.memory_space<vmem>>, vector<16xf32>,
          %mul3A_1146 = vector.broadcast %squeeze3A_1114 : f32 to vector<16xf32>
          %mul3A_1147 = arith.mulf %get3A_1145, %mul3A_1146 : vector<16xf32>
          %swap3A_1148 = arith.index_cast %add3A_1118 : i32 to index
          %swap3A_1149 = arith.constant 48 : index
          %swap3A_1150 = tpu.vector_load %arg12[%swap3A_1148, %swap3A_1149] {strides = array<i32>} : memref<128x128xf32, #tpu.memory_space<vmem>>, vector<16xf32>,
          tpu.vector_store %arg12[%swap3A_1148, %swap3A_1149], %mul3A_1147 {strides = array<i32>} : memref<128x128xf32, #tpu.memory_space<vmem>>, vector<16xf32>,
          %get3A_1151 = arith.index_cast %add3A_1118 : i32 to index
          %get3A_1152 = arith.constant 64 : index
          %get3A_1153 = tpu.vector_load %arg12[%get3A_1151, %get3A_1152] {strides = array<i32>} : memref<128x128xf32, #tpu.memory_space<vmem>>, vector<16xf32>,
          %mul3A_1154 = vector.broadcast %squeeze3A_1114 : f32 to vector<16xf32>
          %mul3A_1155 = arith.mulf %get3A_1153, %mul3A_1154 : vector<16xf32>
          %swap3A_1156 = arith.index_cast %add3A_1118 : i32 to index
          %swap3A_1157 = arith.constant 64 : index
          %swap3A_1158 = tpu.vector_load %arg12[%swap3A_1156, %swap3A_1157] {strides = array<i32>} : memref<128x128xf32, #tpu.memory_space<vmem>>, vector<16xf32>,
          tpu.vector_store %arg12[%swap3A_1156, %swap3A_1157], %mul3A_1155 {strides = array<i32>} : memref<128x128xf32, #tpu.memory_space<vmem>>, vector<16xf32>,
          %get3A_1159 = arith.index_cast %add3A_1118 : i32 to index
          %get3A_1160 = arith.constant 80 : index
          %get3A_1161 = tpu.vector_load %arg12[%get3A_1159, %get3A_1160] {strides = array<i32>} : memref<128x128xf32, #tpu.memory_space<vmem>>, vector<16xf32>,
          %mul3A_1162 = vector.broadcast %squeeze3A_1114 : f32 to vector<16xf32>
          %mul3A_1163 = arith.mulf %get3A_1161, %mul3A_1162 : vector<16xf32>
          %swap3A_1164 = arith.index_cast %add3A_1118 : i32 to index
          %swap3A_1165 = arith.constant 80 : index
          %swap3A_1166 = tpu.vector_load %arg12[%swap3A_1164, %swap3A_1165] {strides = array<i32>} : memref<128x128xf32, #tpu.memory_space<vmem>>, vector<16xf32>,
          tpu.vector_store %arg12[%swap3A_1164, %swap3A_1165], %mul3A_1163 {strides = array<i32>} : memref<128x128xf32, #tpu.memory_space<vmem>>, vector<16xf32>,
          %get3A_1167 = arith.index_cast %add3A_1118 : i32 to index
          %get3A_1168 = arith.constant 96 : index
          %get3A_1169 = tpu.vector_load %arg12[%get3A_1167, %get3A_1168] {strides = array<i32>} : memref<128x128xf32, #tpu.memory_space<vmem>>, vector<16xf32>,
          %mul3A_1170 = vector.broadcast %squeeze3A_1114 : f32 to vector<16xf32>
          %mul3A_1171 = arith.mulf %get3A_1169, %mul3A_1170 : vector<16xf32>
          %swap3A_1172 = arith.index_cast %add3A_1118 : i32 to index
          %swap3A_1173 = arith.constant 96 : index
          %swap3A_1174 = tpu.vector_load %arg12[%swap3A_1172, %swap3A_1173] {strides = array<i32>} : memref<128x128xf32, #tpu.memory_space<vmem>>, vector<16xf32>,
          tpu.vector_store %arg12[%swap3A_1172, %swap3A_1173], %mul3A_1171 {strides = array<i32>} : memref<128x128xf32, #tpu.memory_space<vmem>>, vector<16xf32>,
          %get3A_1175 = arith.index_cast %add3A_1118 : i32 to index
          %get3A_1176 = arith.constant 112 : index
          %get3A_1177 = tpu.vector_load %arg12[%get3A_1175, %get3A_1176] {strides = array<i32>} : memref<128x128xf32, #tpu.memory_space<vmem>>, vector<16xf32>,
          %mul3A_1178 = vector.broadcast %squeeze3A_1114 : f32 to vector<16xf32>
          %mul3A_1179 = arith.mulf %get3A_1177, %mul3A_1178 : vector<16xf32>
          %swap3A_1180 = arith.index_cast %add3A_1118 : i32 to index
          %swap3A_1181 = arith.constant 112 : index
          %swap3A_1182 = tpu.vector_load %arg12[%swap3A_1180, %swap3A_1181] {strides = array<i32>} : memref<128x128xf32, #tpu.memory_space<vmem>>, vector<16xf32>,
          tpu.vector_store %arg12[%swap3A_1180, %swap3A_1181], %mul3A_1179 {strides = array<i32>} : memref<128x128xf32, #tpu.memory_space<vmem>>, vector<16xf32>,
          %slice3A_1183 = vector.extract_strided_slice %gather3A {offsets = [15], sizes = [1], strides = [1]} : vector<16xf32> to vector<1xf32>
          %squeeze3A_1184 = vector.extract %slice3A_1183[0] : f32 from vector<1xf32>
          %mul3A_1185 = arith.constant 16 : i32
          %mul3A_1186 = arith.muli %scan3A_130, %mul3A_1185 : i32
          %add3A_1187 = arith.constant 15 : i32
          %add3A_1188 = arith.addi %mul3A_1186, %add3A_1187 : i32
          %get3A_1189 = arith.index_cast %add3A_1188 : i32 to index
          %get3A_1190 = arith.constant 0 : index
          %get3A_1191 = tpu.vector_load %arg12[%get3A_1189, %get3A_1190] {strides = array<i32>} : memref<128x128xf32, #tpu.memory_space<vmem>>, vector<16xf32>,
          %mul3A_1192 = vector.broadcast %squeeze3A_1184 : f32 to vector<16xf32>
          %mul3A_1193 = arith.mulf %get3A_1191, %mul3A_1192 : vector<16xf32>
          %swap3A_1194 = arith.index_cast %add3A_1188 : i32 to index
          %swap3A_1195 = arith.constant 0 : index
          %swap3A_1196 = tpu.vector_load %arg12[%swap3A_1194, %swap3A_1195] {strides = array<i32>} : memref<128x128xf32, #tpu.memory_space<vmem>>, vector<16xf32>,
          tpu.vector_store %arg12[%swap3A_1194, %swap3A_1195], %mul3A_1193 {strides = array<i32>} : memref<128x128xf32, #tpu.memory_space<vmem>>, vector<16xf32>,
          %get3A_1197 = arith.index_cast %add3A_1188 : i32 to index
          %get3A_1198 = arith.constant 16 : index
          %get3A_1199 = tpu.vector_load %arg12[%get3A_1197, %get3A_1198] {strides = array<i32>} : memref<128x128xf32, #tpu.memory_space<vmem>>, vector<16xf32>,
          %mul3A_1200 = vector.broadcast %squeeze3A_1184 : f32 to vector<16xf32>
          %mul3A_1201 = arith.mulf %get3A_1199, %mul3A_1200 : vector<16xf32>
          %swap3A_1202 = arith.index_cast %add3A_1188 : i32 to index
          %swap3A_1203 = arith.constant 16 : index
          %swap3A_1204 = tpu.vector_load %arg12[%swap3A_1202, %swap3A_1203] {strides = array<i32>} : memref<128x128xf32, #tpu.memory_space<vmem>>, vector<16xf32>,
          tpu.vector_store %arg12[%swap3A_1202, %swap3A_1203], %mul3A_1201 {strides = array<i32>} : memref<128x128xf32, #tpu.memory_space<vmem>>, vector<16xf32>,
          %get3A_1205 = arith.index_cast %add3A_1188 : i32 to index
          %get3A_1206 = arith.constant 32 : index
          %get3A_1207 = tpu.vector_load %arg12[%get3A_1205, %get3A_1206] {strides = array<i32>} : memref<128x128xf32, #tpu.memory_space<vmem>>, vector<16xf32>,
          %mul3A_1208 = vector.broadcast %squeeze3A_1184 : f32 to vector<16xf32>
          %mul3A_1209 = arith.mulf %get3A_1207, %mul3A_1208 : vector<16xf32>
          %swap3A_1210 = arith.index_cast %add3A_1188 : i32 to index
          %swap3A_1211 = arith.constant 32 : index
          %swap3A_1212 = tpu.vector_load %arg12[%swap3A_1210, %swap3A_1211] {strides = array<i32>} : memref<128x128xf32, #tpu.memory_space<vmem>>, vector<16xf32>,
          tpu.vector_store %arg12[%swap3A_1210, %swap3A_1211], %mul3A_1209 {strides = array<i32>} : memref<128x128xf32, #tpu.memory_space<vmem>>, vector<16xf32>,
          %get3A_1213 = arith.index_cast %add3A_1188 : i32 to index
          %get3A_1214 = arith.constant 48 : index
          %get3A_1215 = tpu.vector_load %arg12[%get3A_1213, %get3A_1214] {strides = array<i32>} : memref<128x128xf32, #tpu.memory_space<vmem>>, vector<16xf32>,
          %mul3A_1216 = vector.broadcast %squeeze3A_1184 : f32 to vector<16xf32>
          %mul3A_1217 = arith.mulf %get3A_1215, %mul3A_1216 : vector<16xf32>
          %swap3A_1218 = arith.index_cast %add3A_1188 : i32 to index
          %swap3A_1219 = arith.constant 48 : index
          %swap3A_1220 = tpu.vector_load %arg12[%swap3A_1218, %swap3A_1219] {strides = array<i32>} : memref<128x128xf32, #tpu.memory_space<vmem>>, vector<16xf32>,
          tpu.vector_store %arg12[%swap3A_1218, %swap3A_1219], %mul3A_1217 {strides = array<i32>} : memref<128x128xf32, #tpu.memory_space<vmem>>, vector<16xf32>,
          %get3A_1221 = arith.index_cast %add3A_1188 : i32 to index
          %get3A_1222 = arith.constant 64 : index
          %get3A_1223 = tpu.vector_load %arg12[%get3A_1221, %get3A_1222] {strides = array<i32>} : memref<128x128xf32, #tpu.memory_space<vmem>>, vector<16xf32>,
          %mul3A_1224 = vector.broadcast %squeeze3A_1184 : f32 to vector<16xf32>
          %mul3A_1225 = arith.mulf %get3A_1223, %mul3A_1224 : vector<16xf32>
          %swap3A_1226 = arith.index_cast %add3A_1188 : i32 to index
          %swap3A_1227 = arith.constant 64 : index
          %swap3A_1228 = tpu.vector_load %arg12[%swap3A_1226, %swap3A_1227] {strides = array<i32>} : memref<128x128xf32, #tpu.memory_space<vmem>>, vector<16xf32>,
          tpu.vector_store %arg12[%swap3A_1226, %swap3A_1227], %mul3A_1225 {strides = array<i32>} : memref<128x128xf32, #tpu.memory_space<vmem>>, vector<16xf32>,
          %get3A_1229 = arith.index_cast %add3A_1188 : i32 to index
          %get3A_1230 = arith.constant 80 : index
          %get3A_1231 = tpu.vector_load %arg12[%get3A_1229, %get3A_1230] {strides = array<i32>} : memref<128x128xf32, #tpu.memory_space<vmem>>, vector<16xf32>,
          %mul3A_1232 = vector.broadcast %squeeze3A_1184 : f32 to vector<16xf32>
          %mul3A_1233 = arith.mulf %get3A_1231, %mul3A_1232 : vector<16xf32>
          %swap3A_1234 = arith.index_cast %add3A_1188 : i32 to index
          %swap3A_1235 = arith.constant 80 : index
          %swap3A_1236 = tpu.vector_load %arg12[%swap3A_1234, %swap3A_1235] {strides = array<i32>} : memref<128x128xf32, #tpu.memory_space<vmem>>, vector<16xf32>,
          tpu.vector_store %arg12[%swap3A_1234, %swap3A_1235], %mul3A_1233 {strides = array<i32>} : memref<128x128xf32, #tpu.memory_space<vmem>>, vector<16xf32>,
          %get3A_1237 = arith.index_cast %add3A_1188 : i32 to index
          %get3A_1238 = arith.constant 96 : index
          %get3A_1239 = tpu.vector_load %arg12[%get3A_1237, %get3A_1238] {strides = array<i32>} : memref<128x128xf32, #tpu.memory_space<vmem>>, vector<16xf32>,
          %mul3A_1240 = vector.broadcast %squeeze3A_1184 : f32 to vector<16xf32>
          %mul3A_1241 = arith.mulf %get3A_1239, %mul3A_1240 : vector<16xf32>
          %swap3A_1242 = arith.index_cast %add3A_1188 : i32 to index
          %swap3A_1243 = arith.constant 96 : index
          %swap3A_1244 = tpu.vector_load %arg12[%swap3A_1242, %swap3A_1243] {strides = array<i32>} : memref<128x128xf32, #tpu.memory_space<vmem>>, vector<16xf32>,
          tpu.vector_store %arg12[%swap3A_1242, %swap3A_1243], %mul3A_1241 {strides = array<i32>} : memref<128x128xf32, #tpu.memory_space<vmem>>, vector<16xf32>,
          %get3A_1245 = arith.index_cast %add3A_1188 : i32 to index
          %get3A_1246 = arith.constant 112 : index
          %get3A_1247 = tpu.vector_load %arg12[%get3A_1245, %get3A_1246] {strides = array<i32>} : memref<128x128xf32, #tpu.memory_space<vmem>>, vector<16xf32>,
          %mul3A_1248 = vector.broadcast %squeeze3A_1184 : f32 to vector<16xf32>
          %mul3A_1249 = arith.mulf %get3A_1247, %mul3A_1248 : vector<16xf32>
          %swap3A_1250 = arith.index_cast %add3A_1188 : i32 to index
          %swap3A_1251 = arith.constant 112 : index
          %swap3A_1252 = tpu.vector_load %arg12[%swap3A_1250, %swap3A_1251] {strides = array<i32>} : memref<128x128xf32, #tpu.memory_space<vmem>>, vector<16xf32>,
          tpu.vector_store %arg12[%swap3A_1250, %swap3A_1251], %mul3A_1249 {strides = array<i32>} : memref<128x128xf32, #tpu.memory_space<vmem>>, vector<16xf32>,
          %scan3A_1253 = arith.constant 0 : i32
          scf.yield %scan3A_1253 : i32
        }
        %scan3A_122 = arith.constant 8 : i32
        %dma_start3A_123 = arith.constant 0 : i32
        %dma_start3A_124 = tpu.memref_slice %arg9[%add3A_97, %dma_start3A_123] : memref<32x128xi32, #tpu.memory_space<vmem>> -> memref<1x128xi32, #tpu.memory_space<vmem>>
        %dma_start3A_125 = tpu.memref_squeeze %dma_start3A_124 : memref<1x128xi32, #tpu.memory_space<vmem>> -> memref<128xi32, #tpu.memory_space<vmem>>
        %dma_start3A_126 = arith.constant 0 : i32
        %dma_start3A_127 = arith.constant 0 : i32
        %dma_start3A_128 = tpu.memref_slice %arg14[%dma_start3A_126, %dma_start3A_127] : memref<10000x128xf32, #tpu.memory_space<vmem_shared>> -> memref<10000x128xf32, #tpu.memory_space<vmem_shared>>
        tpu.enqueue_indirect_dma source(%arg12 : memref<128x128xf32, #tpu.memory_space<vmem>>) target(%dma_start3A_128 : memref<10000x128xf32, #tpu.memory_space<vmem_shared>>) offsets(%dma_start3A_125 : memref<128xi32, #tpu.memory_space<vmem>>) semaphore(%arg16 : memref<!tpu.dma_semaphore, #tpu.memory_space<semaphore_mem>>) {add = true}
        %scan3A_129 = arith.constant 0 : i32
        scf.yield %scan3A_129 : i32
      }
      %scan3A_53 = arith.constant 16 : i32
      %dma_wait3A = arith.constant 31 : i32
      %dma_wait3A_54 = arith.constant 0 : i32
      %dma_wait3A_55 = tpu.memref_slice %arg9[%dma_wait3A, %dma_wait3A_54] : memref<32x128xi32, #tpu.memory_space<vmem>> -> memref<1x128xi32, #tpu.memory_space<vmem>>
      %dma_wait3A_56 = tpu.memref_squeeze %dma_wait3A_55 : memref<1x128xi32, #tpu.memory_space<vmem>> -> memref<128xi32, #tpu.memory_space<vmem>>
      %dma_wait3A_57 = arith.constant 0 : i32
      %dma_wait3A_58 = arith.constant 0 : i32
      %dma_wait3A_59 = tpu.memref_slice %arg14[%dma_wait3A_57, %dma_wait3A_58] : memref<10000x128xf32, #tpu.memory_space<vmem_shared>> -> memref<10000x128xf32, #tpu.memory_space<vmem_shared>>
      tpu.wait_indirect_dma semaphore(%arg16 : memref<!tpu.dma_semaphore, #tpu.memory_space<semaphore_mem>>) src(%arg12 : memref<128x128xf32, #tpu.memory_space<vmem>>) dst(%dma_wait3A_59 : memref<10000x128xf32, #tpu.memory_space<vmem_shared>>)
      %scan3A_60 = arith.constant 0 : i32
      scf.yield %scan3A_60 : i32
    }
    %scan3A_27 = arith.constant 5 : i32
    %barrier3A_28 = arith.constant 0 : index
    tpu.barrier barrier_id(%barrier3A_28)
    "tpu.region"() ({
      %run_scoped3A = tpu.sem_alloc : memref<!tpu.dma_semaphore, #tpu.memory_space<semaphore_mem>>
      %dma_start3A = arith.constant 0 : i32
      %dma_start3A_34 = tpu.memref_slice %arg7[%arg0, %mul3A_8, %dma_start3A] : memref<2x10000x128xf32, #tpu.memory_space<hbm>> -> memref<1x624x128xf32, #tpu.memory_space<hbm>>
      %dma_start3A_35 = tpu.memref_squeeze %dma_start3A_34 : memref<1x624x128xf32, #tpu.memory_space<hbm>> -> memref<624x128xf32, #tpu.memory_space<hbm>>
      %dma_start3A_36 = arith.constant 0 : i32
      %dma_start3A_37 = tpu.memref_slice %arg14[%mul3A_8, %dma_start3A_36] : memref<10000x128xf32, #tpu.memory_space<vmem_shared>> -> memref<624x128xf32, #tpu.memory_space<vmem_shared>>
      tpu.enqueue_dma source(%dma_start3A_37 : memref<624x128xf32, #tpu.memory_space<vmem_shared>>) target(%dma_start3A_35 : memref<624x128xf32, #tpu.memory_space<hbm>>) target_semaphore(%run_scoped3A : memref<!tpu.dma_semaphore, #tpu.memory_space<semaphore_mem>>)
      %dma_wait3A = arith.constant 0 : i32
      %dma_wait3A_38 = tpu.memref_slice %arg7[%arg0, %mul3A_8, %dma_wait3A] : memref<2x10000x128xf32, #tpu.memory_space<hbm>> -> memref<1x624x128xf32, #tpu.memory_space<hbm>>
      %dma_wait3A_39 = tpu.memref_squeeze %dma_wait3A_38 : memref<1x624x128xf32, #tpu.memory_space<hbm>> -> memref<624x128xf32, #tpu.memory_space<hbm>>
      %dma_wait3A_40 = arith.constant 0 : i32
      %dma_wait3A_41 = tpu.memref_slice %arg14[%mul3A_8, %dma_wait3A_40] : memref<10000x128xf32, #tpu.memory_space<vmem_shared>> -> memref<624x128xf32, #tpu.memory_space<vmem_shared>>
      tpu.wait_dma2 semaphore(%run_scoped3A : memref<!tpu.dma_semaphore, #tpu.memory_space<semaphore_mem>>) src(%dma_wait3A_41 : memref<624x128xf32, #tpu.memory_space<vmem_shared>>) dst(%dma_wait3A_39 : memref<624x128xf32, #tpu.memory_space<hbm>>)
      tpu.yield
    }) : () -> ()
    %eq3A_29 = arith.constant 0 : i32
    %eq3A_30 = arith.cmpi eq, %arg1, %eq3A_29 : i32
    %convert_element_type3A_31 = arith.extui %eq3A_30 : i1 to i32
    %cond3A_32 = arith.constant 0 : i32
    %cond3A_33 = arith.cmpi ne, %convert_element_type3A_31, %cond3A_32 : i32
    scf.if %cond3A_33 {
      "tpu.region"() ({
        %run_scoped3A = tpu.sem_alloc : memref<!tpu.dma_semaphore, #tpu.memory_space<semaphore_mem>>
        %dma_start3A = arith.constant 9984 : i32
        %dma_start3A_34 = arith.constant 0 : i32
        %dma_start3A_35 = tpu.memref_slice %arg7[%arg0, %dma_start3A, %dma_start3A_34] : memref<2x10000x128xf32, #tpu.memory_space<hbm>> -> memref<1x16x128xf32, #tpu.memory_space<hbm>>
        %dma_start3A_36 = tpu.memref_squeeze %dma_start3A_35 : memref<1x16x128xf32, #tpu.memory_space<hbm>> -> memref<16x128xf32, #tpu.memory_space<hbm>>
        %dma_start3A_37 = arith.constant 9984 : i32
        %dma_start3A_38 = arith.constant 0 : i32
        %dma_start3A_39 = tpu.memref_slice %arg14[%dma_start3A_37, %dma_start3A_38] : memref<10000x128xf32, #tpu.memory_space<vmem_shared>> -> memref<16x128xf32, #tpu.memory_space<vmem_shared>>
        tpu.enqueue_dma source(%dma_start3A_39 : memref<16x128xf32, #tpu.memory_space<vmem_shared>>) target(%dma_start3A_36 : memref<16x128xf32, #tpu.memory_space<hbm>>) target_semaphore(%run_scoped3A : memref<!tpu.dma_semaphore, #tpu.memory_space<semaphore_mem>>)
        %dma_wait3A = arith.constant 9984 : i32
        %dma_wait3A_40 = arith.constant 0 : i32
        %dma_wait3A_41 = tpu.memref_slice %arg7[%arg0, %dma_wait3A, %dma_wait3A_40] : memref<2x10000x128xf32, #tpu.memory_space<hbm>> -> memref<1x16x128xf32, #tpu.memory_space<hbm>>
        %dma_wait3A_42 = tpu.memref_squeeze %dma_wait3A_41 : memref<1x16x128xf32, #tpu.memory_space<hbm>> -> memref<16x128xf32, #tpu.memory_space<hbm>>
        %dma_wait3A_43 = arith.constant 9984 : i32
        %dma_wait3A_44 = arith.constant 0 : i32
        %dma_wait3A_45 = tpu.memref_slice %arg14[%dma_wait3A_43, %dma_wait3A_44] : memref<10000x128xf32, #tpu.memory_space<vmem_shared>> -> memref<16x128xf32, #tpu.memory_space<vmem_shared>>
        tpu.wait_dma2 semaphore(%run_scoped3A : memref<!tpu.dma_semaphore, #tpu.memory_space<semaphore_mem>>) src(%dma_wait3A_45 : memref<16x128xf32, #tpu.memory_space<vmem_shared>>) dst(%dma_wait3A_42 : memref<16x128xf32, #tpu.memory_space<hbm>>)
        tpu.yield
      }) : () -> ()
    } else {
    }
    return
  }
}

module attributes {stable_mosaic.version = 14 : i64} {
  func.func @body(%arg0: memref<2x10000x128xf32, #tpu.memory_space<vmem>>, %arg1: memref<10000x128xf32, #tpu.memory_space<vmem>>, %arg2: memref<128x128xf32, #tpu.memory_space<vmem>>, %arg3: memref<1x1xf32, #tpu.memory_space<smem>>, %arg4: memref<128xf32, #tpu.memory_space<vmem>>, %arg5: memref<128xf32, #tpu.memory_space<vmem>>, %arg6: memref<128xf32, #tpu.memory_space<vmem>>, %arg7: memref<10000x128xf32, #tpu.memory_space<vmem>>) attributes {dimension_semantics = [], scalar_prefetch = 0 : i64, scratch_operands = 0 : i64, tpu.core_type = #tpu.core_type<tc>} {
    %get3A = arith.constant 0 : index
    %get3A_0 = arith.constant 0 : index
    %get3A_1 = memref.load %arg3[%get3A, %get3A_0] : memref<1x1xf32, #tpu.memory_space<smem>>
    %get3A_2 = arith.constant 0 : index
    %get3A_3 = arith.constant 0 : index
    %get3A_4 = arith.constant 0 : index
    %get3A_5 = vector.load %arg0[%get3A_2, %get3A_3, %get3A_4] : memref<2x10000x128xf32, #tpu.memory_space<vmem>>, vector<1x10000x128xf32>
    %get3A_6 = vector.shape_cast %get3A_5 : vector<1x10000x128xf32> to vector<10000x128xf32>
    %get3A_7 = arith.constant 1 : index
    %get3A_8 = arith.constant 0 : index
    %get3A_9 = arith.constant 0 : index
    %get3A_10 = vector.load %arg0[%get3A_7, %get3A_8, %get3A_9] : memref<2x10000x128xf32, #tpu.memory_space<vmem>>, vector<1x10000x128xf32>
    %get3A_11 = vector.shape_cast %get3A_10 : vector<1x10000x128xf32> to vector<10000x128xf32>
    %add3A = arith.addf %get3A_6, %get3A_11 : vector<10000x128xf32>
    %get3A_12 = arith.constant 0 : index
    %get3A_13 = arith.constant 0 : index
    %get3A_14 = vector.load %arg1[%get3A_12, %get3A_13] : memref<10000x128xf32, #tpu.memory_space<vmem>>, vector<10000x128xf32>
    %mul3A = vector.broadcast %get3A_1 : f32 to vector<10000x128xf32>
    %mul3A_15 = arith.mulf %get3A_14, %mul3A : vector<10000x128xf32>
    %add3A_16 = arith.addf %add3A, %mul3A_15 : vector<10000x128xf32>
    %get3A_17 = arith.constant 0 : index
    %get3A_18 = arith.constant 0 : index
    %get3A_19 = vector.load %arg2[%get3A_17, %get3A_18] : memref<128x128xf32, #tpu.memory_space<vmem>>, vector<128x128xf32>
    %dot_general3A = arith.constant dense<0.000000e+00> : vector<10000x128xf32>
    %dot_general3A_20 = tpu.matmul %add3A_16, %get3A_19, %dot_general3A {dimension_numbers = #tpu.dot_dimension_numbers<[1], [0], [0], [1], [0, 0, 1, 1], [], []>, transpose_lhs_hint = false} : vector<10000x128xf32>, vector<128x128xf32>, vector<10000x128xf32> -> vector<10000x128xf32>
    %get3A_21 = arith.constant 0 : index
    %get3A_22 = vector.load %arg4[%get3A_21] : memref<128xf32, #tpu.memory_space<vmem>>, vector<128xf32>
    %broadcast_in_dim3A = vector.shape_cast %get3A_22 : vector<128xf32> to vector<1x128xf32>
    %add3A_23 = vector.broadcast %broadcast_in_dim3A : vector<1x128xf32> to vector<10000x128xf32>
    %add3A_24 = arith.addf %dot_general3A_20, %add3A_23 : vector<10000x128xf32>
    %reduce_sum3A = arith.constant dense<0.000000e+00> : vector<128xf32>
    %reduce_sum3A_25 = vector.multi_reduction <add>, %add3A_24, %reduce_sum3A [0] : vector<10000x128xf32> to vector<128xf32>
    %broadcast_in_dim3A_26 = vector.shape_cast %reduce_sum3A_25 : vector<128xf32> to vector<1x128xf32>
    %div3A = arith.constant 1.000000e+04 : f32
    %div3A_27 = vector.broadcast %div3A : f32 to vector<1x128xf32>
    %div3A_28 = arith.divf %broadcast_in_dim3A_26, %div3A_27 : vector<1x128xf32>
    %sub3A = vector.broadcast %div3A_28 : vector<1x128xf32> to vector<10000x128xf32>
    %sub3A_29 = arith.subf %add3A_24, %sub3A : vector<10000x128xf32>
    %sub3A_30 = vector.broadcast %div3A_28 : vector<1x128xf32> to vector<10000x128xf32>
    %sub3A_31 = arith.subf %add3A_24, %sub3A_30 : vector<10000x128xf32>
    %mul3A_32 = arith.mulf %sub3A_29, %sub3A_31 : vector<10000x128xf32>
    %reduce_sum3A_33 = arith.constant dense<0.000000e+00> : vector<128xf32>
    %reduce_sum3A_34 = vector.multi_reduction <add>, %mul3A_32, %reduce_sum3A_33 [0] : vector<10000x128xf32> to vector<128xf32>
    %broadcast_in_dim3A_35 = vector.shape_cast %reduce_sum3A_34 : vector<128xf32> to vector<1x128xf32>
    %div3A_36 = arith.constant 1.000000e+04 : f32
    %div3A_37 = vector.broadcast %div3A_36 : f32 to vector<1x128xf32>
    %div3A_38 = arith.divf %broadcast_in_dim3A_35, %div3A_37 : vector<1x128xf32>
    %add3A_39 = arith.constant 9.99999974E-6 : f32
    %add3A_40 = vector.broadcast %add3A_39 : f32 to vector<1x128xf32>
    %add3A_41 = arith.addf %div3A_38, %add3A_40 : vector<1x128xf32>
    %rsqrt3A = math.rsqrt %add3A_41 : vector<1x128xf32>
    %sub3A_42 = vector.broadcast %div3A_28 : vector<1x128xf32> to vector<10000x128xf32>
    %sub3A_43 = arith.subf %add3A_24, %sub3A_42 : vector<10000x128xf32>
    %mul3A_44 = vector.broadcast %rsqrt3A : vector<1x128xf32> to vector<10000x128xf32>
    %mul3A_45 = arith.mulf %sub3A_43, %mul3A_44 : vector<10000x128xf32>
    %get3A_46 = arith.constant 0 : index
    %get3A_47 = vector.load %arg5[%get3A_46] : memref<128xf32, #tpu.memory_space<vmem>>, vector<128xf32>
    %broadcast_in_dim3A_48 = vector.shape_cast %get3A_47 : vector<128xf32> to vector<1x128xf32>
    %mul3A_49 = vector.broadcast %broadcast_in_dim3A_48 : vector<1x128xf32> to vector<10000x128xf32>
    %mul3A_50 = arith.mulf %mul3A_45, %mul3A_49 : vector<10000x128xf32>
    %get3A_51 = arith.constant 0 : index
    %get3A_52 = vector.load %arg6[%get3A_51] : memref<128xf32, #tpu.memory_space<vmem>>, vector<128xf32>
    %broadcast_in_dim3A_53 = vector.shape_cast %get3A_52 : vector<128xf32> to vector<1x128xf32>
    %add3A_54 = vector.broadcast %broadcast_in_dim3A_53 : vector<1x128xf32> to vector<10000x128xf32>
    %add3A_55 = arith.addf %mul3A_50, %add3A_54 : vector<10000x128xf32>
    %swap3A = arith.constant 0 : index
    %swap3A_56 = arith.constant 0 : index
    %swap3A_57 = vector.load %arg7[%swap3A, %swap3A_56] : memref<10000x128xf32, #tpu.memory_space<vmem>>, vector<10000x128xf32>
    tpu.vector_store %arg7[%swap3A, %swap3A_56], %add3A_55 {strides = array<i32>} : memref<10000x128xf32, #tpu.memory_space<vmem>>, vector<10000x128xf32>,
    return
  }
}

</mosaic_0001>

<sc_bundles>
// kernel: kernel.4.cloned.1.call-start
scs
__scs_entry_jumppad:
0x0: {  	(pc) =	sbr.rel $0x88, $3  }
0x1: {  	(tag) =	ssettag $0x0;
	lr =	simm.s32 $0x1  }
0x2: {  	[smem:$0x3F98] =	sst lr;
	_ =	strace $0xD0000000  }
0x3: {  	_ = 	snop  }
0x4: {  	_ = 	snop  }
0x5: {  	_ = 	snop  }
0x6: {  	_ = 	snop  }
0x7: {  	_ = 	snop  }
__scs_overlays_trampoline_lowered:
0x8: {  	[smem:$0x3FA7] =	sst s0  }
0x9: {  	[smem:$0x3FA8] =	sst s1  }
0xa: {  	[smem:$0x3FA9] =	sst s2  }
0xb: {  	[smem:$0x3FAA] =	sst s3  }
0xc: {  	[smem:$0x3FAB] =	sst s4  }
0xd: {  	[smem:$0x3FAC] =	sst s5  }
0xe: {  	[smem:$0x3FAD] =	sst s6  }
0xf: {  	[smem:$0x3FAE] =	sst s7  }
0x10: {  	[smem:$0x3FAF] =	sst s8  }
0x11: {  	[smem:$0x3FB0] =	sst s9;
	s0 =	simm.s32 @!p0 $0x0  }
0x12: {  	s1 =	sld [smem:$0x3F96];
	s0 =	simm.s32 @p0 $0x1  }
0x13: {  	[smem:$0x3FB1] =	sst s0;
	s0 =	simm.s32 @!p1 $0x0  }
0x14: {  	s2 =	sld [smem:$0x3F95];
	s0 =	simm.s32 @p1 $0x1  }
0x15: {  	[smem:$0x3FB2] =	sst s0;
	s0 =	simm.s32 @!p2 $0x0  }
0x16: {  	s3 =	sld [smem:$0x3FDB];
	s0 =	simm.s32 @p2 $0x1  }
0x17: {  	s4 =	simm.s32 $0x1BF5;
	[smem:$0x3FB4] =	sst s0  }
0x18: {  	s0 =	sld [smem:$0x3F97];
	_ =	swait.ge [sflag:s4], $0x0  }
0x19: {  	s7 =	sld [smem:$0x3F98]  }
0x1a: {  	s8 =	sadd.s32 $0xFFFFE003, lr  }
0x1b: {  	s9 =	sadd.s32 $0xFFFFFEF7, lr;
	s5 =	simm.s32 $0xFFFFFFFF;
	p2 =	slt.u32 s8, $0xFFFFF086  }
0x1c: {  	p1 =	slt.u32 s9, $0xF7A;
	s5 =	simm.s32 @!p2 $0x0  }
0x1d: {  	s5 =	simm.s32 @p1 $0x1;
	p0 =	seq.s32 s7, s2  }
0x1e: {  	s7 =	smul.u32 @!p0 $0xF7A, s2;
	p2 =	seq.s32 @!p0 s5, $0x0  }
0x1f: {  	s9 =	smul.u32 $0xF7A, s1;
	s8 =	simm.s32 @!p0 $0x1BF5;
	p2 =	por !p2, p0  }
0x20: {  	[sflag:s8] =	ssyncset.s32 @!p0 $0xFFFFF086;
	s6 =	sadd.s32 @!p0 s3, s7;
	s7 =	simm.s32 @!p0 $0x108  }
0x21: {  	s3 =	sadd.s32 s3, s9;
	s6 =	sadd.s32 @!p0 $0x88, s6;
	s7 =	simm.s32 @p2 $0x1082  }
0x22: {  	[simem:s7], [sflag:s8] =	dma.local @!p0 [hbm:s6], $0xF7A  }
0x23: {  	s9 =	sor.u32 $0xD0000000, s2;
	s6 =	simm.s32 $0x108;
	_ =	swait.ge @!p0 [sflag:s8], $0x0  }
0x24: {  	s3 =	sadd.s32 $0x88, s3;
	s6 =	simm.s32 @!p1 $0x1082;
	[sflag:s4] =	ssyncset.s32 $0xFFFFF086  }
0x25: {  	[simem:s6], [sflag:s4] =	dma.local [hbm:s3], $0xF7A  }
0x26: {  	[smem:$0x3F98] =	sst s1;
	(tag) =	ssettag s2;
	_ =	strace s9  }
0x27: {  	s1 =	sld [smem:$0x3FA8]  }
0x28: {  	s2 =	sld [smem:$0x3FA9]  }
0x29: {  	s4 =	sld [smem:$0x3FAB]  }
0x2a: {  	p0 =	seq.s32 s5, $0x0;
	s5 =	sld [smem:$0x3FAC]  }
0x2b: {  	s6 =	sld [smem:$0x3FAD]  }
0x2c: {  	s7 =	sld [smem:$0x3FAE]  }
0x2d: {  	s3 =	simm.s32 $0x108;
	s8 =	sld [smem:$0x3FAF]  }
0x2e: {  	s3 =	simm.s32 @!p0 $0x1082;
	s9 =	sld [smem:$0x3FB0]  }
0x2f: {  	lr =	sadd.s32 s0, s3;
	s0 =	sld [smem:$0x3FA7]  }
0x30: {  	s3 =	sld [smem:$0x3FAA]  }
0x31: {  	[smem:$0x3FB3] =	sst s10  }
0x32: {  	s10 =	sld [smem:$0x3FB1];
	_ =	sdelay $0x3  }
0x33: {  	p0 =	seq.s32 s10, $0x1;
	s10 =	sld [smem:$0x3FB3];
	_ =	sdelay $0x3  }
0x34: {  	[smem:$0x3FB3] =	sst s10  }
0x35: {  	s10 =	sld [smem:$0x3FB2];
	_ =	sdelay $0x3  }
0x36: {  	p1 =	seq.s32 s10, $0x1;
	s10 =	sld [smem:$0x3FB3];
	_ =	sdelay $0x3  }
0x37: {  	[smem:$0x3FB3] =	sst s10  }
0x38: {  	s10 =	sld [smem:$0x3FB4]  }
0x39: {  	_ = 	snop;
	(pc) =	sbr.ind lr, $3  }
0x3a: {  	_ = 	snop  }
0x3b: {  	_ = 	snop  }
0x3c: {  	p2 =	seq.s32 s10, $0x1;
	s10 =	sld [smem:$0x3FB3]  }
0x3d: {  	_ =	shalt  }
0x3e: {  	_ =	shalt  }
0x3f: {  	_ =	shalt  }
0x40: {  	_ =	shalt  }
0x41: {  	_ =	shalt  }
0x42: {  	_ =	shalt  }
0x43: {  	_ =	shalt  }
0x44: {  	_ =	shalt  }
0x45: {  	_ =	shalt  }
0x46: {  	_ =	shalt  }
0x47: {  	_ =	shalt  }
0x48: {  	_ =	shalt  }
0x49: {  	_ =	shalt  }
0x4a: {  	_ =	shalt  }
0x4b: {  	_ =	shalt  }
0x4c: {  	_ =	shalt  }
0x4d: {  	_ =	shalt  }
0x4e: {  	_ =	shalt  }
0x4f: {  	_ =	shalt  }
0x50: {  	_ =	shalt  }
0x51: {  	_ =	shalt  }
0x52: {  	_ =	shalt  }
0x53: {  	_ =	shalt  }
0x54: {  	_ =	shalt  }
0x55: {  	_ =	shalt  }
0x56: {  	_ =	shalt  }
0x57: {  	_ =	shalt  }
0x58: {  	_ =	shalt  }
0x59: {  	_ =	shalt  }
0x5a: {  	_ =	shalt  }
0x5b: {  	_ =	shalt  }
0x5c: {  	_ =	shalt  }
0x5d: {  	_ =	shalt  }
0x5e: {  	_ =	shalt  }
0x5f: {  	_ =	shalt  }
0x60: {  	_ =	shalt  }
0x61: {  	_ =	shalt  }
0x62: {  	_ =	shalt  }
0x63: {  	_ =	shalt  }
0x64: {  	_ =	shalt  }
0x65: {  	_ =	shalt  }
0x66: {  	_ =	shalt  }
0x67: {  	_ =	shalt  }
0x68: {  	_ =	shalt  }
0x69: {  	_ =	shalt  }
0x6a: {  	_ =	shalt  }
0x6b: {  	_ =	shalt  }
0x6c: {  	_ =	shalt  }
0x6d: {  	_ =	shalt  }
0x6e: {  	_ =	shalt  }
0x6f: {  	_ =	shalt  }
0x70: {  	_ =	shalt  }
0x71: {  	_ =	shalt  }
0x72: {  	_ =	shalt  }
0x73: {  	_ =	shalt  }
0x74: {  	_ =	shalt  }
0x75: {  	_ =	shalt  }
0x76: {  	_ =	shalt  }
0x77: {  	_ =	shalt  }
0x78: {  	_ =	shalt  }
0x79: {  	_ =	shalt  }
0x7a: {  	_ =	shalt  }
0x7b: {  	_ =	shalt  }
0x7c: {  	_ =	shalt  }
0x7d: {  	_ =	shalt  }
0x7e: {  	_ =	shalt  }
0x7f: {  	_ =	shalt  }
0x80: {  	_ =	shalt  }
0x81: {  	_ =	shalt  }
0x82: {  	_ =	shalt  }
0x83: {  	_ =	shalt  }
0x84: {  	_ =	shalt  }
0x85: {  	_ =	shalt  }
0x86: {  	_ =	shalt  }
0x87: {  	_ =	shalt  }
.Lfunc_end0:
.L_simem_size_0:
called_computation_lowered:
.L_overlay_start_0:
0x88: {  	s2 =	sld [smem:$0x3FD9]  }
0x89: {  	s3 =	sld [smem:$0x3FFE];
	_ =	sdelay $0x1  }
0x8a: {  	s1 =	srdreg.scid  }
0x8b: {  	s0 =	sand.u32 $0x1, s1  }
0x8c: {  	s14 =	sshll.u32 s0, $0xA;
	s2 =	sadd.s32 s3, s2  }
0x8d: {  	s2 =	sadd.s32 s2, s14  }
0x8e: {  	[smem:$0x3FBF] =	sst s2  }
0x8f: {  	_ = 	snop  }
0x90: {  	s2 =	sld [smem:$0x3FD0];
	_ =	sdelay $0x2  }
0x91: {  	s4 =	simm.s32 $0xA;
	s5 =	simm.s32 $0x10;
	s15 =	sld [smem:$0x3FC9]  }
0x92: {  	[smem:s5], [sflag:s4] =	dma.local [hbm:s2], $0x1  }
0x93: {  	_ =	swait.eq [sflag:s4], $0x1  }
0x94: {  	[sflag:s4] =	ssyncset.done $0x0  }
0x95: {  	s16 =	sld [smem:$0x10];
	[sflag:s4] =	ssyncadd.s32 $0xFFFFFFFF  }
0x96: {  	s17 =	sld [smem:$0x11];
	(tm) =	ssettm $0x1  }
0x97: {  	s18 =	sld [smem:$0x3FFB];
	_ =	sdelay $0x3  }
0x98: {  	_ =	strace s18  }
0x99: {  	s5 =	sld [smem:$0x3FFC];
	_ =	sdelay $0x3  }
0x9a: {  	_ =	strace s5  }
0x9b: {  	s5 =	sld [smem:$0x3FFD];
	_ =	sdelay $0x3  }
0x9c: {  	_ =	strace s5  }
0x9d: {  	_ =	strace $0x8FFFFFFF  }
0x9e: {  	s19 =	sld [smem:$0x3FDB];
	_ =	sdelay $0x1  }
0x9f: {  	s6 =	simm.s32 $_scs_section_size  }
0xa0: {  	s7 =	simm.s32 $_size__tile_overlayer_lowered;
	s8 =	simm.s32 $_tile_overlayer_lowered  }
0xa1: {  	s22 =	simm.s32 $0x1BFF;
	s21 =	sshll.u32 s8, $0x1;
	s5 =	sadd.s32 s6, s19  }
0xa2: {  	s9 =	simm.s32 $0x0;
	s20 =	sshll.u32 s7, $0x1;
	s7 =	sadd.s32 s21, s5  }
0xa3: {  	[timem:s9], [sflag:s22] =	dma.local [hbm:s7], s20  }
0xa4: {  	_ =	swait.ge [sflag:s22], s20  }
0xa5: {  	s6 =	ssub.s32 $0x0, s20;
	[sflag:s22] =	ssyncset.done $0x0  }
0xa6: {  	[sflag:s22] =	ssyncadd.s32 s6;
	_ =	sdelay $0x1  }
0xa7: {  	s23 =	simm.s32 $0x1B8B  }
0xa8: {  	_ =	swait.ge [sflag:s23], $0x1  }
0xa9: {  	[sflag:s23] =	ssyncset.done $0x0  }
0xaa: {  	s25 =	simm.s32 $0x1B8E;
	s24 =	sld [smem:$0x3FFE];
	[sflag:s23] =	ssyncadd.s32 $0xFFFFFFFF  }
0xab: {  	s26 =	simm.s32 $execute0_lowered;
	[smem:$0x3FD2] =	sst s25  }
0xac: {  	s7 =	sshll.u32 s26, $0x1;
	_ =	strace $0x80000046;
	[dreg:$0x1] =	wrdreg $0xFFFFFFFF  }
0xad: {  	s28 =	simm.s32 $_size_execute0_lowered;
	s5 =	sadd.s32 s5, s7;
	[dreg:$0x0] =	wrdreg $0x0  }
0xae: {  	s7 =	sshll.u32 s28, $0x1;
	[dreg:$0x2] =	wrdreg s5  }
0xaf: {  	[dreg:$0x3] =	wrdreg s7  }
0xb0: {  	[dreg:$0x4] =	wrdreg $0xC0  }
0xb1: {  	_ =	task [dreg:s9], $0x5FFFF  }
0xb2: {  	[dreg:$0x1] =	wrdreg $0xFFFFFFFF  }
0xb3: {  	[dreg:$0x0] =	wrdreg $0x60  }
0xb4: {  	[dreg:$0x2] =	wrdreg s15  }
0xb5: {  	[dreg:$0x3] =	wrdreg s24  }
0xb6: {  	[dreg:$0x4] =	wrdreg s16  }
0xb7: {  	[dreg:$0x5] =	wrdreg s17  }
0xb8: {  	[dreg:$0x6] =	wrdreg $0xB2000  }
0xb9: {  	[dreg:$0x7] =	wrdreg $0x9  }
0xba: {  	_ =	task.clear_ibuf [dreg:s9], $0x8FFFF;
	_ =	strace $0x90000046  }
0xbb: {  	s29 =	simm.s32 $0x9;
	_ =	strace $0x80000048  }
0xbc: {  	_ =	swait.ge [sflag:s29], $0x1  }
0xbd: {  	[sflag:s29] =	ssyncadd.s32 $0xFFFFFFFF  }
0xbe: {  	_ =	strace $0x90000048  }
0xbf: {  	_ =	sfence  }
0xc0: {  	s30 =	sld [smem:$0x0];
	_ =	sdelay $0x2  }
0xc1: {  	s31 =	sshll.u32 s1, $0xD;
	s1 =	sshrl.u32 s1, $0x2  }
0xc2: {  	s3 =	sand.u32 $0x4000, s31;
	s1 =	sadd.s32 s1, s30  }
0xc3: {  	s0 =	sor.u32 s3, s0;
	s1 =	sshll.u32 s1, $0x11  }
0xc4: {  	s0 =	sor.u32 s1, s0  }
0xc5: {  	s0 =	sadd.s32 $0x8F2B, s0  }
0xc6: {  	[sflag:s0] =	ssyncadd.remote.s32 $0x1  }
0xc7: {  	_ =	sfence.sel $0xFFFF  }
0xc8: {  	[dreg:$0x0] =	wrdreg $0xFFFFFFFF;
	(pc) =	sbr.abs _section_cstart, $3  }
0xc9: {  	[dreg:$0x1] =	wrdreg $0xFFFFFFFF  }
0xca: {  	_ =	task.clear_ibuf [dreg:s9], $0x2FFFF;
	_ =	strace $0x9FFFFFFF  }
0xcb: {  	(tm) =	ssettm $0x7FFFFFFF  }
tec
execute0_lowered:
.L_overlay_start_1:
0x0: {  	(tag) =	ssettag $0x1  }
0x1: {  	s1 =	rddreg [dreg:$0x0]  }
0x2: {  	s0 =	rddreg [dreg:$0x1]  }
0x3: {  	s2 =	rddreg [dreg:$0x2]  }
0x4: {  	s4 =	rddreg [dreg:$0x4]  }
0x5: {  	s5 =	simm.s32 $0x0;
	s3 =	srdreg.scid;
	s19 =	stileid.u32  }
0x6: {  	s20 =	simm.s32 $0x3;
	s21 =	simm.s32 $0xB000;
	s22 =	simm.s32 $0x1000  }
0x7: {  	s23 =	simm.s32 $0x2000;
	s24 =	simm.s32 $0x80;
	s28 =	simm.s32 $0x2  }
0x8: {  	s29 =	simm.s32 $0x0;
	[smem:$0x7FF] =	sst s5;
	s3 =	sand.u32 $0x1, s3  }
0x9: {  	s7 =	sadd.s32 $0x15600, s0;
	s9 =	smul.u32 $0x4E000, s19;
	s8 =	sadd.s32 $0x1600, s0  }
0xa: {  	s0 =	sadd.s32 $0x29600, s0;
	s11 =	sshll.u32 s19, $0x1;
	s14 =	smul.u32 $0x13800, s19  }
0xb: {  	p0 =	sne.s32 s19, $0x0;
	s19 =	simm.s32 $0x3000;
	_ =	strace $0x80000047  }
0xc: {  	s6 =	ssub.s32 $0x2, s3;
	s25 =	smul.u32 $0x138800, s3;
	s3 =	sor.u32 s3, s11  }
0xd: {  	s10 =	sshrl.u32 s6, $0x1;
	s9 =	sshrl.u32 s9, $0x2;
	s15 =	smul.u32 $0x5000, s3  }
0xe: {  	s6 =	ssub.s32 s6, s10;
	s9 =	sadd.s32 s9, s4;
	s31 =	sadd.s32 s14, s25  }
0xf: {  	s14 =	sadd.s32 $0x138000, s4;
	s10 =	sshrl.u32 s25, $0x3;
	s25 =	simm.s32 $0x7000  }
0x10: {  	s26 =	sadd.s32 $0x4000, s9;
	s30 =	sadd.s32 $0x8000, s9;
	s12 =	sadd.s32 $0xC000, s9  }
0x11: {  	s13 =	sadd.s32 $0x10000, s9;
	s11 =	sshrl.u32 s31, $0x3;
	s18 =	smax.u32 s6, $0x1  }
0x12: {  	[dreg:$0x6] =	wrdreg s26;
	s16 =	sadd.s32 s0, s11;
	s0 =	sadd.s32 s0, s10  }
0x13: {  	v0 =	vimm.f32 $0.0e+00;
	[dreg:$0x7] =	wrdreg s30;
	s26 =	simm.s32 $0x1;
	s17 =	sadd.s32 $0x27000, s0  }
.LBB2_1:
0x14: {  	s0 =	simm.s32 $0x0;
	s3 =	simm.s32 $0x200  }
.LBB2_2:
0x15: {  	p1 =	sne.s32 s3, $0xFE00;
	[tilespmem:s0+$0x3070] =	vst v0  }
0x16: {  	[tilespmem:s0+$0x3000] =	vst v0  }
0x17: {  	[tilespmem:s0+$0x3010] =	vst v0  }
.Ltmp0:
0x18: {  	[tilespmem:s0+$0x3020] =	vst v0;
	(pc) =	sbr.rel @p1 .LBB2_2-.Ltmp0, $4  }
0x19: {  	[tilespmem:s0+$0x3030] =	vst v0  }
0x1a: {  	[tilespmem:s0+$0x3040] =	vst v0  }
0x1b: {  	[tilespmem:s0+$0x3050] =	vst v0  }
0x1c: {  	[tilespmem:s0+$0x3060] =	vst v0;
	s0 =	sshra.s32 s3, $0x2;
	s3 =	sadd.s32 $0x200, s3  }
0x1d: {  	[tilespmem:s0+$0x3070] =	vst v0  }
0x1e: {  	[tilespmem:s0+$0x3000] =	vst v0  }
0x1f: {  	[tilespmem:s0+$0x3010] =	vst v0  }
0x20: {  	[tilespmem:s0+$0x3020] =	vst v0  }
0x21: {  	[tilespmem:s0+$0x3030] =	vst v0  }
0x22: {  	[tilespmem:s0+$0x3040] =	vst v0  }
0x23: {  	[tilespmem:s0+$0x3050] =	vst v0  }
0x24: {  	[tilespmem:s0+$0x3060] =	vst v0  }
0x25: {  	[spmem:s9] =	stream.linear.scatter [tilespmem:s19], [sflag:$0x3], $0x4000, $0x38;
	[tilespmem:$0x1EA80] =	vst v63  }
0x26: {  	_ =	swait.ge [sflag:s20], $0x4000  }
0x27: {  	[sflag:s20] =	ssyncset.done $0x0  }
0x28: {  	s11 =	rddreg [dreg:$0x6];
	[sflag:s20] =	ssyncadd.s32 $0xFFFFC000  }
0x29: {  	[spmem:s11] =	stream.linear.scatter [tilespmem:s19], [sflag:$0x3], $0x4000, $0x38;
	[tilespmem:$0x1EA80] =	vst v63  }
0x2a: {  	_ =	swait.ge [sflag:s20], $0x4000  }
0x2b: {  	[sflag:s20] =	ssyncset.done $0x0  }
0x2c: {  	s31 =	rddreg [dreg:$0x7];
	[sflag:s20] =	ssyncadd.s32 $0xFFFFC000  }
0x2d: {  	[spmem:s31] =	stream.linear.scatter [tilespmem:s19], [sflag:$0x3], $0x4000, $0x38;
	[tilespmem:$0x1EA80] =	vst v63  }
0x2e: {  	_ =	swait.ge [sflag:s20], $0x4000  }
0x2f: {  	[sflag:s20] =	ssyncset.done $0x0  }
0x30: {  	[sflag:s20] =	ssyncadd.s32 $0xFFFFC000  }
0x31: {  	[spmem:s12] =	stream.linear.scatter [tilespmem:s19], [sflag:$0x3], $0x4000, $0x38;
	[tilespmem:$0x1EA80] =	vst v63  }
0x32: {  	_ =	swait.ge [sflag:s20], $0x4000  }
0x33: {  	[sflag:s20] =	ssyncset.done $0x0  }
0x34: {  	[sflag:s20] =	ssyncadd.s32 $0xFFFFC000  }
0x35: {  	[spmem:s13] =	stream.linear.scatter [tilespmem:s19], [sflag:$0x3], $0x3800, $0x38;
	[tilespmem:$0x1EA80] =	vst v63  }
0x36: {  	_ =	swait.ge [sflag:s20], $0x3800  }
0x37: {  	[sflag:s20] =	ssyncset.done $0x0  }
0x38: {  	s0 =	simm.s32 @!p0 $0x3000;
	[sflag:s20] =	ssyncadd.s32 $0xFFFFC800  }
0x39: {  	[spmem:s14] =	stream.linear.scatter @!p0 [tilespmem:s0], [sflag:$0x3], $0x800, $0x38;
	[tilespmem:$0x1EA80] =	vst v63  }
0x3a: {  	s0 =	simm.s32 @!p0 $0x3  }
0x3b: {  	_ =	swait.ge @!p0 [sflag:s0], $0x800  }
0x3c: {  	[sflag:s0] =	ssyncset.done @!p0 $0x0  }
0x3d: {  	[sflag:s0] =	ssyncadd.s32 @!p0 $0xFFFFF800  }
0x3e: {  	s0 =	rddreg [dreg:$0x3]  }
0x3f: {  	[tilespmem:s21], [sflag:$0x3] =	stream.linear.gather [hbm4b:s0+s29], $0x200, $0x38;
	[tilespmem:$0x1EA80] =	vst v63  }
0x40: {  	_ =	swait.ge [sflag:s20], $0x200  }
0x41: {  	[sflag:s20] =	ssyncset.done $0x0  }
0x42: {  	[sflag:s20] =	ssyncadd.s32 $0xFFFFFE00  }
0x43: {  	s30 =	simm.s32 $0x0;
	[bflag:$0x0] =	sbarrier.arrive $0xFFFF  }
.LBB2_4:
0x44: {  	s0 =	sshll.u32 s30, $0xC  }
0x45: {  	s0 =	sadd.s32 s15, s0  }
0x46: {  	s0 =	sshrl.u32 s0, $0x3  }
0x47: {  	s3 =	sadd.s32 s7, s0  }
0x48: {  	[tilespmem:s29], [sflag:$0x3] =	stream.linear.gather [hbm4b:s3+s29], $0x1000, $0x38;
	[tilespmem:$0x1EA80] =	vst v63  }
0x49: {  	_ =	swait.ge [sflag:s20], $0x1000  }
0x4a: {  	[sflag:s20] =	ssyncset.done $0x0  }
0x4b: {  	s11 =	sadd.s32 s2, s0;
	[sflag:s20] =	ssyncadd.s32 $0xFFFFF000  }
0x4c: {  	[tilespmem:s22], [sflag:$0x3] =	stream.linear.gather [hbm4b:s11+s29], $0x1000, $0x38;
	[tilespmem:$0x1EA80] =	vst v63  }
0x4d: {  	_ =	swait.ge [sflag:s20], $0x1000  }
0x4e: {  	[sflag:s20] =	ssyncset.done $0x0  }
0x4f: {  	s0 =	sadd.s32 s8, s0;
	[sflag:s20] =	ssyncadd.s32 $0xFFFFF000  }
0x50: {  	[tilespmem:s23], [sflag:$0x3] =	stream.linear.gather [hbm4b:s0+s29], $0x1000, $0x38;
	[tilespmem:$0x1EA80] =	vst v63  }
0x51: {  	_ =	swait.ge [sflag:s20], $0x1000  }
0x52: {  	[sflag:s20] =	ssyncset.done $0x0  }
0x53: {  	s31 =	simm.s32 $0x0;
	[sflag:s20] =	ssyncadd.s32 $0xFFFFF000  }
0x54: {  	[tilespmem:s19], [sflag:$0x1] =	stream.indirect.gather [hbm4b:s1+s24], $0x80, s29, s24, $0xb8;
	[tilespmem:$0x1EA80] =	vst v63  }
.LBB2_5:
0x55: {  	p1 =	seq.s32 s31, $0x0  }
0x56: {  	s0 =	simm.s32 @!p1 $0x2  }
0x57: {  	s3 =	sshll.u32 s31, $0xA;
	_ =	swait.ge @!p1 [sflag:s0], $0x4000  }
0x58: {  	s6 =	sor.u32 $0x200, s3;
	[sflag:s0] =	ssyncset.done @!p1 $0x0  }
0x59: {  	[sflag:s0] =	ssyncadd.s32 @!p1 $0xFFFFC000;
	s0 =	sshrl.u32 s6, $0x2;
	s6 =	sshrl.u32 s3, $0x2  }
0x5a: {  	[tilespmem:s25], [sflag:$0x1] =	stream.indirect.gather [hbm4b:s1+s24], $0x80, s0, s24, $0xb8;
	[tilespmem:$0x1EA80] =	vst v63  }
0x5b: {  	s11 =	sadd.s32 $0x2000, s6  }
0x5c: {  	_ =	swait.ge [sflag:s26], $0x4000;
	v1 =	vmov s11  }
0x5d: {  	[sflag:s26] =	ssyncset.done $0x0  }
0x5e: {  	s10 =	simm.s32 $0x0;
	[sflag:s26] =	ssyncadd.s32 $0xFFFFC000  }
.LBB2_6:
0x5f: {  	s11 =	sshll.u32 s10, $0x4  }
0x60: {  	s11 =	sand.u32 $0x3FFFFFF0, s11  }
0x61: {  	v2 =	vld.idx.msk [tilespmem:v1+s11+$0x0 ss:$0x1], $0xffff;
	_ =	sdelay $0x7  }
0x62: {  	s11 =	sshll.u32 s10, $0xB;
	v2 =	vld.idx.msk [tilespmem:v2+s21+$0x0], $0xffff  }
0x63: {  	s11 =	sand.u32 $0x3FFFF800, s11  }
0x64: {  	v3 =	vld [tilespmem:s11+$0x3000]  }
0x65: {  	v4 =	vld [tilespmem:s11+$0x3010]  }
0x66: {  	v5 =	vld [tilespmem:s11+$0x3020]  }
0x67: {  	v7 =	vld [tilespmem:s11+$0x3030];
	v6 =	vbroadcast v2, $0x0  }
0x68: {  	v8 =	vld [tilespmem:s11+$0x3040]  }
0x69: {  	v9 =	vld [tilespmem:s11+$0x3050];
	v3 =	vmul.f32 v6, v3  }
0x6a: {  	v10 =	vld [tilespmem:s11+$0x3060];
	v4 =	vmul.f32 v4, v6  }
0x6b: {  	v24 =	vld [tilespmem:s11+$0x3070];
	[tilespmem:s11+$0x3000] =	vst v3;
	v3 =	vmul.f32 v5, v6  }
0x6c: {  	v26 =	vld [tilespmem:s11+$0x3080];
	v25 =	vmul.f32 v7, v6;
	[tilespmem:s11+$0x3010] =	vst v4  }
0x6d: {  	v27 =	vld [tilespmem:s11+$0x3090];
	[tilespmem:s11+$0x3020] =	vst v3;
	v3 =	vmul.f32 v8, v6  }
0x6e: {  	v29 =	vld [tilespmem:s11+$0x30A0];
	v28 =	vmul.f32 v9, v6;
	[tilespmem:s11+$0x3030] =	vst v25  }
0x6f: {  	v11 =	vld [tilespmem:s11+$0x30B0];
	v30 =	vbroadcast v2, $0x1;
	[tilespmem:s11+$0x3040] =	vst v3;
	v3 =	vmul.f32 v10, v6  }
0x70: {  	v32 =	vld [tilespmem:s11+$0x30C0];
	v31 =	vmul.f32 v24, v6;
	[tilespmem:s11+$0x3050] =	vst v28  }
0x71: {  	v33 =	vld [tilespmem:s11+$0x30D0];
	[tilespmem:s11+$0x3060] =	vst v3;
	v3 =	vmul.f32 v26, v30  }
0x72: {  	v35 =	vld [tilespmem:s11+$0x30E0];
	v34 =	vmul.f32 v27, v30;
	[tilespmem:s11+$0x3070] =	vst v31  }
0x73: {  	v36 =	vld [tilespmem:s11+$0x30F0];
	[tilespmem:s11+$0x3080] =	vst v3;
	v3 =	vmul.f32 v29, v30  }
0x74: {  	v38 =	vld [tilespmem:s11+$0x3100];
	v37 =	vmul.f32 v11, v30;
	[tilespmem:s11+$0x3090] =	vst v34  }
0x75: {  	v39 =	vld [tilespmem:s11+$0x3110];
	[tilespmem:s11+$0x30A0] =	vst v3;
	v3 =	vmul.f32 v32, v30  }
0x76: {  	v41 =	vld [tilespmem:s11+$0x3120];
	v40 =	vmul.f32 v33, v30;
	[tilespmem:s11+$0x30B0] =	vst v37  }
0x77: {  	v43 =	vld [tilespmem:s11+$0x3130];
	v42 =	vbroadcast v2, $0x2;
	[tilespmem:s11+$0x30C0] =	vst v3;
	v3 =	vmul.f32 v35, v30  }
0x78: {  	v45 =	vld [tilespmem:s11+$0x3140];
	v44 =	vmul.f32 v36, v30;
	[tilespmem:s11+$0x30D0] =	vst v40  }
0x79: {  	v46 =	vld [tilespmem:s11+$0x3150];
	[tilespmem:s11+$0x30E0] =	vst v3;
	v3 =	vmul.f32 v38, v42  }
0x7a: {  	v48 =	vld [tilespmem:s11+$0x3160];
	v47 =	vmul.f32 v39, v42;
	[tilespmem:s11+$0x30F0] =	vst v44  }
0x7b: {  	v49 =	vld [tilespmem:s11+$0x3170];
	[tilespmem:s11+$0x3100] =	vst v3;
	v3 =	vmul.f32 v41, v42  }
0x7c: {  	v51 =	vld [tilespmem:s11+$0x3180];
	v50 =	vmul.f32 v43, v42;
	[tilespmem:s11+$0x3110] =	vst v47  }
0x7d: {  	v52 =	vld [tilespmem:s11+$0x3190];
	[tilespmem:s11+$0x3120] =	vst v3;
	v3 =	vmul.f32 v45, v42  }
0x7e: {  	v54 =	vld [tilespmem:s11+$0x31A0];
	v53 =	vmul.f32 v46, v42;
	[tilespmem:s11+$0x3130] =	vst v50  }
0x7f: {  	v56 =	vld [tilespmem:s11+$0x31B0];
	v55 =	vbroadcast v2, $0x3;
	[tilespmem:s11+$0x3140] =	vst v3;
	v3 =	vmul.f32 v48, v42  }
0x80: {  	v58 =	vld [tilespmem:s11+$0x31C0];
	v57 =	vmul.f32 v49, v42;
	[tilespmem:s11+$0x3150] =	vst v53  }
0x81: {  	v59 =	vld [tilespmem:s11+$0x31D0];
	[tilespmem:s11+$0x3160] =	vst v3;
	v3 =	vmul.f32 v51, v55  }
0x82: {  	v61 =	vld [tilespmem:s11+$0x31E0];
	v60 =	vmul.f32 v52, v55;
	[tilespmem:s11+$0x3170] =	vst v57  }
0x83: {  	v62 =	vld [tilespmem:s11+$0x31F0];
	[tilespmem:s11+$0x3180] =	vst v3;
	v3 =	vmul.f32 v54, v55  }
0x84: {  	v12 =	vld [tilespmem:s11+$0x3200];
	v63 =	vmul.f32 v56, v55;
	[tilespmem:s11+$0x3190] =	vst v60  }
0x85: {  	v13 =	vld [tilespmem:s11+$0x3210];
	[tilespmem:s11+$0x31A0] =	vst v3;
	v3 =	vmul.f32 v58, v55  }
0x86: {  	v15 =	vld [tilespmem:s11+$0x3220];
	v14 =	vmul.f32 v59, v55;
	[tilespmem:s11+$0x31B0] =	vst v63  }
0x87: {  	v17 =	vld [tilespmem:s11+$0x3230];
	v16 =	vbroadcast v2, $0x4;
	[tilespmem:s11+$0x31C0] =	vst v3;
	v3 =	vmul.f32 v61, v55  }
0x88: {  	v19 =	vld [tilespmem:s11+$0x3240];
	v18 =	vmul.f32 v62, v55;
	[tilespmem:s11+$0x31D0] =	vst v14  }
0x89: {  	v20 =	vld [tilespmem:s11+$0x3250];
	[tilespmem:s11+$0x31E0] =	vst v3;
	v3 =	vmul.f32 v12, v16  }
0x8a: {  	v22 =	vld [tilespmem:s11+$0x3260];
	v21 =	vmul.f32 v13, v16;
	[tilespmem:s11+$0x31F0] =	vst v18  }
0x8b: {  	v23 =	vld [tilespmem:s11+$0x3270];
	[tilespmem:s11+$0x3200] =	vst v3;
	v3 =	vmul.f32 v15, v16  }
0x8c: {  	v24 =	vmul.f32 v17, v16;
	[tilespmem:s11+$0x3210] =	vst v21;
	v25 =	vld [tilespmem:s11+$0x3280]  }
0x8d: {  	v33 =	vld [tilespmem:s11+$0x32D0];
	[tilespmem:s11+$0x3220] =	vst v3;
	v3 =	vmul.f32 v19, v16  }
0x8e: {  	v27 =	vmul.f32 v20, v16;
	[tilespmem:s11+$0x3230] =	vst v24;
	v28 =	vld [tilespmem:s11+$0x32A0]  }
0x8f: {  	v36 =	vld [tilespmem:s11+$0x32F0];
	v29 =	vbroadcast v2, $0x5;
	[tilespmem:s11+$0x3240] =	vst v3;
	v3 =	vmul.f32 v22, v16  }
0x90: {  	[tilespmem:s11+$0x3250] =	vst v27;
	v31 =	vmul.f32 v23, v16;
	v32 =	vld [tilespmem:s11+$0x32C0]  }
0x91: {  	v26 =	vld [tilespmem:s11+$0x3290];
	[tilespmem:s11+$0x3260] =	vst v3;
	v3 =	vmul.f32 v25, v29  }
0x92: {  	[tilespmem:s11+$0x3270] =	vst v31;
	v40 =	vmul.f32 v33, v29;
	v35 =	vld [tilespmem:s11+$0x32E0]  }
0x93: {  	v30 =	vld [tilespmem:s11+$0x32B0];
	[tilespmem:s11+$0x3280] =	vst v3;
	v3 =	vmul.f32 v28, v29  }
0x94: {  	v44 =	vmul.f32 v36, v29;
	[tilespmem:s11+$0x32D0] =	vst v40;
	v38 =	vld [tilespmem:s11+$0x3300]  }
0x95: {  	v39 =	vld [tilespmem:s11+$0x3310];
	[tilespmem:s11+$0x32A0] =	vst v3;
	v3 =	vmul.f32 v32, v29  }
0x96: {  	v34 =	vmul.f32 v26, v29;
	[tilespmem:s11+$0x32F0] =	vst v44;
	v41 =	vld [tilespmem:s11+$0x3320]  }
0x97: {  	v43 =	vld [tilespmem:s11+$0x3330];
	v42 =	vbroadcast v2, $0x6;
	[tilespmem:s11+$0x32C0] =	vst v3;
	v3 =	vmul.f32 v35, v29  }
0x98: {  	[tilespmem:s11+$0x3290] =	vst v34;
	v37 =	vmul.f32 v30, v29;
	v45 =	vld [tilespmem:s11+$0x3340]  }
0x99: {  	v46 =	vld [tilespmem:s11+$0x3350];
	[tilespmem:s11+$0x32E0] =	vst v3;
	v3 =	vmul.f32 v38, v42  }
0x9a: {  	[tilespmem:s11+$0x32B0] =	vst v37;
	v48 =	vld [tilespmem:s11+$0x3360];
	v47 =	vmul.f32 v39, v42  }
0x9b: {  	v49 =	vld [tilespmem:s11+$0x3370];
	[tilespmem:s11+$0x3300] =	vst v3;
	v3 =	vmul.f32 v41, v42  }
0x9c: {  	v50 =	vmul.f32 v43, v42;
	v51 =	vld [tilespmem:s11+$0x3380];
	[tilespmem:s11+$0x3310] =	vst v47  }
0x9d: {  	v52 =	vld [tilespmem:s11+$0x3390];
	[tilespmem:s11+$0x3320] =	vst v3;
	v3 =	vmul.f32 v45, v42  }
0x9e: {  	v53 =	vmul.f32 v46, v42;
	[tilespmem:s11+$0x3330] =	vst v50;
	v54 =	vld [tilespmem:s11+$0x33A0]  }
0x9f: {  	v56 =	vld [tilespmem:s11+$0x33B0];
	v55 =	vbroadcast v2, $0x7;
	[tilespmem:s11+$0x3340] =	vst v3;
	v3 =	vmul.f32 v48, v42  }
0xa0: {  	v57 =	vmul.f32 v49, v42;
	[tilespmem:s11+$0x3350] =	vst v53;
	v58 =	vld [tilespmem:s11+$0x33C0]  }
0xa1: {  	v59 =	vld [tilespmem:s11+$0x33D0];
	[tilespmem:s11+$0x3360] =	vst v3;
	v3 =	vmul.f32 v51, v55  }
0xa2: {  	[tilespmem:s11+$0x3370] =	vst v57;
	v61 =	vld [tilespmem:s11+$0x33E0];
	v60 =	vmul.f32 v52, v55  }
0xa3: {  	v62 =	vld [tilespmem:s11+$0x33F0];
	[tilespmem:s11+$0x3380] =	vst v3;
	v3 =	vmul.f32 v54, v55  }
0xa4: {  	v63 =	vmul.f32 v56, v55;
	v12 =	vld [tilespmem:s11+$0x3400];
	[tilespmem:s11+$0x3390] =	vst v60  }
0xa5: {  	v13 =	vld [tilespmem:s11+$0x3410];
	[tilespmem:s11+$0x33A0] =	vst v3;
	v3 =	vmul.f32 v58, v55  }
0xa6: {  	v14 =	vmul.f32 v59, v55;
	[tilespmem:s11+$0x33B0] =	vst v63;
	v15 =	vld [tilespmem:s11+$0x3420]  }
0xa7: {  	v17 =	vld [tilespmem:s11+$0x3430];
	v16 =	vbroadcast v2, $0x8;
	[tilespmem:s11+$0x33C0] =	vst v3;
	v3 =	vmul.f32 v61, v55  }
0xa8: {  	v18 =	vmul.f32 v62, v55;
	[tilespmem:s11+$0x33D0] =	vst v14;
	v19 =	vld [tilespmem:s11+$0x3440]  }
0xa9: {  	v20 =	vld [tilespmem:s11+$0x3450];
	[tilespmem:s11+$0x33E0] =	vst v3;
	v3 =	vmul.f32 v12, v16  }
0xaa: {  	[tilespmem:s11+$0x33F0] =	vst v18;
	v22 =	vld [tilespmem:s11+$0x3460];
	v21 =	vmul.f32 v13, v16  }
0xab: {  	v23 =	vld [tilespmem:s11+$0x3470];
	[tilespmem:s11+$0x3400] =	vst v3;
	v3 =	vmul.f32 v15, v16  }
0xac: {  	v24 =	vmul.f32 v17, v16;
	v25 =	vld [tilespmem:s11+$0x3480];
	[tilespmem:s11+$0x3410] =	vst v21  }
0xad: {  	v26 =	vld [tilespmem:s11+$0x3490];
	[tilespmem:s11+$0x3420] =	vst v3;
	v3 =	vmul.f32 v19, v16  }
0xae: {  	v27 =	vmul.f32 v20, v16;
	[tilespmem:s11+$0x3430] =	vst v24;
	v28 =	vld [tilespmem:s11+$0x34A0]  }
0xaf: {  	v30 =	vld [tilespmem:s11+$0x34B0];
	v29 =	vbroadcast v2, $0x9;
	[tilespmem:s11+$0x3440] =	vst v3;
	v3 =	vmul.f32 v22, v16  }
0xb0: {  	v31 =	vmul.f32 v23, v16;
	[tilespmem:s11+$0x3450] =	vst v27;
	v32 =	vld [tilespmem:s11+$0x34C0]  }
0xb1: {  	v33 =	vld [tilespmem:s11+$0x34D0];
	[tilespmem:s11+$0x3460] =	vst v3;
	v3 =	vmul.f32 v25, v29  }
0xb2: {  	[tilespmem:s11+$0x3470] =	vst v31;
	v35 =	vld [tilespmem:s11+$0x34E0];
	v34 =	vmul.f32 v26, v29  }
0xb3: {  	v36 =	vld [tilespmem:s11+$0x34F0];
	[tilespmem:s11+$0x3480] =	vst v3;
	v3 =	vmul.f32 v28, v29  }
0xb4: {  	v37 =	vmul.f32 v30, v29;
	v38 =	vld [tilespmem:s11+$0x3500];
	[tilespmem:s11+$0x3490] =	vst v34  }
0xb5: {  	v39 =	vld [tilespmem:s11+$0x3510];
	[tilespmem:s11+$0x34A0] =	vst v3;
	v3 =	vmul.f32 v32, v29  }
0xb6: {  	v40 =	vmul.f32 v33, v29;
	[tilespmem:s11+$0x34B0] =	vst v37;
	v41 =	vld [tilespmem:s11+$0x3520]  }
0xb7: {  	v43 =	vld [tilespmem:s11+$0x3530];
	v42 =	vbroadcast v2, $0xA;
	[tilespmem:s11+$0x34C0] =	vst v3;
	v3 =	vmul.f32 v35, v29  }
0xb8: {  	v44 =	vmul.f32 v36, v29;
	[tilespmem:s11+$0x34D0] =	vst v40;
	v45 =	vld [tilespmem:s11+$0x3540]  }
0xb9: {  	v46 =	vld [tilespmem:s11+$0x3550];
	[tilespmem:s11+$0x34E0] =	vst v3;
	v3 =	vmul.f32 v38, v42  }
0xba: {  	[tilespmem:s11+$0x34F0] =	vst v44;
	v48 =	vld [tilespmem:s11+$0x3560];
	v47 =	vmul.f32 v39, v42  }
0xbb: {  	v49 =	vld [tilespmem:s11+$0x3570];
	[tilespmem:s11+$0x3500] =	vst v3;
	v3 =	vmul.f32 v41, v42  }
0xbc: {  	v50 =	vmul.f32 v43, v42;
	v51 =	vld [tilespmem:s11+$0x3580];
	[tilespmem:s11+$0x3510] =	vst v47  }
0xbd: {  	v52 =	vld [tilespmem:s11+$0x3590];
	[tilespmem:s11+$0x3520] =	vst v3;
	v3 =	vmul.f32 v45, v42  }
0xbe: {  	v53 =	vmul.f32 v46, v42;
	[tilespmem:s11+$0x3530] =	vst v50;
	v54 =	vld [tilespmem:s11+$0x35A0]  }
0xbf: {  	v56 =	vld [tilespmem:s11+$0x35B0];
	v55 =	vbroadcast v2, $0xB;
	[tilespmem:s11+$0x3540] =	vst v3;
	v3 =	vmul.f32 v48, v42  }
0xc0: {  	v57 =	vmul.f32 v49, v42;
	[tilespmem:s11+$0x3550] =	vst v53;
	v58 =	vld [tilespmem:s11+$0x35C0]  }
0xc1: {  	v59 =	vld [tilespmem:s11+$0x35D0];
	[tilespmem:s11+$0x3560] =	vst v3;
	v3 =	vmul.f32 v51, v55  }
0xc2: {  	[tilespmem:s11+$0x3570] =	vst v57;
	v61 =	vld [tilespmem:s11+$0x35E0];
	v60 =	vmul.f32 v52, v55  }
0xc3: {  	v62 =	vld [tilespmem:s11+$0x35F0];
	[tilespmem:s11+$0x3580] =	vst v3;
	v3 =	vmul.f32 v54, v55  }
0xc4: {  	v63 =	vmul.f32 v56, v55;
	v12 =	vld [tilespmem:s11+$0x3600];
	[tilespmem:s11+$0x3590] =	vst v60  }
0xc5: {  	v13 =	vld [tilespmem:s11+$0x3610];
	[tilespmem:s11+$0x35A0] =	vst v3;
	v3 =	vmul.f32 v58, v55  }
0xc6: {  	v14 =	vmul.f32 v59, v55;
	[tilespmem:s11+$0x35B0] =	vst v63;
	v15 =	vld [tilespmem:s11+$0x3620]  }
0xc7: {  	v17 =	vld [tilespmem:s11+$0x3630];
	v16 =	vbroadcast v2, $0xC;
	[tilespmem:s11+$0x35C0] =	vst v3;
	v3 =	vmul.f32 v61, v55  }
0xc8: {  	v18 =	vmul.f32 v62, v55;
	[tilespmem:s11+$0x35D0] =	vst v14;
	v19 =	vld [tilespmem:s11+$0x3640]  }
0xc9: {  	v20 =	vld [tilespmem:s11+$0x3650];
	[tilespmem:s11+$0x35E0] =	vst v3;
	v3 =	vmul.f32 v12, v16  }
0xca: {  	[tilespmem:s11+$0x35F0] =	vst v18;
	v22 =	vld [tilespmem:s11+$0x3660];
	v21 =	vmul.f32 v13, v16  }
0xcb: {  	v23 =	vld [tilespmem:s11+$0x3670];
	[tilespmem:s11+$0x3600] =	vst v3;
	v3 =	vmul.f32 v15, v16  }
0xcc: {  	v24 =	vmul.f32 v17, v16;
	v25 =	vld [tilespmem:s11+$0x3680];
	[tilespmem:s11+$0x3610] =	vst v21  }
0xcd: {  	v26 =	vld [tilespmem:s11+$0x3690];
	[tilespmem:s11+$0x3620] =	vst v3;
	v3 =	vmul.f32 v19, v16  }
0xce: {  	v27 =	vmul.f32 v20, v16;
	[tilespmem:s11+$0x3630] =	vst v24;
	v28 =	vld [tilespmem:s11+$0x36A0]  }
0xcf: {  	v30 =	vld [tilespmem:s11+$0x36B0];
	v29 =	vbroadcast v2, $0xD;
	[tilespmem:s11+$0x3640] =	vst v3;
	v3 =	vmul.f32 v22, v16  }
0xd0: {  	v31 =	vmul.f32 v23, v16;
	[tilespmem:s11+$0x3650] =	vst v27;
	v32 =	vld [tilespmem:s11+$0x36C0]  }
0xd1: {  	v33 =	vld [tilespmem:s11+$0x36D0];
	[tilespmem:s11+$0x3660] =	vst v3;
	v3 =	vmul.f32 v25, v29  }
0xd2: {  	[tilespmem:s11+$0x3670] =	vst v31;
	v35 =	vld [tilespmem:s11+$0x36E0];
	v34 =	vmul.f32 v26, v29  }
0xd3: {  	v36 =	vld [tilespmem:s11+$0x36F0];
	[tilespmem:s11+$0x3680] =	vst v3;
	v3 =	vmul.f32 v28, v29  }
0xd4: {  	v37 =	vmul.f32 v30, v29;
	v38 =	vld [tilespmem:s11+$0x3700];
	[tilespmem:s11+$0x3690] =	vst v34  }
0xd5: {  	v39 =	vld [tilespmem:s11+$0x3710];
	[tilespmem:s11+$0x36A0] =	vst v3;
	v3 =	vmul.f32 v32, v29  }
0xd6: {  	v40 =	vmul.f32 v33, v29;
	[tilespmem:s11+$0x36B0] =	vst v37;
	v41 =	vld [tilespmem:s11+$0x3720]  }
0xd7: {  	v43 =	vld [tilespmem:s11+$0x3730];
	v42 =	vbroadcast v2, $0xE;
	[tilespmem:s11+$0x36C0] =	vst v3;
	v3 =	vmul.f32 v35, v29  }
0xd8: {  	v44 =	vmul.f32 v36, v29;
	[tilespmem:s11+$0x36D0] =	vst v40;
	v45 =	vld [tilespmem:s11+$0x3740]  }
0xd9: {  	v46 =	vld [tilespmem:s11+$0x3750];
	[tilespmem:s11+$0x36E0] =	vst v3;
	v3 =	vmul.f32 v38, v42  }
0xda: {  	[tilespmem:s11+$0x36F0] =	vst v44;
	v48 =	vld [tilespmem:s11+$0x3760];
	v47 =	vmul.f32 v39, v42  }
0xdb: {  	v49 =	vld [tilespmem:s11+$0x3770];
	[tilespmem:s11+$0x3700] =	vst v3;
	v3 =	vmul.f32 v41, v42  }
0xdc: {  	v50 =	vmul.f32 v43, v42;
	v51 =	vld [tilespmem:s11+$0x3780];
	[tilespmem:s11+$0x3710] =	vst v47  }
0xdd: {  	v52 =	vld [tilespmem:s11+$0x3790];
	[tilespmem:s11+$0x3720] =	vst v3;
	v3 =	vmul.f32 v45, v42  }
0xde: {  	v53 =	vmul.f32 v46, v42;
	[tilespmem:s11+$0x3730] =	vst v50;
	v54 =	vld [tilespmem:s11+$0x37A0]  }
0xdf: {  	v2 =	vbroadcast v2, $0xF;
	v58 =	vld [tilespmem:s11+$0x37D0];
	[tilespmem:s11+$0x3740] =	vst v3;
	v3 =	vmul.f32 v48, v42  }
0xe0: {  	v57 =	vld [tilespmem:s11+$0x37C0];
	v56 =	vmul.f32 v49, v42;
	[tilespmem:s11+$0x3750] =	vst v53  }
0xe1: {  	v55 =	vld [tilespmem:s11+$0x37B0];
	[tilespmem:s11+$0x3760] =	vst v3;
	v3 =	vmul.f32 v51, v2  }
0xe2: {  	v60 =	vld [tilespmem:s11+$0x37E0];
	v59 =	vmul.f32 v52, v2;
	[tilespmem:s11+$0x3770] =	vst v56  }
0xe3: {  	v61 =	vld [tilespmem:s11+$0x37F0];
	[tilespmem:s11+$0x3780] =	vst v3;
	v3 =	vmul.f32 v54, v2  }
0xe4: {  	[tilespmem:s11+$0x3790] =	vst v59;
	v63 =	vmul.f32 v58, v2  }
0xe5: {  	p1 =	sne.s32 s10, $0x7;
	[tilespmem:s11+$0x37A0] =	vst v3;
	v3 =	vmul.f32 v57, v2  }
.Ltmp1:
0xe6: {  	v62 =	vmul.f32 v55, v2;
	[tilespmem:s11+$0x37D0] =	vst v63;
	(pc) =	sbr.rel @p1 .LBB2_6-.Ltmp1, $4  }
0xe7: {  	[tilespmem:s11+$0x37C0] =	vst v3;
	v3 =	vmul.f32 v60, v2  }
0xe8: {  	[tilespmem:s11+$0x37B0] =	vst v62;
	v2 =	vmul.f32 v61, v2  }
0xe9: {  	[tilespmem:s11+$0x37E0] =	vst v3  }
0xea: {  	s10 =	sadd.s32 $0x1, s10;
	[tilespmem:s11+$0x37F0] =	vst v2  }
0xeb: {  	s6 =	sadd.s32 $0x1000, s6  }
0xec: {  	[spmem:s4] =	stream.indirect.scatter.add.f32 [tilespmem:s19], [sflag:$0x2], $0x80, s6, s24, $0xb8;
	[tilespmem:$0x1EA80] =	vst v63  }
0xed: {  	p1 =	seq.s32 s31, $0xF;
	s11 =	sadd.s32 $0x2000, s0;
	_ =	swait.ge [sflag:s28], $0x4000  }
0xee: {  	s3 =	sshrl.u32 @!p1 s3, $0x2;
	s6 =	simm.s32 @!p1 $0x80;
	[sflag:s28] =	ssyncset.done $0x0  }
0xef: {  	s10 =	simm.s32 @!p1 $0x3000;
	s3 =	sadd.s32 @!p1 $0x100, s3;
	[sflag:s28] =	ssyncadd.s32 $0xFFFFC000  }
0xf0: {  	[tilespmem:s10], [sflag:$0x1] =	stream.indirect.gather @!p1 [hbm4b:s1+s6], $0x80, s3, s6, $0xb8;
	[tilespmem:$0x1EA80] =	vst v63  }
0xf1: {  	v1 =	vmov s11;
	_ =	swait.ge [sflag:s26], $0x4000  }
0xf2: {  	[sflag:s26] =	ssyncset.done $0x0  }
0xf3: {  	s3 =	simm.s32 $0x0;
	[sflag:s26] =	ssyncadd.s32 $0xFFFFC000  }
.LBB2_8:
0xf4: {  	s6 =	sshll.u32 s3, $0x4  }
0xf5: {  	s6 =	sand.u32 $0x3FFFFFF0, s6  }
0xf6: {  	v2 =	vld.idx.msk [tilespmem:v1+s6+$0x0 ss:$0x1], $0xffff;
	_ =	sdelay $0x7  }
0xf7: {  	s11 =	sshll.u32 s3, $0xB;
	v2 =	vld.idx.msk [tilespmem:v2+s21+$0x0], $0xffff  }
0xf8: {  	s6 =	sand.u32 $0x3FFFF800, s11  }
0xf9: {  	v3 =	vld [tilespmem:s6+$0x7000]  }
0xfa: {  	v4 =	vld [tilespmem:s6+$0x7010]  }
0xfb: {  	v5 =	vld [tilespmem:s6+$0x7020]  }
0xfc: {  	v7 =	vld [tilespmem:s6+$0x7030];
	v6 =	vbroadcast v2, $0x0  }
0xfd: {  	v8 =	vld [tilespmem:s6+$0x7040]  }
0xfe: {  	v9 =	vld [tilespmem:s6+$0x7050];
	v3 =	vmul.f32 v6, v3  }
0xff: {  	v10 =	vld [tilespmem:s6+$0x7060];
	v4 =	vmul.f32 v4, v6  }
0x100: {  	v24 =	vld [tilespmem:s6+$0x7070];
	[tilespmem:s6+$0x7000] =	vst v3;
	v3 =	vmul.f32 v5, v6  }
0x101: {  	v26 =	vld [tilespmem:s6+$0x7080];
	v25 =	vmul.f32 v7, v6;
	[tilespmem:s6+$0x7010] =	vst v4  }
0x102: {  	v27 =	vld [tilespmem:s6+$0x7090];
	[tilespmem:s6+$0x7020] =	vst v3;
	v3 =	vmul.f32 v8, v6  }
0x103: {  	v29 =	vld [tilespmem:s6+$0x70A0];
	v28 =	vmul.f32 v9, v6;
	[tilespmem:s6+$0x7030] =	vst v25  }
0x104: {  	v11 =	vld [tilespmem:s6+$0x70B0];
	v30 =	vbroadcast v2, $0x1;
	[tilespmem:s6+$0x7040] =	vst v3;
	v3 =	vmul.f32 v10, v6  }
0x105: {  	v32 =	vld [tilespmem:s6+$0x70C0];
	v31 =	vmul.f32 v24, v6;
	[tilespmem:s6+$0x7050] =	vst v28  }
0x106: {  	v33 =	vld [tilespmem:s6+$0x70D0];
	[tilespmem:s6+$0x7060] =	vst v3;
	v3 =	vmul.f32 v26, v30  }
0x107: {  	v35 =	vld [tilespmem:s6+$0x70E0];
	v34 =	vmul.f32 v27, v30;
	[tilespmem:s6+$0x7070] =	vst v31  }
0x108: {  	v36 =	vld [tilespmem:s6+$0x70F0];
	[tilespmem:s6+$0x7080] =	vst v3;
	v3 =	vmul.f32 v29, v30  }
0x109: {  	v38 =	vld [tilespmem:s6+$0x7100];
	v37 =	vmul.f32 v11, v30;
	[tilespmem:s6+$0x7090] =	vst v34  }
0x10a: {  	v39 =	vld [tilespmem:s6+$0x7110];
	[tilespmem:s6+$0x70A0] =	vst v3;
	v3 =	vmul.f32 v32, v30  }
0x10b: {  	v41 =	vld [tilespmem:s6+$0x7120];
	v40 =	vmul.f32 v33, v30;
	[tilespmem:s6+$0x70B0] =	vst v37  }
0x10c: {  	v43 =	vld [tilespmem:s6+$0x7130];
	v42 =	vbroadcast v2, $0x2;
	[tilespmem:s6+$0x70C0] =	vst v3;
	v3 =	vmul.f32 v35, v30  }
0x10d: {  	v45 =	vld [tilespmem:s6+$0x7140];
	v44 =	vmul.f32 v36, v30;
	[tilespmem:s6+$0x70D0] =	vst v40  }
0x10e: {  	v46 =	vld [tilespmem:s6+$0x7150];
	[tilespmem:s6+$0x70E0] =	vst v3;
	v3 =	vmul.f32 v38, v42  }
0x10f: {  	v48 =	vld [tilespmem:s6+$0x7160];
	v47 =	vmul.f32 v39, v42;
	[tilespmem:s6+$0x70F0] =	vst v44  }
0x110: {  	v49 =	vld [tilespmem:s6+$0x7170];
	[tilespmem:s6+$0x7100] =	vst v3;
	v3 =	vmul.f32 v41, v42  }
0x111: {  	v51 =	vld [tilespmem:s6+$0x7180];
	v50 =	vmul.f32 v43, v42;
	[tilespmem:s6+$0x7110] =	vst v47  }
0x112: {  	v52 =	vld [tilespmem:s6+$0x7190];
	[tilespmem:s6+$0x7120] =	vst v3;
	v3 =	vmul.f32 v45, v42  }
0x113: {  	v54 =	vld [tilespmem:s6+$0x71A0];
	v53 =	vmul.f32 v46, v42;
	[tilespmem:s6+$0x7130] =	vst v50  }
0x114: {  	v56 =	vld [tilespmem:s6+$0x71B0];
	v55 =	vbroadcast v2, $0x3;
	[tilespmem:s6+$0x7140] =	vst v3;
	v3 =	vmul.f32 v48, v42  }
0x115: {  	v58 =	vld [tilespmem:s6+$0x71C0];
	v57 =	vmul.f32 v49, v42;
	[tilespmem:s6+$0x7150] =	vst v53  }
0x116: {  	v59 =	vld [tilespmem:s6+$0x71D0];
	[tilespmem:s6+$0x7160] =	vst v3;
	v3 =	vmul.f32 v51, v55  }
0x117: {  	v61 =	vld [tilespmem:s6+$0x71E0];
	v60 =	vmul.f32 v52, v55;
	[tilespmem:s6+$0x7170] =	vst v57  }
0x118: {  	v62 =	vld [tilespmem:s6+$0x71F0];
	[tilespmem:s6+$0x7180] =	vst v3;
	v3 =	vmul.f32 v54, v55  }
0x119: {  	v12 =	vld [tilespmem:s6+$0x7200];
	v63 =	vmul.f32 v56, v55;
	[tilespmem:s6+$0x7190] =	vst v60  }
0x11a: {  	v13 =	vld [tilespmem:s6+$0x7210];
	[tilespmem:s6+$0x71A0] =	vst v3;
	v3 =	vmul.f32 v58, v55  }
0x11b: {  	v15 =	vld [tilespmem:s6+$0x7220];
	v14 =	vmul.f32 v59, v55;
	[tilespmem:s6+$0x71B0] =	vst v63  }
0x11c: {  	v17 =	vld [tilespmem:s6+$0x7230];
	v16 =	vbroadcast v2, $0x4;
	[tilespmem:s6+$0x71C0] =	vst v3;
	v3 =	vmul.f32 v61, v55  }
0x11d: {  	v19 =	vld [tilespmem:s6+$0x7240];
	v18 =	vmul.f32 v62, v55;
	[tilespmem:s6+$0x71D0] =	vst v14  }
0x11e: {  	v20 =	vld [tilespmem:s6+$0x7250];
	[tilespmem:s6+$0x71E0] =	vst v3;
	v3 =	vmul.f32 v12, v16  }
0x11f: {  	v22 =	vld [tilespmem:s6+$0x7260];
	v21 =	vmul.f32 v13, v16;
	[tilespmem:s6+$0x71F0] =	vst v18  }
0x120: {  	v23 =	vld [tilespmem:s6+$0x7270];
	[tilespmem:s6+$0x7200] =	vst v3;
	v3 =	vmul.f32 v15, v16  }
0x121: {  	v24 =	vmul.f32 v17, v16;
	[tilespmem:s6+$0x7210] =	vst v21;
	v25 =	vld [tilespmem:s6+$0x7280]  }
0x122: {  	v33 =	vld [tilespmem:s6+$0x72D0];
	[tilespmem:s6+$0x7220] =	vst v3;
	v3 =	vmul.f32 v19, v16  }
0x123: {  	v27 =	vmul.f32 v20, v16;
	[tilespmem:s6+$0x7230] =	vst v24;
	v28 =	vld [tilespmem:s6+$0x72A0]  }
0x124: {  	v36 =	vld [tilespmem:s6+$0x72F0];
	v29 =	vbroadcast v2, $0x5;
	[tilespmem:s6+$0x7240] =	vst v3;
	v3 =	vmul.f32 v22, v16  }
0x125: {  	[tilespmem:s6+$0x7250] =	vst v27;
	v31 =	vmul.f32 v23, v16;
	v32 =	vld [tilespmem:s6+$0x72C0]  }
0x126: {  	v26 =	vld [tilespmem:s6+$0x7290];
	[tilespmem:s6+$0x7260] =	vst v3;
	v3 =	vmul.f32 v25, v29  }
0x127: {  	[tilespmem:s6+$0x7270] =	vst v31;
	v40 =	vmul.f32 v33, v29;
	v35 =	vld [tilespmem:s6+$0x72E0]  }
0x128: {  	v30 =	vld [tilespmem:s6+$0x72B0];
	[tilespmem:s6+$0x7280] =	vst v3;
	v3 =	vmul.f32 v28, v29  }
0x129: {  	v44 =	vmul.f32 v36, v29;
	[tilespmem:s6+$0x72D0] =	vst v40;
	v38 =	vld [tilespmem:s6+$0x7300]  }
0x12a: {  	v39 =	vld [tilespmem:s6+$0x7310];
	[tilespmem:s6+$0x72A0] =	vst v3;
	v3 =	vmul.f32 v32, v29  }
0x12b: {  	v34 =	vmul.f32 v26, v29;
	[tilespmem:s6+$0x72F0] =	vst v44;
	v41 =	vld [tilespmem:s6+$0x7320]  }
0x12c: {  	v43 =	vld [tilespmem:s6+$0x7330];
	v42 =	vbroadcast v2, $0x6;
	[tilespmem:s6+$0x72C0] =	vst v3;
	v3 =	vmul.f32 v35, v29  }
0x12d: {  	[tilespmem:s6+$0x7290] =	vst v34;
	v37 =	vmul.f32 v30, v29;
	v45 =	vld [tilespmem:s6+$0x7340]  }
0x12e: {  	v46 =	vld [tilespmem:s6+$0x7350];
	[tilespmem:s6+$0x72E0] =	vst v3;
	v3 =	vmul.f32 v38, v42  }
0x12f: {  	[tilespmem:s6+$0x72B0] =	vst v37;
	v48 =	vld [tilespmem:s6+$0x7360];
	v47 =	vmul.f32 v39, v42  }
0x130: {  	v49 =	vld [tilespmem:s6+$0x7370];
	[tilespmem:s6+$0x7300] =	vst v3;
	v3 =	vmul.f32 v41, v42  }
0x131: {  	v50 =	vmul.f32 v43, v42;
	v51 =	vld [tilespmem:s6+$0x7380];
	[tilespmem:s6+$0x7310] =	vst v47  }
0x132: {  	v52 =	vld [tilespmem:s6+$0x7390];
	[tilespmem:s6+$0x7320] =	vst v3;
	v3 =	vmul.f32 v45, v42  }
0x133: {  	v53 =	vmul.f32 v46, v42;
	[tilespmem:s6+$0x7330] =	vst v50;
	v54 =	vld [tilespmem:s6+$0x73A0]  }
0x134: {  	v56 =	vld [tilespmem:s6+$0x73B0];
	v55 =	vbroadcast v2, $0x7;
	[tilespmem:s6+$0x7340] =	vst v3;
	v3 =	vmul.f32 v48, v42  }
0x135: {  	v57 =	vmul.f32 v49, v42;
	[tilespmem:s6+$0x7350] =	vst v53;
	v58 =	vld [tilespmem:s6+$0x73C0]  }
0x136: {  	v59 =	vld [tilespmem:s6+$0x73D0];
	[tilespmem:s6+$0x7360] =	vst v3;
	v3 =	vmul.f32 v51, v55  }
0x137: {  	[tilespmem:s6+$0x7370] =	vst v57;
	v61 =	vld [tilespmem:s6+$0x73E0];
	v60 =	vmul.f32 v52, v55  }
0x138: {  	v62 =	vld [tilespmem:s6+$0x73F0];
	[tilespmem:s6+$0x7380] =	vst v3;
	v3 =	vmul.f32 v54, v55  }
0x139: {  	v63 =	vmul.f32 v56, v55;
	v12 =	vld [tilespmem:s6+$0x7400];
	[tilespmem:s6+$0x7390] =	vst v60  }
0x13a: {  	v13 =	vld [tilespmem:s6+$0x7410];
	[tilespmem:s6+$0x73A0] =	vst v3;
	v3 =	vmul.f32 v58, v55  }
0x13b: {  	v14 =	vmul.f32 v59, v55;
	[tilespmem:s6+$0x73B0] =	vst v63;
	v15 =	vld [tilespmem:s6+$0x7420]  }
0x13c: {  	v17 =	vld [tilespmem:s6+$0x7430];
	v16 =	vbroadcast v2, $0x8;
	[tilespmem:s6+$0x73C0] =	vst v3;
	v3 =	vmul.f32 v61, v55  }
0x13d: {  	v18 =	vmul.f32 v62, v55;
	[tilespmem:s6+$0x73D0] =	vst v14;
	v19 =	vld [tilespmem:s6+$0x7440]  }
0x13e: {  	v20 =	vld [tilespmem:s6+$0x7450];
	[tilespmem:s6+$0x73E0] =	vst v3;
	v3 =	vmul.f32 v12, v16  }
0x13f: {  	[tilespmem:s6+$0x73F0] =	vst v18;
	v22 =	vld [tilespmem:s6+$0x7460];
	v21 =	vmul.f32 v13, v16  }
0x140: {  	v23 =	vld [tilespmem:s6+$0x7470];
	[tilespmem:s6+$0x7400] =	vst v3;
	v3 =	vmul.f32 v15, v16  }
0x141: {  	v24 =	vmul.f32 v17, v16;
	v25 =	vld [tilespmem:s6+$0x7480];
	[tilespmem:s6+$0x7410] =	vst v21  }
0x142: {  	v26 =	vld [tilespmem:s6+$0x7490];
	[tilespmem:s6+$0x7420] =	vst v3;
	v3 =	vmul.f32 v19, v16  }
0x143: {  	v27 =	vmul.f32 v20, v16;
	[tilespmem:s6+$0x7430] =	vst v24;
	v28 =	vld [tilespmem:s6+$0x74A0]  }
0x144: {  	v30 =	vld [tilespmem:s6+$0x74B0];
	v29 =	vbroadcast v2, $0x9;
	[tilespmem:s6+$0x7440] =	vst v3;
	v3 =	vmul.f32 v22, v16  }
0x145: {  	v31 =	vmul.f32 v23, v16;
	[tilespmem:s6+$0x7450] =	vst v27;
	v32 =	vld [tilespmem:s6+$0x74C0]  }
0x146: {  	v33 =	vld [tilespmem:s6+$0x74D0];
	[tilespmem:s6+$0x7460] =	vst v3;
	v3 =	vmul.f32 v25, v29  }
0x147: {  	[tilespmem:s6+$0x7470] =	vst v31;
	v35 =	vld [tilespmem:s6+$0x74E0];
	v34 =	vmul.f32 v26, v29  }
0x148: {  	v36 =	vld [tilespmem:s6+$0x74F0];
	[tilespmem:s6+$0x7480] =	vst v3;
	v3 =	vmul.f32 v28, v29  }
0x149: {  	v37 =	vmul.f32 v30, v29;
	v38 =	vld [tilespmem:s6+$0x7500];
	[tilespmem:s6+$0x7490] =	vst v34  }
0x14a: {  	v39 =	vld [tilespmem:s6+$0x7510];
	[tilespmem:s6+$0x74A0] =	vst v3;
	v3 =	vmul.f32 v32, v29  }
0x14b: {  	v40 =	vmul.f32 v33, v29;
	[tilespmem:s6+$0x74B0] =	vst v37;
	v41 =	vld [tilespmem:s6+$0x7520]  }
0x14c: {  	v43 =	vld [tilespmem:s6+$0x7530];
	v42 =	vbroadcast v2, $0xA;
	[tilespmem:s6+$0x74C0] =	vst v3;
	v3 =	vmul.f32 v35, v29  }
0x14d: {  	v44 =	vmul.f32 v36, v29;
	[tilespmem:s6+$0x74D0] =	vst v40;
	v45 =	vld [tilespmem:s6+$0x7540]  }
0x14e: {  	v46 =	vld [tilespmem:s6+$0x7550];
	[tilespmem:s6+$0x74E0] =	vst v3;
	v3 =	vmul.f32 v38, v42  }
0x14f: {  	[tilespmem:s6+$0x74F0] =	vst v44;
	v48 =	vld [tilespmem:s6+$0x7560];
	v47 =	vmul.f32 v39, v42  }
0x150: {  	v49 =	vld [tilespmem:s6+$0x7570];
	[tilespmem:s6+$0x7500] =	vst v3;
	v3 =	vmul.f32 v41, v42  }
0x151: {  	v50 =	vmul.f32 v43, v42;
	v51 =	vld [tilespmem:s6+$0x7580];
	[tilespmem:s6+$0x7510] =	vst v47  }
0x152: {  	v52 =	vld [tilespmem:s6+$0x7590];
	[tilespmem:s6+$0x7520] =	vst v3;
	v3 =	vmul.f32 v45, v42  }
0x153: {  	v53 =	vmul.f32 v46, v42;
	[tilespmem:s6+$0x7530] =	vst v50;
	v54 =	vld [tilespmem:s6+$0x75A0]  }
0x154: {  	v56 =	vld [tilespmem:s6+$0x75B0];
	v55 =	vbroadcast v2, $0xB;
	[tilespmem:s6+$0x7540] =	vst v3;
	v3 =	vmul.f32 v48, v42  }
0x155: {  	v57 =	vmul.f32 v49, v42;
	[tilespmem:s6+$0x7550] =	vst v53;
	v58 =	vld [tilespmem:s6+$0x75C0]  }
0x156: {  	v59 =	vld [tilespmem:s6+$0x75D0];
	[tilespmem:s6+$0x7560] =	vst v3;
	v3 =	vmul.f32 v51, v55  }
0x157: {  	[tilespmem:s6+$0x7570] =	vst v57;
	v61 =	vld [tilespmem:s6+$0x75E0];
	v60 =	vmul.f32 v52, v55  }
0x158: {  	v62 =	vld [tilespmem:s6+$0x75F0];
	[tilespmem:s6+$0x7580] =	vst v3;
	v3 =	vmul.f32 v54, v55  }
0x159: {  	v63 =	vmul.f32 v56, v55;
	v12 =	vld [tilespmem:s6+$0x7600];
	[tilespmem:s6+$0x7590] =	vst v60  }
0x15a: {  	v13 =	vld [tilespmem:s6+$0x7610];
	[tilespmem:s6+$0x75A0] =	vst v3;
	v3 =	vmul.f32 v58, v55  }
0x15b: {  	v14 =	vmul.f32 v59, v55;
	[tilespmem:s6+$0x75B0] =	vst v63;
	v15 =	vld [tilespmem:s6+$0x7620]  }
0x15c: {  	v17 =	vld [tilespmem:s6+$0x7630];
	v16 =	vbroadcast v2, $0xC;
	[tilespmem:s6+$0x75C0] =	vst v3;
	v3 =	vmul.f32 v61, v55  }
0x15d: {  	v18 =	vmul.f32 v62, v55;
	[tilespmem:s6+$0x75D0] =	vst v14;
	v19 =	vld [tilespmem:s6+$0x7640]  }
0x15e: {  	v20 =	vld [tilespmem:s6+$0x7650];
	[tilespmem:s6+$0x75E0] =	vst v3;
	v3 =	vmul.f32 v12, v16  }
0x15f: {  	[tilespmem:s6+$0x75F0] =	vst v18;
	v22 =	vld [tilespmem:s6+$0x7660];
	v21 =	vmul.f32 v13, v16  }
0x160: {  	v23 =	vld [tilespmem:s6+$0x7670];
	[tilespmem:s6+$0x7600] =	vst v3;
	v3 =	vmul.f32 v15, v16  }
0x161: {  	v24 =	vmul.f32 v17, v16;
	v25 =	vld [tilespmem:s6+$0x7680];
	[tilespmem:s6+$0x7610] =	vst v21  }
0x162: {  	v26 =	vld [tilespmem:s6+$0x7690];
	[tilespmem:s6+$0x7620] =	vst v3;
	v3 =	vmul.f32 v19, v16  }
0x163: {  	v27 =	vmul.f32 v20, v16;
	[tilespmem:s6+$0x7630] =	vst v24;
	v28 =	vld [tilespmem:s6+$0x76A0]  }
0x164: {  	v30 =	vld [tilespmem:s6+$0x76B0];
	v29 =	vbroadcast v2, $0xD;
	[tilespmem:s6+$0x7640] =	vst v3;
	v3 =	vmul.f32 v22, v16  }
0x165: {  	v31 =	vmul.f32 v23, v16;
	[tilespmem:s6+$0x7650] =	vst v27;
	v32 =	vld [tilespmem:s6+$0x76C0]  }
0x166: {  	v33 =	vld [tilespmem:s6+$0x76D0];
	[tilespmem:s6+$0x7660] =	vst v3;
	v3 =	vmul.f32 v25, v29  }
0x167: {  	[tilespmem:s6+$0x7670] =	vst v31;
	v35 =	vld [tilespmem:s6+$0x76E0];
	v34 =	vmul.f32 v26, v29  }
0x168: {  	v36 =	vld [tilespmem:s6+$0x76F0];
	[tilespmem:s6+$0x7680] =	vst v3;
	v3 =	vmul.f32 v28, v29  }
0x169: {  	v37 =	vmul.f32 v30, v29;
	v38 =	vld [tilespmem:s6+$0x7700];
	[tilespmem:s6+$0x7690] =	vst v34  }
0x16a: {  	v39 =	vld [tilespmem:s6+$0x7710];
	[tilespmem:s6+$0x76A0] =	vst v3;
	v3 =	vmul.f32 v32, v29  }
0x16b: {  	v40 =	vmul.f32 v33, v29;
	[tilespmem:s6+$0x76B0] =	vst v37;
	v41 =	vld [tilespmem:s6+$0x7720]  }
0x16c: {  	v43 =	vld [tilespmem:s6+$0x7730];
	v42 =	vbroadcast v2, $0xE;
	[tilespmem:s6+$0x76C0] =	vst v3;
	v3 =	vmul.f32 v35, v29  }
0x16d: {  	v44 =	vmul.f32 v36, v29;
	[tilespmem:s6+$0x76D0] =	vst v40;
	v45 =	vld [tilespmem:s6+$0x7740]  }
0x16e: {  	v46 =	vld [tilespmem:s6+$0x7750];
	[tilespmem:s6+$0x76E0] =	vst v3;
	v3 =	vmul.f32 v38, v42  }
0x16f: {  	[tilespmem:s6+$0x76F0] =	vst v44;
	v48 =	vld [tilespmem:s6+$0x7760];
	v47 =	vmul.f32 v39, v42  }
0x170: {  	v49 =	vld [tilespmem:s6+$0x7770];
	[tilespmem:s6+$0x7700] =	vst v3;
	v3 =	vmul.f32 v41, v42  }
0x171: {  	v50 =	vmul.f32 v43, v42;
	v51 =	vld [tilespmem:s6+$0x7780];
	[tilespmem:s6+$0x7710] =	vst v47  }
0x172: {  	v52 =	vld [tilespmem:s6+$0x7790];
	[tilespmem:s6+$0x7720] =	vst v3;
	v3 =	vmul.f32 v45, v42  }
0x173: {  	v53 =	vmul.f32 v46, v42;
	[tilespmem:s6+$0x7730] =	vst v50;
	v54 =	vld [tilespmem:s6+$0x77A0]  }
0x174: {  	v2 =	vbroadcast v2, $0xF;
	v58 =	vld [tilespmem:s6+$0x77D0];
	[tilespmem:s6+$0x7740] =	vst v3;
	v3 =	vmul.f32 v48, v42  }
0x175: {  	v57 =	vld [tilespmem:s6+$0x77C0];
	v56 =	vmul.f32 v49, v42;
	[tilespmem:s6+$0x7750] =	vst v53  }
0x176: {  	v55 =	vld [tilespmem:s6+$0x77B0];
	[tilespmem:s6+$0x7760] =	vst v3;
	v3 =	vmul.f32 v51, v2  }
0x177: {  	v60 =	vld [tilespmem:s6+$0x77E0];
	v59 =	vmul.f32 v52, v2;
	[tilespmem:s6+$0x7770] =	vst v56  }
0x178: {  	v61 =	vld [tilespmem:s6+$0x77F0];
	[tilespmem:s6+$0x7780] =	vst v3;
	v3 =	vmul.f32 v54, v2  }
0x179: {  	[tilespmem:s6+$0x7790] =	vst v59;
	v63 =	vmul.f32 v58, v2  }
0x17a: {  	p1 =	sne.s32 s3, $0x7;
	[tilespmem:s6+$0x77A0] =	vst v3;
	v3 =	vmul.f32 v57, v2  }
.Ltmp2:
0x17b: {  	v62 =	vmul.f32 v55, v2;
	[tilespmem:s6+$0x77D0] =	vst v63;
	(pc) =	sbr.rel @p1 .LBB2_8-.Ltmp2, $4  }
0x17c: {  	[tilespmem:s6+$0x77C0] =	vst v3;
	v3 =	vmul.f32 v60, v2  }
0x17d: {  	[tilespmem:s6+$0x77B0] =	vst v62;
	v2 =	vmul.f32 v61, v2  }
0x17e: {  	[tilespmem:s6+$0x77E0] =	vst v3  }
0x17f: {  	s3 =	sadd.s32 $0x1, s3;
	[tilespmem:s6+$0x77F0] =	vst v2  }
0x180: {  	s31 =	sadd.s32 $0x1, s31  }
0x181: {  	p1 =	sne.s32 s31, $0x10  }
.Ltmp3:
0x182: {  	_ = 	snop;
	(pc) =	sbr.rel @p1 .LBB2_5-.Ltmp3, $3  }
0x183: {  	_ =	sdelay $0x1  }
0x184: {  	s0 =	sadd.s32 $0x1000, s0  }
0x185: {  	[spmem:s4] =	stream.indirect.scatter.add.f32 [tilespmem:s25], [sflag:$0x2], $0x80, s0, s24, $0xb8;
	[tilespmem:$0x1EA80] =	vst v63  }
0x186: {  	s30 =	sadd.s32 $0x1, s30  }
0x187: {  	p1 =	sne.s32 s30, $0x5  }
.Ltmp4:
0x188: {  	_ = 	snop;
	(pc) =	sbr.rel @p1 .LBB2_4-.Ltmp4, $4  }
0x189: {  	_ = 	snop  }
0x18a: {  	_ =	swait.ge [sflag:s28], $0x4000  }
0x18b: {  	[sflag:s28] =	ssyncset.done $0x0  }
0x18c: {  	[sflag:s28] =	ssyncadd.s32 $0xFFFFC000  }
0x18d: {  	s0 =	stileid.u32  }
0x18e: {  	s0 =	sshll.u32 s0, $0x6  }
0x18f: {  	[bflag:$0x0] =	sbarrier.arrive $0xFFFF;
	s3 =	sshrl.u32 s9, $0x3;
	s0 =	sor.u32 $0x1C03, s0  }
0x190: {  	[hbm:s16], [sflag:s0] =	dma.local [spmem:s3], $0x2700  }
0x191: {  	_ =	swait.ge [sflag:s20], $0x2700  }
0x192: {  	s5 =	sadd.s32 $0x1, s5;
	[sflag:s20] =	ssyncset.done $0x0  }
0x193: {  	p1 =	sne.s32 s5, s18;
	s3 =	sshrl.u32 @!p0 s14, $0x3;
	[sflag:s20] =	ssyncadd.s32 $0xFFFFD900  }
0x194: {  	[hbm:s17], [sflag:s0] =	dma.local @!p0 [spmem:s3], $0x100  }
.Ltmp5:
0x195: {  	_ = 	snop;
	(pc) =	sbr.rel @p1 .LBB2_1-.Ltmp5, $4  }
0x196: {  	s0 =	simm.s32 @!p0 $0x3  }
0x197: {  	_ =	swait.ge @!p0 [sflag:s0], $0x100  }
0x198: {  	[sflag:s0] =	ssyncset.done @!p0 $0x0  }
0x199: {  	[sflag:s0] =	ssyncadd.s32 @!p0 $0xFFFFFF00  }
0x19a: {  	_ =	sfence.sel $0x180000  }
0x19b: {  	[bflag:$0x0] =	sbarrier.arrive $0xFFFF  }
0x19c: {  	_ =	strace $0x90000047  }
0x19d: {  	[bflag:$0x2] =	sbarrier.arrive $0xFFFF  }
0x19e: {  	s0 =	rddreg [dreg:$0x5]  }
0x19f: {  	s0 =	sadd.s32 @!p0 $0x100000, s0  }
0x1a0: {  	[sflag:s0] =	ssyncadd.tile.s32 @!p0 $0x1;
	_ =	shalt  }
.Lfunc_end2:
_tile_overlayer_lowered:
.L_overlay_start_2:
0x1a1: {  	(tag) =	ssettag $0x2  }
0x1a2: {  	s0 =	rddreg [dreg:$0x0];
	s2 =	stileid.u32  }
0x1a3: {  	s1 =	rddreg [dreg:$0x1];
	p0 =	sne.s32 s2, $0x0  }
0x1a4: {  	s3 =	rddreg [dreg:$0x2];
	[bflag:$0x3] =	sbarrier.arrive $0xFFFF;
	s2 =	simm.s32 @!p0 $0x1C03  }
0x1a5: {  	[timem:s3], [sflag:s2] =	dma.local @!p0 [hbm:s0], s1  }
0x1a6: {  	s0 =	simm.s32 @!p0 $0x3  }
0x1a7: {  	_ =	swait.ge @!p0 [sflag:s0], s1  }
0x1a8: {  	s1 =	ssub.s32 @!p0 $0x0, s1;
	[sflag:s0] =	ssyncset.done @!p0 $0x0  }
0x1a9: {  	[sflag:s0] =	ssyncadd.s32 @!p0 s1  }
0x1aa: {  	[bflag:$0x3] =	sbarrier.arrive $0xFFFF  }
0x1ab: {  	_ =	shalt  }

</sc_bundles>
